<compile_context>
chip_gen: v7x
topology: tpu7x:2x2x1
jax: 0.10.2.dev20260603
libtpu: 0.0.44.dev20260713+nightly
codegen_flags: <defaults>
</compile_context>

<pallas_src>
import functools

import jax
import jax.numpy as jnp
from jax import lax
from jax.experimental import pallas as pl
from jax.experimental.pallas import tpu as pltpu
from jax.experimental.pallas import tpu_sc as plsc

_N = 16384
_D = 256
_K = 8192
_BETA = 0.25


_BN = 512


def _argmin_body(x_ref, y_ref, cb_ref, idx_ref, t_ref, cnout_ref, sxy_ref,
                 cn_ref):
    i = pl.program_id(0)

    @pl.when(i == 0)
    def _():
        cb = cb_ref[...]
        cn = jnp.sum(cb * cb, axis=1)
        cn_ref[...] = cn[None, :]
        sxy_ref[0, 0] = 0.0

    cnout_ref[...] = cn_ref[...]
    x = x_ref[...]
    y = y_ref[...]
    cb = cb_ref[...]
    t_ref[...] = x + y
    sx = jnp.sum(x * x, axis=1, keepdims=True)
    sxy_ref[0, 0] += jnp.sum(sx) + jnp.sum(y * y)
    prod = lax.dot_general(x, cb, (((1,), (1,)), ((), ())))
    scores = (sx + cn_ref[...]) - 2.0 * prod
    idx = jnp.argmin(scores, axis=1).astype(jnp.int32)
    idx_ref[...] = idx


def _argmin_call(x, y, cb):
    n = x.shape[0]
    return pl.pallas_call(
        _argmin_body,
        grid=(n // _BN,),
        in_specs=[
            pl.BlockSpec((_BN, _D), lambda i: (i, 0)),
            pl.BlockSpec((_BN, _D), lambda i: (i, 0)),
            pl.BlockSpec((_K, _D), lambda i: (0, 0)),
        ],
        out_specs=[
            pl.BlockSpec((_BN,), lambda i: (i,)),
            pl.BlockSpec((_BN, _D), lambda i: (i, 0)),
            pl.BlockSpec((1, _K), lambda i: (0, 0)),
            pl.BlockSpec(memory_space=pltpu.SMEM),
        ],
        out_shape=[
            jax.ShapeDtypeStruct((n,), jnp.int32),
            jax.ShapeDtypeStruct((n, _D), jnp.float32),
            jax.ShapeDtypeStruct((1, _K), jnp.float32),
            jax.ShapeDtypeStruct((1, 1), jnp.float32),
        ],
        scratch_shapes=[pltpu.VMEM((1, _K), jnp.float32)],
    )(x, y, cb)



_NC = 2
_NS = 16
_NW = _NC * _NS
_CH = 64
_L = 16


def _make_fused_body(bpw):
    nchunk = bpw // _CH

    def body(table_hbm, idx_hbm, t_hbm, cn_hbm, qo_hbm, part_hbm,
             idx_v, cn_v, qb0, qb1, tb0, tb1, acc_v,
             cs, gq0, gq1, gt0, gt1, w0, w1):
        wid = lax.axis_index("s") * _NC + lax.axis_index("c")
        base = wid * bpw
        pltpu.sync_copy(idx_hbm.at[pl.ds(base, bpw)], idx_v)
        cng = pltpu.async_copy(cn_hbm.at[idx_v], cn_v, cs)
        qbs = (qb0, qb1)
        tbs = (tb0, tb1)
        gqs = (gq0, gq1)
        gts = (gt0, gt1)
        ws = (w0, w1)

        def fire(c):
            g = pltpu.async_copy(
                table_hbm.at[idx_v.at[pl.ds(c * _CH, _CH)]], qbs[c % 2],
                gqs[c % 2])
            tt = pltpu.async_copy(
                t_hbm.at[pl.ds(base + c * _CH, _CH)], tbs[c % 2], gts[c % 2])
            return g, tt

        pend = {0: fire(0)}
        writes = {}
        aqt = jnp.zeros((_L,), jnp.float32)
        for c in range(nchunk):
            if c + 1 < nchunk:
                if c >= 1:
                    writes[c - 1].wait()
                pend[c + 1] = fire(c + 1)
            g, tt = pend[c]
            g.wait()
            tt.wait()
            qb = qbs[c % 2]
            tb = tbs[c % 2]

            def row(r, a1, qb=qb, tb=tb):
                for j in range(_D // _L):
                    sl = pl.ds(j * _L, _L)
                    qv = qb[r, sl]
                    tv = tb[r, sl]
                    qb[r, sl] = tv + (qv - tv)
                    a1 = a1 + qv * tv
                return a1

            aqt = lax.fori_loop(0, _CH, row, aqt)
            writes[c] = pltpu.async_copy(
                qbs[c % 2], qo_hbm.at[pl.ds(base + c * _CH, _CH)], ws[c % 2])
        writes[nchunk - 2].wait()
        writes[nchunk - 1].wait()

        cng.wait()
        aq2 = jnp.zeros((_L,), jnp.float32)

        def cnrow(r, a2):
            return a2 + cn_v[pl.ds(r * _L, _L)]

        aq2 = lax.fori_loop(0, bpw // _L, cnrow, aq2)
        acc_v[0, pl.ds(0, _L)] = aqt
        acc_v[1, pl.ds(0, _L)] = aq2
        pltpu.sync_copy(acc_v, part_hbm.at[wid])

    return body


def _gather_call(codebook, idx, t, cn):
    n = idx.shape[0]
    bpw = n // _NW
    mesh = plsc.VectorSubcoreMesh(core_axis_name="c", subcore_axis_name="s")
    f = functools.partial(
        pl.kernel,
        mesh=mesh,
        out_type=[
            jax.ShapeDtypeStruct((n, _D), jnp.float32),
            jax.ShapeDtypeStruct((_NW, 2, _L), jnp.float32),
        ],
        scratch_types=[
            pltpu.VMEM((bpw,), jnp.int32),
            pltpu.VMEM((bpw,), jnp.float32),
            pltpu.VMEM((_CH, _D), jnp.float32),
            pltpu.VMEM((_CH, _D), jnp.float32),
            pltpu.VMEM((_CH, _D), jnp.float32),
            pltpu.VMEM((_CH, _D), jnp.float32),
            pltpu.VMEM((2, _L), jnp.float32),
            pltpu.SemaphoreType.DMA,
            pltpu.SemaphoreType.DMA,
            pltpu.SemaphoreType.DMA,
            pltpu.SemaphoreType.DMA,
            pltpu.SemaphoreType.DMA,
            pltpu.SemaphoreType.DMA,
            pltpu.SemaphoreType.DMA,
        ],
    )(_make_fused_body(bpw))
    return f(codebook, idx, t, cn)


def kernel(x, y, codebook):
    idx, t, cn, sxy = _argmin_call(x, y, codebook)
    qo, part = _gather_call(codebook, idx, t, cn.reshape(_K))
    loss_sum = (2.0 * jnp.sum(part[:, 1, :]) - 2.0 * jnp.sum(part[:, 0, :])
                + sxy[0, 0])
    loss = loss_sum * ((1.0 + _BETA) / (_N * _D))
    return qo, loss

# --- scband reference (transcript-rebuilt; emitter-appended) ---
"""Pipeline reference for scband-vector-quantizer-14474039788284 (READ-ONLY COPY).

The authoritative reference and input builder live on the scoring server;
editing this copy changes nothing except your own understanding.
"""

import jax, jax.numpy as jnp
import numpy as np

N = 16384
D = 256
K = 8192
BETA = 0.25


def setup_inputs(seed: int = 0) -> dict:
    key = jax.random.key(seed)
    k1, k2, k3 = jax.random.split(key, 3)
    x = jax.random.normal(k1, (N, D), dtype=jnp.float32)
    y = jax.random.normal(k2, (N, D), dtype=jnp.float32)
    codebook = jax.random.normal(k3, (K, D), dtype=jnp.float32)
    return {"x": x, "y": y, "codebook": codebook}


def reference(x, y, codebook):
    # get_code_indices: squared L2 distances via expansion
    distances = (jnp.sum(x ** 2, axis=1, keepdims=True)
                 + jnp.sum(codebook ** 2, axis=1)
                 - 2.0 * jnp.matmul(x, codebook.T))
    encoding_indices = jnp.argmin(distances, axis=1)
    # quantize: embedding gather
    quantized = jnp.take(codebook, encoding_indices, axis=0)
    sg = jax.lax.stop_gradient
    q_latent_loss = jnp.mean((quantized - sg(x)) ** 2)
    e_latent_loss = jnp.mean((x - sg(quantized)) ** 2)
    s_latent_loss = jnp.mean((y - sg(quantized)) ** 2)
    qs_latent_loss = jnp.mean((quantized - sg(y)) ** 2)
    loss = q_latent_loss + qs_latent_loss + BETA * (e_latent_loss + s_latent_loss)
    # straight-through estimator variant: quantized = x + y + sg(quantized - (x + y))
    quantized_out = x + y + sg(quantized - (x + y))
    return (quantized_out, loss)

if __name__ == "__main__":
    import jax
    _d = setup_inputs()
    print(jax.jit(kernel)(*tuple(_d.values())))

</pallas_src>

<mosaic_0001>
#map = affine_map<(d0, d1) -> (0, 0)>
#map1 = affine_map<(d0, d1) -> (0)>
#map2 = affine_map<(d0, d1) -> (0, 0, 0)>
module attributes {stable_mosaic.version = 14 : i64} {
  func.func @body(%arg0: i32, %arg1: i32, %arg2: memref<8192x256xf32, #tpu.memory_space<hbm>>, %arg3: memref<16384xi32, #tpu.memory_space<hbm>>, %arg4: memref<16384x256xf32, #tpu.memory_space<hbm>>, %arg5: memref<8192xf32, #tpu.memory_space<hbm>>, %arg6: memref<16384x256xf32, #tpu.memory_space<hbm>>, %arg7: memref<32x2x16xf32, #tpu.memory_space<hbm>>, %arg8: memref<512xi32, #tpu.memory_space<vmem>>, %arg9: memref<512xf32, #tpu.memory_space<vmem>>, %arg10: memref<64x256xf32, #tpu.memory_space<vmem>>, %arg11: memref<64x256xf32, #tpu.memory_space<vmem>>, %arg12: memref<64x256xf32, #tpu.memory_space<vmem>>, %arg13: memref<64x256xf32, #tpu.memory_space<vmem>>, %arg14: memref<2x16xf32, #tpu.memory_space<vmem>>, %arg15: memref<!tpu.dma_semaphore, #tpu.memory_space<semaphore_mem>>, %arg16: memref<!tpu.dma_semaphore, #tpu.memory_space<semaphore_mem>>, %arg17: memref<!tpu.dma_semaphore, #tpu.memory_space<semaphore_mem>>, %arg18: memref<!tpu.dma_semaphore, #tpu.memory_space<semaphore_mem>>, %arg19: memref<!tpu.dma_semaphore, #tpu.memory_space<semaphore_mem>>, %arg20: memref<!tpu.dma_semaphore, #tpu.memory_space<semaphore_mem>>, %arg21: memref<!tpu.dma_semaphore, #tpu.memory_space<semaphore_mem>>) attributes {dimension_semantics = [#tpu.dimension_semantics<core_parallel>, #tpu.dimension_semantics<subcore_parallel>], iteration_bounds = array<i64: 2, 16>, scalar_prefetch = 0 : i64, scratch_operands = 14 : i64, tpu.core_type = #tpu.core_type<sc_vector_subcore>, window_params = [{transform_indices = #map}, {transform_indices = #map1}, {transform_indices = #map}, {transform_indices = #map1}, {transform_indices = #map}, {transform_indices = #map2}]} {
    %mul3A = arith.constant 2 : i32
    %mul3A_0 = arith.muli %arg1, %mul3A : i32
    %add3A = arith.addi %mul3A_0, %arg0 : i32
    %mul3A_1 = arith.constant 512 : i32
    %mul3A_2 = arith.muli %add3A, %mul3A_1 : i32
    "tpu.region"() ({
      %run_scoped3A = tpu.sem_alloc : memref<!tpu.dma_semaphore, #tpu.memory_space<semaphore_mem>>
      %dma_start3A_312 = tpu.memref_slice %arg3[%mul3A_2] : memref<16384xi32, #tpu.memory_space<hbm>> -> memref<512xi32, #tpu.memory_space<hbm>>
      %dma_start3A_313 = tpu.memref_slice %arg3[%mul3A_2] : memref<16384xi32, #tpu.memory_space<hbm>> -> memref<512xi32, #tpu.memory_space<hbm>>
      tpu.enqueue_dma source(%dma_start3A_313 : memref<512xi32, #tpu.memory_space<hbm>>) target(%arg8 : memref<512xi32, #tpu.memory_space<vmem>>) target_semaphore(%run_scoped3A : memref<!tpu.dma_semaphore, #tpu.memory_space<semaphore_mem>>)
      %dma_wait3A_314 = tpu.memref_slice %arg3[%mul3A_2] : memref<16384xi32, #tpu.memory_space<hbm>> -> memref<512xi32, #tpu.memory_space<hbm>>
      %dma_wait3A_315 = tpu.memref_slice %arg3[%mul3A_2] : memref<16384xi32, #tpu.memory_space<hbm>> -> memref<512xi32, #tpu.memory_space<hbm>>
      tpu.wait_dma2 semaphore(%run_scoped3A : memref<!tpu.dma_semaphore, #tpu.memory_space<semaphore_mem>>) src(%dma_wait3A_315 : memref<512xi32, #tpu.memory_space<hbm>>) dst(%arg8 : memref<512xi32, #tpu.memory_space<vmem>>)
      tpu.yield
    }) : () -> ()
    %dma_start3A = arith.constant 0 : i32
    %dma_start3A_3 = tpu.memref_slice %arg5[%dma_start3A] : memref<8192xf32, #tpu.memory_space<hbm>> -> memref<8192xf32, #tpu.memory_space<hbm>>
    tpu.enqueue_indirect_dma source(%dma_start3A_3 : memref<8192xf32, #tpu.memory_space<hbm>>) target(%arg9 : memref<512xf32, #tpu.memory_space<vmem>>) offsets(%arg8 : memref<512xi32, #tpu.memory_space<vmem>>) semaphore(%arg15 : memref<!tpu.dma_semaphore, #tpu.memory_space<semaphore_mem>>)
    %dma_start3A_4 = arith.constant 0 : i32
    %dma_start3A_5 = tpu.memref_slice %arg8[%dma_start3A_4] : memref<512xi32, #tpu.memory_space<vmem>> -> memref<64xi32, #tpu.memory_space<vmem>>
    %dma_start3A_6 = arith.constant 0 : i32
    %dma_start3A_7 = arith.constant 0 : i32
    %dma_start3A_8 = tpu.memref_slice %arg2[%dma_start3A_6, %dma_start3A_7] : memref<8192x256xf32, #tpu.memory_space<hbm>> -> memref<8192x256xf32, #tpu.memory_space<hbm>>
    tpu.enqueue_indirect_dma source(%dma_start3A_8 : memref<8192x256xf32, #tpu.memory_space<hbm>>) target(%arg10 : memref<64x256xf32, #tpu.memory_space<vmem>>) offsets(%dma_start3A_5 : memref<64xi32, #tpu.memory_space<vmem>>) semaphore(%arg16 : memref<!tpu.dma_semaphore, #tpu.memory_space<semaphore_mem>>)
    %add3A_9 = arith.constant 0 : i32
    %add3A_10 = arith.addi %mul3A_2, %add3A_9 : i32
    %dma_start3A_11 = arith.constant 0 : i32
    %dma_start3A_12 = tpu.memref_slice %arg4[%add3A_10, %dma_start3A_11] : memref<16384x256xf32, #tpu.memory_space<hbm>> -> memref<64x256xf32, #tpu.memory_space<hbm>>
    %dma_start3A_13 = arith.constant 0 : i32
    %dma_start3A_14 = tpu.memref_slice %arg4[%add3A_10, %dma_start3A_13] : memref<16384x256xf32, #tpu.memory_space<hbm>> -> memref<64x256xf32, #tpu.memory_space<hbm>>
    tpu.enqueue_dma source(%dma_start3A_14 : memref<64x256xf32, #tpu.memory_space<hbm>>) target(%arg12 : memref<64x256xf32, #tpu.memory_space<vmem>>) target_semaphore(%arg18 : memref<!tpu.dma_semaphore, #tpu.memory_space<semaphore_mem>>)
    %broadcast_in_dim3A = arith.constant 0.000000e+00 : f32
    %broadcast_in_dim3A_15 = vector.broadcast %broadcast_in_dim3A : f32 to vector<16xf32>
    %dma_start3A_16 = arith.constant 64 : i32
    %dma_start3A_17 = tpu.memref_slice %arg8[%dma_start3A_16] : memref<512xi32, #tpu.memory_space<vmem>> -> memref<64xi32, #tpu.memory_space<vmem>>
    %dma_start3A_18 = arith.constant 0 : i32
    %dma_start3A_19 = arith.constant 0 : i32
    %dma_start3A_20 = tpu.memref_slice %arg2[%dma_start3A_18, %dma_start3A_19] : memref<8192x256xf32, #tpu.memory_space<hbm>> -> memref<8192x256xf32, #tpu.memory_space<hbm>>
    tpu.enqueue_indirect_dma source(%dma_start3A_20 : memref<8192x256xf32, #tpu.memory_space<hbm>>) target(%arg11 : memref<64x256xf32, #tpu.memory_space<vmem>>) offsets(%dma_start3A_17 : memref<64xi32, #tpu.memory_space<vmem>>) semaphore(%arg17 : memref<!tpu.dma_semaphore, #tpu.memory_space<semaphore_mem>>)
    %add3A_21 = arith.constant 64 : i32
    %add3A_22 = arith.addi %mul3A_2, %add3A_21 : i32
    %dma_start3A_23 = arith.constant 0 : i32
    %dma_start3A_24 = tpu.memref_slice %arg4[%add3A_22, %dma_start3A_23] : memref<16384x256xf32, #tpu.memory_space<hbm>> -> memref<64x256xf32, #tpu.memory_space<hbm>>
    %dma_start3A_25 = arith.constant 0 : i32
    %dma_start3A_26 = tpu.memref_slice %arg4[%add3A_22, %dma_start3A_25] : memref<16384x256xf32, #tpu.memory_space<hbm>> -> memref<64x256xf32, #tpu.memory_space<hbm>>
    tpu.enqueue_dma source(%dma_start3A_26 : memref<64x256xf32, #tpu.memory_space<hbm>>) target(%arg13 : memref<64x256xf32, #tpu.memory_space<vmem>>) target_semaphore(%arg19 : memref<!tpu.dma_semaphore, #tpu.memory_space<semaphore_mem>>)
    %dma_wait3A = arith.constant 0 : i32
    %dma_wait3A_27 = tpu.memref_slice %arg8[%dma_wait3A] : memref<512xi32, #tpu.memory_space<vmem>> -> memref<64xi32, #tpu.memory_space<vmem>>
    %dma_wait3A_28 = arith.constant 0 : i32
    %dma_wait3A_29 = arith.constant 0 : i32
    %dma_wait3A_30 = tpu.memref_slice %arg2[%dma_wait3A_28, %dma_wait3A_29] : memref<8192x256xf32, #tpu.memory_space<hbm>> -> memref<8192x256xf32, #tpu.memory_space<hbm>>
    tpu.wait_indirect_dma semaphore(%arg16 : memref<!tpu.dma_semaphore, #tpu.memory_space<semaphore_mem>>) src(%dma_wait3A_30 : memref<8192x256xf32, #tpu.memory_space<hbm>>) dst(%arg10 : memref<64x256xf32, #tpu.memory_space<vmem>>)
    %dma_wait3A_31 = arith.constant 0 : i32
    %dma_wait3A_32 = tpu.memref_slice %arg4[%add3A_10, %dma_wait3A_31] : memref<16384x256xf32, #tpu.memory_space<hbm>> -> memref<64x256xf32, #tpu.memory_space<hbm>>
    %dma_wait3A_33 = arith.constant 0 : i32
    %dma_wait3A_34 = tpu.memref_slice %arg4[%add3A_10, %dma_wait3A_33] : memref<16384x256xf32, #tpu.memory_space<hbm>> -> memref<64x256xf32, #tpu.memory_space<hbm>>
    tpu.wait_dma2 semaphore(%arg18 : memref<!tpu.dma_semaphore, #tpu.memory_space<semaphore_mem>>) src(%dma_wait3A_34 : memref<64x256xf32, #tpu.memory_space<hbm>>) dst(%arg12 : memref<64x256xf32, #tpu.memory_space<vmem>>)
    %scan3A = arith.constant 0 : i32
    %scan3A_35 = arith.constant 64 : i32
    %scan3A_36 = arith.addi %scan3A, %scan3A_35 : i32
    %scan3A_37 = arith.constant 1 : i32
    %scan3A_38 = scf.for %scan3A_312 = %scan3A to %scan3A_36 step %scan3A_37 iter_args(%scan3A_313 = %broadcast_in_dim3A_15) -> (vector<16xf32>)  : i32 {
      %get3A = arith.index_cast %scan3A_312 : i32 to index
      %get3A_314 = arith.constant 0 : index
      %get3A_315 = tpu.vector_load %arg10[%get3A, %get3A_314] {strides = array<i32>} : memref<64x256xf32, #tpu.memory_space<vmem>>, vector<1x16xf32>,
      %get3A_316 = vector.shape_cast %get3A_315 : vector<1x16xf32> to vector<16xf32>
      %get3A_317 = arith.index_cast %scan3A_312 : i32 to index
      %get3A_318 = arith.constant 0 : index
      %get3A_319 = tpu.vector_load %arg12[%get3A_317, %get3A_318] {strides = array<i32>} : memref<64x256xf32, #tpu.memory_space<vmem>>, vector<1x16xf32>,
      %get3A_320 = vector.shape_cast %get3A_319 : vector<1x16xf32> to vector<16xf32>
      %sub3A = arith.subf %get3A_316, %get3A_320 : vector<16xf32>
      %add3A_321 = arith.addf %get3A_320, %sub3A : vector<16xf32>
      %swap3A_322 = arith.index_cast %scan3A_312 : i32 to index
      %swap3A_323 = arith.constant 0 : index
      %swap3A_324 = tpu.vector_load %arg10[%swap3A_322, %swap3A_323] {strides = array<i32>} : memref<64x256xf32, #tpu.memory_space<vmem>>, vector<1x16xf32>,
      %swap3A_325 = vector.shape_cast %swap3A_324 : vector<1x16xf32> to vector<16xf32>
      %swap3A_326 = vector.shape_cast %add3A_321 : vector<16xf32> to vector<1x16xf32>
      tpu.vector_store %arg10[%swap3A_322, %swap3A_323], %swap3A_326 {strides = array<i32>} : memref<64x256xf32, #tpu.memory_space<vmem>>, vector<1x16xf32>,
      %mul3A_327 = arith.mulf %get3A_316, %get3A_320 : vector<16xf32>
      %add3A_328 = arith.addf %scan3A_313, %mul3A_327 : vector<16xf32>
      %get3A_329 = arith.index_cast %scan3A_312 : i32 to index
      %get3A_330 = arith.constant 16 : index
      %get3A_331 = tpu.vector_load %arg10[%get3A_329, %get3A_330] {strides = array<i32>} : memref<64x256xf32, #tpu.memory_space<vmem>>, vector<1x16xf32>,
      %get3A_332 = vector.shape_cast %get3A_331 : vector<1x16xf32> to vector<16xf32>
      %get3A_333 = arith.index_cast %scan3A_312 : i32 to index
      %get3A_334 = arith.constant 16 : index
      %get3A_335 = tpu.vector_load %arg12[%get3A_333, %get3A_334] {strides = array<i32>} : memref<64x256xf32, #tpu.memory_space<vmem>>, vector<1x16xf32>,
      %get3A_336 = vector.shape_cast %get3A_335 : vector<1x16xf32> to vector<16xf32>
      %sub3A_337 = arith.subf %get3A_332, %get3A_336 : vector<16xf32>
      %add3A_338 = arith.addf %get3A_336, %sub3A_337 : vector<16xf32>
      %swap3A_339 = arith.index_cast %scan3A_312 : i32 to index
      %swap3A_340 = arith.constant 16 : index
      %swap3A_341 = tpu.vector_load %arg10[%swap3A_339, %swap3A_340] {strides = array<i32>} : memref<64x256xf32, #tpu.memory_space<vmem>>, vector<1x16xf32>,
      %swap3A_342 = vector.shape_cast %swap3A_341 : vector<1x16xf32> to vector<16xf32>
      %swap3A_343 = vector.shape_cast %add3A_338 : vector<16xf32> to vector<1x16xf32>
      tpu.vector_store %arg10[%swap3A_339, %swap3A_340], %swap3A_343 {strides = array<i32>} : memref<64x256xf32, #tpu.memory_space<vmem>>, vector<1x16xf32>,
      %mul3A_344 = arith.mulf %get3A_332, %get3A_336 : vector<16xf32>
      %add3A_345 = arith.addf %add3A_328, %mul3A_344 : vector<16xf32>
      %get3A_346 = arith.index_cast %scan3A_312 : i32 to index
      %get3A_347 = arith.constant 32 : index
      %get3A_348 = tpu.vector_load %arg10[%get3A_346, %get3A_347] {strides = array<i32>} : memref<64x256xf32, #tpu.memory_space<vmem>>, vector<1x16xf32>,
      %get3A_349 = vector.shape_cast %get3A_348 : vector<1x16xf32> to vector<16xf32>
      %get3A_350 = arith.index_cast %scan3A_312 : i32 to index
      %get3A_351 = arith.constant 32 : index
      %get3A_352 = tpu.vector_load %arg12[%get3A_350, %get3A_351] {strides = array<i32>} : memref<64x256xf32, #tpu.memory_space<vmem>>, vector<1x16xf32>,
      %get3A_353 = vector.shape_cast %get3A_352 : vector<1x16xf32> to vector<16xf32>
      %sub3A_354 = arith.subf %get3A_349, %get3A_353 : vector<16xf32>
      %add3A_355 = arith.addf %get3A_353, %sub3A_354 : vector<16xf32>
      %swap3A_356 = arith.index_cast %scan3A_312 : i32 to index
      %swap3A_357 = arith.constant 32 : index
      %swap3A_358 = tpu.vector_load %arg10[%swap3A_356, %swap3A_357] {strides = array<i32>} : memref<64x256xf32, #tpu.memory_space<vmem>>, vector<1x16xf32>,
      %swap3A_359 = vector.shape_cast %swap3A_358 : vector<1x16xf32> to vector<16xf32>
      %swap3A_360 = vector.shape_cast %add3A_355 : vector<16xf32> to vector<1x16xf32>
      tpu.vector_store %arg10[%swap3A_356, %swap3A_357], %swap3A_360 {strides = array<i32>} : memref<64x256xf32, #tpu.memory_space<vmem>>, vector<1x16xf32>,
      %mul3A_361 = arith.mulf %get3A_349, %get3A_353 : vector<16xf32>
      %add3A_362 = arith.addf %add3A_345, %mul3A_361 : vector<16xf32>
      %get3A_363 = arith.index_cast %scan3A_312 : i32 to index
      %get3A_364 = arith.constant 48 : index
      %get3A_365 = tpu.vector_load %arg10[%get3A_363, %get3A_364] {strides = array<i32>} : memref<64x256xf32, #tpu.memory_space<vmem>>, vector<1x16xf32>,
      %get3A_366 = vector.shape_cast %get3A_365 : vector<1x16xf32> to vector<16xf32>
      %get3A_367 = arith.index_cast %scan3A_312 : i32 to index
      %get3A_368 = arith.constant 48 : index
      %get3A_369 = tpu.vector_load %arg12[%get3A_367, %get3A_368] {strides = array<i32>} : memref<64x256xf32, #tpu.memory_space<vmem>>, vector<1x16xf32>,
      %get3A_370 = vector.shape_cast %get3A_369 : vector<1x16xf32> to vector<16xf32>
      %sub3A_371 = arith.subf %get3A_366, %get3A_370 : vector<16xf32>
      %add3A_372 = arith.addf %get3A_370, %sub3A_371 : vector<16xf32>
      %swap3A_373 = arith.index_cast %scan3A_312 : i32 to index
      %swap3A_374 = arith.constant 48 : index
      %swap3A_375 = tpu.vector_load %arg10[%swap3A_373, %swap3A_374] {strides = array<i32>} : memref<64x256xf32, #tpu.memory_space<vmem>>, vector<1x16xf32>,
      %swap3A_376 = vector.shape_cast %swap3A_375 : vector<1x16xf32> to vector<16xf32>
      %swap3A_377 = vector.shape_cast %add3A_372 : vector<16xf32> to vector<1x16xf32>
      tpu.vector_store %arg10[%swap3A_373, %swap3A_374], %swap3A_377 {strides = array<i32>} : memref<64x256xf32, #tpu.memory_space<vmem>>, vector<1x16xf32>,
      %mul3A_378 = arith.mulf %get3A_366, %get3A_370 : vector<16xf32>
      %add3A_379 = arith.addf %add3A_362, %mul3A_378 : vector<16xf32>
      %get3A_380 = arith.index_cast %scan3A_312 : i32 to index
      %get3A_381 = arith.constant 64 : index
      %get3A_382 = tpu.vector_load %arg10[%get3A_380, %get3A_381] {strides = array<i32>} : memref<64x256xf32, #tpu.memory_space<vmem>>, vector<1x16xf32>,
      %get3A_383 = vector.shape_cast %get3A_382 : vector<1x16xf32> to vector<16xf32>
      %get3A_384 = arith.index_cast %scan3A_312 : i32 to index
      %get3A_385 = arith.constant 64 : index
      %get3A_386 = tpu.vector_load %arg12[%get3A_384, %get3A_385] {strides = array<i32>} : memref<64x256xf32, #tpu.memory_space<vmem>>, vector<1x16xf32>,
      %get3A_387 = vector.shape_cast %get3A_386 : vector<1x16xf32> to vector<16xf32>
      %sub3A_388 = arith.subf %get3A_383, %get3A_387 : vector<16xf32>
      %add3A_389 = arith.addf %get3A_387, %sub3A_388 : vector<16xf32>
      %swap3A_390 = arith.index_cast %scan3A_312 : i32 to index
      %swap3A_391 = arith.constant 64 : index
      %swap3A_392 = tpu.vector_load %arg10[%swap3A_390, %swap3A_391] {strides = array<i32>} : memref<64x256xf32, #tpu.memory_space<vmem>>, vector<1x16xf32>,
      %swap3A_393 = vector.shape_cast %swap3A_392 : vector<1x16xf32> to vector<16xf32>
      %swap3A_394 = vector.shape_cast %add3A_389 : vector<16xf32> to vector<1x16xf32>
      tpu.vector_store %arg10[%swap3A_390, %swap3A_391], %swap3A_394 {strides = array<i32>} : memref<64x256xf32, #tpu.memory_space<vmem>>, vector<1x16xf32>,
      %mul3A_395 = arith.mulf %get3A_383, %get3A_387 : vector<16xf32>
      %add3A_396 = arith.addf %add3A_379, %mul3A_395 : vector<16xf32>
      %get3A_397 = arith.index_cast %scan3A_312 : i32 to index
      %get3A_398 = arith.constant 80 : index
      %get3A_399 = tpu.vector_load %arg10[%get3A_397, %get3A_398] {strides = array<i32>} : memref<64x256xf32, #tpu.memory_space<vmem>>, vector<1x16xf32>,
      %get3A_400 = vector.shape_cast %get3A_399 : vector<1x16xf32> to vector<16xf32>
      %get3A_401 = arith.index_cast %scan3A_312 : i32 to index
      %get3A_402 = arith.constant 80 : index
      %get3A_403 = tpu.vector_load %arg12[%get3A_401, %get3A_402] {strides = array<i32>} : memref<64x256xf32, #tpu.memory_space<vmem>>, vector<1x16xf32>,
      %get3A_404 = vector.shape_cast %get3A_403 : vector<1x16xf32> to vector<16xf32>
      %sub3A_405 = arith.subf %get3A_400, %get3A_404 : vector<16xf32>
      %add3A_406 = arith.addf %get3A_404, %sub3A_405 : vector<16xf32>
      %swap3A_407 = arith.index_cast %scan3A_312 : i32 to index
      %swap3A_408 = arith.constant 80 : index
      %swap3A_409 = tpu.vector_load %arg10[%swap3A_407, %swap3A_408] {strides = array<i32>} : memref<64x256xf32, #tpu.memory_space<vmem>>, vector<1x16xf32>,
      %swap3A_410 = vector.shape_cast %swap3A_409 : vector<1x16xf32> to vector<16xf32>
      %swap3A_411 = vector.shape_cast %add3A_406 : vector<16xf32> to vector<1x16xf32>
      tpu.vector_store %arg10[%swap3A_407, %swap3A_408], %swap3A_411 {strides = array<i32>} : memref<64x256xf32, #tpu.memory_space<vmem>>, vector<1x16xf32>,
      %mul3A_412 = arith.mulf %get3A_400, %get3A_404 : vector<16xf32>
      %add3A_413 = arith.addf %add3A_396, %mul3A_412 : vector<16xf32>
      %get3A_414 = arith.index_cast %scan3A_312 : i32 to index
      %get3A_415 = arith.constant 96 : index
      %get3A_416 = tpu.vector_load %arg10[%get3A_414, %get3A_415] {strides = array<i32>} : memref<64x256xf32, #tpu.memory_space<vmem>>, vector<1x16xf32>,
      %get3A_417 = vector.shape_cast %get3A_416 : vector<1x16xf32> to vector<16xf32>
      %get3A_418 = arith.index_cast %scan3A_312 : i32 to index
      %get3A_419 = arith.constant 96 : index
      %get3A_420 = tpu.vector_load %arg12[%get3A_418, %get3A_419] {strides = array<i32>} : memref<64x256xf32, #tpu.memory_space<vmem>>, vector<1x16xf32>,
      %get3A_421 = vector.shape_cast %get3A_420 : vector<1x16xf32> to vector<16xf32>
      %sub3A_422 = arith.subf %get3A_417, %get3A_421 : vector<16xf32>
      %add3A_423 = arith.addf %get3A_421, %sub3A_422 : vector<16xf32>
      %swap3A_424 = arith.index_cast %scan3A_312 : i32 to index
      %swap3A_425 = arith.constant 96 : index
      %swap3A_426 = tpu.vector_load %arg10[%swap3A_424, %swap3A_425] {strides = array<i32>} : memref<64x256xf32, #tpu.memory_space<vmem>>, vector<1x16xf32>,
      %swap3A_427 = vector.shape_cast %swap3A_426 : vector<1x16xf32> to vector<16xf32>
      %swap3A_428 = vector.shape_cast %add3A_423 : vector<16xf32> to vector<1x16xf32>
      tpu.vector_store %arg10[%swap3A_424, %swap3A_425], %swap3A_428 {strides = array<i32>} : memref<64x256xf32, #tpu.memory_space<vmem>>, vector<1x16xf32>,
      %mul3A_429 = arith.mulf %get3A_417, %get3A_421 : vector<16xf32>
      %add3A_430 = arith.addf %add3A_413, %mul3A_429 : vector<16xf32>
      %get3A_431 = arith.index_cast %scan3A_312 : i32 to index
      %get3A_432 = arith.constant 112 : index
      %get3A_433 = tpu.vector_load %arg10[%get3A_431, %get3A_432] {strides = array<i32>} : memref<64x256xf32, #tpu.memory_space<vmem>>, vector<1x16xf32>,
      %get3A_434 = vector.shape_cast %get3A_433 : vector<1x16xf32> to vector<16xf32>
      %get3A_435 = arith.index_cast %scan3A_312 : i32 to index
      %get3A_436 = arith.constant 112 : index
      %get3A_437 = tpu.vector_load %arg12[%get3A_435, %get3A_436] {strides = array<i32>} : memref<64x256xf32, #tpu.memory_space<vmem>>, vector<1x16xf32>,
      %get3A_438 = vector.shape_cast %get3A_437 : vector<1x16xf32> to vector<16xf32>
      %sub3A_439 = arith.subf %get3A_434, %get3A_438 : vector<16xf32>
      %add3A_440 = arith.addf %get3A_438, %sub3A_439 : vector<16xf32>
      %swap3A_441 = arith.index_cast %scan3A_312 : i32 to index
      %swap3A_442 = arith.constant 112 : index
      %swap3A_443 = tpu.vector_load %arg10[%swap3A_441, %swap3A_442] {strides = array<i32>} : memref<64x256xf32, #tpu.memory_space<vmem>>, vector<1x16xf32>,
      %swap3A_444 = vector.shape_cast %swap3A_443 : vector<1x16xf32> to vector<16xf32>
      %swap3A_445 = vector.shape_cast %add3A_440 : vector<16xf32> to vector<1x16xf32>
      tpu.vector_store %arg10[%swap3A_441, %swap3A_442], %swap3A_445 {strides = array<i32>} : memref<64x256xf32, #tpu.memory_space<vmem>>, vector<1x16xf32>,
      %mul3A_446 = arith.mulf %get3A_434, %get3A_438 : vector<16xf32>
      %add3A_447 = arith.addf %add3A_430, %mul3A_446 : vector<16xf32>
      %get3A_448 = arith.index_cast %scan3A_312 : i32 to index
      %get3A_449 = arith.constant 128 : index
      %get3A_450 = tpu.vector_load %arg10[%get3A_448, %get3A_449] {strides = array<i32>} : memref<64x256xf32, #tpu.memory_space<vmem>>, vector<1x16xf32>,
      %get3A_451 = vector.shape_cast %get3A_450 : vector<1x16xf32> to vector<16xf32>
      %get3A_452 = arith.index_cast %scan3A_312 : i32 to index
      %get3A_453 = arith.constant 128 : index
      %get3A_454 = tpu.vector_load %arg12[%get3A_452, %get3A_453] {strides = array<i32>} : memref<64x256xf32, #tpu.memory_space<vmem>>, vector<1x16xf32>,
      %get3A_455 = vector.shape_cast %get3A_454 : vector<1x16xf32> to vector<16xf32>
      %sub3A_456 = arith.subf %get3A_451, %get3A_455 : vector<16xf32>
      %add3A_457 = arith.addf %get3A_455, %sub3A_456 : vector<16xf32>
      %swap3A_458 = arith.index_cast %scan3A_312 : i32 to index
      %swap3A_459 = arith.constant 128 : index
      %swap3A_460 = tpu.vector_load %arg10[%swap3A_458, %swap3A_459] {strides = array<i32>} : memref<64x256xf32, #tpu.memory_space<vmem>>, vector<1x16xf32>,
      %swap3A_461 = vector.shape_cast %swap3A_460 : vector<1x16xf32> to vector<16xf32>
      %swap3A_462 = vector.shape_cast %add3A_457 : vector<16xf32> to vector<1x16xf32>
      tpu.vector_store %arg10[%swap3A_458, %swap3A_459], %swap3A_462 {strides = array<i32>} : memref<64x256xf32, #tpu.memory_space<vmem>>, vector<1x16xf32>,
      %mul3A_463 = arith.mulf %get3A_451, %get3A_455 : vector<16xf32>
      %add3A_464 = arith.addf %add3A_447, %mul3A_463 : vector<16xf32>
      %get3A_465 = arith.index_cast %scan3A_312 : i32 to index
      %get3A_466 = arith.constant 144 : index
      %get3A_467 = tpu.vector_load %arg10[%get3A_465, %get3A_466] {strides = array<i32>} : memref<64x256xf32, #tpu.memory_space<vmem>>, vector<1x16xf32>,
      %get3A_468 = vector.shape_cast %get3A_467 : vector<1x16xf32> to vector<16xf32>
      %get3A_469 = arith.index_cast %scan3A_312 : i32 to index
      %get3A_470 = arith.constant 144 : index
      %get3A_471 = tpu.vector_load %arg12[%get3A_469, %get3A_470] {strides = array<i32>} : memref<64x256xf32, #tpu.memory_space<vmem>>, vector<1x16xf32>,
      %get3A_472 = vector.shape_cast %get3A_471 : vector<1x16xf32> to vector<16xf32>
      %sub3A_473 = arith.subf %get3A_468, %get3A_472 : vector<16xf32>
      %add3A_474 = arith.addf %get3A_472, %sub3A_473 : vector<16xf32>
      %swap3A_475 = arith.index_cast %scan3A_312 : i32 to index
      %swap3A_476 = arith.constant 144 : index
      %swap3A_477 = tpu.vector_load %arg10[%swap3A_475, %swap3A_476] {strides = array<i32>} : memref<64x256xf32, #tpu.memory_space<vmem>>, vector<1x16xf32>,
      %swap3A_478 = vector.shape_cast %swap3A_477 : vector<1x16xf32> to vector<16xf32>
      %swap3A_479 = vector.shape_cast %add3A_474 : vector<16xf32> to vector<1x16xf32>
      tpu.vector_store %arg10[%swap3A_475, %swap3A_476], %swap3A_479 {strides = array<i32>} : memref<64x256xf32, #tpu.memory_space<vmem>>, vector<1x16xf32>,
      %mul3A_480 = arith.mulf %get3A_468, %get3A_472 : vector<16xf32>
      %add3A_481 = arith.addf %add3A_464, %mul3A_480 : vector<16xf32>
      %get3A_482 = arith.index_cast %scan3A_312 : i32 to index
      %get3A_483 = arith.constant 160 : index
      %get3A_484 = tpu.vector_load %arg10[%get3A_482, %get3A_483] {strides = array<i32>} : memref<64x256xf32, #tpu.memory_space<vmem>>, vector<1x16xf32>,
      %get3A_485 = vector.shape_cast %get3A_484 : vector<1x16xf32> to vector<16xf32>
      %get3A_486 = arith.index_cast %scan3A_312 : i32 to index
      %get3A_487 = arith.constant 160 : index
      %get3A_488 = tpu.vector_load %arg12[%get3A_486, %get3A_487] {strides = array<i32>} : memref<64x256xf32, #tpu.memory_space<vmem>>, vector<1x16xf32>,
      %get3A_489 = vector.shape_cast %get3A_488 : vector<1x16xf32> to vector<16xf32>
      %sub3A_490 = arith.subf %get3A_485, %get3A_489 : vector<16xf32>
      %add3A_491 = arith.addf %get3A_489, %sub3A_490 : vector<16xf32>
      %swap3A_492 = arith.index_cast %scan3A_312 : i32 to index
      %swap3A_493 = arith.constant 160 : index
      %swap3A_494 = tpu.vector_load %arg10[%swap3A_492, %swap3A_493] {strides = array<i32>} : memref<64x256xf32, #tpu.memory_space<vmem>>, vector<1x16xf32>,
      %swap3A_495 = vector.shape_cast %swap3A_494 : vector<1x16xf32> to vector<16xf32>
      %swap3A_496 = vector.shape_cast %add3A_491 : vector<16xf32> to vector<1x16xf32>
      tpu.vector_store %arg10[%swap3A_492, %swap3A_493], %swap3A_496 {strides = array<i32>} : memref<64x256xf32, #tpu.memory_space<vmem>>, vector<1x16xf32>,
      %mul3A_497 = arith.mulf %get3A_485, %get3A_489 : vector<16xf32>
      %add3A_498 = arith.addf %add3A_481, %mul3A_497 : vector<16xf32>
      %get3A_499 = arith.index_cast %scan3A_312 : i32 to index
      %get3A_500 = arith.constant 176 : index
      %get3A_501 = tpu.vector_load %arg10[%get3A_499, %get3A_500] {strides = array<i32>} : memref<64x256xf32, #tpu.memory_space<vmem>>, vector<1x16xf32>,
      %get3A_502 = vector.shape_cast %get3A_501 : vector<1x16xf32> to vector<16xf32>
      %get3A_503 = arith.index_cast %scan3A_312 : i32 to index
      %get3A_504 = arith.constant 176 : index
      %get3A_505 = tpu.vector_load %arg12[%get3A_503, %get3A_504] {strides = array<i32>} : memref<64x256xf32, #tpu.memory_space<vmem>>, vector<1x16xf32>,
      %get3A_506 = vector.shape_cast %get3A_505 : vector<1x16xf32> to vector<16xf32>
      %sub3A_507 = arith.subf %get3A_502, %get3A_506 : vector<16xf32>
      %add3A_508 = arith.addf %get3A_506, %sub3A_507 : vector<16xf32>
      %swap3A_509 = arith.index_cast %scan3A_312 : i32 to index
      %swap3A_510 = arith.constant 176 : index
      %swap3A_511 = tpu.vector_load %arg10[%swap3A_509, %swap3A_510] {strides = array<i32>} : memref<64x256xf32, #tpu.memory_space<vmem>>, vector<1x16xf32>,
      %swap3A_512 = vector.shape_cast %swap3A_511 : vector<1x16xf32> to vector<16xf32>
      %swap3A_513 = vector.shape_cast %add3A_508 : vector<16xf32> to vector<1x16xf32>
      tpu.vector_store %arg10[%swap3A_509, %swap3A_510], %swap3A_513 {strides = array<i32>} : memref<64x256xf32, #tpu.memory_space<vmem>>, vector<1x16xf32>,
      %mul3A_514 = arith.mulf %get3A_502, %get3A_506 : vector<16xf32>
      %add3A_515 = arith.addf %add3A_498, %mul3A_514 : vector<16xf32>
      %get3A_516 = arith.index_cast %scan3A_312 : i32 to index
      %get3A_517 = arith.constant 192 : index
      %get3A_518 = tpu.vector_load %arg10[%get3A_516, %get3A_517] {strides = array<i32>} : memref<64x256xf32, #tpu.memory_space<vmem>>, vector<1x16xf32>,
      %get3A_519 = vector.shape_cast %get3A_518 : vector<1x16xf32> to vector<16xf32>
      %get3A_520 = arith.index_cast %scan3A_312 : i32 to index
      %get3A_521 = arith.constant 192 : index
      %get3A_522 = tpu.vector_load %arg12[%get3A_520, %get3A_521] {strides = array<i32>} : memref<64x256xf32, #tpu.memory_space<vmem>>, vector<1x16xf32>,
      %get3A_523 = vector.shape_cast %get3A_522 : vector<1x16xf32> to vector<16xf32>
      %sub3A_524 = arith.subf %get3A_519, %get3A_523 : vector<16xf32>
      %add3A_525 = arith.addf %get3A_523, %sub3A_524 : vector<16xf32>
      %swap3A_526 = arith.index_cast %scan3A_312 : i32 to index
      %swap3A_527 = arith.constant 192 : index
      %swap3A_528 = tpu.vector_load %arg10[%swap3A_526, %swap3A_527] {strides = array<i32>} : memref<64x256xf32, #tpu.memory_space<vmem>>, vector<1x16xf32>,
      %swap3A_529 = vector.shape_cast %swap3A_528 : vector<1x16xf32> to vector<16xf32>
      %swap3A_530 = vector.shape_cast %add3A_525 : vector<16xf32> to vector<1x16xf32>
      tpu.vector_store %arg10[%swap3A_526, %swap3A_527], %swap3A_530 {strides = array<i32>} : memref<64x256xf32, #tpu.memory_space<vmem>>, vector<1x16xf32>,
      %mul3A_531 = arith.mulf %get3A_519, %get3A_523 : vector<16xf32>
      %add3A_532 = arith.addf %add3A_515, %mul3A_531 : vector<16xf32>
      %get3A_533 = arith.index_cast %scan3A_312 : i32 to index
      %get3A_534 = arith.constant 208 : index
      %get3A_535 = tpu.vector_load %arg10[%get3A_533, %get3A_534] {strides = array<i32>} : memref<64x256xf32, #tpu.memory_space<vmem>>, vector<1x16xf32>,
      %get3A_536 = vector.shape_cast %get3A_535 : vector<1x16xf32> to vector<16xf32>
      %get3A_537 = arith.index_cast %scan3A_312 : i32 to index
      %get3A_538 = arith.constant 208 : index
      %get3A_539 = tpu.vector_load %arg12[%get3A_537, %get3A_538] {strides = array<i32>} : memref<64x256xf32, #tpu.memory_space<vmem>>, vector<1x16xf32>,
      %get3A_540 = vector.shape_cast %get3A_539 : vector<1x16xf32> to vector<16xf32>
      %sub3A_541 = arith.subf %get3A_536, %get3A_540 : vector<16xf32>
      %add3A_542 = arith.addf %get3A_540, %sub3A_541 : vector<16xf32>
      %swap3A_543 = arith.index_cast %scan3A_312 : i32 to index
      %swap3A_544 = arith.constant 208 : index
      %swap3A_545 = tpu.vector_load %arg10[%swap3A_543, %swap3A_544] {strides = array<i32>} : memref<64x256xf32, #tpu.memory_space<vmem>>, vector<1x16xf32>,
      %swap3A_546 = vector.shape_cast %swap3A_545 : vector<1x16xf32> to vector<16xf32>
      %swap3A_547 = vector.shape_cast %add3A_542 : vector<16xf32> to vector<1x16xf32>
      tpu.vector_store %arg10[%swap3A_543, %swap3A_544], %swap3A_547 {strides = array<i32>} : memref<64x256xf32, #tpu.memory_space<vmem>>, vector<1x16xf32>,
      %mul3A_548 = arith.mulf %get3A_536, %get3A_540 : vector<16xf32>
      %add3A_549 = arith.addf %add3A_532, %mul3A_548 : vector<16xf32>
      %get3A_550 = arith.index_cast %scan3A_312 : i32 to index
      %get3A_551 = arith.constant 224 : index
      %get3A_552 = tpu.vector_load %arg10[%get3A_550, %get3A_551] {strides = array<i32>} : memref<64x256xf32, #tpu.memory_space<vmem>>, vector<1x16xf32>,
      %get3A_553 = vector.shape_cast %get3A_552 : vector<1x16xf32> to vector<16xf32>
      %get3A_554 = arith.index_cast %scan3A_312 : i32 to index
      %get3A_555 = arith.constant 224 : index
      %get3A_556 = tpu.vector_load %arg12[%get3A_554, %get3A_555] {strides = array<i32>} : memref<64x256xf32, #tpu.memory_space<vmem>>, vector<1x16xf32>,
      %get3A_557 = vector.shape_cast %get3A_556 : vector<1x16xf32> to vector<16xf32>
      %sub3A_558 = arith.subf %get3A_553, %get3A_557 : vector<16xf32>
      %add3A_559 = arith.addf %get3A_557, %sub3A_558 : vector<16xf32>
      %swap3A_560 = arith.index_cast %scan3A_312 : i32 to index
      %swap3A_561 = arith.constant 224 : index
      %swap3A_562 = tpu.vector_load %arg10[%swap3A_560, %swap3A_561] {strides = array<i32>} : memref<64x256xf32, #tpu.memory_space<vmem>>, vector<1x16xf32>,
      %swap3A_563 = vector.shape_cast %swap3A_562 : vector<1x16xf32> to vector<16xf32>
      %swap3A_564 = vector.shape_cast %add3A_559 : vector<16xf32> to vector<1x16xf32>
      tpu.vector_store %arg10[%swap3A_560, %swap3A_561], %swap3A_564 {strides = array<i32>} : memref<64x256xf32, #tpu.memory_space<vmem>>, vector<1x16xf32>,
      %mul3A_565 = arith.mulf %get3A_553, %get3A_557 : vector<16xf32>
      %add3A_566 = arith.addf %add3A_549, %mul3A_565 : vector<16xf32>
      %get3A_567 = arith.index_cast %scan3A_312 : i32 to index
      %get3A_568 = arith.constant 240 : index
      %get3A_569 = tpu.vector_load %arg10[%get3A_567, %get3A_568] {strides = array<i32>} : memref<64x256xf32, #tpu.memory_space<vmem>>, vector<1x16xf32>,
      %get3A_570 = vector.shape_cast %get3A_569 : vector<1x16xf32> to vector<16xf32>
      %get3A_571 = arith.index_cast %scan3A_312 : i32 to index
      %get3A_572 = arith.constant 240 : index
      %get3A_573 = tpu.vector_load %arg12[%get3A_571, %get3A_572] {strides = array<i32>} : memref<64x256xf32, #tpu.memory_space<vmem>>, vector<1x16xf32>,
      %get3A_574 = vector.shape_cast %get3A_573 : vector<1x16xf32> to vector<16xf32>
      %sub3A_575 = arith.subf %get3A_570, %get3A_574 : vector<16xf32>
      %add3A_576 = arith.addf %get3A_574, %sub3A_575 : vector<16xf32>
      %swap3A_577 = arith.index_cast %scan3A_312 : i32 to index
      %swap3A_578 = arith.constant 240 : index
      %swap3A_579 = tpu.vector_load %arg10[%swap3A_577, %swap3A_578] {strides = array<i32>} : memref<64x256xf32, #tpu.memory_space<vmem>>, vector<1x16xf32>,
      %swap3A_580 = vector.shape_cast %swap3A_579 : vector<1x16xf32> to vector<16xf32>
      %swap3A_581 = vector.shape_cast %add3A_576 : vector<16xf32> to vector<1x16xf32>
      tpu.vector_store %arg10[%swap3A_577, %swap3A_578], %swap3A_581 {strides = array<i32>} : memref<64x256xf32, #tpu.memory_space<vmem>>, vector<1x16xf32>,
      %mul3A_582 = arith.mulf %get3A_570, %get3A_574 : vector<16xf32>
      %add3A_583 = arith.addf %add3A_566, %mul3A_582 : vector<16xf32>
      scf.yield %add3A_583 : vector<16xf32>
    }
    %scan3A_39 = arith.constant 64 : i32
    %add3A_40 = arith.constant 0 : i32
    %add3A_41 = arith.addi %mul3A_2, %add3A_40 : i32
    %dma_start3A_42 = arith.constant 0 : i32
    %dma_start3A_43 = tpu.memref_slice %arg6[%add3A_41, %dma_start3A_42] : memref<16384x256xf32, #tpu.memory_space<hbm>> -> memref<64x256xf32, #tpu.memory_space<hbm>>
    %dma_start3A_44 = arith.constant 0 : i32
    %dma_start3A_45 = tpu.memref_slice %arg6[%add3A_41, %dma_start3A_44] : memref<16384x256xf32, #tpu.memory_space<hbm>> -> memref<64x256xf32, #tpu.memory_space<hbm>>
    tpu.enqueue_dma source(%arg10 : memref<64x256xf32, #tpu.memory_space<vmem>>) target(%dma_start3A_45 : memref<64x256xf32, #tpu.memory_space<hbm>>) target_semaphore(%arg20 : memref<!tpu.dma_semaphore, #tpu.memory_space<semaphore_mem>>)
    %dma_wait3A_46 = arith.constant 0 : i32
    %dma_wait3A_47 = tpu.memref_slice %arg6[%add3A_41, %dma_wait3A_46] : memref<16384x256xf32, #tpu.memory_space<hbm>> -> memref<64x256xf32, #tpu.memory_space<hbm>>
    %dma_wait3A_48 = arith.constant 0 : i32
    %dma_wait3A_49 = tpu.memref_slice %arg6[%add3A_41, %dma_wait3A_48] : memref<16384x256xf32, #tpu.memory_space<hbm>> -> memref<64x256xf32, #tpu.memory_space<hbm>>
    tpu.wait_dma2 semaphore(%arg20 : memref<!tpu.dma_semaphore, #tpu.memory_space<semaphore_mem>>) src(%arg10 : memref<64x256xf32, #tpu.memory_space<vmem>>) dst(%dma_wait3A_49 : memref<64x256xf32, #tpu.memory_space<hbm>>)
    %dma_start3A_50 = arith.constant 128 : i32
    %dma_start3A_51 = tpu.memref_slice %arg8[%dma_start3A_50] : memref<512xi32, #tpu.memory_space<vmem>> -> memref<64xi32, #tpu.memory_space<vmem>>
    %dma_start3A_52 = arith.constant 0 : i32
    %dma_start3A_53 = arith.constant 0 : i32
    %dma_start3A_54 = tpu.memref_slice %arg2[%dma_start3A_52, %dma_start3A_53] : memref<8192x256xf32, #tpu.memory_space<hbm>> -> memref<8192x256xf32, #tpu.memory_space<hbm>>
    tpu.enqueue_indirect_dma source(%dma_start3A_54 : memref<8192x256xf32, #tpu.memory_space<hbm>>) target(%arg10 : memref<64x256xf32, #tpu.memory_space<vmem>>) offsets(%dma_start3A_51 : memref<64xi32, #tpu.memory_space<vmem>>) semaphore(%arg16 : memref<!tpu.dma_semaphore, #tpu.memory_space<semaphore_mem>>)
    %add3A_55 = arith.constant 128 : i32
    %add3A_56 = arith.addi %mul3A_2, %add3A_55 : i32
    %dma_start3A_57 = arith.constant 0 : i32
    %dma_start3A_58 = tpu.memref_slice %arg4[%add3A_56, %dma_start3A_57] : memref<16384x256xf32, #tpu.memory_space<hbm>> -> memref<64x256xf32, #tpu.memory_space<hbm>>
    %dma_start3A_59 = arith.constant 0 : i32
    %dma_start3A_60 = tpu.memref_slice %arg4[%add3A_56, %dma_start3A_59] : memref<16384x256xf32, #tpu.memory_space<hbm>> -> memref<64x256xf32, #tpu.memory_space<hbm>>
    tpu.enqueue_dma source(%dma_start3A_60 : memref<64x256xf32, #tpu.memory_space<hbm>>) target(%arg12 : memref<64x256xf32, #tpu.memory_space<vmem>>) target_semaphore(%arg18 : memref<!tpu.dma_semaphore, #tpu.memory_space<semaphore_mem>>)
    %dma_wait3A_61 = arith.constant 64 : i32
    %dma_wait3A_62 = tpu.memref_slice %arg8[%dma_wait3A_61] : memref<512xi32, #tpu.memory_space<vmem>> -> memref<64xi32, #tpu.memory_space<vmem>>
    %dma_wait3A_63 = arith.constant 0 : i32
    %dma_wait3A_64 = arith.constant 0 : i32
    %dma_wait3A_65 = tpu.memref_slice %arg2[%dma_wait3A_63, %dma_wait3A_64] : memref<8192x256xf32, #tpu.memory_space<hbm>> -> memref<8192x256xf32, #tpu.memory_space<hbm>>
    tpu.wait_indirect_dma semaphore(%arg17 : memref<!tpu.dma_semaphore, #tpu.memory_space<semaphore_mem>>) src(%dma_wait3A_65 : memref<8192x256xf32, #tpu.memory_space<hbm>>) dst(%arg11 : memref<64x256xf32, #tpu.memory_space<vmem>>)
    %dma_wait3A_66 = arith.constant 0 : i32
    %dma_wait3A_67 = tpu.memref_slice %arg4[%add3A_22, %dma_wait3A_66] : memref<16384x256xf32, #tpu.memory_space<hbm>> -> memref<64x256xf32, #tpu.memory_space<hbm>>
    %dma_wait3A_68 = arith.constant 0 : i32
    %dma_wait3A_69 = tpu.memref_slice %arg4[%add3A_22, %dma_wait3A_68] : memref<16384x256xf32, #tpu.memory_space<hbm>> -> memref<64x256xf32, #tpu.memory_space<hbm>>
    tpu.wait_dma2 semaphore(%arg19 : memref<!tpu.dma_semaphore, #tpu.memory_space<semaphore_mem>>) src(%dma_wait3A_69 : memref<64x256xf32, #tpu.memory_space<hbm>>) dst(%arg13 : memref<64x256xf32, #tpu.memory_space<vmem>>)
    %scan3A_70 = arith.constant 0 : i32
    %scan3A_71 = arith.constant 64 : i32
    %scan3A_72 = arith.addi %scan3A_70, %scan3A_71 : i32
    %scan3A_73 = arith.constant 1 : i32
    %scan3A_74 = scf.for %scan3A_312 = %scan3A_70 to %scan3A_72 step %scan3A_73 iter_args(%scan3A_313 = %scan3A_38) -> (vector<16xf32>)  : i32 {
      %get3A = arith.index_cast %scan3A_312 : i32 to index
      %get3A_314 = arith.constant 0 : index
      %get3A_315 = tpu.vector_load %arg11[%get3A, %get3A_314] {strides = array<i32>} : memref<64x256xf32, #tpu.memory_space<vmem>>, vector<1x16xf32>,
      %get3A_316 = vector.shape_cast %get3A_315 : vector<1x16xf32> to vector<16xf32>
      %get3A_317 = arith.index_cast %scan3A_312 : i32 to index
      %get3A_318 = arith.constant 0 : index
      %get3A_319 = tpu.vector_load %arg13[%get3A_317, %get3A_318] {strides = array<i32>} : memref<64x256xf32, #tpu.memory_space<vmem>>, vector<1x16xf32>,
      %get3A_320 = vector.shape_cast %get3A_319 : vector<1x16xf32> to vector<16xf32>
      %sub3A = arith.subf %get3A_316, %get3A_320 : vector<16xf32>
      %add3A_321 = arith.addf %get3A_320, %sub3A : vector<16xf32>
      %swap3A_322 = arith.index_cast %scan3A_312 : i32 to index
      %swap3A_323 = arith.constant 0 : index
      %swap3A_324 = tpu.vector_load %arg11[%swap3A_322, %swap3A_323] {strides = array<i32>} : memref<64x256xf32, #tpu.memory_space<vmem>>, vector<1x16xf32>,
      %swap3A_325 = vector.shape_cast %swap3A_324 : vector<1x16xf32> to vector<16xf32>
      %swap3A_326 = vector.shape_cast %add3A_321 : vector<16xf32> to vector<1x16xf32>
      tpu.vector_store %arg11[%swap3A_322, %swap3A_323], %swap3A_326 {strides = array<i32>} : memref<64x256xf32, #tpu.memory_space<vmem>>, vector<1x16xf32>,
      %mul3A_327 = arith.mulf %get3A_316, %get3A_320 : vector<16xf32>
      %add3A_328 = arith.addf %scan3A_313, %mul3A_327 : vector<16xf32>
      %get3A_329 = arith.index_cast %scan3A_312 : i32 to index
      %get3A_330 = arith.constant 16 : index
      %get3A_331 = tpu.vector_load %arg11[%get3A_329, %get3A_330] {strides = array<i32>} : memref<64x256xf32, #tpu.memory_space<vmem>>, vector<1x16xf32>,
      %get3A_332 = vector.shape_cast %get3A_331 : vector<1x16xf32> to vector<16xf32>
      %get3A_333 = arith.index_cast %scan3A_312 : i32 to index
      %get3A_334 = arith.constant 16 : index
      %get3A_335 = tpu.vector_load %arg13[%get3A_333, %get3A_334] {strides = array<i32>} : memref<64x256xf32, #tpu.memory_space<vmem>>, vector<1x16xf32>,
      %get3A_336 = vector.shape_cast %get3A_335 : vector<1x16xf32> to vector<16xf32>
      %sub3A_337 = arith.subf %get3A_332, %get3A_336 : vector<16xf32>
      %add3A_338 = arith.addf %get3A_336, %sub3A_337 : vector<16xf32>
      %swap3A_339 = arith.index_cast %scan3A_312 : i32 to index
      %swap3A_340 = arith.constant 16 : index
      %swap3A_341 = tpu.vector_load %arg11[%swap3A_339, %swap3A_340] {strides = array<i32>} : memref<64x256xf32, #tpu.memory_space<vmem>>, vector<1x16xf32>,
      %swap3A_342 = vector.shape_cast %swap3A_341 : vector<1x16xf32> to vector<16xf32>
      %swap3A_343 = vector.shape_cast %add3A_338 : vector<16xf32> to vector<1x16xf32>
      tpu.vector_store %arg11[%swap3A_339, %swap3A_340], %swap3A_343 {strides = array<i32>} : memref<64x256xf32, #tpu.memory_space<vmem>>, vector<1x16xf32>,
      %mul3A_344 = arith.mulf %get3A_332, %get3A_336 : vector<16xf32>
      %add3A_345 = arith.addf %add3A_328, %mul3A_344 : vector<16xf32>
      %get3A_346 = arith.index_cast %scan3A_312 : i32 to index
      %get3A_347 = arith.constant 32 : index
      %get3A_348 = tpu.vector_load %arg11[%get3A_346, %get3A_347] {strides = array<i32>} : memref<64x256xf32, #tpu.memory_space<vmem>>, vector<1x16xf32>,
      %get3A_349 = vector.shape_cast %get3A_348 : vector<1x16xf32> to vector<16xf32>
      %get3A_350 = arith.index_cast %scan3A_312 : i32 to index
      %get3A_351 = arith.constant 32 : index
      %get3A_352 = tpu.vector_load %arg13[%get3A_350, %get3A_351] {strides = array<i32>} : memref<64x256xf32, #tpu.memory_space<vmem>>, vector<1x16xf32>,
      %get3A_353 = vector.shape_cast %get3A_352 : vector<1x16xf32> to vector<16xf32>
      %sub3A_354 = arith.subf %get3A_349, %get3A_353 : vector<16xf32>
      %add3A_355 = arith.addf %get3A_353, %sub3A_354 : vector<16xf32>
      %swap3A_356 = arith.index_cast %scan3A_312 : i32 to index
      %swap3A_357 = arith.constant 32 : index
      %swap3A_358 = tpu.vector_load %arg11[%swap3A_356, %swap3A_357] {strides = array<i32>} : memref<64x256xf32, #tpu.memory_space<vmem>>, vector<1x16xf32>,
      %swap3A_359 = vector.shape_cast %swap3A_358 : vector<1x16xf32> to vector<16xf32>
      %swap3A_360 = vector.shape_cast %add3A_355 : vector<16xf32> to vector<1x16xf32>
      tpu.vector_store %arg11[%swap3A_356, %swap3A_357], %swap3A_360 {strides = array<i32>} : memref<64x256xf32, #tpu.memory_space<vmem>>, vector<1x16xf32>,
      %mul3A_361 = arith.mulf %get3A_349, %get3A_353 : vector<16xf32>
      %add3A_362 = arith.addf %add3A_345, %mul3A_361 : vector<16xf32>
      %get3A_363 = arith.index_cast %scan3A_312 : i32 to index
      %get3A_364 = arith.constant 48 : index
      %get3A_365 = tpu.vector_load %arg11[%get3A_363, %get3A_364] {strides = array<i32>} : memref<64x256xf32, #tpu.memory_space<vmem>>, vector<1x16xf32>,
      %get3A_366 = vector.shape_cast %get3A_365 : vector<1x16xf32> to vector<16xf32>
      %get3A_367 = arith.index_cast %scan3A_312 : i32 to index
      %get3A_368 = arith.constant 48 : index
      %get3A_369 = tpu.vector_load %arg13[%get3A_367, %get3A_368] {strides = array<i32>} : memref<64x256xf32, #tpu.memory_space<vmem>>, vector<1x16xf32>,
      %get3A_370 = vector.shape_cast %get3A_369 : vector<1x16xf32> to vector<16xf32>
      %sub3A_371 = arith.subf %get3A_366, %get3A_370 : vector<16xf32>
      %add3A_372 = arith.addf %get3A_370, %sub3A_371 : vector<16xf32>
      %swap3A_373 = arith.index_cast %scan3A_312 : i32 to index
      %swap3A_374 = arith.constant 48 : index
      %swap3A_375 = tpu.vector_load %arg11[%swap3A_373, %swap3A_374] {strides = array<i32>} : memref<64x256xf32, #tpu.memory_space<vmem>>, vector<1x16xf32>,
      %swap3A_376 = vector.shape_cast %swap3A_375 : vector<1x16xf32> to vector<16xf32>
      %swap3A_377 = vector.shape_cast %add3A_372 : vector<16xf32> to vector<1x16xf32>
      tpu.vector_store %arg11[%swap3A_373, %swap3A_374], %swap3A_377 {strides = array<i32>} : memref<64x256xf32, #tpu.memory_space<vmem>>, vector<1x16xf32>,
      %mul3A_378 = arith.mulf %get3A_366, %get3A_370 : vector<16xf32>
      %add3A_379 = arith.addf %add3A_362, %mul3A_378 : vector<16xf32>
      %get3A_380 = arith.index_cast %scan3A_312 : i32 to index
      %get3A_381 = arith.constant 64 : index
      %get3A_382 = tpu.vector_load %arg11[%get3A_380, %get3A_381] {strides = array<i32>} : memref<64x256xf32, #tpu.memory_space<vmem>>, vector<1x16xf32>,
      %get3A_383 = vector.shape_cast %get3A_382 : vector<1x16xf32> to vector<16xf32>
      %get3A_384 = arith.index_cast %scan3A_312 : i32 to index
      %get3A_385 = arith.constant 64 : index
      %get3A_386 = tpu.vector_load %arg13[%get3A_384, %get3A_385] {strides = array<i32>} : memref<64x256xf32, #tpu.memory_space<vmem>>, vector<1x16xf32>,
      %get3A_387 = vector.shape_cast %get3A_386 : vector<1x16xf32> to vector<16xf32>
      %sub3A_388 = arith.subf %get3A_383, %get3A_387 : vector<16xf32>
      %add3A_389 = arith.addf %get3A_387, %sub3A_388 : vector<16xf32>
      %swap3A_390 = arith.index_cast %scan3A_312 : i32 to index
      %swap3A_391 = arith.constant 64 : index
      %swap3A_392 = tpu.vector_load %arg11[%swap3A_390, %swap3A_391] {strides = array<i32>} : memref<64x256xf32, #tpu.memory_space<vmem>>, vector<1x16xf32>,
      %swap3A_393 = vector.shape_cast %swap3A_392 : vector<1x16xf32> to vector<16xf32>
      %swap3A_394 = vector.shape_cast %add3A_389 : vector<16xf32> to vector<1x16xf32>
      tpu.vector_store %arg11[%swap3A_390, %swap3A_391], %swap3A_394 {strides = array<i32>} : memref<64x256xf32, #tpu.memory_space<vmem>>, vector<1x16xf32>,
      %mul3A_395 = arith.mulf %get3A_383, %get3A_387 : vector<16xf32>
      %add3A_396 = arith.addf %add3A_379, %mul3A_395 : vector<16xf32>
      %get3A_397 = arith.index_cast %scan3A_312 : i32 to index
      %get3A_398 = arith.constant 80 : index
      %get3A_399 = tpu.vector_load %arg11[%get3A_397, %get3A_398] {strides = array<i32>} : memref<64x256xf32, #tpu.memory_space<vmem>>, vector<1x16xf32>,
      %get3A_400 = vector.shape_cast %get3A_399 : vector<1x16xf32> to vector<16xf32>
      %get3A_401 = arith.index_cast %scan3A_312 : i32 to index
      %get3A_402 = arith.constant 80 : index
      %get3A_403 = tpu.vector_load %arg13[%get3A_401, %get3A_402] {strides = array<i32>} : memref<64x256xf32, #tpu.memory_space<vmem>>, vector<1x16xf32>,
      %get3A_404 = vector.shape_cast %get3A_403 : vector<1x16xf32> to vector<16xf32>
      %sub3A_405 = arith.subf %get3A_400, %get3A_404 : vector<16xf32>
      %add3A_406 = arith.addf %get3A_404, %sub3A_405 : vector<16xf32>
      %swap3A_407 = arith.index_cast %scan3A_312 : i32 to index
      %swap3A_408 = arith.constant 80 : index
      %swap3A_409 = tpu.vector_load %arg11[%swap3A_407, %swap3A_408] {strides = array<i32>} : memref<64x256xf32, #tpu.memory_space<vmem>>, vector<1x16xf32>,
      %swap3A_410 = vector.shape_cast %swap3A_409 : vector<1x16xf32> to vector<16xf32>
      %swap3A_411 = vector.shape_cast %add3A_406 : vector<16xf32> to vector<1x16xf32>
      tpu.vector_store %arg11[%swap3A_407, %swap3A_408], %swap3A_411 {strides = array<i32>} : memref<64x256xf32, #tpu.memory_space<vmem>>, vector<1x16xf32>,
      %mul3A_412 = arith.mulf %get3A_400, %get3A_404 : vector<16xf32>
      %add3A_413 = arith.addf %add3A_396, %mul3A_412 : vector<16xf32>
      %get3A_414 = arith.index_cast %scan3A_312 : i32 to index
      %get3A_415 = arith.constant 96 : index
      %get3A_416 = tpu.vector_load %arg11[%get3A_414, %get3A_415] {strides = array<i32>} : memref<64x256xf32, #tpu.memory_space<vmem>>, vector<1x16xf32>,
      %get3A_417 = vector.shape_cast %get3A_416 : vector<1x16xf32> to vector<16xf32>
      %get3A_418 = arith.index_cast %scan3A_312 : i32 to index
      %get3A_419 = arith.constant 96 : index
      %get3A_420 = tpu.vector_load %arg13[%get3A_418, %get3A_419] {strides = array<i32>} : memref<64x256xf32, #tpu.memory_space<vmem>>, vector<1x16xf32>,
      %get3A_421 = vector.shape_cast %get3A_420 : vector<1x16xf32> to vector<16xf32>
      %sub3A_422 = arith.subf %get3A_417, %get3A_421 : vector<16xf32>
      %add3A_423 = arith.addf %get3A_421, %sub3A_422 : vector<16xf32>
      %swap3A_424 = arith.index_cast %scan3A_312 : i32 to index
      %swap3A_425 = arith.constant 96 : index
      %swap3A_426 = tpu.vector_load %arg11[%swap3A_424, %swap3A_425] {strides = array<i32>} : memref<64x256xf32, #tpu.memory_space<vmem>>, vector<1x16xf32>,
      %swap3A_427 = vector.shape_cast %swap3A_426 : vector<1x16xf32> to vector<16xf32>
      %swap3A_428 = vector.shape_cast %add3A_423 : vector<16xf32> to vector<1x16xf32>
      tpu.vector_store %arg11[%swap3A_424, %swap3A_425], %swap3A_428 {strides = array<i32>} : memref<64x256xf32, #tpu.memory_space<vmem>>, vector<1x16xf32>,
      %mul3A_429 = arith.mulf %get3A_417, %get3A_421 : vector<16xf32>
      %add3A_430 = arith.addf %add3A_413, %mul3A_429 : vector<16xf32>
      %get3A_431 = arith.index_cast %scan3A_312 : i32 to index
      %get3A_432 = arith.constant 112 : index
      %get3A_433 = tpu.vector_load %arg11[%get3A_431, %get3A_432] {strides = array<i32>} : memref<64x256xf32, #tpu.memory_space<vmem>>, vector<1x16xf32>,
      %get3A_434 = vector.shape_cast %get3A_433 : vector<1x16xf32> to vector<16xf32>
      %get3A_435 = arith.index_cast %scan3A_312 : i32 to index
      %get3A_436 = arith.constant 112 : index
      %get3A_437 = tpu.vector_load %arg13[%get3A_435, %get3A_436] {strides = array<i32>} : memref<64x256xf32, #tpu.memory_space<vmem>>, vector<1x16xf32>,
      %get3A_438 = vector.shape_cast %get3A_437 : vector<1x16xf32> to vector<16xf32>
      %sub3A_439 = arith.subf %get3A_434, %get3A_438 : vector<16xf32>
      %add3A_440 = arith.addf %get3A_438, %sub3A_439 : vector<16xf32>
      %swap3A_441 = arith.index_cast %scan3A_312 : i32 to index
      %swap3A_442 = arith.constant 112 : index
      %swap3A_443 = tpu.vector_load %arg11[%swap3A_441, %swap3A_442] {strides = array<i32>} : memref<64x256xf32, #tpu.memory_space<vmem>>, vector<1x16xf32>,
      %swap3A_444 = vector.shape_cast %swap3A_443 : vector<1x16xf32> to vector<16xf32>
      %swap3A_445 = vector.shape_cast %add3A_440 : vector<16xf32> to vector<1x16xf32>
      tpu.vector_store %arg11[%swap3A_441, %swap3A_442], %swap3A_445 {strides = array<i32>} : memref<64x256xf32, #tpu.memory_space<vmem>>, vector<1x16xf32>,
      %mul3A_446 = arith.mulf %get3A_434, %get3A_438 : vector<16xf32>
      %add3A_447 = arith.addf %add3A_430, %mul3A_446 : vector<16xf32>
      %get3A_448 = arith.index_cast %scan3A_312 : i32 to index
      %get3A_449 = arith.constant 128 : index
      %get3A_450 = tpu.vector_load %arg11[%get3A_448, %get3A_449] {strides = array<i32>} : memref<64x256xf32, #tpu.memory_space<vmem>>, vector<1x16xf32>,
      %get3A_451 = vector.shape_cast %get3A_450 : vector<1x16xf32> to vector<16xf32>
      %get3A_452 = arith.index_cast %scan3A_312 : i32 to index
      %get3A_453 = arith.constant 128 : index
      %get3A_454 = tpu.vector_load %arg13[%get3A_452, %get3A_453] {strides = array<i32>} : memref<64x256xf32, #tpu.memory_space<vmem>>, vector<1x16xf32>,
      %get3A_455 = vector.shape_cast %get3A_454 : vector<1x16xf32> to vector<16xf32>
      %sub3A_456 = arith.subf %get3A_451, %get3A_455 : vector<16xf32>
      %add3A_457 = arith.addf %get3A_455, %sub3A_456 : vector<16xf32>
      %swap3A_458 = arith.index_cast %scan3A_312 : i32 to index
      %swap3A_459 = arith.constant 128 : index
      %swap3A_460 = tpu.vector_load %arg11[%swap3A_458, %swap3A_459] {strides = array<i32>} : memref<64x256xf32, #tpu.memory_space<vmem>>, vector<1x16xf32>,
      %swap3A_461 = vector.shape_cast %swap3A_460 : vector<1x16xf32> to vector<16xf32>
      %swap3A_462 = vector.shape_cast %add3A_457 : vector<16xf32> to vector<1x16xf32>
      tpu.vector_store %arg11[%swap3A_458, %swap3A_459], %swap3A_462 {strides = array<i32>} : memref<64x256xf32, #tpu.memory_space<vmem>>, vector<1x16xf32>,
      %mul3A_463 = arith.mulf %get3A_451, %get3A_455 : vector<16xf32>
      %add3A_464 = arith.addf %add3A_447, %mul3A_463 : vector<16xf32>
      %get3A_465 = arith.index_cast %scan3A_312 : i32 to index
      %get3A_466 = arith.constant 144 : index
      %get3A_467 = tpu.vector_load %arg11[%get3A_465, %get3A_466] {strides = array<i32>} : memref<64x256xf32, #tpu.memory_space<vmem>>, vector<1x16xf32>,
      %get3A_468 = vector.shape_cast %get3A_467 : vector<1x16xf32> to vector<16xf32>
      %get3A_469 = arith.index_cast %scan3A_312 : i32 to index
      %get3A_470 = arith.constant 144 : index
      %get3A_471 = tpu.vector_load %arg13[%get3A_469, %get3A_470] {strides = array<i32>} : memref<64x256xf32, #tpu.memory_space<vmem>>, vector<1x16xf32>,
      %get3A_472 = vector.shape_cast %get3A_471 : vector<1x16xf32> to vector<16xf32>
      %sub3A_473 = arith.subf %get3A_468, %get3A_472 : vector<16xf32>
      %add3A_474 = arith.addf %get3A_472, %sub3A_473 : vector<16xf32>
      %swap3A_475 = arith.index_cast %scan3A_312 : i32 to index
      %swap3A_476 = arith.constant 144 : index
      %swap3A_477 = tpu.vector_load %arg11[%swap3A_475, %swap3A_476] {strides = array<i32>} : memref<64x256xf32, #tpu.memory_space<vmem>>, vector<1x16xf32>,
      %swap3A_478 = vector.shape_cast %swap3A_477 : vector<1x16xf32> to vector<16xf32>
      %swap3A_479 = vector.shape_cast %add3A_474 : vector<16xf32> to vector<1x16xf32>
      tpu.vector_store %arg11[%swap3A_475, %swap3A_476], %swap3A_479 {strides = array<i32>} : memref<64x256xf32, #tpu.memory_space<vmem>>, vector<1x16xf32>,
      %mul3A_480 = arith.mulf %get3A_468, %get3A_472 : vector<16xf32>
      %add3A_481 = arith.addf %add3A_464, %mul3A_480 : vector<16xf32>
      %get3A_482 = arith.index_cast %scan3A_312 : i32 to index
      %get3A_483 = arith.constant 160 : index
      %get3A_484 = tpu.vector_load %arg11[%get3A_482, %get3A_483] {strides = array<i32>} : memref<64x256xf32, #tpu.memory_space<vmem>>, vector<1x16xf32>,
      %get3A_485 = vector.shape_cast %get3A_484 : vector<1x16xf32> to vector<16xf32>
      %get3A_486 = arith.index_cast %scan3A_312 : i32 to index
      %get3A_487 = arith.constant 160 : index
      %get3A_488 = tpu.vector_load %arg13[%get3A_486, %get3A_487] {strides = array<i32>} : memref<64x256xf32, #tpu.memory_space<vmem>>, vector<1x16xf32>,
      %get3A_489 = vector.shape_cast %get3A_488 : vector<1x16xf32> to vector<16xf32>
      %sub3A_490 = arith.subf %get3A_485, %get3A_489 : vector<16xf32>
      %add3A_491 = arith.addf %get3A_489, %sub3A_490 : vector<16xf32>
      %swap3A_492 = arith.index_cast %scan3A_312 : i32 to index
      %swap3A_493 = arith.constant 160 : index
      %swap3A_494 = tpu.vector_load %arg11[%swap3A_492, %swap3A_493] {strides = array<i32>} : memref<64x256xf32, #tpu.memory_space<vmem>>, vector<1x16xf32>,
      %swap3A_495 = vector.shape_cast %swap3A_494 : vector<1x16xf32> to vector<16xf32>
      %swap3A_496 = vector.shape_cast %add3A_491 : vector<16xf32> to vector<1x16xf32>
      tpu.vector_store %arg11[%swap3A_492, %swap3A_493], %swap3A_496 {strides = array<i32>} : memref<64x256xf32, #tpu.memory_space<vmem>>, vector<1x16xf32>,
      %mul3A_497 = arith.mulf %get3A_485, %get3A_489 : vector<16xf32>
      %add3A_498 = arith.addf %add3A_481, %mul3A_497 : vector<16xf32>
      %get3A_499 = arith.index_cast %scan3A_312 : i32 to index
      %get3A_500 = arith.constant 176 : index
      %get3A_501 = tpu.vector_load %arg11[%get3A_499, %get3A_500] {strides = array<i32>} : memref<64x256xf32, #tpu.memory_space<vmem>>, vector<1x16xf32>,
      %get3A_502 = vector.shape_cast %get3A_501 : vector<1x16xf32> to vector<16xf32>
      %get3A_503 = arith.index_cast %scan3A_312 : i32 to index
      %get3A_504 = arith.constant 176 : index
      %get3A_505 = tpu.vector_load %arg13[%get3A_503, %get3A_504] {strides = array<i32>} : memref<64x256xf32, #tpu.memory_space<vmem>>, vector<1x16xf32>,
      %get3A_506 = vector.shape_cast %get3A_505 : vector<1x16xf32> to vector<16xf32>
      %sub3A_507 = arith.subf %get3A_502, %get3A_506 : vector<16xf32>
      %add3A_508 = arith.addf %get3A_506, %sub3A_507 : vector<16xf32>
      %swap3A_509 = arith.index_cast %scan3A_312 : i32 to index
      %swap3A_510 = arith.constant 176 : index
      %swap3A_511 = tpu.vector_load %arg11[%swap3A_509, %swap3A_510] {strides = array<i32>} : memref<64x256xf32, #tpu.memory_space<vmem>>, vector<1x16xf32>,
      %swap3A_512 = vector.shape_cast %swap3A_511 : vector<1x16xf32> to vector<16xf32>
      %swap3A_513 = vector.shape_cast %add3A_508 : vector<16xf32> to vector<1x16xf32>
      tpu.vector_store %arg11[%swap3A_509, %swap3A_510], %swap3A_513 {strides = array<i32>} : memref<64x256xf32, #tpu.memory_space<vmem>>, vector<1x16xf32>,
      %mul3A_514 = arith.mulf %get3A_502, %get3A_506 : vector<16xf32>
      %add3A_515 = arith.addf %add3A_498, %mul3A_514 : vector<16xf32>
      %get3A_516 = arith.index_cast %scan3A_312 : i32 to index
      %get3A_517 = arith.constant 192 : index
      %get3A_518 = tpu.vector_load %arg11[%get3A_516, %get3A_517] {strides = array<i32>} : memref<64x256xf32, #tpu.memory_space<vmem>>, vector<1x16xf32>,
      %get3A_519 = vector.shape_cast %get3A_518 : vector<1x16xf32> to vector<16xf32>
      %get3A_520 = arith.index_cast %scan3A_312 : i32 to index
      %get3A_521 = arith.constant 192 : index
      %get3A_522 = tpu.vector_load %arg13[%get3A_520, %get3A_521] {strides = array<i32>} : memref<64x256xf32, #tpu.memory_space<vmem>>, vector<1x16xf32>,
      %get3A_523 = vector.shape_cast %get3A_522 : vector<1x16xf32> to vector<16xf32>
      %sub3A_524 = arith.subf %get3A_519, %get3A_523 : vector<16xf32>
      %add3A_525 = arith.addf %get3A_523, %sub3A_524 : vector<16xf32>
      %swap3A_526 = arith.index_cast %scan3A_312 : i32 to index
      %swap3A_527 = arith.constant 192 : index
      %swap3A_528 = tpu.vector_load %arg11[%swap3A_526, %swap3A_527] {strides = array<i32>} : memref<64x256xf32, #tpu.memory_space<vmem>>, vector<1x16xf32>,
      %swap3A_529 = vector.shape_cast %swap3A_528 : vector<1x16xf32> to vector<16xf32>
      %swap3A_530 = vector.shape_cast %add3A_525 : vector<16xf32> to vector<1x16xf32>
      tpu.vector_store %arg11[%swap3A_526, %swap3A_527], %swap3A_530 {strides = array<i32>} : memref<64x256xf32, #tpu.memory_space<vmem>>, vector<1x16xf32>,
      %mul3A_531 = arith.mulf %get3A_519, %get3A_523 : vector<16xf32>
      %add3A_532 = arith.addf %add3A_515, %mul3A_531 : vector<16xf32>
      %get3A_533 = arith.index_cast %scan3A_312 : i32 to index
      %get3A_534 = arith.constant 208 : index
      %get3A_535 = tpu.vector_load %arg11[%get3A_533, %get3A_534] {strides = array<i32>} : memref<64x256xf32, #tpu.memory_space<vmem>>, vector<1x16xf32>,
      %get3A_536 = vector.shape_cast %get3A_535 : vector<1x16xf32> to vector<16xf32>
      %get3A_537 = arith.index_cast %scan3A_312 : i32 to index
      %get3A_538 = arith.constant 208 : index
      %get3A_539 = tpu.vector_load %arg13[%get3A_537, %get3A_538] {strides = array<i32>} : memref<64x256xf32, #tpu.memory_space<vmem>>, vector<1x16xf32>,
      %get3A_540 = vector.shape_cast %get3A_539 : vector<1x16xf32> to vector<16xf32>
      %sub3A_541 = arith.subf %get3A_536, %get3A_540 : vector<16xf32>
      %add3A_542 = arith.addf %get3A_540, %sub3A_541 : vector<16xf32>
      %swap3A_543 = arith.index_cast %scan3A_312 : i32 to index
      %swap3A_544 = arith.constant 208 : index
      %swap3A_545 = tpu.vector_load %arg11[%swap3A_543, %swap3A_544] {strides = array<i32>} : memref<64x256xf32, #tpu.memory_space<vmem>>, vector<1x16xf32>,
      %swap3A_546 = vector.shape_cast %swap3A_545 : vector<1x16xf32> to vector<16xf32>
      %swap3A_547 = vector.shape_cast %add3A_542 : vector<16xf32> to vector<1x16xf32>
      tpu.vector_store %arg11[%swap3A_543, %swap3A_544], %swap3A_547 {strides = array<i32>} : memref<64x256xf32, #tpu.memory_space<vmem>>, vector<1x16xf32>,
      %mul3A_548 = arith.mulf %get3A_536, %get3A_540 : vector<16xf32>
      %add3A_549 = arith.addf %add3A_532, %mul3A_548 : vector<16xf32>
      %get3A_550 = arith.index_cast %scan3A_312 : i32 to index
      %get3A_551 = arith.constant 224 : index
      %get3A_552 = tpu.vector_load %arg11[%get3A_550, %get3A_551] {strides = array<i32>} : memref<64x256xf32, #tpu.memory_space<vmem>>, vector<1x16xf32>,
      %get3A_553 = vector.shape_cast %get3A_552 : vector<1x16xf32> to vector<16xf32>
      %get3A_554 = arith.index_cast %scan3A_312 : i32 to index
      %get3A_555 = arith.constant 224 : index
      %get3A_556 = tpu.vector_load %arg13[%get3A_554, %get3A_555] {strides = array<i32>} : memref<64x256xf32, #tpu.memory_space<vmem>>, vector<1x16xf32>,
      %get3A_557 = vector.shape_cast %get3A_556 : vector<1x16xf32> to vector<16xf32>
      %sub3A_558 = arith.subf %get3A_553, %get3A_557 : vector<16xf32>
      %add3A_559 = arith.addf %get3A_557, %sub3A_558 : vector<16xf32>
      %swap3A_560 = arith.index_cast %scan3A_312 : i32 to index
      %swap3A_561 = arith.constant 224 : index
      %swap3A_562 = tpu.vector_load %arg11[%swap3A_560, %swap3A_561] {strides = array<i32>} : memref<64x256xf32, #tpu.memory_space<vmem>>, vector<1x16xf32>,
      %swap3A_563 = vector.shape_cast %swap3A_562 : vector<1x16xf32> to vector<16xf32>
      %swap3A_564 = vector.shape_cast %add3A_559 : vector<16xf32> to vector<1x16xf32>
      tpu.vector_store %arg11[%swap3A_560, %swap3A_561], %swap3A_564 {strides = array<i32>} : memref<64x256xf32, #tpu.memory_space<vmem>>, vector<1x16xf32>,
      %mul3A_565 = arith.mulf %get3A_553, %get3A_557 : vector<16xf32>
      %add3A_566 = arith.addf %add3A_549, %mul3A_565 : vector<16xf32>
      %get3A_567 = arith.index_cast %scan3A_312 : i32 to index
      %get3A_568 = arith.constant 240 : index
      %get3A_569 = tpu.vector_load %arg11[%get3A_567, %get3A_568] {strides = array<i32>} : memref<64x256xf32, #tpu.memory_space<vmem>>, vector<1x16xf32>,
      %get3A_570 = vector.shape_cast %get3A_569 : vector<1x16xf32> to vector<16xf32>
      %get3A_571 = arith.index_cast %scan3A_312 : i32 to index
      %get3A_572 = arith.constant 240 : index
      %get3A_573 = tpu.vector_load %arg13[%get3A_571, %get3A_572] {strides = array<i32>} : memref<64x256xf32, #tpu.memory_space<vmem>>, vector<1x16xf32>,
      %get3A_574 = vector.shape_cast %get3A_573 : vector<1x16xf32> to vector<16xf32>
      %sub3A_575 = arith.subf %get3A_570, %get3A_574 : vector<16xf32>
      %add3A_576 = arith.addf %get3A_574, %sub3A_575 : vector<16xf32>
      %swap3A_577 = arith.index_cast %scan3A_312 : i32 to index
      %swap3A_578 = arith.constant 240 : index
      %swap3A_579 = tpu.vector_load %arg11[%swap3A_577, %swap3A_578] {strides = array<i32>} : memref<64x256xf32, #tpu.memory_space<vmem>>, vector<1x16xf32>,
      %swap3A_580 = vector.shape_cast %swap3A_579 : vector<1x16xf32> to vector<16xf32>
      %swap3A_581 = vector.shape_cast %add3A_576 : vector<16xf32> to vector<1x16xf32>
      tpu.vector_store %arg11[%swap3A_577, %swap3A_578], %swap3A_581 {strides = array<i32>} : memref<64x256xf32, #tpu.memory_space<vmem>>, vector<1x16xf32>,
      %mul3A_582 = arith.mulf %get3A_570, %get3A_574 : vector<16xf32>
      %add3A_583 = arith.addf %add3A_566, %mul3A_582 : vector<16xf32>
      scf.yield %add3A_583 : vector<16xf32>
    }
    %scan3A_75 = arith.constant 64 : i32
    %add3A_76 = arith.constant 64 : i32
    %add3A_77 = arith.addi %mul3A_2, %add3A_76 : i32
    %dma_start3A_78 = arith.constant 0 : i32
    %dma_start3A_79 = tpu.memref_slice %arg6[%add3A_77, %dma_start3A_78] : memref<16384x256xf32, #tpu.memory_space<hbm>> -> memref<64x256xf32, #tpu.memory_space<hbm>>
    %dma_start3A_80 = arith.constant 0 : i32
    %dma_start3A_81 = tpu.memref_slice %arg6[%add3A_77, %dma_start3A_80] : memref<16384x256xf32, #tpu.memory_space<hbm>> -> memref<64x256xf32, #tpu.memory_space<hbm>>
    tpu.enqueue_dma source(%arg11 : memref<64x256xf32, #tpu.memory_space<vmem>>) target(%dma_start3A_81 : memref<64x256xf32, #tpu.memory_space<hbm>>) target_semaphore(%arg21 : memref<!tpu.dma_semaphore, #tpu.memory_space<semaphore_mem>>)
    %dma_wait3A_82 = arith.constant 0 : i32
    %dma_wait3A_83 = tpu.memref_slice %arg6[%add3A_77, %dma_wait3A_82] : memref<16384x256xf32, #tpu.memory_space<hbm>> -> memref<64x256xf32, #tpu.memory_space<hbm>>
    %dma_wait3A_84 = arith.constant 0 : i32
    %dma_wait3A_85 = tpu.memref_slice %arg6[%add3A_77, %dma_wait3A_84] : memref<16384x256xf32, #tpu.memory_space<hbm>> -> memref<64x256xf32, #tpu.memory_space<hbm>>
    tpu.wait_dma2 semaphore(%arg21 : memref<!tpu.dma_semaphore, #tpu.memory_space<semaphore_mem>>) src(%arg11 : memref<64x256xf32, #tpu.memory_space<vmem>>) dst(%dma_wait3A_85 : memref<64x256xf32, #tpu.memory_space<hbm>>)
    %dma_start3A_86 = arith.constant 192 : i32
    %dma_start3A_87 = tpu.memref_slice %arg8[%dma_start3A_86] : memref<512xi32, #tpu.memory_space<vmem>> -> memref<64xi32, #tpu.memory_space<vmem>>
    %dma_start3A_88 = arith.constant 0 : i32
    %dma_start3A_89 = arith.constant 0 : i32
    %dma_start3A_90 = tpu.memref_slice %arg2[%dma_start3A_88, %dma_start3A_89] : memref<8192x256xf32, #tpu.memory_space<hbm>> -> memref<8192x256xf32, #tpu.memory_space<hbm>>
    tpu.enqueue_indirect_dma source(%dma_start3A_90 : memref<8192x256xf32, #tpu.memory_space<hbm>>) target(%arg11 : memref<64x256xf32, #tpu.memory_space<vmem>>) offsets(%dma_start3A_87 : memref<64xi32, #tpu.memory_space<vmem>>) semaphore(%arg17 : memref<!tpu.dma_semaphore, #tpu.memory_space<semaphore_mem>>)
    %add3A_91 = arith.constant 192 : i32
    %add3A_92 = arith.addi %mul3A_2, %add3A_91 : i32
    %dma_start3A_93 = arith.constant 0 : i32
    %dma_start3A_94 = tpu.memref_slice %arg4[%add3A_92, %dma_start3A_93] : memref<16384x256xf32, #tpu.memory_space<hbm>> -> memref<64x256xf32, #tpu.memory_space<hbm>>
    %dma_start3A_95 = arith.constant 0 : i32
    %dma_start3A_96 = tpu.memref_slice %arg4[%add3A_92, %dma_start3A_95] : memref<16384x256xf32, #tpu.memory_space<hbm>> -> memref<64x256xf32, #tpu.memory_space<hbm>>
    tpu.enqueue_dma source(%dma_start3A_96 : memref<64x256xf32, #tpu.memory_space<hbm>>) target(%arg13 : memref<64x256xf32, #tpu.memory_space<vmem>>) target_semaphore(%arg19 : memref<!tpu.dma_semaphore, #tpu.memory_space<semaphore_mem>>)
    %dma_wait3A_97 = arith.constant 128 : i32
    %dma_wait3A_98 = tpu.memref_slice %arg8[%dma_wait3A_97] : memref<512xi32, #tpu.memory_space<vmem>> -> memref<64xi32, #tpu.memory_space<vmem>>
    %dma_wait3A_99 = arith.constant 0 : i32
    %dma_wait3A_100 = arith.constant 0 : i32
    %dma_wait3A_101 = tpu.memref_slice %arg2[%dma_wait3A_99, %dma_wait3A_100] : memref<8192x256xf32, #tpu.memory_space<hbm>> -> memref<8192x256xf32, #tpu.memory_space<hbm>>
    tpu.wait_indirect_dma semaphore(%arg16 : memref<!tpu.dma_semaphore, #tpu.memory_space<semaphore_mem>>) src(%dma_wait3A_101 : memref<8192x256xf32, #tpu.memory_space<hbm>>) dst(%arg10 : memref<64x256xf32, #tpu.memory_space<vmem>>)
    %dma_wait3A_102 = arith.constant 0 : i32
    %dma_wait3A_103 = tpu.memref_slice %arg4[%add3A_56, %dma_wait3A_102] : memref<16384x256xf32, #tpu.memory_space<hbm>> -> memref<64x256xf32, #tpu.memory_space<hbm>>
    %dma_wait3A_104 = arith.constant 0 : i32
    %dma_wait3A_105 = tpu.memref_slice %arg4[%add3A_56, %dma_wait3A_104] : memref<16384x256xf32, #tpu.memory_space<hbm>> -> memref<64x256xf32, #tpu.memory_space<hbm>>
    tpu.wait_dma2 semaphore(%arg18 : memref<!tpu.dma_semaphore, #tpu.memory_space<semaphore_mem>>) src(%dma_wait3A_105 : memref<64x256xf32, #tpu.memory_space<hbm>>) dst(%arg12 : memref<64x256xf32, #tpu.memory_space<vmem>>)
    %scan3A_106 = arith.constant 0 : i32
    %scan3A_107 = arith.constant 64 : i32
    %scan3A_108 = arith.addi %scan3A_106, %scan3A_107 : i32
    %scan3A_109 = arith.constant 1 : i32
    %scan3A_110 = scf.for %scan3A_312 = %scan3A_106 to %scan3A_108 step %scan3A_109 iter_args(%scan3A_313 = %scan3A_74) -> (vector<16xf32>)  : i32 {
      %get3A = arith.index_cast %scan3A_312 : i32 to index
      %get3A_314 = arith.constant 0 : index
      %get3A_315 = tpu.vector_load %arg10[%get3A, %get3A_314] {strides = array<i32>} : memref<64x256xf32, #tpu.memory_space<vmem>>, vector<1x16xf32>,
      %get3A_316 = vector.shape_cast %get3A_315 : vector<1x16xf32> to vector<16xf32>
      %get3A_317 = arith.index_cast %scan3A_312 : i32 to index
      %get3A_318 = arith.constant 0 : index
      %get3A_319 = tpu.vector_load %arg12[%get3A_317, %get3A_318] {strides = array<i32>} : memref<64x256xf32, #tpu.memory_space<vmem>>, vector<1x16xf32>,
      %get3A_320 = vector.shape_cast %get3A_319 : vector<1x16xf32> to vector<16xf32>
      %sub3A = arith.subf %get3A_316, %get3A_320 : vector<16xf32>
      %add3A_321 = arith.addf %get3A_320, %sub3A : vector<16xf32>
      %swap3A_322 = arith.index_cast %scan3A_312 : i32 to index
      %swap3A_323 = arith.constant 0 : index
      %swap3A_324 = tpu.vector_load %arg10[%swap3A_322, %swap3A_323] {strides = array<i32>} : memref<64x256xf32, #tpu.memory_space<vmem>>, vector<1x16xf32>,
      %swap3A_325 = vector.shape_cast %swap3A_324 : vector<1x16xf32> to vector<16xf32>
      %swap3A_326 = vector.shape_cast %add3A_321 : vector<16xf32> to vector<1x16xf32>
      tpu.vector_store %arg10[%swap3A_322, %swap3A_323], %swap3A_326 {strides = array<i32>} : memref<64x256xf32, #tpu.memory_space<vmem>>, vector<1x16xf32>,
      %mul3A_327 = arith.mulf %get3A_316, %get3A_320 : vector<16xf32>
      %add3A_328 = arith.addf %scan3A_313, %mul3A_327 : vector<16xf32>
      %get3A_329 = arith.index_cast %scan3A_312 : i32 to index
      %get3A_330 = arith.constant 16 : index
      %get3A_331 = tpu.vector_load %arg10[%get3A_329, %get3A_330] {strides = array<i32>} : memref<64x256xf32, #tpu.memory_space<vmem>>, vector<1x16xf32>,
      %get3A_332 = vector.shape_cast %get3A_331 : vector<1x16xf32> to vector<16xf32>
      %get3A_333 = arith.index_cast %scan3A_312 : i32 to index
      %get3A_334 = arith.constant 16 : index
      %get3A_335 = tpu.vector_load %arg12[%get3A_333, %get3A_334] {strides = array<i32>} : memref<64x256xf32, #tpu.memory_space<vmem>>, vector<1x16xf32>,
      %get3A_336 = vector.shape_cast %get3A_335 : vector<1x16xf32> to vector<16xf32>
      %sub3A_337 = arith.subf %get3A_332, %get3A_336 : vector<16xf32>
      %add3A_338 = arith.addf %get3A_336, %sub3A_337 : vector<16xf32>
      %swap3A_339 = arith.index_cast %scan3A_312 : i32 to index
      %swap3A_340 = arith.constant 16 : index
      %swap3A_341 = tpu.vector_load %arg10[%swap3A_339, %swap3A_340] {strides = array<i32>} : memref<64x256xf32, #tpu.memory_space<vmem>>, vector<1x16xf32>,
      %swap3A_342 = vector.shape_cast %swap3A_341 : vector<1x16xf32> to vector<16xf32>
      %swap3A_343 = vector.shape_cast %add3A_338 : vector<16xf32> to vector<1x16xf32>
      tpu.vector_store %arg10[%swap3A_339, %swap3A_340], %swap3A_343 {strides = array<i32>} : memref<64x256xf32, #tpu.memory_space<vmem>>, vector<1x16xf32>,
      %mul3A_344 = arith.mulf %get3A_332, %get3A_336 : vector<16xf32>
      %add3A_345 = arith.addf %add3A_328, %mul3A_344 : vector<16xf32>
      %get3A_346 = arith.index_cast %scan3A_312 : i32 to index
      %get3A_347 = arith.constant 32 : index
      %get3A_348 = tpu.vector_load %arg10[%get3A_346, %get3A_347] {strides = array<i32>} : memref<64x256xf32, #tpu.memory_space<vmem>>, vector<1x16xf32>,
      %get3A_349 = vector.shape_cast %get3A_348 : vector<1x16xf32> to vector<16xf32>
      %get3A_350 = arith.index_cast %scan3A_312 : i32 to index
      %get3A_351 = arith.constant 32 : index
      %get3A_352 = tpu.vector_load %arg12[%get3A_350, %get3A_351] {strides = array<i32>} : memref<64x256xf32, #tpu.memory_space<vmem>>, vector<1x16xf32>,
      %get3A_353 = vector.shape_cast %get3A_352 : vector<1x16xf32> to vector<16xf32>
      %sub3A_354 = arith.subf %get3A_349, %get3A_353 : vector<16xf32>
      %add3A_355 = arith.addf %get3A_353, %sub3A_354 : vector<16xf32>
      %swap3A_356 = arith.index_cast %scan3A_312 : i32 to index
      %swap3A_357 = arith.constant 32 : index
      %swap3A_358 = tpu.vector_load %arg10[%swap3A_356, %swap3A_357] {strides = array<i32>} : memref<64x256xf32, #tpu.memory_space<vmem>>, vector<1x16xf32>,
      %swap3A_359 = vector.shape_cast %swap3A_358 : vector<1x16xf32> to vector<16xf32>
      %swap3A_360 = vector.shape_cast %add3A_355 : vector<16xf32> to vector<1x16xf32>
      tpu.vector_store %arg10[%swap3A_356, %swap3A_357], %swap3A_360 {strides = array<i32>} : memref<64x256xf32, #tpu.memory_space<vmem>>, vector<1x16xf32>,
      %mul3A_361 = arith.mulf %get3A_349, %get3A_353 : vector<16xf32>
      %add3A_362 = arith.addf %add3A_345, %mul3A_361 : vector<16xf32>
      %get3A_363 = arith.index_cast %scan3A_312 : i32 to index
      %get3A_364 = arith.constant 48 : index
      %get3A_365 = tpu.vector_load %arg10[%get3A_363, %get3A_364] {strides = array<i32>} : memref<64x256xf32, #tpu.memory_space<vmem>>, vector<1x16xf32>,
      %get3A_366 = vector.shape_cast %get3A_365 : vector<1x16xf32> to vector<16xf32>
      %get3A_367 = arith.index_cast %scan3A_312 : i32 to index
      %get3A_368 = arith.constant 48 : index
      %get3A_369 = tpu.vector_load %arg12[%get3A_367, %get3A_368] {strides = array<i32>} : memref<64x256xf32, #tpu.memory_space<vmem>>, vector<1x16xf32>,
      %get3A_370 = vector.shape_cast %get3A_369 : vector<1x16xf32> to vector<16xf32>
      %sub3A_371 = arith.subf %get3A_366, %get3A_370 : vector<16xf32>
      %add3A_372 = arith.addf %get3A_370, %sub3A_371 : vector<16xf32>
      %swap3A_373 = arith.index_cast %scan3A_312 : i32 to index
      %swap3A_374 = arith.constant 48 : index
      %swap3A_375 = tpu.vector_load %arg10[%swap3A_373, %swap3A_374] {strides = array<i32>} : memref<64x256xf32, #tpu.memory_space<vmem>>, vector<1x16xf32>,
      %swap3A_376 = vector.shape_cast %swap3A_375 : vector<1x16xf32> to vector<16xf32>
      %swap3A_377 = vector.shape_cast %add3A_372 : vector<16xf32> to vector<1x16xf32>
      tpu.vector_store %arg10[%swap3A_373, %swap3A_374], %swap3A_377 {strides = array<i32>} : memref<64x256xf32, #tpu.memory_space<vmem>>, vector<1x16xf32>,
      %mul3A_378 = arith.mulf %get3A_366, %get3A_370 : vector<16xf32>
      %add3A_379 = arith.addf %add3A_362, %mul3A_378 : vector<16xf32>
      %get3A_380 = arith.index_cast %scan3A_312 : i32 to index
      %get3A_381 = arith.constant 64 : index
      %get3A_382 = tpu.vector_load %arg10[%get3A_380, %get3A_381] {strides = array<i32>} : memref<64x256xf32, #tpu.memory_space<vmem>>, vector<1x16xf32>,
      %get3A_383 = vector.shape_cast %get3A_382 : vector<1x16xf32> to vector<16xf32>
      %get3A_384 = arith.index_cast %scan3A_312 : i32 to index
      %get3A_385 = arith.constant 64 : index
      %get3A_386 = tpu.vector_load %arg12[%get3A_384, %get3A_385] {strides = array<i32>} : memref<64x256xf32, #tpu.memory_space<vmem>>, vector<1x16xf32>,
      %get3A_387 = vector.shape_cast %get3A_386 : vector<1x16xf32> to vector<16xf32>
      %sub3A_388 = arith.subf %get3A_383, %get3A_387 : vector<16xf32>
      %add3A_389 = arith.addf %get3A_387, %sub3A_388 : vector<16xf32>
      %swap3A_390 = arith.index_cast %scan3A_312 : i32 to index
      %swap3A_391 = arith.constant 64 : index
      %swap3A_392 = tpu.vector_load %arg10[%swap3A_390, %swap3A_391] {strides = array<i32>} : memref<64x256xf32, #tpu.memory_space<vmem>>, vector<1x16xf32>,
      %swap3A_393 = vector.shape_cast %swap3A_392 : vector<1x16xf32> to vector<16xf32>
      %swap3A_394 = vector.shape_cast %add3A_389 : vector<16xf32> to vector<1x16xf32>
      tpu.vector_store %arg10[%swap3A_390, %swap3A_391], %swap3A_394 {strides = array<i32>} : memref<64x256xf32, #tpu.memory_space<vmem>>, vector<1x16xf32>,
      %mul3A_395 = arith.mulf %get3A_383, %get3A_387 : vector<16xf32>
      %add3A_396 = arith.addf %add3A_379, %mul3A_395 : vector<16xf32>
      %get3A_397 = arith.index_cast %scan3A_312 : i32 to index
      %get3A_398 = arith.constant 80 : index
      %get3A_399 = tpu.vector_load %arg10[%get3A_397, %get3A_398] {strides = array<i32>} : memref<64x256xf32, #tpu.memory_space<vmem>>, vector<1x16xf32>,
      %get3A_400 = vector.shape_cast %get3A_399 : vector<1x16xf32> to vector<16xf32>
      %get3A_401 = arith.index_cast %scan3A_312 : i32 to index
      %get3A_402 = arith.constant 80 : index
      %get3A_403 = tpu.vector_load %arg12[%get3A_401, %get3A_402] {strides = array<i32>} : memref<64x256xf32, #tpu.memory_space<vmem>>, vector<1x16xf32>,
      %get3A_404 = vector.shape_cast %get3A_403 : vector<1x16xf32> to vector<16xf32>
      %sub3A_405 = arith.subf %get3A_400, %get3A_404 : vector<16xf32>
      %add3A_406 = arith.addf %get3A_404, %sub3A_405 : vector<16xf32>
      %swap3A_407 = arith.index_cast %scan3A_312 : i32 to index
      %swap3A_408 = arith.constant 80 : index
      %swap3A_409 = tpu.vector_load %arg10[%swap3A_407, %swap3A_408] {strides = array<i32>} : memref<64x256xf32, #tpu.memory_space<vmem>>, vector<1x16xf32>,
      %swap3A_410 = vector.shape_cast %swap3A_409 : vector<1x16xf32> to vector<16xf32>
      %swap3A_411 = vector.shape_cast %add3A_406 : vector<16xf32> to vector<1x16xf32>
      tpu.vector_store %arg10[%swap3A_407, %swap3A_408], %swap3A_411 {strides = array<i32>} : memref<64x256xf32, #tpu.memory_space<vmem>>, vector<1x16xf32>,
      %mul3A_412 = arith.mulf %get3A_400, %get3A_404 : vector<16xf32>
      %add3A_413 = arith.addf %add3A_396, %mul3A_412 : vector<16xf32>
      %get3A_414 = arith.index_cast %scan3A_312 : i32 to index
      %get3A_415 = arith.constant 96 : index
      %get3A_416 = tpu.vector_load %arg10[%get3A_414, %get3A_415] {strides = array<i32>} : memref<64x256xf32, #tpu.memory_space<vmem>>, vector<1x16xf32>,
      %get3A_417 = vector.shape_cast %get3A_416 : vector<1x16xf32> to vector<16xf32>
      %get3A_418 = arith.index_cast %scan3A_312 : i32 to index
      %get3A_419 = arith.constant 96 : index
      %get3A_420 = tpu.vector_load %arg12[%get3A_418, %get3A_419] {strides = array<i32>} : memref<64x256xf32, #tpu.memory_space<vmem>>, vector<1x16xf32>,
      %get3A_421 = vector.shape_cast %get3A_420 : vector<1x16xf32> to vector<16xf32>
      %sub3A_422 = arith.subf %get3A_417, %get3A_421 : vector<16xf32>
      %add3A_423 = arith.addf %get3A_421, %sub3A_422 : vector<16xf32>
      %swap3A_424 = arith.index_cast %scan3A_312 : i32 to index
      %swap3A_425 = arith.constant 96 : index
      %swap3A_426 = tpu.vector_load %arg10[%swap3A_424, %swap3A_425] {strides = array<i32>} : memref<64x256xf32, #tpu.memory_space<vmem>>, vector<1x16xf32>,
      %swap3A_427 = vector.shape_cast %swap3A_426 : vector<1x16xf32> to vector<16xf32>
      %swap3A_428 = vector.shape_cast %add3A_423 : vector<16xf32> to vector<1x16xf32>
      tpu.vector_store %arg10[%swap3A_424, %swap3A_425], %swap3A_428 {strides = array<i32>} : memref<64x256xf32, #tpu.memory_space<vmem>>, vector<1x16xf32>,
      %mul3A_429 = arith.mulf %get3A_417, %get3A_421 : vector<16xf32>
      %add3A_430 = arith.addf %add3A_413, %mul3A_429 : vector<16xf32>
      %get3A_431 = arith.index_cast %scan3A_312 : i32 to index
      %get3A_432 = arith.constant 112 : index
      %get3A_433 = tpu.vector_load %arg10[%get3A_431, %get3A_432] {strides = array<i32>} : memref<64x256xf32, #tpu.memory_space<vmem>>, vector<1x16xf32>,
      %get3A_434 = vector.shape_cast %get3A_433 : vector<1x16xf32> to vector<16xf32>
      %get3A_435 = arith.index_cast %scan3A_312 : i32 to index
      %get3A_436 = arith.constant 112 : index
      %get3A_437 = tpu.vector_load %arg12[%get3A_435, %get3A_436] {strides = array<i32>} : memref<64x256xf32, #tpu.memory_space<vmem>>, vector<1x16xf32>,
      %get3A_438 = vector.shape_cast %get3A_437 : vector<1x16xf32> to vector<16xf32>
      %sub3A_439 = arith.subf %get3A_434, %get3A_438 : vector<16xf32>
      %add3A_440 = arith.addf %get3A_438, %sub3A_439 : vector<16xf32>
      %swap3A_441 = arith.index_cast %scan3A_312 : i32 to index
      %swap3A_442 = arith.constant 112 : index
      %swap3A_443 = tpu.vector_load %arg10[%swap3A_441, %swap3A_442] {strides = array<i32>} : memref<64x256xf32, #tpu.memory_space<vmem>>, vector<1x16xf32>,
      %swap3A_444 = vector.shape_cast %swap3A_443 : vector<1x16xf32> to vector<16xf32>
      %swap3A_445 = vector.shape_cast %add3A_440 : vector<16xf32> to vector<1x16xf32>
      tpu.vector_store %arg10[%swap3A_441, %swap3A_442], %swap3A_445 {strides = array<i32>} : memref<64x256xf32, #tpu.memory_space<vmem>>, vector<1x16xf32>,
      %mul3A_446 = arith.mulf %get3A_434, %get3A_438 : vector<16xf32>
      %add3A_447 = arith.addf %add3A_430, %mul3A_446 : vector<16xf32>
      %get3A_448 = arith.index_cast %scan3A_312 : i32 to index
      %get3A_449 = arith.constant 128 : index
      %get3A_450 = tpu.vector_load %arg10[%get3A_448, %get3A_449] {strides = array<i32>} : memref<64x256xf32, #tpu.memory_space<vmem>>, vector<1x16xf32>,
      %get3A_451 = vector.shape_cast %get3A_450 : vector<1x16xf32> to vector<16xf32>
      %get3A_452 = arith.index_cast %scan3A_312 : i32 to index
      %get3A_453 = arith.constant 128 : index
      %get3A_454 = tpu.vector_load %arg12[%get3A_452, %get3A_453] {strides = array<i32>} : memref<64x256xf32, #tpu.memory_space<vmem>>, vector<1x16xf32>,
      %get3A_455 = vector.shape_cast %get3A_454 : vector<1x16xf32> to vector<16xf32>
      %sub3A_456 = arith.subf %get3A_451, %get3A_455 : vector<16xf32>
      %add3A_457 = arith.addf %get3A_455, %sub3A_456 : vector<16xf32>
      %swap3A_458 = arith.index_cast %scan3A_312 : i32 to index
      %swap3A_459 = arith.constant 128 : index
      %swap3A_460 = tpu.vector_load %arg10[%swap3A_458, %swap3A_459] {strides = array<i32>} : memref<64x256xf32, #tpu.memory_space<vmem>>, vector<1x16xf32>,
      %swap3A_461 = vector.shape_cast %swap3A_460 : vector<1x16xf32> to vector<16xf32>
      %swap3A_462 = vector.shape_cast %add3A_457 : vector<16xf32> to vector<1x16xf32>
      tpu.vector_store %arg10[%swap3A_458, %swap3A_459], %swap3A_462 {strides = array<i32>} : memref<64x256xf32, #tpu.memory_space<vmem>>, vector<1x16xf32>,
      %mul3A_463 = arith.mulf %get3A_451, %get3A_455 : vector<16xf32>
      %add3A_464 = arith.addf %add3A_447, %mul3A_463 : vector<16xf32>
      %get3A_465 = arith.index_cast %scan3A_312 : i32 to index
      %get3A_466 = arith.constant 144 : index
      %get3A_467 = tpu.vector_load %arg10[%get3A_465, %get3A_466] {strides = array<i32>} : memref<64x256xf32, #tpu.memory_space<vmem>>, vector<1x16xf32>,
      %get3A_468 = vector.shape_cast %get3A_467 : vector<1x16xf32> to vector<16xf32>
      %get3A_469 = arith.index_cast %scan3A_312 : i32 to index
      %get3A_470 = arith.constant 144 : index
      %get3A_471 = tpu.vector_load %arg12[%get3A_469, %get3A_470] {strides = array<i32>} : memref<64x256xf32, #tpu.memory_space<vmem>>, vector<1x16xf32>,
      %get3A_472 = vector.shape_cast %get3A_471 : vector<1x16xf32> to vector<16xf32>
      %sub3A_473 = arith.subf %get3A_468, %get3A_472 : vector<16xf32>
      %add3A_474 = arith.addf %get3A_472, %sub3A_473 : vector<16xf32>
      %swap3A_475 = arith.index_cast %scan3A_312 : i32 to index
      %swap3A_476 = arith.constant 144 : index
      %swap3A_477 = tpu.vector_load %arg10[%swap3A_475, %swap3A_476] {strides = array<i32>} : memref<64x256xf32, #tpu.memory_space<vmem>>, vector<1x16xf32>,
      %swap3A_478 = vector.shape_cast %swap3A_477 : vector<1x16xf32> to vector<16xf32>
      %swap3A_479 = vector.shape_cast %add3A_474 : vector<16xf32> to vector<1x16xf32>
      tpu.vector_store %arg10[%swap3A_475, %swap3A_476], %swap3A_479 {strides = array<i32>} : memref<64x256xf32, #tpu.memory_space<vmem>>, vector<1x16xf32>,
      %mul3A_480 = arith.mulf %get3A_468, %get3A_472 : vector<16xf32>
      %add3A_481 = arith.addf %add3A_464, %mul3A_480 : vector<16xf32>
      %get3A_482 = arith.index_cast %scan3A_312 : i32 to index
      %get3A_483 = arith.constant 160 : index
      %get3A_484 = tpu.vector_load %arg10[%get3A_482, %get3A_483] {strides = array<i32>} : memref<64x256xf32, #tpu.memory_space<vmem>>, vector<1x16xf32>,
      %get3A_485 = vector.shape_cast %get3A_484 : vector<1x16xf32> to vector<16xf32>
      %get3A_486 = arith.index_cast %scan3A_312 : i32 to index
      %get3A_487 = arith.constant 160 : index
      %get3A_488 = tpu.vector_load %arg12[%get3A_486, %get3A_487] {strides = array<i32>} : memref<64x256xf32, #tpu.memory_space<vmem>>, vector<1x16xf32>,
      %get3A_489 = vector.shape_cast %get3A_488 : vector<1x16xf32> to vector<16xf32>
      %sub3A_490 = arith.subf %get3A_485, %get3A_489 : vector<16xf32>
      %add3A_491 = arith.addf %get3A_489, %sub3A_490 : vector<16xf32>
      %swap3A_492 = arith.index_cast %scan3A_312 : i32 to index
      %swap3A_493 = arith.constant 160 : index
      %swap3A_494 = tpu.vector_load %arg10[%swap3A_492, %swap3A_493] {strides = array<i32>} : memref<64x256xf32, #tpu.memory_space<vmem>>, vector<1x16xf32>,
      %swap3A_495 = vector.shape_cast %swap3A_494 : vector<1x16xf32> to vector<16xf32>
      %swap3A_496 = vector.shape_cast %add3A_491 : vector<16xf32> to vector<1x16xf32>
      tpu.vector_store %arg10[%swap3A_492, %swap3A_493], %swap3A_496 {strides = array<i32>} : memref<64x256xf32, #tpu.memory_space<vmem>>, vector<1x16xf32>,
      %mul3A_497 = arith.mulf %get3A_485, %get3A_489 : vector<16xf32>
      %add3A_498 = arith.addf %add3A_481, %mul3A_497 : vector<16xf32>
      %get3A_499 = arith.index_cast %scan3A_312 : i32 to index
      %get3A_500 = arith.constant 176 : index
      %get3A_501 = tpu.vector_load %arg10[%get3A_499, %get3A_500] {strides = array<i32>} : memref<64x256xf32, #tpu.memory_space<vmem>>, vector<1x16xf32>,
      %get3A_502 = vector.shape_cast %get3A_501 : vector<1x16xf32> to vector<16xf32>
      %get3A_503 = arith.index_cast %scan3A_312 : i32 to index
      %get3A_504 = arith.constant 176 : index
      %get3A_505 = tpu.vector_load %arg12[%get3A_503, %get3A_504] {strides = array<i32>} : memref<64x256xf32, #tpu.memory_space<vmem>>, vector<1x16xf32>,
      %get3A_506 = vector.shape_cast %get3A_505 : vector<1x16xf32> to vector<16xf32>
      %sub3A_507 = arith.subf %get3A_502, %get3A_506 : vector<16xf32>
      %add3A_508 = arith.addf %get3A_506, %sub3A_507 : vector<16xf32>
      %swap3A_509 = arith.index_cast %scan3A_312 : i32 to index
      %swap3A_510 = arith.constant 176 : index
      %swap3A_511 = tpu.vector_load %arg10[%swap3A_509, %swap3A_510] {strides = array<i32>} : memref<64x256xf32, #tpu.memory_space<vmem>>, vector<1x16xf32>,
      %swap3A_512 = vector.shape_cast %swap3A_511 : vector<1x16xf32> to vector<16xf32>
      %swap3A_513 = vector.shape_cast %add3A_508 : vector<16xf32> to vector<1x16xf32>
      tpu.vector_store %arg10[%swap3A_509, %swap3A_510], %swap3A_513 {strides = array<i32>} : memref<64x256xf32, #tpu.memory_space<vmem>>, vector<1x16xf32>,
      %mul3A_514 = arith.mulf %get3A_502, %get3A_506 : vector<16xf32>
      %add3A_515 = arith.addf %add3A_498, %mul3A_514 : vector<16xf32>
      %get3A_516 = arith.index_cast %scan3A_312 : i32 to index
      %get3A_517 = arith.constant 192 : index
      %get3A_518 = tpu.vector_load %arg10[%get3A_516, %get3A_517] {strides = array<i32>} : memref<64x256xf32, #tpu.memory_space<vmem>>, vector<1x16xf32>,
      %get3A_519 = vector.shape_cast %get3A_518 : vector<1x16xf32> to vector<16xf32>
      %get3A_520 = arith.index_cast %scan3A_312 : i32 to index
      %get3A_521 = arith.constant 192 : index
      %get3A_522 = tpu.vector_load %arg12[%get3A_520, %get3A_521] {strides = array<i32>} : memref<64x256xf32, #tpu.memory_space<vmem>>, vector<1x16xf32>,
      %get3A_523 = vector.shape_cast %get3A_522 : vector<1x16xf32> to vector<16xf32>
      %sub3A_524 = arith.subf %get3A_519, %get3A_523 : vector<16xf32>
      %add3A_525 = arith.addf %get3A_523, %sub3A_524 : vector<16xf32>
      %swap3A_526 = arith.index_cast %scan3A_312 : i32 to index
      %swap3A_527 = arith.constant 192 : index
      %swap3A_528 = tpu.vector_load %arg10[%swap3A_526, %swap3A_527] {strides = array<i32>} : memref<64x256xf32, #tpu.memory_space<vmem>>, vector<1x16xf32>,
      %swap3A_529 = vector.shape_cast %swap3A_528 : vector<1x16xf32> to vector<16xf32>
      %swap3A_530 = vector.shape_cast %add3A_525 : vector<16xf32> to vector<1x16xf32>
      tpu.vector_store %arg10[%swap3A_526, %swap3A_527], %swap3A_530 {strides = array<i32>} : memref<64x256xf32, #tpu.memory_space<vmem>>, vector<1x16xf32>,
      %mul3A_531 = arith.mulf %get3A_519, %get3A_523 : vector<16xf32>
      %add3A_532 = arith.addf %add3A_515, %mul3A_531 : vector<16xf32>
      %get3A_533 = arith.index_cast %scan3A_312 : i32 to index
      %get3A_534 = arith.constant 208 : index
      %get3A_535 = tpu.vector_load %arg10[%get3A_533, %get3A_534] {strides = array<i32>} : memref<64x256xf32, #tpu.memory_space<vmem>>, vector<1x16xf32>,
      %get3A_536 = vector.shape_cast %get3A_535 : vector<1x16xf32> to vector<16xf32>
      %get3A_537 = arith.index_cast %scan3A_312 : i32 to index
      %get3A_538 = arith.constant 208 : index
      %get3A_539 = tpu.vector_load %arg12[%get3A_537, %get3A_538] {strides = array<i32>} : memref<64x256xf32, #tpu.memory_space<vmem>>, vector<1x16xf32>,
      %get3A_540 = vector.shape_cast %get3A_539 : vector<1x16xf32> to vector<16xf32>
      %sub3A_541 = arith.subf %get3A_536, %get3A_540 : vector<16xf32>
      %add3A_542 = arith.addf %get3A_540, %sub3A_541 : vector<16xf32>
      %swap3A_543 = arith.index_cast %scan3A_312 : i32 to index
      %swap3A_544 = arith.constant 208 : index
      %swap3A_545 = tpu.vector_load %arg10[%swap3A_543, %swap3A_544] {strides = array<i32>} : memref<64x256xf32, #tpu.memory_space<vmem>>, vector<1x16xf32>,
      %swap3A_546 = vector.shape_cast %swap3A_545 : vector<1x16xf32> to vector<16xf32>
      %swap3A_547 = vector.shape_cast %add3A_542 : vector<16xf32> to vector<1x16xf32>
      tpu.vector_store %arg10[%swap3A_543, %swap3A_544], %swap3A_547 {strides = array<i32>} : memref<64x256xf32, #tpu.memory_space<vmem>>, vector<1x16xf32>,
      %mul3A_548 = arith.mulf %get3A_536, %get3A_540 : vector<16xf32>
      %add3A_549 = arith.addf %add3A_532, %mul3A_548 : vector<16xf32>
      %get3A_550 = arith.index_cast %scan3A_312 : i32 to index
      %get3A_551 = arith.constant 224 : index
      %get3A_552 = tpu.vector_load %arg10[%get3A_550, %get3A_551] {strides = array<i32>} : memref<64x256xf32, #tpu.memory_space<vmem>>, vector<1x16xf32>,
      %get3A_553 = vector.shape_cast %get3A_552 : vector<1x16xf32> to vector<16xf32>
      %get3A_554 = arith.index_cast %scan3A_312 : i32 to index
      %get3A_555 = arith.constant 224 : index
      %get3A_556 = tpu.vector_load %arg12[%get3A_554, %get3A_555] {strides = array<i32>} : memref<64x256xf32, #tpu.memory_space<vmem>>, vector<1x16xf32>,
      %get3A_557 = vector.shape_cast %get3A_556 : vector<1x16xf32> to vector<16xf32>
      %sub3A_558 = arith.subf %get3A_553, %get3A_557 : vector<16xf32>
      %add3A_559 = arith.addf %get3A_557, %sub3A_558 : vector<16xf32>
      %swap3A_560 = arith.index_cast %scan3A_312 : i32 to index
      %swap3A_561 = arith.constant 224 : index
      %swap3A_562 = tpu.vector_load %arg10[%swap3A_560, %swap3A_561] {strides = array<i32>} : memref<64x256xf32, #tpu.memory_space<vmem>>, vector<1x16xf32>,
      %swap3A_563 = vector.shape_cast %swap3A_562 : vector<1x16xf32> to vector<16xf32>
      %swap3A_564 = vector.shape_cast %add3A_559 : vector<16xf32> to vector<1x16xf32>
      tpu.vector_store %arg10[%swap3A_560, %swap3A_561], %swap3A_564 {strides = array<i32>} : memref<64x256xf32, #tpu.memory_space<vmem>>, vector<1x16xf32>,
      %mul3A_565 = arith.mulf %get3A_553, %get3A_557 : vector<16xf32>
      %add3A_566 = arith.addf %add3A_549, %mul3A_565 : vector<16xf32>
      %get3A_567 = arith.index_cast %scan3A_312 : i32 to index
      %get3A_568 = arith.constant 240 : index
      %get3A_569 = tpu.vector_load %arg10[%get3A_567, %get3A_568] {strides = array<i32>} : memref<64x256xf32, #tpu.memory_space<vmem>>, vector<1x16xf32>,
      %get3A_570 = vector.shape_cast %get3A_569 : vector<1x16xf32> to vector<16xf32>
      %get3A_571 = arith.index_cast %scan3A_312 : i32 to index
      %get3A_572 = arith.constant 240 : index
      %get3A_573 = tpu.vector_load %arg12[%get3A_571, %get3A_572] {strides = array<i32>} : memref<64x256xf32, #tpu.memory_space<vmem>>, vector<1x16xf32>,
      %get3A_574 = vector.shape_cast %get3A_573 : vector<1x16xf32> to vector<16xf32>
      %sub3A_575 = arith.subf %get3A_570, %get3A_574 : vector<16xf32>
      %add3A_576 = arith.addf %get3A_574, %sub3A_575 : vector<16xf32>
      %swap3A_577 = arith.index_cast %scan3A_312 : i32 to index
      %swap3A_578 = arith.constant 240 : index
      %swap3A_579 = tpu.vector_load %arg10[%swap3A_577, %swap3A_578] {strides = array<i32>} : memref<64x256xf32, #tpu.memory_space<vmem>>, vector<1x16xf32>,
      %swap3A_580 = vector.shape_cast %swap3A_579 : vector<1x16xf32> to vector<16xf32>
      %swap3A_581 = vector.shape_cast %add3A_576 : vector<16xf32> to vector<1x16xf32>
      tpu.vector_store %arg10[%swap3A_577, %swap3A_578], %swap3A_581 {strides = array<i32>} : memref<64x256xf32, #tpu.memory_space<vmem>>, vector<1x16xf32>,
      %mul3A_582 = arith.mulf %get3A_570, %get3A_574 : vector<16xf32>
      %add3A_583 = arith.addf %add3A_566, %mul3A_582 : vector<16xf32>
      scf.yield %add3A_583 : vector<16xf32>
    }
    %scan3A_111 = arith.constant 64 : i32
    %add3A_112 = arith.constant 128 : i32
    %add3A_113 = arith.addi %mul3A_2, %add3A_112 : i32
    %dma_start3A_114 = arith.constant 0 : i32
    %dma_start3A_115 = tpu.memref_slice %arg6[%add3A_113, %dma_start3A_114] : memref<16384x256xf32, #tpu.memory_space<hbm>> -> memref<64x256xf32, #tpu.memory_space<hbm>>
    %dma_start3A_116 = arith.constant 0 : i32
    %dma_start3A_117 = tpu.memref_slice %arg6[%add3A_113, %dma_start3A_116] : memref<16384x256xf32, #tpu.memory_space<hbm>> -> memref<64x256xf32, #tpu.memory_space<hbm>>
    tpu.enqueue_dma source(%arg10 : memref<64x256xf32, #tpu.memory_space<vmem>>) target(%dma_start3A_117 : memref<64x256xf32, #tpu.memory_space<hbm>>) target_semaphore(%arg20 : memref<!tpu.dma_semaphore, #tpu.memory_space<semaphore_mem>>)
    %dma_wait3A_118 = arith.constant 0 : i32
    %dma_wait3A_119 = tpu.memref_slice %arg6[%add3A_113, %dma_wait3A_118] : memref<16384x256xf32, #tpu.memory_space<hbm>> -> memref<64x256xf32, #tpu.memory_space<hbm>>
    %dma_wait3A_120 = arith.constant 0 : i32
    %dma_wait3A_121 = tpu.memref_slice %arg6[%add3A_113, %dma_wait3A_120] : memref<16384x256xf32, #tpu.memory_space<hbm>> -> memref<64x256xf32, #tpu.memory_space<hbm>>
    tpu.wait_dma2 semaphore(%arg20 : memref<!tpu.dma_semaphore, #tpu.memory_space<semaphore_mem>>) src(%arg10 : memref<64x256xf32, #tpu.memory_space<vmem>>) dst(%dma_wait3A_121 : memref<64x256xf32, #tpu.memory_space<hbm>>)
    %dma_start3A_122 = arith.constant 256 : i32
    %dma_start3A_123 = tpu.memref_slice %arg8[%dma_start3A_122] : memref<512xi32, #tpu.memory_space<vmem>> -> memref<64xi32, #tpu.memory_space<vmem>>
    %dma_start3A_124 = arith.constant 0 : i32
    %dma_start3A_125 = arith.constant 0 : i32
    %dma_start3A_126 = tpu.memref_slice %arg2[%dma_start3A_124, %dma_start3A_125] : memref<8192x256xf32, #tpu.memory_space<hbm>> -> memref<8192x256xf32, #tpu.memory_space<hbm>>
    tpu.enqueue_indirect_dma source(%dma_start3A_126 : memref<8192x256xf32, #tpu.memory_space<hbm>>) target(%arg10 : memref<64x256xf32, #tpu.memory_space<vmem>>) offsets(%dma_start3A_123 : memref<64xi32, #tpu.memory_space<vmem>>) semaphore(%arg16 : memref<!tpu.dma_semaphore, #tpu.memory_space<semaphore_mem>>)
    %add3A_127 = arith.constant 256 : i32
    %add3A_128 = arith.addi %mul3A_2, %add3A_127 : i32
    %dma_start3A_129 = arith.constant 0 : i32
    %dma_start3A_130 = tpu.memref_slice %arg4[%add3A_128, %dma_start3A_129] : memref<16384x256xf32, #tpu.memory_space<hbm>> -> memref<64x256xf32, #tpu.memory_space<hbm>>
    %dma_start3A_131 = arith.constant 0 : i32
    %dma_start3A_132 = tpu.memref_slice %arg4[%add3A_128, %dma_start3A_131] : memref<16384x256xf32, #tpu.memory_space<hbm>> -> memref<64x256xf32, #tpu.memory_space<hbm>>
    tpu.enqueue_dma source(%dma_start3A_132 : memref<64x256xf32, #tpu.memory_space<hbm>>) target(%arg12 : memref<64x256xf32, #tpu.memory_space<vmem>>) target_semaphore(%arg18 : memref<!tpu.dma_semaphore, #tpu.memory_space<semaphore_mem>>)
    %dma_wait3A_133 = arith.constant 192 : i32
    %dma_wait3A_134 = tpu.memref_slice %arg8[%dma_wait3A_133] : memref<512xi32, #tpu.memory_space<vmem>> -> memref<64xi32, #tpu.memory_space<vmem>>
    %dma_wait3A_135 = arith.constant 0 : i32
    %dma_wait3A_136 = arith.constant 0 : i32
    %dma_wait3A_137 = tpu.memref_slice %arg2[%dma_wait3A_135, %dma_wait3A_136] : memref<8192x256xf32, #tpu.memory_space<hbm>> -> memref<8192x256xf32, #tpu.memory_space<hbm>>
    tpu.wait_indirect_dma semaphore(%arg17 : memref<!tpu.dma_semaphore, #tpu.memory_space<semaphore_mem>>) src(%dma_wait3A_137 : memref<8192x256xf32, #tpu.memory_space<hbm>>) dst(%arg11 : memref<64x256xf32, #tpu.memory_space<vmem>>)
    %dma_wait3A_138 = arith.constant 0 : i32
    %dma_wait3A_139 = tpu.memref_slice %arg4[%add3A_92, %dma_wait3A_138] : memref<16384x256xf32, #tpu.memory_space<hbm>> -> memref<64x256xf32, #tpu.memory_space<hbm>>
    %dma_wait3A_140 = arith.constant 0 : i32
    %dma_wait3A_141 = tpu.memref_slice %arg4[%add3A_92, %dma_wait3A_140] : memref<16384x256xf32, #tpu.memory_space<hbm>> -> memref<64x256xf32, #tpu.memory_space<hbm>>
    tpu.wait_dma2 semaphore(%arg19 : memref<!tpu.dma_semaphore, #tpu.memory_space<semaphore_mem>>) src(%dma_wait3A_141 : memref<64x256xf32, #tpu.memory_space<hbm>>) dst(%arg13 : memref<64x256xf32, #tpu.memory_space<vmem>>)
    %scan3A_142 = arith.constant 0 : i32
    %scan3A_143 = arith.constant 64 : i32
    %scan3A_144 = arith.addi %scan3A_142, %scan3A_143 : i32
    %scan3A_145 = arith.constant 1 : i32
    %scan3A_146 = scf.for %scan3A_312 = %scan3A_142 to %scan3A_144 step %scan3A_145 iter_args(%scan3A_313 = %scan3A_110) -> (vector<16xf32>)  : i32 {
      %get3A = arith.index_cast %scan3A_312 : i32 to index
      %get3A_314 = arith.constant 0 : index
      %get3A_315 = tpu.vector_load %arg11[%get3A, %get3A_314] {strides = array<i32>} : memref<64x256xf32, #tpu.memory_space<vmem>>, vector<1x16xf32>,
      %get3A_316 = vector.shape_cast %get3A_315 : vector<1x16xf32> to vector<16xf32>
      %get3A_317 = arith.index_cast %scan3A_312 : i32 to index
      %get3A_318 = arith.constant 0 : index
      %get3A_319 = tpu.vector_load %arg13[%get3A_317, %get3A_318] {strides = array<i32>} : memref<64x256xf32, #tpu.memory_space<vmem>>, vector<1x16xf32>,
      %get3A_320 = vector.shape_cast %get3A_319 : vector<1x16xf32> to vector<16xf32>
      %sub3A = arith.subf %get3A_316, %get3A_320 : vector<16xf32>
      %add3A_321 = arith.addf %get3A_320, %sub3A : vector<16xf32>
      %swap3A_322 = arith.index_cast %scan3A_312 : i32 to index
      %swap3A_323 = arith.constant 0 : index
      %swap3A_324 = tpu.vector_load %arg11[%swap3A_322, %swap3A_323] {strides = array<i32>} : memref<64x256xf32, #tpu.memory_space<vmem>>, vector<1x16xf32>,
      %swap3A_325 = vector.shape_cast %swap3A_324 : vector<1x16xf32> to vector<16xf32>
      %swap3A_326 = vector.shape_cast %add3A_321 : vector<16xf32> to vector<1x16xf32>
      tpu.vector_store %arg11[%swap3A_322, %swap3A_323], %swap3A_326 {strides = array<i32>} : memref<64x256xf32, #tpu.memory_space<vmem>>, vector<1x16xf32>,
      %mul3A_327 = arith.mulf %get3A_316, %get3A_320 : vector<16xf32>
      %add3A_328 = arith.addf %scan3A_313, %mul3A_327 : vector<16xf32>
      %get3A_329 = arith.index_cast %scan3A_312 : i32 to index
      %get3A_330 = arith.constant 16 : index
      %get3A_331 = tpu.vector_load %arg11[%get3A_329, %get3A_330] {strides = array<i32>} : memref<64x256xf32, #tpu.memory_space<vmem>>, vector<1x16xf32>,
      %get3A_332 = vector.shape_cast %get3A_331 : vector<1x16xf32> to vector<16xf32>
      %get3A_333 = arith.index_cast %scan3A_312 : i32 to index
      %get3A_334 = arith.constant 16 : index
      %get3A_335 = tpu.vector_load %arg13[%get3A_333, %get3A_334] {strides = array<i32>} : memref<64x256xf32, #tpu.memory_space<vmem>>, vector<1x16xf32>,
      %get3A_336 = vector.shape_cast %get3A_335 : vector<1x16xf32> to vector<16xf32>
      %sub3A_337 = arith.subf %get3A_332, %get3A_336 : vector<16xf32>
      %add3A_338 = arith.addf %get3A_336, %sub3A_337 : vector<16xf32>
      %swap3A_339 = arith.index_cast %scan3A_312 : i32 to index
      %swap3A_340 = arith.constant 16 : index
      %swap3A_341 = tpu.vector_load %arg11[%swap3A_339, %swap3A_340] {strides = array<i32>} : memref<64x256xf32, #tpu.memory_space<vmem>>, vector<1x16xf32>,
      %swap3A_342 = vector.shape_cast %swap3A_341 : vector<1x16xf32> to vector<16xf32>
      %swap3A_343 = vector.shape_cast %add3A_338 : vector<16xf32> to vector<1x16xf32>
      tpu.vector_store %arg11[%swap3A_339, %swap3A_340], %swap3A_343 {strides = array<i32>} : memref<64x256xf32, #tpu.memory_space<vmem>>, vector<1x16xf32>,
      %mul3A_344 = arith.mulf %get3A_332, %get3A_336 : vector<16xf32>
      %add3A_345 = arith.addf %add3A_328, %mul3A_344 : vector<16xf32>
      %get3A_346 = arith.index_cast %scan3A_312 : i32 to index
      %get3A_347 = arith.constant 32 : index
      %get3A_348 = tpu.vector_load %arg11[%get3A_346, %get3A_347] {strides = array<i32>} : memref<64x256xf32, #tpu.memory_space<vmem>>, vector<1x16xf32>,
      %get3A_349 = vector.shape_cast %get3A_348 : vector<1x16xf32> to vector<16xf32>
      %get3A_350 = arith.index_cast %scan3A_312 : i32 to index
      %get3A_351 = arith.constant 32 : index
      %get3A_352 = tpu.vector_load %arg13[%get3A_350, %get3A_351] {strides = array<i32>} : memref<64x256xf32, #tpu.memory_space<vmem>>, vector<1x16xf32>,
      %get3A_353 = vector.shape_cast %get3A_352 : vector<1x16xf32> to vector<16xf32>
      %sub3A_354 = arith.subf %get3A_349, %get3A_353 : vector<16xf32>
      %add3A_355 = arith.addf %get3A_353, %sub3A_354 : vector<16xf32>
      %swap3A_356 = arith.index_cast %scan3A_312 : i32 to index
      %swap3A_357 = arith.constant 32 : index
      %swap3A_358 = tpu.vector_load %arg11[%swap3A_356, %swap3A_357] {strides = array<i32>} : memref<64x256xf32, #tpu.memory_space<vmem>>, vector<1x16xf32>,
      %swap3A_359 = vector.shape_cast %swap3A_358 : vector<1x16xf32> to vector<16xf32>
      %swap3A_360 = vector.shape_cast %add3A_355 : vector<16xf32> to vector<1x16xf32>
      tpu.vector_store %arg11[%swap3A_356, %swap3A_357], %swap3A_360 {strides = array<i32>} : memref<64x256xf32, #tpu.memory_space<vmem>>, vector<1x16xf32>,
      %mul3A_361 = arith.mulf %get3A_349, %get3A_353 : vector<16xf32>
      %add3A_362 = arith.addf %add3A_345, %mul3A_361 : vector<16xf32>
      %get3A_363 = arith.index_cast %scan3A_312 : i32 to index
      %get3A_364 = arith.constant 48 : index
      %get3A_365 = tpu.vector_load %arg11[%get3A_363, %get3A_364] {strides = array<i32>} : memref<64x256xf32, #tpu.memory_space<vmem>>, vector<1x16xf32>,
      %get3A_366 = vector.shape_cast %get3A_365 : vector<1x16xf32> to vector<16xf32>
      %get3A_367 = arith.index_cast %scan3A_312 : i32 to index
      %get3A_368 = arith.constant 48 : index
      %get3A_369 = tpu.vector_load %arg13[%get3A_367, %get3A_368] {strides = array<i32>} : memref<64x256xf32, #tpu.memory_space<vmem>>, vector<1x16xf32>,
      %get3A_370 = vector.shape_cast %get3A_369 : vector<1x16xf32> to vector<16xf32>
      %sub3A_371 = arith.subf %get3A_366, %get3A_370 : vector<16xf32>
      %add3A_372 = arith.addf %get3A_370, %sub3A_371 : vector<16xf32>
      %swap3A_373 = arith.index_cast %scan3A_312 : i32 to index
      %swap3A_374 = arith.constant 48 : index
      %swap3A_375 = tpu.vector_load %arg11[%swap3A_373, %swap3A_374] {strides = array<i32>} : memref<64x256xf32, #tpu.memory_space<vmem>>, vector<1x16xf32>,
      %swap3A_376 = vector.shape_cast %swap3A_375 : vector<1x16xf32> to vector<16xf32>
      %swap3A_377 = vector.shape_cast %add3A_372 : vector<16xf32> to vector<1x16xf32>
      tpu.vector_store %arg11[%swap3A_373, %swap3A_374], %swap3A_377 {strides = array<i32>} : memref<64x256xf32, #tpu.memory_space<vmem>>, vector<1x16xf32>,
      %mul3A_378 = arith.mulf %get3A_366, %get3A_370 : vector<16xf32>
      %add3A_379 = arith.addf %add3A_362, %mul3A_378 : vector<16xf32>
      %get3A_380 = arith.index_cast %scan3A_312 : i32 to index
      %get3A_381 = arith.constant 64 : index
      %get3A_382 = tpu.vector_load %arg11[%get3A_380, %get3A_381] {strides = array<i32>} : memref<64x256xf32, #tpu.memory_space<vmem>>, vector<1x16xf32>,
      %get3A_383 = vector.shape_cast %get3A_382 : vector<1x16xf32> to vector<16xf32>
      %get3A_384 = arith.index_cast %scan3A_312 : i32 to index
      %get3A_385 = arith.constant 64 : index
      %get3A_386 = tpu.vector_load %arg13[%get3A_384, %get3A_385] {strides = array<i32>} : memref<64x256xf32, #tpu.memory_space<vmem>>, vector<1x16xf32>,
      %get3A_387 = vector.shape_cast %get3A_386 : vector<1x16xf32> to vector<16xf32>
      %sub3A_388 = arith.subf %get3A_383, %get3A_387 : vector<16xf32>
      %add3A_389 = arith.addf %get3A_387, %sub3A_388 : vector<16xf32>
      %swap3A_390 = arith.index_cast %scan3A_312 : i32 to index
      %swap3A_391 = arith.constant 64 : index
      %swap3A_392 = tpu.vector_load %arg11[%swap3A_390, %swap3A_391] {strides = array<i32>} : memref<64x256xf32, #tpu.memory_space<vmem>>, vector<1x16xf32>,
      %swap3A_393 = vector.shape_cast %swap3A_392 : vector<1x16xf32> to vector<16xf32>
      %swap3A_394 = vector.shape_cast %add3A_389 : vector<16xf32> to vector<1x16xf32>
      tpu.vector_store %arg11[%swap3A_390, %swap3A_391], %swap3A_394 {strides = array<i32>} : memref<64x256xf32, #tpu.memory_space<vmem>>, vector<1x16xf32>,
      %mul3A_395 = arith.mulf %get3A_383, %get3A_387 : vector<16xf32>
      %add3A_396 = arith.addf %add3A_379, %mul3A_395 : vector<16xf32>
      %get3A_397 = arith.index_cast %scan3A_312 : i32 to index
      %get3A_398 = arith.constant 80 : index
      %get3A_399 = tpu.vector_load %arg11[%get3A_397, %get3A_398] {strides = array<i32>} : memref<64x256xf32, #tpu.memory_space<vmem>>, vector<1x16xf32>,
      %get3A_400 = vector.shape_cast %get3A_399 : vector<1x16xf32> to vector<16xf32>
      %get3A_401 = arith.index_cast %scan3A_312 : i32 to index
      %get3A_402 = arith.constant 80 : index
      %get3A_403 = tpu.vector_load %arg13[%get3A_401, %get3A_402] {strides = array<i32>} : memref<64x256xf32, #tpu.memory_space<vmem>>, vector<1x16xf32>,
      %get3A_404 = vector.shape_cast %get3A_403 : vector<1x16xf32> to vector<16xf32>
      %sub3A_405 = arith.subf %get3A_400, %get3A_404 : vector<16xf32>
      %add3A_406 = arith.addf %get3A_404, %sub3A_405 : vector<16xf32>
      %swap3A_407 = arith.index_cast %scan3A_312 : i32 to index
      %swap3A_408 = arith.constant 80 : index
      %swap3A_409 = tpu.vector_load %arg11[%swap3A_407, %swap3A_408] {strides = array<i32>} : memref<64x256xf32, #tpu.memory_space<vmem>>, vector<1x16xf32>,
      %swap3A_410 = vector.shape_cast %swap3A_409 : vector<1x16xf32> to vector<16xf32>
      %swap3A_411 = vector.shape_cast %add3A_406 : vector<16xf32> to vector<1x16xf32>
      tpu.vector_store %arg11[%swap3A_407, %swap3A_408], %swap3A_411 {strides = array<i32>} : memref<64x256xf32, #tpu.memory_space<vmem>>, vector<1x16xf32>,
      %mul3A_412 = arith.mulf %get3A_400, %get3A_404 : vector<16xf32>
      %add3A_413 = arith.addf %add3A_396, %mul3A_412 : vector<16xf32>
      %get3A_414 = arith.index_cast %scan3A_312 : i32 to index
      %get3A_415 = arith.constant 96 : index
      %get3A_416 = tpu.vector_load %arg11[%get3A_414, %get3A_415] {strides = array<i32>} : memref<64x256xf32, #tpu.memory_space<vmem>>, vector<1x16xf32>,
      %get3A_417 = vector.shape_cast %get3A_416 : vector<1x16xf32> to vector<16xf32>
      %get3A_418 = arith.index_cast %scan3A_312 : i32 to index
      %get3A_419 = arith.constant 96 : index
      %get3A_420 = tpu.vector_load %arg13[%get3A_418, %get3A_419] {strides = array<i32>} : memref<64x256xf32, #tpu.memory_space<vmem>>, vector<1x16xf32>,
      %get3A_421 = vector.shape_cast %get3A_420 : vector<1x16xf32> to vector<16xf32>
      %sub3A_422 = arith.subf %get3A_417, %get3A_421 : vector<16xf32>
      %add3A_423 = arith.addf %get3A_421, %sub3A_422 : vector<16xf32>
      %swap3A_424 = arith.index_cast %scan3A_312 : i32 to index
      %swap3A_425 = arith.constant 96 : index
      %swap3A_426 = tpu.vector_load %arg11[%swap3A_424, %swap3A_425] {strides = array<i32>} : memref<64x256xf32, #tpu.memory_space<vmem>>, vector<1x16xf32>,
      %swap3A_427 = vector.shape_cast %swap3A_426 : vector<1x16xf32> to vector<16xf32>
      %swap3A_428 = vector.shape_cast %add3A_423 : vector<16xf32> to vector<1x16xf32>
      tpu.vector_store %arg11[%swap3A_424, %swap3A_425], %swap3A_428 {strides = array<i32>} : memref<64x256xf32, #tpu.memory_space<vmem>>, vector<1x16xf32>,
      %mul3A_429 = arith.mulf %get3A_417, %get3A_421 : vector<16xf32>
      %add3A_430 = arith.addf %add3A_413, %mul3A_429 : vector<16xf32>
      %get3A_431 = arith.index_cast %scan3A_312 : i32 to index
      %get3A_432 = arith.constant 112 : index
      %get3A_433 = tpu.vector_load %arg11[%get3A_431, %get3A_432] {strides = array<i32>} : memref<64x256xf32, #tpu.memory_space<vmem>>, vector<1x16xf32>,
      %get3A_434 = vector.shape_cast %get3A_433 : vector<1x16xf32> to vector<16xf32>
      %get3A_435 = arith.index_cast %scan3A_312 : i32 to index
      %get3A_436 = arith.constant 112 : index
      %get3A_437 = tpu.vector_load %arg13[%get3A_435, %get3A_436] {strides = array<i32>} : memref<64x256xf32, #tpu.memory_space<vmem>>, vector<1x16xf32>,
      %get3A_438 = vector.shape_cast %get3A_437 : vector<1x16xf32> to vector<16xf32>
      %sub3A_439 = arith.subf %get3A_434, %get3A_438 : vector<16xf32>
      %add3A_440 = arith.addf %get3A_438, %sub3A_439 : vector<16xf32>
      %swap3A_441 = arith.index_cast %scan3A_312 : i32 to index
      %swap3A_442 = arith.constant 112 : index
      %swap3A_443 = tpu.vector_load %arg11[%swap3A_441, %swap3A_442] {strides = array<i32>} : memref<64x256xf32, #tpu.memory_space<vmem>>, vector<1x16xf32>,
      %swap3A_444 = vector.shape_cast %swap3A_443 : vector<1x16xf32> to vector<16xf32>
      %swap3A_445 = vector.shape_cast %add3A_440 : vector<16xf32> to vector<1x16xf32>
      tpu.vector_store %arg11[%swap3A_441, %swap3A_442], %swap3A_445 {strides = array<i32>} : memref<64x256xf32, #tpu.memory_space<vmem>>, vector<1x16xf32>,
      %mul3A_446 = arith.mulf %get3A_434, %get3A_438 : vector<16xf32>
      %add3A_447 = arith.addf %add3A_430, %mul3A_446 : vector<16xf32>
      %get3A_448 = arith.index_cast %scan3A_312 : i32 to index
      %get3A_449 = arith.constant 128 : index
      %get3A_450 = tpu.vector_load %arg11[%get3A_448, %get3A_449] {strides = array<i32>} : memref<64x256xf32, #tpu.memory_space<vmem>>, vector<1x16xf32>,
      %get3A_451 = vector.shape_cast %get3A_450 : vector<1x16xf32> to vector<16xf32>
      %get3A_452 = arith.index_cast %scan3A_312 : i32 to index
      %get3A_453 = arith.constant 128 : index
      %get3A_454 = tpu.vector_load %arg13[%get3A_452, %get3A_453] {strides = array<i32>} : memref<64x256xf32, #tpu.memory_space<vmem>>, vector<1x16xf32>,
      %get3A_455 = vector.shape_cast %get3A_454 : vector<1x16xf32> to vector<16xf32>
      %sub3A_456 = arith.subf %get3A_451, %get3A_455 : vector<16xf32>
      %add3A_457 = arith.addf %get3A_455, %sub3A_456 : vector<16xf32>
      %swap3A_458 = arith.index_cast %scan3A_312 : i32 to index
      %swap3A_459 = arith.constant 128 : index
      %swap3A_460 = tpu.vector_load %arg11[%swap3A_458, %swap3A_459] {strides = array<i32>} : memref<64x256xf32, #tpu.memory_space<vmem>>, vector<1x16xf32>,
      %swap3A_461 = vector.shape_cast %swap3A_460 : vector<1x16xf32> to vector<16xf32>
      %swap3A_462 = vector.shape_cast %add3A_457 : vector<16xf32> to vector<1x16xf32>
      tpu.vector_store %arg11[%swap3A_458, %swap3A_459], %swap3A_462 {strides = array<i32>} : memref<64x256xf32, #tpu.memory_space<vmem>>, vector<1x16xf32>,
      %mul3A_463 = arith.mulf %get3A_451, %get3A_455 : vector<16xf32>
      %add3A_464 = arith.addf %add3A_447, %mul3A_463 : vector<16xf32>
      %get3A_465 = arith.index_cast %scan3A_312 : i32 to index
      %get3A_466 = arith.constant 144 : index
      %get3A_467 = tpu.vector_load %arg11[%get3A_465, %get3A_466] {strides = array<i32>} : memref<64x256xf32, #tpu.memory_space<vmem>>, vector<1x16xf32>,
      %get3A_468 = vector.shape_cast %get3A_467 : vector<1x16xf32> to vector<16xf32>
      %get3A_469 = arith.index_cast %scan3A_312 : i32 to index
      %get3A_470 = arith.constant 144 : index
      %get3A_471 = tpu.vector_load %arg13[%get3A_469, %get3A_470] {strides = array<i32>} : memref<64x256xf32, #tpu.memory_space<vmem>>, vector<1x16xf32>,
      %get3A_472 = vector.shape_cast %get3A_471 : vector<1x16xf32> to vector<16xf32>
      %sub3A_473 = arith.subf %get3A_468, %get3A_472 : vector<16xf32>
      %add3A_474 = arith.addf %get3A_472, %sub3A_473 : vector<16xf32>
      %swap3A_475 = arith.index_cast %scan3A_312 : i32 to index
      %swap3A_476 = arith.constant 144 : index
      %swap3A_477 = tpu.vector_load %arg11[%swap3A_475, %swap3A_476] {strides = array<i32>} : memref<64x256xf32, #tpu.memory_space<vmem>>, vector<1x16xf32>,
      %swap3A_478 = vector.shape_cast %swap3A_477 : vector<1x16xf32> to vector<16xf32>
      %swap3A_479 = vector.shape_cast %add3A_474 : vector<16xf32> to vector<1x16xf32>
      tpu.vector_store %arg11[%swap3A_475, %swap3A_476], %swap3A_479 {strides = array<i32>} : memref<64x256xf32, #tpu.memory_space<vmem>>, vector<1x16xf32>,
      %mul3A_480 = arith.mulf %get3A_468, %get3A_472 : vector<16xf32>
      %add3A_481 = arith.addf %add3A_464, %mul3A_480 : vector<16xf32>
      %get3A_482 = arith.index_cast %scan3A_312 : i32 to index
      %get3A_483 = arith.constant 160 : index
      %get3A_484 = tpu.vector_load %arg11[%get3A_482, %get3A_483] {strides = array<i32>} : memref<64x256xf32, #tpu.memory_space<vmem>>, vector<1x16xf32>,
      %get3A_485 = vector.shape_cast %get3A_484 : vector<1x16xf32> to vector<16xf32>
      %get3A_486 = arith.index_cast %scan3A_312 : i32 to index
      %get3A_487 = arith.constant 160 : index
      %get3A_488 = tpu.vector_load %arg13[%get3A_486, %get3A_487] {strides = array<i32>} : memref<64x256xf32, #tpu.memory_space<vmem>>, vector<1x16xf32>,
      %get3A_489 = vector.shape_cast %get3A_488 : vector<1x16xf32> to vector<16xf32>
      %sub3A_490 = arith.subf %get3A_485, %get3A_489 : vector<16xf32>
      %add3A_491 = arith.addf %get3A_489, %sub3A_490 : vector<16xf32>
      %swap3A_492 = arith.index_cast %scan3A_312 : i32 to index
      %swap3A_493 = arith.constant 160 : index
      %swap3A_494 = tpu.vector_load %arg11[%swap3A_492, %swap3A_493] {strides = array<i32>} : memref<64x256xf32, #tpu.memory_space<vmem>>, vector<1x16xf32>,
      %swap3A_495 = vector.shape_cast %swap3A_494 : vector<1x16xf32> to vector<16xf32>
      %swap3A_496 = vector.shape_cast %add3A_491 : vector<16xf32> to vector<1x16xf32>
      tpu.vector_store %arg11[%swap3A_492, %swap3A_493], %swap3A_496 {strides = array<i32>} : memref<64x256xf32, #tpu.memory_space<vmem>>, vector<1x16xf32>,
      %mul3A_497 = arith.mulf %get3A_485, %get3A_489 : vector<16xf32>
      %add3A_498 = arith.addf %add3A_481, %mul3A_497 : vector<16xf32>
      %get3A_499 = arith.index_cast %scan3A_312 : i32 to index
      %get3A_500 = arith.constant 176 : index
      %get3A_501 = tpu.vector_load %arg11[%get3A_499, %get3A_500] {strides = array<i32>} : memref<64x256xf32, #tpu.memory_space<vmem>>, vector<1x16xf32>,
      %get3A_502 = vector.shape_cast %get3A_501 : vector<1x16xf32> to vector<16xf32>
      %get3A_503 = arith.index_cast %scan3A_312 : i32 to index
      %get3A_504 = arith.constant 176 : index
      %get3A_505 = tpu.vector_load %arg13[%get3A_503, %get3A_504] {strides = array<i32>} : memref<64x256xf32, #tpu.memory_space<vmem>>, vector<1x16xf32>,
      %get3A_506 = vector.shape_cast %get3A_505 : vector<1x16xf32> to vector<16xf32>
      %sub3A_507 = arith.subf %get3A_502, %get3A_506 : vector<16xf32>
      %add3A_508 = arith.addf %get3A_506, %sub3A_507 : vector<16xf32>
      %swap3A_509 = arith.index_cast %scan3A_312 : i32 to index
      %swap3A_510 = arith.constant 176 : index
      %swap3A_511 = tpu.vector_load %arg11[%swap3A_509, %swap3A_510] {strides = array<i32>} : memref<64x256xf32, #tpu.memory_space<vmem>>, vector<1x16xf32>,
      %swap3A_512 = vector.shape_cast %swap3A_511 : vector<1x16xf32> to vector<16xf32>
      %swap3A_513 = vector.shape_cast %add3A_508 : vector<16xf32> to vector<1x16xf32>
      tpu.vector_store %arg11[%swap3A_509, %swap3A_510], %swap3A_513 {strides = array<i32>} : memref<64x256xf32, #tpu.memory_space<vmem>>, vector<1x16xf32>,
      %mul3A_514 = arith.mulf %get3A_502, %get3A_506 : vector<16xf32>
      %add3A_515 = arith.addf %add3A_498, %mul3A_514 : vector<16xf32>
      %get3A_516 = arith.index_cast %scan3A_312 : i32 to index
      %get3A_517 = arith.constant 192 : index
      %get3A_518 = tpu.vector_load %arg11[%get3A_516, %get3A_517] {strides = array<i32>} : memref<64x256xf32, #tpu.memory_space<vmem>>, vector<1x16xf32>,
      %get3A_519 = vector.shape_cast %get3A_518 : vector<1x16xf32> to vector<16xf32>
      %get3A_520 = arith.index_cast %scan3A_312 : i32 to index
      %get3A_521 = arith.constant 192 : index
      %get3A_522 = tpu.vector_load %arg13[%get3A_520, %get3A_521] {strides = array<i32>} : memref<64x256xf32, #tpu.memory_space<vmem>>, vector<1x16xf32>,
      %get3A_523 = vector.shape_cast %get3A_522 : vector<1x16xf32> to vector<16xf32>
      %sub3A_524 = arith.subf %get3A_519, %get3A_523 : vector<16xf32>
      %add3A_525 = arith.addf %get3A_523, %sub3A_524 : vector<16xf32>
      %swap3A_526 = arith.index_cast %scan3A_312 : i32 to index
      %swap3A_527 = arith.constant 192 : index
      %swap3A_528 = tpu.vector_load %arg11[%swap3A_526, %swap3A_527] {strides = array<i32>} : memref<64x256xf32, #tpu.memory_space<vmem>>, vector<1x16xf32>,
      %swap3A_529 = vector.shape_cast %swap3A_528 : vector<1x16xf32> to vector<16xf32>
      %swap3A_530 = vector.shape_cast %add3A_525 : vector<16xf32> to vector<1x16xf32>
      tpu.vector_store %arg11[%swap3A_526, %swap3A_527], %swap3A_530 {strides = array<i32>} : memref<64x256xf32, #tpu.memory_space<vmem>>, vector<1x16xf32>,
      %mul3A_531 = arith.mulf %get3A_519, %get3A_523 : vector<16xf32>
      %add3A_532 = arith.addf %add3A_515, %mul3A_531 : vector<16xf32>
      %get3A_533 = arith.index_cast %scan3A_312 : i32 to index
      %get3A_534 = arith.constant 208 : index
      %get3A_535 = tpu.vector_load %arg11[%get3A_533, %get3A_534] {strides = array<i32>} : memref<64x256xf32, #tpu.memory_space<vmem>>, vector<1x16xf32>,
      %get3A_536 = vector.shape_cast %get3A_535 : vector<1x16xf32> to vector<16xf32>
      %get3A_537 = arith.index_cast %scan3A_312 : i32 to index
      %get3A_538 = arith.constant 208 : index
      %get3A_539 = tpu.vector_load %arg13[%get3A_537, %get3A_538] {strides = array<i32>} : memref<64x256xf32, #tpu.memory_space<vmem>>, vector<1x16xf32>,
      %get3A_540 = vector.shape_cast %get3A_539 : vector<1x16xf32> to vector<16xf32>
      %sub3A_541 = arith.subf %get3A_536, %get3A_540 : vector<16xf32>
      %add3A_542 = arith.addf %get3A_540, %sub3A_541 : vector<16xf32>
      %swap3A_543 = arith.index_cast %scan3A_312 : i32 to index
      %swap3A_544 = arith.constant 208 : index
      %swap3A_545 = tpu.vector_load %arg11[%swap3A_543, %swap3A_544] {strides = array<i32>} : memref<64x256xf32, #tpu.memory_space<vmem>>, vector<1x16xf32>,
      %swap3A_546 = vector.shape_cast %swap3A_545 : vector<1x16xf32> to vector<16xf32>
      %swap3A_547 = vector.shape_cast %add3A_542 : vector<16xf32> to vector<1x16xf32>
      tpu.vector_store %arg11[%swap3A_543, %swap3A_544], %swap3A_547 {strides = array<i32>} : memref<64x256xf32, #tpu.memory_space<vmem>>, vector<1x16xf32>,
      %mul3A_548 = arith.mulf %get3A_536, %get3A_540 : vector<16xf32>
      %add3A_549 = arith.addf %add3A_532, %mul3A_548 : vector<16xf32>
      %get3A_550 = arith.index_cast %scan3A_312 : i32 to index
      %get3A_551 = arith.constant 224 : index
      %get3A_552 = tpu.vector_load %arg11[%get3A_550, %get3A_551] {strides = array<i32>} : memref<64x256xf32, #tpu.memory_space<vmem>>, vector<1x16xf32>,
      %get3A_553 = vector.shape_cast %get3A_552 : vector<1x16xf32> to vector<16xf32>
      %get3A_554 = arith.index_cast %scan3A_312 : i32 to index
      %get3A_555 = arith.constant 224 : index
      %get3A_556 = tpu.vector_load %arg13[%get3A_554, %get3A_555] {strides = array<i32>} : memref<64x256xf32, #tpu.memory_space<vmem>>, vector<1x16xf32>,
      %get3A_557 = vector.shape_cast %get3A_556 : vector<1x16xf32> to vector<16xf32>
      %sub3A_558 = arith.subf %get3A_553, %get3A_557 : vector<16xf32>
      %add3A_559 = arith.addf %get3A_557, %sub3A_558 : vector<16xf32>
      %swap3A_560 = arith.index_cast %scan3A_312 : i32 to index
      %swap3A_561 = arith.constant 224 : index
      %swap3A_562 = tpu.vector_load %arg11[%swap3A_560, %swap3A_561] {strides = array<i32>} : memref<64x256xf32, #tpu.memory_space<vmem>>, vector<1x16xf32>,
      %swap3A_563 = vector.shape_cast %swap3A_562 : vector<1x16xf32> to vector<16xf32>
      %swap3A_564 = vector.shape_cast %add3A_559 : vector<16xf32> to vector<1x16xf32>
      tpu.vector_store %arg11[%swap3A_560, %swap3A_561], %swap3A_564 {strides = array<i32>} : memref<64x256xf32, #tpu.memory_space<vmem>>, vector<1x16xf32>,
      %mul3A_565 = arith.mulf %get3A_553, %get3A_557 : vector<16xf32>
      %add3A_566 = arith.addf %add3A_549, %mul3A_565 : vector<16xf32>
      %get3A_567 = arith.index_cast %scan3A_312 : i32 to index
      %get3A_568 = arith.constant 240 : index
      %get3A_569 = tpu.vector_load %arg11[%get3A_567, %get3A_568] {strides = array<i32>} : memref<64x256xf32, #tpu.memory_space<vmem>>, vector<1x16xf32>,
      %get3A_570 = vector.shape_cast %get3A_569 : vector<1x16xf32> to vector<16xf32>
      %get3A_571 = arith.index_cast %scan3A_312 : i32 to index
      %get3A_572 = arith.constant 240 : index
      %get3A_573 = tpu.vector_load %arg13[%get3A_571, %get3A_572] {strides = array<i32>} : memref<64x256xf32, #tpu.memory_space<vmem>>, vector<1x16xf32>,
      %get3A_574 = vector.shape_cast %get3A_573 : vector<1x16xf32> to vector<16xf32>
      %sub3A_575 = arith.subf %get3A_570, %get3A_574 : vector<16xf32>
      %add3A_576 = arith.addf %get3A_574, %sub3A_575 : vector<16xf32>
      %swap3A_577 = arith.index_cast %scan3A_312 : i32 to index
      %swap3A_578 = arith.constant 240 : index
      %swap3A_579 = tpu.vector_load %arg11[%swap3A_577, %swap3A_578] {strides = array<i32>} : memref<64x256xf32, #tpu.memory_space<vmem>>, vector<1x16xf32>,
      %swap3A_580 = vector.shape_cast %swap3A_579 : vector<1x16xf32> to vector<16xf32>
      %swap3A_581 = vector.shape_cast %add3A_576 : vector<16xf32> to vector<1x16xf32>
      tpu.vector_store %arg11[%swap3A_577, %swap3A_578], %swap3A_581 {strides = array<i32>} : memref<64x256xf32, #tpu.memory_space<vmem>>, vector<1x16xf32>,
      %mul3A_582 = arith.mulf %get3A_570, %get3A_574 : vector<16xf32>
      %add3A_583 = arith.addf %add3A_566, %mul3A_582 : vector<16xf32>
      scf.yield %add3A_583 : vector<16xf32>
    }
    %scan3A_147 = arith.constant 64 : i32
    %add3A_148 = arith.constant 192 : i32
    %add3A_149 = arith.addi %mul3A_2, %add3A_148 : i32
    %dma_start3A_150 = arith.constant 0 : i32
    %dma_start3A_151 = tpu.memref_slice %arg6[%add3A_149, %dma_start3A_150] : memref<16384x256xf32, #tpu.memory_space<hbm>> -> memref<64x256xf32, #tpu.memory_space<hbm>>
    %dma_start3A_152 = arith.constant 0 : i32
    %dma_start3A_153 = tpu.memref_slice %arg6[%add3A_149, %dma_start3A_152] : memref<16384x256xf32, #tpu.memory_space<hbm>> -> memref<64x256xf32, #tpu.memory_space<hbm>>
    tpu.enqueue_dma source(%arg11 : memref<64x256xf32, #tpu.memory_space<vmem>>) target(%dma_start3A_153 : memref<64x256xf32, #tpu.memory_space<hbm>>) target_semaphore(%arg21 : memref<!tpu.dma_semaphore, #tpu.memory_space<semaphore_mem>>)
    %dma_wait3A_154 = arith.constant 0 : i32
    %dma_wait3A_155 = tpu.memref_slice %arg6[%add3A_149, %dma_wait3A_154] : memref<16384x256xf32, #tpu.memory_space<hbm>> -> memref<64x256xf32, #tpu.memory_space<hbm>>
    %dma_wait3A_156 = arith.constant 0 : i32
    %dma_wait3A_157 = tpu.memref_slice %arg6[%add3A_149, %dma_wait3A_156] : memref<16384x256xf32, #tpu.memory_space<hbm>> -> memref<64x256xf32, #tpu.memory_space<hbm>>
    tpu.wait_dma2 semaphore(%arg21 : memref<!tpu.dma_semaphore, #tpu.memory_space<semaphore_mem>>) src(%arg11 : memref<64x256xf32, #tpu.memory_space<vmem>>) dst(%dma_wait3A_157 : memref<64x256xf32, #tpu.memory_space<hbm>>)
    %dma_start3A_158 = arith.constant 320 : i32
    %dma_start3A_159 = tpu.memref_slice %arg8[%dma_start3A_158] : memref<512xi32, #tpu.memory_space<vmem>> -> memref<64xi32, #tpu.memory_space<vmem>>
    %dma_start3A_160 = arith.constant 0 : i32
    %dma_start3A_161 = arith.constant 0 : i32
    %dma_start3A_162 = tpu.memref_slice %arg2[%dma_start3A_160, %dma_start3A_161] : memref<8192x256xf32, #tpu.memory_space<hbm>> -> memref<8192x256xf32, #tpu.memory_space<hbm>>
    tpu.enqueue_indirect_dma source(%dma_start3A_162 : memref<8192x256xf32, #tpu.memory_space<hbm>>) target(%arg11 : memref<64x256xf32, #tpu.memory_space<vmem>>) offsets(%dma_start3A_159 : memref<64xi32, #tpu.memory_space<vmem>>) semaphore(%arg17 : memref<!tpu.dma_semaphore, #tpu.memory_space<semaphore_mem>>)
    %add3A_163 = arith.constant 320 : i32
    %add3A_164 = arith.addi %mul3A_2, %add3A_163 : i32
    %dma_start3A_165 = arith.constant 0 : i32
    %dma_start3A_166 = tpu.memref_slice %arg4[%add3A_164, %dma_start3A_165] : memref<16384x256xf32, #tpu.memory_space<hbm>> -> memref<64x256xf32, #tpu.memory_space<hbm>>
    %dma_start3A_167 = arith.constant 0 : i32
    %dma_start3A_168 = tpu.memref_slice %arg4[%add3A_164, %dma_start3A_167] : memref<16384x256xf32, #tpu.memory_space<hbm>> -> memref<64x256xf32, #tpu.memory_space<hbm>>
    tpu.enqueue_dma source(%dma_start3A_168 : memref<64x256xf32, #tpu.memory_space<hbm>>) target(%arg13 : memref<64x256xf32, #tpu.memory_space<vmem>>) target_semaphore(%arg19 : memref<!tpu.dma_semaphore, #tpu.memory_space<semaphore_mem>>)
    %dma_wait3A_169 = arith.constant 256 : i32
    %dma_wait3A_170 = tpu.memref_slice %arg8[%dma_wait3A_169] : memref<512xi32, #tpu.memory_space<vmem>> -> memref<64xi32, #tpu.memory_space<vmem>>
    %dma_wait3A_171 = arith.constant 0 : i32
    %dma_wait3A_172 = arith.constant 0 : i32
    %dma_wait3A_173 = tpu.memref_slice %arg2[%dma_wait3A_171, %dma_wait3A_172] : memref<8192x256xf32, #tpu.memory_space<hbm>> -> memref<8192x256xf32, #tpu.memory_space<hbm>>
    tpu.wait_indirect_dma semaphore(%arg16 : memref<!tpu.dma_semaphore, #tpu.memory_space<semaphore_mem>>) src(%dma_wait3A_173 : memref<8192x256xf32, #tpu.memory_space<hbm>>) dst(%arg10 : memref<64x256xf32, #tpu.memory_space<vmem>>)
    %dma_wait3A_174 = arith.constant 0 : i32
    %dma_wait3A_175 = tpu.memref_slice %arg4[%add3A_128, %dma_wait3A_174] : memref<16384x256xf32, #tpu.memory_space<hbm>> -> memref<64x256xf32, #tpu.memory_space<hbm>>
    %dma_wait3A_176 = arith.constant 0 : i32
    %dma_wait3A_177 = tpu.memref_slice %arg4[%add3A_128, %dma_wait3A_176] : memref<16384x256xf32, #tpu.memory_space<hbm>> -> memref<64x256xf32, #tpu.memory_space<hbm>>
    tpu.wait_dma2 semaphore(%arg18 : memref<!tpu.dma_semaphore, #tpu.memory_space<semaphore_mem>>) src(%dma_wait3A_177 : memref<64x256xf32, #tpu.memory_space<hbm>>) dst(%arg12 : memref<64x256xf32, #tpu.memory_space<vmem>>)
    %scan3A_178 = arith.constant 0 : i32
    %scan3A_179 = arith.constant 64 : i32
    %scan3A_180 = arith.addi %scan3A_178, %scan3A_179 : i32
    %scan3A_181 = arith.constant 1 : i32
    %scan3A_182 = scf.for %scan3A_312 = %scan3A_178 to %scan3A_180 step %scan3A_181 iter_args(%scan3A_313 = %scan3A_146) -> (vector<16xf32>)  : i32 {
      %get3A = arith.index_cast %scan3A_312 : i32 to index
      %get3A_314 = arith.constant 0 : index
      %get3A_315 = tpu.vector_load %arg10[%get3A, %get3A_314] {strides = array<i32>} : memref<64x256xf32, #tpu.memory_space<vmem>>, vector<1x16xf32>,
      %get3A_316 = vector.shape_cast %get3A_315 : vector<1x16xf32> to vector<16xf32>
      %get3A_317 = arith.index_cast %scan3A_312 : i32 to index
      %get3A_318 = arith.constant 0 : index
      %get3A_319 = tpu.vector_load %arg12[%get3A_317, %get3A_318] {strides = array<i32>} : memref<64x256xf32, #tpu.memory_space<vmem>>, vector<1x16xf32>,
      %get3A_320 = vector.shape_cast %get3A_319 : vector<1x16xf32> to vector<16xf32>
      %sub3A = arith.subf %get3A_316, %get3A_320 : vector<16xf32>
      %add3A_321 = arith.addf %get3A_320, %sub3A : vector<16xf32>
      %swap3A_322 = arith.index_cast %scan3A_312 : i32 to index
      %swap3A_323 = arith.constant 0 : index
      %swap3A_324 = tpu.vector_load %arg10[%swap3A_322, %swap3A_323] {strides = array<i32>} : memref<64x256xf32, #tpu.memory_space<vmem>>, vector<1x16xf32>,
      %swap3A_325 = vector.shape_cast %swap3A_324 : vector<1x16xf32> to vector<16xf32>
      %swap3A_326 = vector.shape_cast %add3A_321 : vector<16xf32> to vector<1x16xf32>
      tpu.vector_store %arg10[%swap3A_322, %swap3A_323], %swap3A_326 {strides = array<i32>} : memref<64x256xf32, #tpu.memory_space<vmem>>, vector<1x16xf32>,
      %mul3A_327 = arith.mulf %get3A_316, %get3A_320 : vector<16xf32>
      %add3A_328 = arith.addf %scan3A_313, %mul3A_327 : vector<16xf32>
      %get3A_329 = arith.index_cast %scan3A_312 : i32 to index
      %get3A_330 = arith.constant 16 : index
      %get3A_331 = tpu.vector_load %arg10[%get3A_329, %get3A_330] {strides = array<i32>} : memref<64x256xf32, #tpu.memory_space<vmem>>, vector<1x16xf32>,
      %get3A_332 = vector.shape_cast %get3A_331 : vector<1x16xf32> to vector<16xf32>
      %get3A_333 = arith.index_cast %scan3A_312 : i32 to index
      %get3A_334 = arith.constant 16 : index
      %get3A_335 = tpu.vector_load %arg12[%get3A_333, %get3A_334] {strides = array<i32>} : memref<64x256xf32, #tpu.memory_space<vmem>>, vector<1x16xf32>,
      %get3A_336 = vector.shape_cast %get3A_335 : vector<1x16xf32> to vector<16xf32>
      %sub3A_337 = arith.subf %get3A_332, %get3A_336 : vector<16xf32>
      %add3A_338 = arith.addf %get3A_336, %sub3A_337 : vector<16xf32>
      %swap3A_339 = arith.index_cast %scan3A_312 : i32 to index
      %swap3A_340 = arith.constant 16 : index
      %swap3A_341 = tpu.vector_load %arg10[%swap3A_339, %swap3A_340] {strides = array<i32>} : memref<64x256xf32, #tpu.memory_space<vmem>>, vector<1x16xf32>,
      %swap3A_342 = vector.shape_cast %swap3A_341 : vector<1x16xf32> to vector<16xf32>
      %swap3A_343 = vector.shape_cast %add3A_338 : vector<16xf32> to vector<1x16xf32>
      tpu.vector_store %arg10[%swap3A_339, %swap3A_340], %swap3A_343 {strides = array<i32>} : memref<64x256xf32, #tpu.memory_space<vmem>>, vector<1x16xf32>,
      %mul3A_344 = arith.mulf %get3A_332, %get3A_336 : vector<16xf32>
      %add3A_345 = arith.addf %add3A_328, %mul3A_344 : vector<16xf32>
      %get3A_346 = arith.index_cast %scan3A_312 : i32 to index
      %get3A_347 = arith.constant 32 : index
      %get3A_348 = tpu.vector_load %arg10[%get3A_346, %get3A_347] {strides = array<i32>} : memref<64x256xf32, #tpu.memory_space<vmem>>, vector<1x16xf32>,
      %get3A_349 = vector.shape_cast %get3A_348 : vector<1x16xf32> to vector<16xf32>
      %get3A_350 = arith.index_cast %scan3A_312 : i32 to index
      %get3A_351 = arith.constant 32 : index
      %get3A_352 = tpu.vector_load %arg12[%get3A_350, %get3A_351] {strides = array<i32>} : memref<64x256xf32, #tpu.memory_space<vmem>>, vector<1x16xf32>,
      %get3A_353 = vector.shape_cast %get3A_352 : vector<1x16xf32> to vector<16xf32>
      %sub3A_354 = arith.subf %get3A_349, %get3A_353 : vector<16xf32>
      %add3A_355 = arith.addf %get3A_353, %sub3A_354 : vector<16xf32>
      %swap3A_356 = arith.index_cast %scan3A_312 : i32 to index
      %swap3A_357 = arith.constant 32 : index
      %swap3A_358 = tpu.vector_load %arg10[%swap3A_356, %swap3A_357] {strides = array<i32>} : memref<64x256xf32, #tpu.memory_space<vmem>>, vector<1x16xf32>,
      %swap3A_359 = vector.shape_cast %swap3A_358 : vector<1x16xf32> to vector<16xf32>
      %swap3A_360 = vector.shape_cast %add3A_355 : vector<16xf32> to vector<1x16xf32>
      tpu.vector_store %arg10[%swap3A_356, %swap3A_357], %swap3A_360 {strides = array<i32>} : memref<64x256xf32, #tpu.memory_space<vmem>>, vector<1x16xf32>,
      %mul3A_361 = arith.mulf %get3A_349, %get3A_353 : vector<16xf32>
      %add3A_362 = arith.addf %add3A_345, %mul3A_361 : vector<16xf32>
      %get3A_363 = arith.index_cast %scan3A_312 : i32 to index
      %get3A_364 = arith.constant 48 : index
      %get3A_365 = tpu.vector_load %arg10[%get3A_363, %get3A_364] {strides = array<i32>} : memref<64x256xf32, #tpu.memory_space<vmem>>, vector<1x16xf32>,
      %get3A_366 = vector.shape_cast %get3A_365 : vector<1x16xf32> to vector<16xf32>
      %get3A_367 = arith.index_cast %scan3A_312 : i32 to index
      %get3A_368 = arith.constant 48 : index
      %get3A_369 = tpu.vector_load %arg12[%get3A_367, %get3A_368] {strides = array<i32>} : memref<64x256xf32, #tpu.memory_space<vmem>>, vector<1x16xf32>,
      %get3A_370 = vector.shape_cast %get3A_369 : vector<1x16xf32> to vector<16xf32>
      %sub3A_371 = arith.subf %get3A_366, %get3A_370 : vector<16xf32>
      %add3A_372 = arith.addf %get3A_370, %sub3A_371 : vector<16xf32>
      %swap3A_373 = arith.index_cast %scan3A_312 : i32 to index
      %swap3A_374 = arith.constant 48 : index
      %swap3A_375 = tpu.vector_load %arg10[%swap3A_373, %swap3A_374] {strides = array<i32>} : memref<64x256xf32, #tpu.memory_space<vmem>>, vector<1x16xf32>,
      %swap3A_376 = vector.shape_cast %swap3A_375 : vector<1x16xf32> to vector<16xf32>
      %swap3A_377 = vector.shape_cast %add3A_372 : vector<16xf32> to vector<1x16xf32>
      tpu.vector_store %arg10[%swap3A_373, %swap3A_374], %swap3A_377 {strides = array<i32>} : memref<64x256xf32, #tpu.memory_space<vmem>>, vector<1x16xf32>,
      %mul3A_378 = arith.mulf %get3A_366, %get3A_370 : vector<16xf32>
      %add3A_379 = arith.addf %add3A_362, %mul3A_378 : vector<16xf32>
      %get3A_380 = arith.index_cast %scan3A_312 : i32 to index
      %get3A_381 = arith.constant 64 : index
      %get3A_382 = tpu.vector_load %arg10[%get3A_380, %get3A_381] {strides = array<i32>} : memref<64x256xf32, #tpu.memory_space<vmem>>, vector<1x16xf32>,
      %get3A_383 = vector.shape_cast %get3A_382 : vector<1x16xf32> to vector<16xf32>
      %get3A_384 = arith.index_cast %scan3A_312 : i32 to index
      %get3A_385 = arith.constant 64 : index
      %get3A_386 = tpu.vector_load %arg12[%get3A_384, %get3A_385] {strides = array<i32>} : memref<64x256xf32, #tpu.memory_space<vmem>>, vector<1x16xf32>,
      %get3A_387 = vector.shape_cast %get3A_386 : vector<1x16xf32> to vector<16xf32>
      %sub3A_388 = arith.subf %get3A_383, %get3A_387 : vector<16xf32>
      %add3A_389 = arith.addf %get3A_387, %sub3A_388 : vector<16xf32>
      %swap3A_390 = arith.index_cast %scan3A_312 : i32 to index
      %swap3A_391 = arith.constant 64 : index
      %swap3A_392 = tpu.vector_load %arg10[%swap3A_390, %swap3A_391] {strides = array<i32>} : memref<64x256xf32, #tpu.memory_space<vmem>>, vector<1x16xf32>,
      %swap3A_393 = vector.shape_cast %swap3A_392 : vector<1x16xf32> to vector<16xf32>
      %swap3A_394 = vector.shape_cast %add3A_389 : vector<16xf32> to vector<1x16xf32>
      tpu.vector_store %arg10[%swap3A_390, %swap3A_391], %swap3A_394 {strides = array<i32>} : memref<64x256xf32, #tpu.memory_space<vmem>>, vector<1x16xf32>,
      %mul3A_395 = arith.mulf %get3A_383, %get3A_387 : vector<16xf32>
      %add3A_396 = arith.addf %add3A_379, %mul3A_395 : vector<16xf32>
      %get3A_397 = arith.index_cast %scan3A_312 : i32 to index
      %get3A_398 = arith.constant 80 : index
      %get3A_399 = tpu.vector_load %arg10[%get3A_397, %get3A_398] {strides = array<i32>} : memref<64x256xf32, #tpu.memory_space<vmem>>, vector<1x16xf32>,
      %get3A_400 = vector.shape_cast %get3A_399 : vector<1x16xf32> to vector<16xf32>
      %get3A_401 = arith.index_cast %scan3A_312 : i32 to index
      %get3A_402 = arith.constant 80 : index
      %get3A_403 = tpu.vector_load %arg12[%get3A_401, %get3A_402] {strides = array<i32>} : memref<64x256xf32, #tpu.memory_space<vmem>>, vector<1x16xf32>,
      %get3A_404 = vector.shape_cast %get3A_403 : vector<1x16xf32> to vector<16xf32>
      %sub3A_405 = arith.subf %get3A_400, %get3A_404 : vector<16xf32>
      %add3A_406 = arith.addf %get3A_404, %sub3A_405 : vector<16xf32>
      %swap3A_407 = arith.index_cast %scan3A_312 : i32 to index
      %swap3A_408 = arith.constant 80 : index
      %swap3A_409 = tpu.vector_load %arg10[%swap3A_407, %swap3A_408] {strides = array<i32>} : memref<64x256xf32, #tpu.memory_space<vmem>>, vector<1x16xf32>,
      %swap3A_410 = vector.shape_cast %swap3A_409 : vector<1x16xf32> to vector<16xf32>
      %swap3A_411 = vector.shape_cast %add3A_406 : vector<16xf32> to vector<1x16xf32>
      tpu.vector_store %arg10[%swap3A_407, %swap3A_408], %swap3A_411 {strides = array<i32>} : memref<64x256xf32, #tpu.memory_space<vmem>>, vector<1x16xf32>,
      %mul3A_412 = arith.mulf %get3A_400, %get3A_404 : vector<16xf32>
      %add3A_413 = arith.addf %add3A_396, %mul3A_412 : vector<16xf32>
      %get3A_414 = arith.index_cast %scan3A_312 : i32 to index
      %get3A_415 = arith.constant 96 : index
      %get3A_416 = tpu.vector_load %arg10[%get3A_414, %get3A_415] {strides = array<i32>} : memref<64x256xf32, #tpu.memory_space<vmem>>, vector<1x16xf32>,
      %get3A_417 = vector.shape_cast %get3A_416 : vector<1x16xf32> to vector<16xf32>
      %get3A_418 = arith.index_cast %scan3A_312 : i32 to index
      %get3A_419 = arith.constant 96 : index
      %get3A_420 = tpu.vector_load %arg12[%get3A_418, %get3A_419] {strides = array<i32>} : memref<64x256xf32, #tpu.memory_space<vmem>>, vector<1x16xf32>,
      %get3A_421 = vector.shape_cast %get3A_420 : vector<1x16xf32> to vector<16xf32>
      %sub3A_422 = arith.subf %get3A_417, %get3A_421 : vector<16xf32>
      %add3A_423 = arith.addf %get3A_421, %sub3A_422 : vector<16xf32>
      %swap3A_424 = arith.index_cast %scan3A_312 : i32 to index
      %swap3A_425 = arith.constant 96 : index
      %swap3A_426 = tpu.vector_load %arg10[%swap3A_424, %swap3A_425] {strides = array<i32>} : memref<64x256xf32, #tpu.memory_space<vmem>>, vector<1x16xf32>,
      %swap3A_427 = vector.shape_cast %swap3A_426 : vector<1x16xf32> to vector<16xf32>
      %swap3A_428 = vector.shape_cast %add3A_423 : vector<16xf32> to vector<1x16xf32>
      tpu.vector_store %arg10[%swap3A_424, %swap3A_425], %swap3A_428 {strides = array<i32>} : memref<64x256xf32, #tpu.memory_space<vmem>>, vector<1x16xf32>,
      %mul3A_429 = arith.mulf %get3A_417, %get3A_421 : vector<16xf32>
      %add3A_430 = arith.addf %add3A_413, %mul3A_429 : vector<16xf32>
      %get3A_431 = arith.index_cast %scan3A_312 : i32 to index
      %get3A_432 = arith.constant 112 : index
      %get3A_433 = tpu.vector_load %arg10[%get3A_431, %get3A_432] {strides = array<i32>} : memref<64x256xf32, #tpu.memory_space<vmem>>, vector<1x16xf32>,
      %get3A_434 = vector.shape_cast %get3A_433 : vector<1x16xf32> to vector<16xf32>
      %get3A_435 = arith.index_cast %scan3A_312 : i32 to index
      %get3A_436 = arith.constant 112 : index
      %get3A_437 = tpu.vector_load %arg12[%get3A_435, %get3A_436] {strides = array<i32>} : memref<64x256xf32, #tpu.memory_space<vmem>>, vector<1x16xf32>,
      %get3A_438 = vector.shape_cast %get3A_437 : vector<1x16xf32> to vector<16xf32>
      %sub3A_439 = arith.subf %get3A_434, %get3A_438 : vector<16xf32>
      %add3A_440 = arith.addf %get3A_438, %sub3A_439 : vector<16xf32>
      %swap3A_441 = arith.index_cast %scan3A_312 : i32 to index
      %swap3A_442 = arith.constant 112 : index
      %swap3A_443 = tpu.vector_load %arg10[%swap3A_441, %swap3A_442] {strides = array<i32>} : memref<64x256xf32, #tpu.memory_space<vmem>>, vector<1x16xf32>,
      %swap3A_444 = vector.shape_cast %swap3A_443 : vector<1x16xf32> to vector<16xf32>
      %swap3A_445 = vector.shape_cast %add3A_440 : vector<16xf32> to vector<1x16xf32>
      tpu.vector_store %arg10[%swap3A_441, %swap3A_442], %swap3A_445 {strides = array<i32>} : memref<64x256xf32, #tpu.memory_space<vmem>>, vector<1x16xf32>,
      %mul3A_446 = arith.mulf %get3A_434, %get3A_438 : vector<16xf32>
      %add3A_447 = arith.addf %add3A_430, %mul3A_446 : vector<16xf32>
      %get3A_448 = arith.index_cast %scan3A_312 : i32 to index
      %get3A_449 = arith.constant 128 : index
      %get3A_450 = tpu.vector_load %arg10[%get3A_448, %get3A_449] {strides = array<i32>} : memref<64x256xf32, #tpu.memory_space<vmem>>, vector<1x16xf32>,
      %get3A_451 = vector.shape_cast %get3A_450 : vector<1x16xf32> to vector<16xf32>
      %get3A_452 = arith.index_cast %scan3A_312 : i32 to index
      %get3A_453 = arith.constant 128 : index
      %get3A_454 = tpu.vector_load %arg12[%get3A_452, %get3A_453] {strides = array<i32>} : memref<64x256xf32, #tpu.memory_space<vmem>>, vector<1x16xf32>,
      %get3A_455 = vector.shape_cast %get3A_454 : vector<1x16xf32> to vector<16xf32>
      %sub3A_456 = arith.subf %get3A_451, %get3A_455 : vector<16xf32>
      %add3A_457 = arith.addf %get3A_455, %sub3A_456 : vector<16xf32>
      %swap3A_458 = arith.index_cast %scan3A_312 : i32 to index
      %swap3A_459 = arith.constant 128 : index
      %swap3A_460 = tpu.vector_load %arg10[%swap3A_458, %swap3A_459] {strides = array<i32>} : memref<64x256xf32, #tpu.memory_space<vmem>>, vector<1x16xf32>,
      %swap3A_461 = vector.shape_cast %swap3A_460 : vector<1x16xf32> to vector<16xf32>
      %swap3A_462 = vector.shape_cast %add3A_457 : vector<16xf32> to vector<1x16xf32>
      tpu.vector_store %arg10[%swap3A_458, %swap3A_459], %swap3A_462 {strides = array<i32>} : memref<64x256xf32, #tpu.memory_space<vmem>>, vector<1x16xf32>,
      %mul3A_463 = arith.mulf %get3A_451, %get3A_455 : vector<16xf32>
      %add3A_464 = arith.addf %add3A_447, %mul3A_463 : vector<16xf32>
      %get3A_465 = arith.index_cast %scan3A_312 : i32 to index
      %get3A_466 = arith.constant 144 : index
      %get3A_467 = tpu.vector_load %arg10[%get3A_465, %get3A_466] {strides = array<i32>} : memref<64x256xf32, #tpu.memory_space<vmem>>, vector<1x16xf32>,
      %get3A_468 = vector.shape_cast %get3A_467 : vector<1x16xf32> to vector<16xf32>
      %get3A_469 = arith.index_cast %scan3A_312 : i32 to index
      %get3A_470 = arith.constant 144 : index
      %get3A_471 = tpu.vector_load %arg12[%get3A_469, %get3A_470] {strides = array<i32>} : memref<64x256xf32, #tpu.memory_space<vmem>>, vector<1x16xf32>,
      %get3A_472 = vector.shape_cast %get3A_471 : vector<1x16xf32> to vector<16xf32>
      %sub3A_473 = arith.subf %get3A_468, %get3A_472 : vector<16xf32>
      %add3A_474 = arith.addf %get3A_472, %sub3A_473 : vector<16xf32>
      %swap3A_475 = arith.index_cast %scan3A_312 : i32 to index
      %swap3A_476 = arith.constant 144 : index
      %swap3A_477 = tpu.vector_load %arg10[%swap3A_475, %swap3A_476] {strides = array<i32>} : memref<64x256xf32, #tpu.memory_space<vmem>>, vector<1x16xf32>,
      %swap3A_478 = vector.shape_cast %swap3A_477 : vector<1x16xf32> to vector<16xf32>
      %swap3A_479 = vector.shape_cast %add3A_474 : vector<16xf32> to vector<1x16xf32>
      tpu.vector_store %arg10[%swap3A_475, %swap3A_476], %swap3A_479 {strides = array<i32>} : memref<64x256xf32, #tpu.memory_space<vmem>>, vector<1x16xf32>,
      %mul3A_480 = arith.mulf %get3A_468, %get3A_472 : vector<16xf32>
      %add3A_481 = arith.addf %add3A_464, %mul3A_480 : vector<16xf32>
      %get3A_482 = arith.index_cast %scan3A_312 : i32 to index
      %get3A_483 = arith.constant 160 : index
      %get3A_484 = tpu.vector_load %arg10[%get3A_482, %get3A_483] {strides = array<i32>} : memref<64x256xf32, #tpu.memory_space<vmem>>, vector<1x16xf32>,
      %get3A_485 = vector.shape_cast %get3A_484 : vector<1x16xf32> to vector<16xf32>
      %get3A_486 = arith.index_cast %scan3A_312 : i32 to index
      %get3A_487 = arith.constant 160 : index
      %get3A_488 = tpu.vector_load %arg12[%get3A_486, %get3A_487] {strides = array<i32>} : memref<64x256xf32, #tpu.memory_space<vmem>>, vector<1x16xf32>,
      %get3A_489 = vector.shape_cast %get3A_488 : vector<1x16xf32> to vector<16xf32>
      %sub3A_490 = arith.subf %get3A_485, %get3A_489 : vector<16xf32>
      %add3A_491 = arith.addf %get3A_489, %sub3A_490 : vector<16xf32>
      %swap3A_492 = arith.index_cast %scan3A_312 : i32 to index
      %swap3A_493 = arith.constant 160 : index
      %swap3A_494 = tpu.vector_load %arg10[%swap3A_492, %swap3A_493] {strides = array<i32>} : memref<64x256xf32, #tpu.memory_space<vmem>>, vector<1x16xf32>,
      %swap3A_495 = vector.shape_cast %swap3A_494 : vector<1x16xf32> to vector<16xf32>
      %swap3A_496 = vector.shape_cast %add3A_491 : vector<16xf32> to vector<1x16xf32>
      tpu.vector_store %arg10[%swap3A_492, %swap3A_493], %swap3A_496 {strides = array<i32>} : memref<64x256xf32, #tpu.memory_space<vmem>>, vector<1x16xf32>,
      %mul3A_497 = arith.mulf %get3A_485, %get3A_489 : vector<16xf32>
      %add3A_498 = arith.addf %add3A_481, %mul3A_497 : vector<16xf32>
      %get3A_499 = arith.index_cast %scan3A_312 : i32 to index
      %get3A_500 = arith.constant 176 : index
      %get3A_501 = tpu.vector_load %arg10[%get3A_499, %get3A_500] {strides = array<i32>} : memref<64x256xf32, #tpu.memory_space<vmem>>, vector<1x16xf32>,
      %get3A_502 = vector.shape_cast %get3A_501 : vector<1x16xf32> to vector<16xf32>
      %get3A_503 = arith.index_cast %scan3A_312 : i32 to index
      %get3A_504 = arith.constant 176 : index
      %get3A_505 = tpu.vector_load %arg12[%get3A_503, %get3A_504] {strides = array<i32>} : memref<64x256xf32, #tpu.memory_space<vmem>>, vector<1x16xf32>,
      %get3A_506 = vector.shape_cast %get3A_505 : vector<1x16xf32> to vector<16xf32>
      %sub3A_507 = arith.subf %get3A_502, %get3A_506 : vector<16xf32>
      %add3A_508 = arith.addf %get3A_506, %sub3A_507 : vector<16xf32>
      %swap3A_509 = arith.index_cast %scan3A_312 : i32 to index
      %swap3A_510 = arith.constant 176 : index
      %swap3A_511 = tpu.vector_load %arg10[%swap3A_509, %swap3A_510] {strides = array<i32>} : memref<64x256xf32, #tpu.memory_space<vmem>>, vector<1x16xf32>,
      %swap3A_512 = vector.shape_cast %swap3A_511 : vector<1x16xf32> to vector<16xf32>
      %swap3A_513 = vector.shape_cast %add3A_508 : vector<16xf32> to vector<1x16xf32>
      tpu.vector_store %arg10[%swap3A_509, %swap3A_510], %swap3A_513 {strides = array<i32>} : memref<64x256xf32, #tpu.memory_space<vmem>>, vector<1x16xf32>,
      %mul3A_514 = arith.mulf %get3A_502, %get3A_506 : vector<16xf32>
      %add3A_515 = arith.addf %add3A_498, %mul3A_514 : vector<16xf32>
      %get3A_516 = arith.index_cast %scan3A_312 : i32 to index
      %get3A_517 = arith.constant 192 : index
      %get3A_518 = tpu.vector_load %arg10[%get3A_516, %get3A_517] {strides = array<i32>} : memref<64x256xf32, #tpu.memory_space<vmem>>, vector<1x16xf32>,
      %get3A_519 = vector.shape_cast %get3A_518 : vector<1x16xf32> to vector<16xf32>
      %get3A_520 = arith.index_cast %scan3A_312 : i32 to index
      %get3A_521 = arith.constant 192 : index
      %get3A_522 = tpu.vector_load %arg12[%get3A_520, %get3A_521] {strides = array<i32>} : memref<64x256xf32, #tpu.memory_space<vmem>>, vector<1x16xf32>,
      %get3A_523 = vector.shape_cast %get3A_522 : vector<1x16xf32> to vector<16xf32>
      %sub3A_524 = arith.subf %get3A_519, %get3A_523 : vector<16xf32>
      %add3A_525 = arith.addf %get3A_523, %sub3A_524 : vector<16xf32>
      %swap3A_526 = arith.index_cast %scan3A_312 : i32 to index
      %swap3A_527 = arith.constant 192 : index
      %swap3A_528 = tpu.vector_load %arg10[%swap3A_526, %swap3A_527] {strides = array<i32>} : memref<64x256xf32, #tpu.memory_space<vmem>>, vector<1x16xf32>,
      %swap3A_529 = vector.shape_cast %swap3A_528 : vector<1x16xf32> to vector<16xf32>
      %swap3A_530 = vector.shape_cast %add3A_525 : vector<16xf32> to vector<1x16xf32>
      tpu.vector_store %arg10[%swap3A_526, %swap3A_527], %swap3A_530 {strides = array<i32>} : memref<64x256xf32, #tpu.memory_space<vmem>>, vector<1x16xf32>,
      %mul3A_531 = arith.mulf %get3A_519, %get3A_523 : vector<16xf32>
      %add3A_532 = arith.addf %add3A_515, %mul3A_531 : vector<16xf32>
      %get3A_533 = arith.index_cast %scan3A_312 : i32 to index
      %get3A_534 = arith.constant 208 : index
      %get3A_535 = tpu.vector_load %arg10[%get3A_533, %get3A_534] {strides = array<i32>} : memref<64x256xf32, #tpu.memory_space<vmem>>, vector<1x16xf32>,
      %get3A_536 = vector.shape_cast %get3A_535 : vector<1x16xf32> to vector<16xf32>
      %get3A_537 = arith.index_cast %scan3A_312 : i32 to index
      %get3A_538 = arith.constant 208 : index
      %get3A_539 = tpu.vector_load %arg12[%get3A_537, %get3A_538] {strides = array<i32>} : memref<64x256xf32, #tpu.memory_space<vmem>>, vector<1x16xf32>,
      %get3A_540 = vector.shape_cast %get3A_539 : vector<1x16xf32> to vector<16xf32>
      %sub3A_541 = arith.subf %get3A_536, %get3A_540 : vector<16xf32>
      %add3A_542 = arith.addf %get3A_540, %sub3A_541 : vector<16xf32>
      %swap3A_543 = arith.index_cast %scan3A_312 : i32 to index
      %swap3A_544 = arith.constant 208 : index
      %swap3A_545 = tpu.vector_load %arg10[%swap3A_543, %swap3A_544] {strides = array<i32>} : memref<64x256xf32, #tpu.memory_space<vmem>>, vector<1x16xf32>,
      %swap3A_546 = vector.shape_cast %swap3A_545 : vector<1x16xf32> to vector<16xf32>
      %swap3A_547 = vector.shape_cast %add3A_542 : vector<16xf32> to vector<1x16xf32>
      tpu.vector_store %arg10[%swap3A_543, %swap3A_544], %swap3A_547 {strides = array<i32>} : memref<64x256xf32, #tpu.memory_space<vmem>>, vector<1x16xf32>,
      %mul3A_548 = arith.mulf %get3A_536, %get3A_540 : vector<16xf32>
      %add3A_549 = arith.addf %add3A_532, %mul3A_548 : vector<16xf32>
      %get3A_550 = arith.index_cast %scan3A_312 : i32 to index
      %get3A_551 = arith.constant 224 : index
      %get3A_552 = tpu.vector_load %arg10[%get3A_550, %get3A_551] {strides = array<i32>} : memref<64x256xf32, #tpu.memory_space<vmem>>, vector<1x16xf32>,
      %get3A_553 = vector.shape_cast %get3A_552 : vector<1x16xf32> to vector<16xf32>
      %get3A_554 = arith.index_cast %scan3A_312 : i32 to index
      %get3A_555 = arith.constant 224 : index
      %get3A_556 = tpu.vector_load %arg12[%get3A_554, %get3A_555] {strides = array<i32>} : memref<64x256xf32, #tpu.memory_space<vmem>>, vector<1x16xf32>,
      %get3A_557 = vector.shape_cast %get3A_556 : vector<1x16xf32> to vector<16xf32>
      %sub3A_558 = arith.subf %get3A_553, %get3A_557 : vector<16xf32>
      %add3A_559 = arith.addf %get3A_557, %sub3A_558 : vector<16xf32>
      %swap3A_560 = arith.index_cast %scan3A_312 : i32 to index
      %swap3A_561 = arith.constant 224 : index
      %swap3A_562 = tpu.vector_load %arg10[%swap3A_560, %swap3A_561] {strides = array<i32>} : memref<64x256xf32, #tpu.memory_space<vmem>>, vector<1x16xf32>,
      %swap3A_563 = vector.shape_cast %swap3A_562 : vector<1x16xf32> to vector<16xf32>
      %swap3A_564 = vector.shape_cast %add3A_559 : vector<16xf32> to vector<1x16xf32>
      tpu.vector_store %arg10[%swap3A_560, %swap3A_561], %swap3A_564 {strides = array<i32>} : memref<64x256xf32, #tpu.memory_space<vmem>>, vector<1x16xf32>,
      %mul3A_565 = arith.mulf %get3A_553, %get3A_557 : vector<16xf32>
      %add3A_566 = arith.addf %add3A_549, %mul3A_565 : vector<16xf32>
      %get3A_567 = arith.index_cast %scan3A_312 : i32 to index
      %get3A_568 = arith.constant 240 : index
      %get3A_569 = tpu.vector_load %arg10[%get3A_567, %get3A_568] {strides = array<i32>} : memref<64x256xf32, #tpu.memory_space<vmem>>, vector<1x16xf32>,
      %get3A_570 = vector.shape_cast %get3A_569 : vector<1x16xf32> to vector<16xf32>
      %get3A_571 = arith.index_cast %scan3A_312 : i32 to index
      %get3A_572 = arith.constant 240 : index
      %get3A_573 = tpu.vector_load %arg12[%get3A_571, %get3A_572] {strides = array<i32>} : memref<64x256xf32, #tpu.memory_space<vmem>>, vector<1x16xf32>,
      %get3A_574 = vector.shape_cast %get3A_573 : vector<1x16xf32> to vector<16xf32>
      %sub3A_575 = arith.subf %get3A_570, %get3A_574 : vector<16xf32>
      %add3A_576 = arith.addf %get3A_574, %sub3A_575 : vector<16xf32>
      %swap3A_577 = arith.index_cast %scan3A_312 : i32 to index
      %swap3A_578 = arith.constant 240 : index
      %swap3A_579 = tpu.vector_load %arg10[%swap3A_577, %swap3A_578] {strides = array<i32>} : memref<64x256xf32, #tpu.memory_space<vmem>>, vector<1x16xf32>,
      %swap3A_580 = vector.shape_cast %swap3A_579 : vector<1x16xf32> to vector<16xf32>
      %swap3A_581 = vector.shape_cast %add3A_576 : vector<16xf32> to vector<1x16xf32>
      tpu.vector_store %arg10[%swap3A_577, %swap3A_578], %swap3A_581 {strides = array<i32>} : memref<64x256xf32, #tpu.memory_space<vmem>>, vector<1x16xf32>,
      %mul3A_582 = arith.mulf %get3A_570, %get3A_574 : vector<16xf32>
      %add3A_583 = arith.addf %add3A_566, %mul3A_582 : vector<16xf32>
      scf.yield %add3A_583 : vector<16xf32>
    }
    %scan3A_183 = arith.constant 64 : i32
    %add3A_184 = arith.constant 256 : i32
    %add3A_185 = arith.addi %mul3A_2, %add3A_184 : i32
    %dma_start3A_186 = arith.constant 0 : i32
    %dma_start3A_187 = tpu.memref_slice %arg6[%add3A_185, %dma_start3A_186] : memref<16384x256xf32, #tpu.memory_space<hbm>> -> memref<64x256xf32, #tpu.memory_space<hbm>>
    %dma_start3A_188 = arith.constant 0 : i32
    %dma_start3A_189 = tpu.memref_slice %arg6[%add3A_185, %dma_start3A_188] : memref<16384x256xf32, #tpu.memory_space<hbm>> -> memref<64x256xf32, #tpu.memory_space<hbm>>
    tpu.enqueue_dma source(%arg10 : memref<64x256xf32, #tpu.memory_space<vmem>>) target(%dma_start3A_189 : memref<64x256xf32, #tpu.memory_space<hbm>>) target_semaphore(%arg20 : memref<!tpu.dma_semaphore, #tpu.memory_space<semaphore_mem>>)
    %dma_wait3A_190 = arith.constant 0 : i32
    %dma_wait3A_191 = tpu.memref_slice %arg6[%add3A_185, %dma_wait3A_190] : memref<16384x256xf32, #tpu.memory_space<hbm>> -> memref<64x256xf32, #tpu.memory_space<hbm>>
    %dma_wait3A_192 = arith.constant 0 : i32
    %dma_wait3A_193 = tpu.memref_slice %arg6[%add3A_185, %dma_wait3A_192] : memref<16384x256xf32, #tpu.memory_space<hbm>> -> memref<64x256xf32, #tpu.memory_space<hbm>>
    tpu.wait_dma2 semaphore(%arg20 : memref<!tpu.dma_semaphore, #tpu.memory_space<semaphore_mem>>) src(%arg10 : memref<64x256xf32, #tpu.memory_space<vmem>>) dst(%dma_wait3A_193 : memref<64x256xf32, #tpu.memory_space<hbm>>)
    %dma_start3A_194 = arith.constant 384 : i32
    %dma_start3A_195 = tpu.memref_slice %arg8[%dma_start3A_194] : memref<512xi32, #tpu.memory_space<vmem>> -> memref<64xi32, #tpu.memory_space<vmem>>
    %dma_start3A_196 = arith.constant 0 : i32
    %dma_start3A_197 = arith.constant 0 : i32
    %dma_start3A_198 = tpu.memref_slice %arg2[%dma_start3A_196, %dma_start3A_197] : memref<8192x256xf32, #tpu.memory_space<hbm>> -> memref<8192x256xf32, #tpu.memory_space<hbm>>
    tpu.enqueue_indirect_dma source(%dma_start3A_198 : memref<8192x256xf32, #tpu.memory_space<hbm>>) target(%arg10 : memref<64x256xf32, #tpu.memory_space<vmem>>) offsets(%dma_start3A_195 : memref<64xi32, #tpu.memory_space<vmem>>) semaphore(%arg16 : memref<!tpu.dma_semaphore, #tpu.memory_space<semaphore_mem>>)
    %add3A_199 = arith.constant 384 : i32
    %add3A_200 = arith.addi %mul3A_2, %add3A_199 : i32
    %dma_start3A_201 = arith.constant 0 : i32
    %dma_start3A_202 = tpu.memref_slice %arg4[%add3A_200, %dma_start3A_201] : memref<16384x256xf32, #tpu.memory_space<hbm>> -> memref<64x256xf32, #tpu.memory_space<hbm>>
    %dma_start3A_203 = arith.constant 0 : i32
    %dma_start3A_204 = tpu.memref_slice %arg4[%add3A_200, %dma_start3A_203] : memref<16384x256xf32, #tpu.memory_space<hbm>> -> memref<64x256xf32, #tpu.memory_space<hbm>>
    tpu.enqueue_dma source(%dma_start3A_204 : memref<64x256xf32, #tpu.memory_space<hbm>>) target(%arg12 : memref<64x256xf32, #tpu.memory_space<vmem>>) target_semaphore(%arg18 : memref<!tpu.dma_semaphore, #tpu.memory_space<semaphore_mem>>)
    %dma_wait3A_205 = arith.constant 320 : i32
    %dma_wait3A_206 = tpu.memref_slice %arg8[%dma_wait3A_205] : memref<512xi32, #tpu.memory_space<vmem>> -> memref<64xi32, #tpu.memory_space<vmem>>
    %dma_wait3A_207 = arith.constant 0 : i32
    %dma_wait3A_208 = arith.constant 0 : i32
    %dma_wait3A_209 = tpu.memref_slice %arg2[%dma_wait3A_207, %dma_wait3A_208] : memref<8192x256xf32, #tpu.memory_space<hbm>> -> memref<8192x256xf32, #tpu.memory_space<hbm>>
    tpu.wait_indirect_dma semaphore(%arg17 : memref<!tpu.dma_semaphore, #tpu.memory_space<semaphore_mem>>) src(%dma_wait3A_209 : memref<8192x256xf32, #tpu.memory_space<hbm>>) dst(%arg11 : memref<64x256xf32, #tpu.memory_space<vmem>>)
    %dma_wait3A_210 = arith.constant 0 : i32
    %dma_wait3A_211 = tpu.memref_slice %arg4[%add3A_164, %dma_wait3A_210] : memref<16384x256xf32, #tpu.memory_space<hbm>> -> memref<64x256xf32, #tpu.memory_space<hbm>>
    %dma_wait3A_212 = arith.constant 0 : i32
    %dma_wait3A_213 = tpu.memref_slice %arg4[%add3A_164, %dma_wait3A_212] : memref<16384x256xf32, #tpu.memory_space<hbm>> -> memref<64x256xf32, #tpu.memory_space<hbm>>
    tpu.wait_dma2 semaphore(%arg19 : memref<!tpu.dma_semaphore, #tpu.memory_space<semaphore_mem>>) src(%dma_wait3A_213 : memref<64x256xf32, #tpu.memory_space<hbm>>) dst(%arg13 : memref<64x256xf32, #tpu.memory_space<vmem>>)
    %scan3A_214 = arith.constant 0 : i32
    %scan3A_215 = arith.constant 64 : i32
    %scan3A_216 = arith.addi %scan3A_214, %scan3A_215 : i32
    %scan3A_217 = arith.constant 1 : i32
    %scan3A_218 = scf.for %scan3A_312 = %scan3A_214 to %scan3A_216 step %scan3A_217 iter_args(%scan3A_313 = %scan3A_182) -> (vector<16xf32>)  : i32 {
      %get3A = arith.index_cast %scan3A_312 : i32 to index
      %get3A_314 = arith.constant 0 : index
      %get3A_315 = tpu.vector_load %arg11[%get3A, %get3A_314] {strides = array<i32>} : memref<64x256xf32, #tpu.memory_space<vmem>>, vector<1x16xf32>,
      %get3A_316 = vector.shape_cast %get3A_315 : vector<1x16xf32> to vector<16xf32>
      %get3A_317 = arith.index_cast %scan3A_312 : i32 to index
      %get3A_318 = arith.constant 0 : index
      %get3A_319 = tpu.vector_load %arg13[%get3A_317, %get3A_318] {strides = array<i32>} : memref<64x256xf32, #tpu.memory_space<vmem>>, vector<1x16xf32>,
      %get3A_320 = vector.shape_cast %get3A_319 : vector<1x16xf32> to vector<16xf32>
      %sub3A = arith.subf %get3A_316, %get3A_320 : vector<16xf32>
      %add3A_321 = arith.addf %get3A_320, %sub3A : vector<16xf32>
      %swap3A_322 = arith.index_cast %scan3A_312 : i32 to index
      %swap3A_323 = arith.constant 0 : index
      %swap3A_324 = tpu.vector_load %arg11[%swap3A_322, %swap3A_323] {strides = array<i32>} : memref<64x256xf32, #tpu.memory_space<vmem>>, vector<1x16xf32>,
      %swap3A_325 = vector.shape_cast %swap3A_324 : vector<1x16xf32> to vector<16xf32>
      %swap3A_326 = vector.shape_cast %add3A_321 : vector<16xf32> to vector<1x16xf32>
      tpu.vector_store %arg11[%swap3A_322, %swap3A_323], %swap3A_326 {strides = array<i32>} : memref<64x256xf32, #tpu.memory_space<vmem>>, vector<1x16xf32>,
      %mul3A_327 = arith.mulf %get3A_316, %get3A_320 : vector<16xf32>
      %add3A_328 = arith.addf %scan3A_313, %mul3A_327 : vector<16xf32>
      %get3A_329 = arith.index_cast %scan3A_312 : i32 to index
      %get3A_330 = arith.constant 16 : index
      %get3A_331 = tpu.vector_load %arg11[%get3A_329, %get3A_330] {strides = array<i32>} : memref<64x256xf32, #tpu.memory_space<vmem>>, vector<1x16xf32>,
      %get3A_332 = vector.shape_cast %get3A_331 : vector<1x16xf32> to vector<16xf32>
      %get3A_333 = arith.index_cast %scan3A_312 : i32 to index
      %get3A_334 = arith.constant 16 : index
      %get3A_335 = tpu.vector_load %arg13[%get3A_333, %get3A_334] {strides = array<i32>} : memref<64x256xf32, #tpu.memory_space<vmem>>, vector<1x16xf32>,
      %get3A_336 = vector.shape_cast %get3A_335 : vector<1x16xf32> to vector<16xf32>
      %sub3A_337 = arith.subf %get3A_332, %get3A_336 : vector<16xf32>
      %add3A_338 = arith.addf %get3A_336, %sub3A_337 : vector<16xf32>
      %swap3A_339 = arith.index_cast %scan3A_312 : i32 to index
      %swap3A_340 = arith.constant 16 : index
      %swap3A_341 = tpu.vector_load %arg11[%swap3A_339, %swap3A_340] {strides = array<i32>} : memref<64x256xf32, #tpu.memory_space<vmem>>, vector<1x16xf32>,
      %swap3A_342 = vector.shape_cast %swap3A_341 : vector<1x16xf32> to vector<16xf32>
      %swap3A_343 = vector.shape_cast %add3A_338 : vector<16xf32> to vector<1x16xf32>
      tpu.vector_store %arg11[%swap3A_339, %swap3A_340], %swap3A_343 {strides = array<i32>} : memref<64x256xf32, #tpu.memory_space<vmem>>, vector<1x16xf32>,
      %mul3A_344 = arith.mulf %get3A_332, %get3A_336 : vector<16xf32>
      %add3A_345 = arith.addf %add3A_328, %mul3A_344 : vector<16xf32>
      %get3A_346 = arith.index_cast %scan3A_312 : i32 to index
      %get3A_347 = arith.constant 32 : index
      %get3A_348 = tpu.vector_load %arg11[%get3A_346, %get3A_347] {strides = array<i32>} : memref<64x256xf32, #tpu.memory_space<vmem>>, vector<1x16xf32>,
      %get3A_349 = vector.shape_cast %get3A_348 : vector<1x16xf32> to vector<16xf32>
      %get3A_350 = arith.index_cast %scan3A_312 : i32 to index
      %get3A_351 = arith.constant 32 : index
      %get3A_352 = tpu.vector_load %arg13[%get3A_350, %get3A_351] {strides = array<i32>} : memref<64x256xf32, #tpu.memory_space<vmem>>, vector<1x16xf32>,
      %get3A_353 = vector.shape_cast %get3A_352 : vector<1x16xf32> to vector<16xf32>
      %sub3A_354 = arith.subf %get3A_349, %get3A_353 : vector<16xf32>
      %add3A_355 = arith.addf %get3A_353, %sub3A_354 : vector<16xf32>
      %swap3A_356 = arith.index_cast %scan3A_312 : i32 to index
      %swap3A_357 = arith.constant 32 : index
      %swap3A_358 = tpu.vector_load %arg11[%swap3A_356, %swap3A_357] {strides = array<i32>} : memref<64x256xf32, #tpu.memory_space<vmem>>, vector<1x16xf32>,
      %swap3A_359 = vector.shape_cast %swap3A_358 : vector<1x16xf32> to vector<16xf32>
      %swap3A_360 = vector.shape_cast %add3A_355 : vector<16xf32> to vector<1x16xf32>
      tpu.vector_store %arg11[%swap3A_356, %swap3A_357], %swap3A_360 {strides = array<i32>} : memref<64x256xf32, #tpu.memory_space<vmem>>, vector<1x16xf32>,
      %mul3A_361 = arith.mulf %get3A_349, %get3A_353 : vector<16xf32>
      %add3A_362 = arith.addf %add3A_345, %mul3A_361 : vector<16xf32>
      %get3A_363 = arith.index_cast %scan3A_312 : i32 to index
      %get3A_364 = arith.constant 48 : index
      %get3A_365 = tpu.vector_load %arg11[%get3A_363, %get3A_364] {strides = array<i32>} : memref<64x256xf32, #tpu.memory_space<vmem>>, vector<1x16xf32>,
      %get3A_366 = vector.shape_cast %get3A_365 : vector<1x16xf32> to vector<16xf32>
      %get3A_367 = arith.index_cast %scan3A_312 : i32 to index
      %get3A_368 = arith.constant 48 : index
      %get3A_369 = tpu.vector_load %arg13[%get3A_367, %get3A_368] {strides = array<i32>} : memref<64x256xf32, #tpu.memory_space<vmem>>, vector<1x16xf32>,
      %get3A_370 = vector.shape_cast %get3A_369 : vector<1x16xf32> to vector<16xf32>
      %sub3A_371 = arith.subf %get3A_366, %get3A_370 : vector<16xf32>
      %add3A_372 = arith.addf %get3A_370, %sub3A_371 : vector<16xf32>
      %swap3A_373 = arith.index_cast %scan3A_312 : i32 to index
      %swap3A_374 = arith.constant 48 : index
      %swap3A_375 = tpu.vector_load %arg11[%swap3A_373, %swap3A_374] {strides = array<i32>} : memref<64x256xf32, #tpu.memory_space<vmem>>, vector<1x16xf32>,
      %swap3A_376 = vector.shape_cast %swap3A_375 : vector<1x16xf32> to vector<16xf32>
      %swap3A_377 = vector.shape_cast %add3A_372 : vector<16xf32> to vector<1x16xf32>
      tpu.vector_store %arg11[%swap3A_373, %swap3A_374], %swap3A_377 {strides = array<i32>} : memref<64x256xf32, #tpu.memory_space<vmem>>, vector<1x16xf32>,
      %mul3A_378 = arith.mulf %get3A_366, %get3A_370 : vector<16xf32>
      %add3A_379 = arith.addf %add3A_362, %mul3A_378 : vector<16xf32>
      %get3A_380 = arith.index_cast %scan3A_312 : i32 to index
      %get3A_381 = arith.constant 64 : index
      %get3A_382 = tpu.vector_load %arg11[%get3A_380, %get3A_381] {strides = array<i32>} : memref<64x256xf32, #tpu.memory_space<vmem>>, vector<1x16xf32>,
      %get3A_383 = vector.shape_cast %get3A_382 : vector<1x16xf32> to vector<16xf32>
      %get3A_384 = arith.index_cast %scan3A_312 : i32 to index
      %get3A_385 = arith.constant 64 : index
      %get3A_386 = tpu.vector_load %arg13[%get3A_384, %get3A_385] {strides = array<i32>} : memref<64x256xf32, #tpu.memory_space<vmem>>, vector<1x16xf32>,
      %get3A_387 = vector.shape_cast %get3A_386 : vector<1x16xf32> to vector<16xf32>
      %sub3A_388 = arith.subf %get3A_383, %get3A_387 : vector<16xf32>
      %add3A_389 = arith.addf %get3A_387, %sub3A_388 : vector<16xf32>
      %swap3A_390 = arith.index_cast %scan3A_312 : i32 to index
      %swap3A_391 = arith.constant 64 : index
      %swap3A_392 = tpu.vector_load %arg11[%swap3A_390, %swap3A_391] {strides = array<i32>} : memref<64x256xf32, #tpu.memory_space<vmem>>, vector<1x16xf32>,
      %swap3A_393 = vector.shape_cast %swap3A_392 : vector<1x16xf32> to vector<16xf32>
      %swap3A_394 = vector.shape_cast %add3A_389 : vector<16xf32> to vector<1x16xf32>
      tpu.vector_store %arg11[%swap3A_390, %swap3A_391], %swap3A_394 {strides = array<i32>} : memref<64x256xf32, #tpu.memory_space<vmem>>, vector<1x16xf32>,
      %mul3A_395 = arith.mulf %get3A_383, %get3A_387 : vector<16xf32>
      %add3A_396 = arith.addf %add3A_379, %mul3A_395 : vector<16xf32>
      %get3A_397 = arith.index_cast %scan3A_312 : i32 to index
      %get3A_398 = arith.constant 80 : index
      %get3A_399 = tpu.vector_load %arg11[%get3A_397, %get3A_398] {strides = array<i32>} : memref<64x256xf32, #tpu.memory_space<vmem>>, vector<1x16xf32>,
      %get3A_400 = vector.shape_cast %get3A_399 : vector<1x16xf32> to vector<16xf32>
      %get3A_401 = arith.index_cast %scan3A_312 : i32 to index
      %get3A_402 = arith.constant 80 : index
      %get3A_403 = tpu.vector_load %arg13[%get3A_401, %get3A_402] {strides = array<i32>} : memref<64x256xf32, #tpu.memory_space<vmem>>, vector<1x16xf32>,
      %get3A_404 = vector.shape_cast %get3A_403 : vector<1x16xf32> to vector<16xf32>
      %sub3A_405 = arith.subf %get3A_400, %get3A_404 : vector<16xf32>
      %add3A_406 = arith.addf %get3A_404, %sub3A_405 : vector<16xf32>
      %swap3A_407 = arith.index_cast %scan3A_312 : i32 to index
      %swap3A_408 = arith.constant 80 : index
      %swap3A_409 = tpu.vector_load %arg11[%swap3A_407, %swap3A_408] {strides = array<i32>} : memref<64x256xf32, #tpu.memory_space<vmem>>, vector<1x16xf32>,
      %swap3A_410 = vector.shape_cast %swap3A_409 : vector<1x16xf32> to vector<16xf32>
      %swap3A_411 = vector.shape_cast %add3A_406 : vector<16xf32> to vector<1x16xf32>
      tpu.vector_store %arg11[%swap3A_407, %swap3A_408], %swap3A_411 {strides = array<i32>} : memref<64x256xf32, #tpu.memory_space<vmem>>, vector<1x16xf32>,
      %mul3A_412 = arith.mulf %get3A_400, %get3A_404 : vector<16xf32>
      %add3A_413 = arith.addf %add3A_396, %mul3A_412 : vector<16xf32>
      %get3A_414 = arith.index_cast %scan3A_312 : i32 to index
      %get3A_415 = arith.constant 96 : index
      %get3A_416 = tpu.vector_load %arg11[%get3A_414, %get3A_415] {strides = array<i32>} : memref<64x256xf32, #tpu.memory_space<vmem>>, vector<1x16xf32>,
      %get3A_417 = vector.shape_cast %get3A_416 : vector<1x16xf32> to vector<16xf32>
      %get3A_418 = arith.index_cast %scan3A_312 : i32 to index
      %get3A_419 = arith.constant 96 : index
      %get3A_420 = tpu.vector_load %arg13[%get3A_418, %get3A_419] {strides = array<i32>} : memref<64x256xf32, #tpu.memory_space<vmem>>, vector<1x16xf32>,
      %get3A_421 = vector.shape_cast %get3A_420 : vector<1x16xf32> to vector<16xf32>
      %sub3A_422 = arith.subf %get3A_417, %get3A_421 : vector<16xf32>
      %add3A_423 = arith.addf %get3A_421, %sub3A_422 : vector<16xf32>
      %swap3A_424 = arith.index_cast %scan3A_312 : i32 to index
      %swap3A_425 = arith.constant 96 : index
      %swap3A_426 = tpu.vector_load %arg11[%swap3A_424, %swap3A_425] {strides = array<i32>} : memref<64x256xf32, #tpu.memory_space<vmem>>, vector<1x16xf32>,
      %swap3A_427 = vector.shape_cast %swap3A_426 : vector<1x16xf32> to vector<16xf32>
      %swap3A_428 = vector.shape_cast %add3A_423 : vector<16xf32> to vector<1x16xf32>
      tpu.vector_store %arg11[%swap3A_424, %swap3A_425], %swap3A_428 {strides = array<i32>} : memref<64x256xf32, #tpu.memory_space<vmem>>, vector<1x16xf32>,
      %mul3A_429 = arith.mulf %get3A_417, %get3A_421 : vector<16xf32>
      %add3A_430 = arith.addf %add3A_413, %mul3A_429 : vector<16xf32>
      %get3A_431 = arith.index_cast %scan3A_312 : i32 to index
      %get3A_432 = arith.constant 112 : index
      %get3A_433 = tpu.vector_load %arg11[%get3A_431, %get3A_432] {strides = array<i32>} : memref<64x256xf32, #tpu.memory_space<vmem>>, vector<1x16xf32>,
      %get3A_434 = vector.shape_cast %get3A_433 : vector<1x16xf32> to vector<16xf32>
      %get3A_435 = arith.index_cast %scan3A_312 : i32 to index
      %get3A_436 = arith.constant 112 : index
      %get3A_437 = tpu.vector_load %arg13[%get3A_435, %get3A_436] {strides = array<i32>} : memref<64x256xf32, #tpu.memory_space<vmem>>, vector<1x16xf32>,
      %get3A_438 = vector.shape_cast %get3A_437 : vector<1x16xf32> to vector<16xf32>
      %sub3A_439 = arith.subf %get3A_434, %get3A_438 : vector<16xf32>
      %add3A_440 = arith.addf %get3A_438, %sub3A_439 : vector<16xf32>
      %swap3A_441 = arith.index_cast %scan3A_312 : i32 to index
      %swap3A_442 = arith.constant 112 : index
      %swap3A_443 = tpu.vector_load %arg11[%swap3A_441, %swap3A_442] {strides = array<i32>} : memref<64x256xf32, #tpu.memory_space<vmem>>, vector<1x16xf32>,
      %swap3A_444 = vector.shape_cast %swap3A_443 : vector<1x16xf32> to vector<16xf32>
      %swap3A_445 = vector.shape_cast %add3A_440 : vector<16xf32> to vector<1x16xf32>
      tpu.vector_store %arg11[%swap3A_441, %swap3A_442], %swap3A_445 {strides = array<i32>} : memref<64x256xf32, #tpu.memory_space<vmem>>, vector<1x16xf32>,
      %mul3A_446 = arith.mulf %get3A_434, %get3A_438 : vector<16xf32>
      %add3A_447 = arith.addf %add3A_430, %mul3A_446 : vector<16xf32>
      %get3A_448 = arith.index_cast %scan3A_312 : i32 to index
      %get3A_449 = arith.constant 128 : index
      %get3A_450 = tpu.vector_load %arg11[%get3A_448, %get3A_449] {strides = array<i32>} : memref<64x256xf32, #tpu.memory_space<vmem>>, vector<1x16xf32>,
      %get3A_451 = vector.shape_cast %get3A_450 : vector<1x16xf32> to vector<16xf32>
      %get3A_452 = arith.index_cast %scan3A_312 : i32 to index
      %get3A_453 = arith.constant 128 : index
      %get3A_454 = tpu.vector_load %arg13[%get3A_452, %get3A_453] {strides = array<i32>} : memref<64x256xf32, #tpu.memory_space<vmem>>, vector<1x16xf32>,
      %get3A_455 = vector.shape_cast %get3A_454 : vector<1x16xf32> to vector<16xf32>
      %sub3A_456 = arith.subf %get3A_451, %get3A_455 : vector<16xf32>
      %add3A_457 = arith.addf %get3A_455, %sub3A_456 : vector<16xf32>
      %swap3A_458 = arith.index_cast %scan3A_312 : i32 to index
      %swap3A_459 = arith.constant 128 : index
      %swap3A_460 = tpu.vector_load %arg11[%swap3A_458, %swap3A_459] {strides = array<i32>} : memref<64x256xf32, #tpu.memory_space<vmem>>, vector<1x16xf32>,
      %swap3A_461 = vector.shape_cast %swap3A_460 : vector<1x16xf32> to vector<16xf32>
      %swap3A_462 = vector.shape_cast %add3A_457 : vector<16xf32> to vector<1x16xf32>
      tpu.vector_store %arg11[%swap3A_458, %swap3A_459], %swap3A_462 {strides = array<i32>} : memref<64x256xf32, #tpu.memory_space<vmem>>, vector<1x16xf32>,
      %mul3A_463 = arith.mulf %get3A_451, %get3A_455 : vector<16xf32>
      %add3A_464 = arith.addf %add3A_447, %mul3A_463 : vector<16xf32>
      %get3A_465 = arith.index_cast %scan3A_312 : i32 to index
      %get3A_466 = arith.constant 144 : index
      %get3A_467 = tpu.vector_load %arg11[%get3A_465, %get3A_466] {strides = array<i32>} : memref<64x256xf32, #tpu.memory_space<vmem>>, vector<1x16xf32>,
      %get3A_468 = vector.shape_cast %get3A_467 : vector<1x16xf32> to vector<16xf32>
      %get3A_469 = arith.index_cast %scan3A_312 : i32 to index
      %get3A_470 = arith.constant 144 : index
      %get3A_471 = tpu.vector_load %arg13[%get3A_469, %get3A_470] {strides = array<i32>} : memref<64x256xf32, #tpu.memory_space<vmem>>, vector<1x16xf32>,
      %get3A_472 = vector.shape_cast %get3A_471 : vector<1x16xf32> to vector<16xf32>
      %sub3A_473 = arith.subf %get3A_468, %get3A_472 : vector<16xf32>
      %add3A_474 = arith.addf %get3A_472, %sub3A_473 : vector<16xf32>
      %swap3A_475 = arith.index_cast %scan3A_312 : i32 to index
      %swap3A_476 = arith.constant 144 : index
      %swap3A_477 = tpu.vector_load %arg11[%swap3A_475, %swap3A_476] {strides = array<i32>} : memref<64x256xf32, #tpu.memory_space<vmem>>, vector<1x16xf32>,
      %swap3A_478 = vector.shape_cast %swap3A_477 : vector<1x16xf32> to vector<16xf32>
      %swap3A_479 = vector.shape_cast %add3A_474 : vector<16xf32> to vector<1x16xf32>
      tpu.vector_store %arg11[%swap3A_475, %swap3A_476], %swap3A_479 {strides = array<i32>} : memref<64x256xf32, #tpu.memory_space<vmem>>, vector<1x16xf32>,
      %mul3A_480 = arith.mulf %get3A_468, %get3A_472 : vector<16xf32>
      %add3A_481 = arith.addf %add3A_464, %mul3A_480 : vector<16xf32>
      %get3A_482 = arith.index_cast %scan3A_312 : i32 to index
      %get3A_483 = arith.constant 160 : index
      %get3A_484 = tpu.vector_load %arg11[%get3A_482, %get3A_483] {strides = array<i32>} : memref<64x256xf32, #tpu.memory_space<vmem>>, vector<1x16xf32>,
      %get3A_485 = vector.shape_cast %get3A_484 : vector<1x16xf32> to vector<16xf32>
      %get3A_486 = arith.index_cast %scan3A_312 : i32 to index
      %get3A_487 = arith.constant 160 : index
      %get3A_488 = tpu.vector_load %arg13[%get3A_486, %get3A_487] {strides = array<i32>} : memref<64x256xf32, #tpu.memory_space<vmem>>, vector<1x16xf32>,
      %get3A_489 = vector.shape_cast %get3A_488 : vector<1x16xf32> to vector<16xf32>
      %sub3A_490 = arith.subf %get3A_485, %get3A_489 : vector<16xf32>
      %add3A_491 = arith.addf %get3A_489, %sub3A_490 : vector<16xf32>
      %swap3A_492 = arith.index_cast %scan3A_312 : i32 to index
      %swap3A_493 = arith.constant 160 : index
      %swap3A_494 = tpu.vector_load %arg11[%swap3A_492, %swap3A_493] {strides = array<i32>} : memref<64x256xf32, #tpu.memory_space<vmem>>, vector<1x16xf32>,
      %swap3A_495 = vector.shape_cast %swap3A_494 : vector<1x16xf32> to vector<16xf32>
      %swap3A_496 = vector.shape_cast %add3A_491 : vector<16xf32> to vector<1x16xf32>
      tpu.vector_store %arg11[%swap3A_492, %swap3A_493], %swap3A_496 {strides = array<i32>} : memref<64x256xf32, #tpu.memory_space<vmem>>, vector<1x16xf32>,
      %mul3A_497 = arith.mulf %get3A_485, %get3A_489 : vector<16xf32>
      %add3A_498 = arith.addf %add3A_481, %mul3A_497 : vector<16xf32>
      %get3A_499 = arith.index_cast %scan3A_312 : i32 to index
      %get3A_500 = arith.constant 176 : index
      %get3A_501 = tpu.vector_load %arg11[%get3A_499, %get3A_500] {strides = array<i32>} : memref<64x256xf32, #tpu.memory_space<vmem>>, vector<1x16xf32>,
      %get3A_502 = vector.shape_cast %get3A_501 : vector<1x16xf32> to vector<16xf32>
      %get3A_503 = arith.index_cast %scan3A_312 : i32 to index
      %get3A_504 = arith.constant 176 : index
      %get3A_505 = tpu.vector_load %arg13[%get3A_503, %get3A_504] {strides = array<i32>} : memref<64x256xf32, #tpu.memory_space<vmem>>, vector<1x16xf32>,
      %get3A_506 = vector.shape_cast %get3A_505 : vector<1x16xf32> to vector<16xf32>
      %sub3A_507 = arith.subf %get3A_502, %get3A_506 : vector<16xf32>
      %add3A_508 = arith.addf %get3A_506, %sub3A_507 : vector<16xf32>
      %swap3A_509 = arith.index_cast %scan3A_312 : i32 to index
      %swap3A_510 = arith.constant 176 : index
      %swap3A_511 = tpu.vector_load %arg11[%swap3A_509, %swap3A_510] {strides = array<i32>} : memref<64x256xf32, #tpu.memory_space<vmem>>, vector<1x16xf32>,
      %swap3A_512 = vector.shape_cast %swap3A_511 : vector<1x16xf32> to vector<16xf32>
      %swap3A_513 = vector.shape_cast %add3A_508 : vector<16xf32> to vector<1x16xf32>
      tpu.vector_store %arg11[%swap3A_509, %swap3A_510], %swap3A_513 {strides = array<i32>} : memref<64x256xf32, #tpu.memory_space<vmem>>, vector<1x16xf32>,
      %mul3A_514 = arith.mulf %get3A_502, %get3A_506 : vector<16xf32>
      %add3A_515 = arith.addf %add3A_498, %mul3A_514 : vector<16xf32>
      %get3A_516 = arith.index_cast %scan3A_312 : i32 to index
      %get3A_517 = arith.constant 192 : index
      %get3A_518 = tpu.vector_load %arg11[%get3A_516, %get3A_517] {strides = array<i32>} : memref<64x256xf32, #tpu.memory_space<vmem>>, vector<1x16xf32>,
      %get3A_519 = vector.shape_cast %get3A_518 : vector<1x16xf32> to vector<16xf32>
      %get3A_520 = arith.index_cast %scan3A_312 : i32 to index
      %get3A_521 = arith.constant 192 : index
      %get3A_522 = tpu.vector_load %arg13[%get3A_520, %get3A_521] {strides = array<i32>} : memref<64x256xf32, #tpu.memory_space<vmem>>, vector<1x16xf32>,
      %get3A_523 = vector.shape_cast %get3A_522 : vector<1x16xf32> to vector<16xf32>
      %sub3A_524 = arith.subf %get3A_519, %get3A_523 : vector<16xf32>
      %add3A_525 = arith.addf %get3A_523, %sub3A_524 : vector<16xf32>
      %swap3A_526 = arith.index_cast %scan3A_312 : i32 to index
      %swap3A_527 = arith.constant 192 : index
      %swap3A_528 = tpu.vector_load %arg11[%swap3A_526, %swap3A_527] {strides = array<i32>} : memref<64x256xf32, #tpu.memory_space<vmem>>, vector<1x16xf32>,
      %swap3A_529 = vector.shape_cast %swap3A_528 : vector<1x16xf32> to vector<16xf32>
      %swap3A_530 = vector.shape_cast %add3A_525 : vector<16xf32> to vector<1x16xf32>
      tpu.vector_store %arg11[%swap3A_526, %swap3A_527], %swap3A_530 {strides = array<i32>} : memref<64x256xf32, #tpu.memory_space<vmem>>, vector<1x16xf32>,
      %mul3A_531 = arith.mulf %get3A_519, %get3A_523 : vector<16xf32>
      %add3A_532 = arith.addf %add3A_515, %mul3A_531 : vector<16xf32>
      %get3A_533 = arith.index_cast %scan3A_312 : i32 to index
      %get3A_534 = arith.constant 208 : index
      %get3A_535 = tpu.vector_load %arg11[%get3A_533, %get3A_534] {strides = array<i32>} : memref<64x256xf32, #tpu.memory_space<vmem>>, vector<1x16xf32>,
      %get3A_536 = vector.shape_cast %get3A_535 : vector<1x16xf32> to vector<16xf32>
      %get3A_537 = arith.index_cast %scan3A_312 : i32 to index
      %get3A_538 = arith.constant 208 : index
      %get3A_539 = tpu.vector_load %arg13[%get3A_537, %get3A_538] {strides = array<i32>} : memref<64x256xf32, #tpu.memory_space<vmem>>, vector<1x16xf32>,
      %get3A_540 = vector.shape_cast %get3A_539 : vector<1x16xf32> to vector<16xf32>
      %sub3A_541 = arith.subf %get3A_536, %get3A_540 : vector<16xf32>
      %add3A_542 = arith.addf %get3A_540, %sub3A_541 : vector<16xf32>
      %swap3A_543 = arith.index_cast %scan3A_312 : i32 to index
      %swap3A_544 = arith.constant 208 : index
      %swap3A_545 = tpu.vector_load %arg11[%swap3A_543, %swap3A_544] {strides = array<i32>} : memref<64x256xf32, #tpu.memory_space<vmem>>, vector<1x16xf32>,
      %swap3A_546 = vector.shape_cast %swap3A_545 : vector<1x16xf32> to vector<16xf32>
      %swap3A_547 = vector.shape_cast %add3A_542 : vector<16xf32> to vector<1x16xf32>
      tpu.vector_store %arg11[%swap3A_543, %swap3A_544], %swap3A_547 {strides = array<i32>} : memref<64x256xf32, #tpu.memory_space<vmem>>, vector<1x16xf32>,
      %mul3A_548 = arith.mulf %get3A_536, %get3A_540 : vector<16xf32>
      %add3A_549 = arith.addf %add3A_532, %mul3A_548 : vector<16xf32>
      %get3A_550 = arith.index_cast %scan3A_312 : i32 to index
      %get3A_551 = arith.constant 224 : index
      %get3A_552 = tpu.vector_load %arg11[%get3A_550, %get3A_551] {strides = array<i32>} : memref<64x256xf32, #tpu.memory_space<vmem>>, vector<1x16xf32>,
      %get3A_553 = vector.shape_cast %get3A_552 : vector<1x16xf32> to vector<16xf32>
      %get3A_554 = arith.index_cast %scan3A_312 : i32 to index
      %get3A_555 = arith.constant 224 : index
      %get3A_556 = tpu.vector_load %arg13[%get3A_554, %get3A_555] {strides = array<i32>} : memref<64x256xf32, #tpu.memory_space<vmem>>, vector<1x16xf32>,
      %get3A_557 = vector.shape_cast %get3A_556 : vector<1x16xf32> to vector<16xf32>
      %sub3A_558 = arith.subf %get3A_553, %get3A_557 : vector<16xf32>
      %add3A_559 = arith.addf %get3A_557, %sub3A_558 : vector<16xf32>
      %swap3A_560 = arith.index_cast %scan3A_312 : i32 to index
      %swap3A_561 = arith.constant 224 : index
      %swap3A_562 = tpu.vector_load %arg11[%swap3A_560, %swap3A_561] {strides = array<i32>} : memref<64x256xf32, #tpu.memory_space<vmem>>, vector<1x16xf32>,
      %swap3A_563 = vector.shape_cast %swap3A_562 : vector<1x16xf32> to vector<16xf32>
      %swap3A_564 = vector.shape_cast %add3A_559 : vector<16xf32> to vector<1x16xf32>
      tpu.vector_store %arg11[%swap3A_560, %swap3A_561], %swap3A_564 {strides = array<i32>} : memref<64x256xf32, #tpu.memory_space<vmem>>, vector<1x16xf32>,
      %mul3A_565 = arith.mulf %get3A_553, %get3A_557 : vector<16xf32>
      %add3A_566 = arith.addf %add3A_549, %mul3A_565 : vector<16xf32>
      %get3A_567 = arith.index_cast %scan3A_312 : i32 to index
      %get3A_568 = arith.constant 240 : index
      %get3A_569 = tpu.vector_load %arg11[%get3A_567, %get3A_568] {strides = array<i32>} : memref<64x256xf32, #tpu.memory_space<vmem>>, vector<1x16xf32>,
      %get3A_570 = vector.shape_cast %get3A_569 : vector<1x16xf32> to vector<16xf32>
      %get3A_571 = arith.index_cast %scan3A_312 : i32 to index
      %get3A_572 = arith.constant 240 : index
      %get3A_573 = tpu.vector_load %arg13[%get3A_571, %get3A_572] {strides = array<i32>} : memref<64x256xf32, #tpu.memory_space<vmem>>, vector<1x16xf32>,
      %get3A_574 = vector.shape_cast %get3A_573 : vector<1x16xf32> to vector<16xf32>
      %sub3A_575 = arith.subf %get3A_570, %get3A_574 : vector<16xf32>
      %add3A_576 = arith.addf %get3A_574, %sub3A_575 : vector<16xf32>
      %swap3A_577 = arith.index_cast %scan3A_312 : i32 to index
      %swap3A_578 = arith.constant 240 : index
      %swap3A_579 = tpu.vector_load %arg11[%swap3A_577, %swap3A_578] {strides = array<i32>} : memref<64x256xf32, #tpu.memory_space<vmem>>, vector<1x16xf32>,
      %swap3A_580 = vector.shape_cast %swap3A_579 : vector<1x16xf32> to vector<16xf32>
      %swap3A_581 = vector.shape_cast %add3A_576 : vector<16xf32> to vector<1x16xf32>
      tpu.vector_store %arg11[%swap3A_577, %swap3A_578], %swap3A_581 {strides = array<i32>} : memref<64x256xf32, #tpu.memory_space<vmem>>, vector<1x16xf32>,
      %mul3A_582 = arith.mulf %get3A_570, %get3A_574 : vector<16xf32>
      %add3A_583 = arith.addf %add3A_566, %mul3A_582 : vector<16xf32>
      scf.yield %add3A_583 : vector<16xf32>
    }
    %scan3A_219 = arith.constant 64 : i32
    %add3A_220 = arith.constant 320 : i32
    %add3A_221 = arith.addi %mul3A_2, %add3A_220 : i32
    %dma_start3A_222 = arith.constant 0 : i32
    %dma_start3A_223 = tpu.memref_slice %arg6[%add3A_221, %dma_start3A_222] : memref<16384x256xf32, #tpu.memory_space<hbm>> -> memref<64x256xf32, #tpu.memory_space<hbm>>
    %dma_start3A_224 = arith.constant 0 : i32
    %dma_start3A_225 = tpu.memref_slice %arg6[%add3A_221, %dma_start3A_224] : memref<16384x256xf32, #tpu.memory_space<hbm>> -> memref<64x256xf32, #tpu.memory_space<hbm>>
    tpu.enqueue_dma source(%arg11 : memref<64x256xf32, #tpu.memory_space<vmem>>) target(%dma_start3A_225 : memref<64x256xf32, #tpu.memory_space<hbm>>) target_semaphore(%arg21 : memref<!tpu.dma_semaphore, #tpu.memory_space<semaphore_mem>>)
    %dma_wait3A_226 = arith.constant 0 : i32
    %dma_wait3A_227 = tpu.memref_slice %arg6[%add3A_221, %dma_wait3A_226] : memref<16384x256xf32, #tpu.memory_space<hbm>> -> memref<64x256xf32, #tpu.memory_space<hbm>>
    %dma_wait3A_228 = arith.constant 0 : i32
    %dma_wait3A_229 = tpu.memref_slice %arg6[%add3A_221, %dma_wait3A_228] : memref<16384x256xf32, #tpu.memory_space<hbm>> -> memref<64x256xf32, #tpu.memory_space<hbm>>
    tpu.wait_dma2 semaphore(%arg21 : memref<!tpu.dma_semaphore, #tpu.memory_space<semaphore_mem>>) src(%arg11 : memref<64x256xf32, #tpu.memory_space<vmem>>) dst(%dma_wait3A_229 : memref<64x256xf32, #tpu.memory_space<hbm>>)
    %dma_start3A_230 = arith.constant 448 : i32
    %dma_start3A_231 = tpu.memref_slice %arg8[%dma_start3A_230] : memref<512xi32, #tpu.memory_space<vmem>> -> memref<64xi32, #tpu.memory_space<vmem>>
    %dma_start3A_232 = arith.constant 0 : i32
    %dma_start3A_233 = arith.constant 0 : i32
    %dma_start3A_234 = tpu.memref_slice %arg2[%dma_start3A_232, %dma_start3A_233] : memref<8192x256xf32, #tpu.memory_space<hbm>> -> memref<8192x256xf32, #tpu.memory_space<hbm>>
    tpu.enqueue_indirect_dma source(%dma_start3A_234 : memref<8192x256xf32, #tpu.memory_space<hbm>>) target(%arg11 : memref<64x256xf32, #tpu.memory_space<vmem>>) offsets(%dma_start3A_231 : memref<64xi32, #tpu.memory_space<vmem>>) semaphore(%arg17 : memref<!tpu.dma_semaphore, #tpu.memory_space<semaphore_mem>>)
    %add3A_235 = arith.constant 448 : i32
    %add3A_236 = arith.addi %mul3A_2, %add3A_235 : i32
    %dma_start3A_237 = arith.constant 0 : i32
    %dma_start3A_238 = tpu.memref_slice %arg4[%add3A_236, %dma_start3A_237] : memref<16384x256xf32, #tpu.memory_space<hbm>> -> memref<64x256xf32, #tpu.memory_space<hbm>>
    %dma_start3A_239 = arith.constant 0 : i32
    %dma_start3A_240 = tpu.memref_slice %arg4[%add3A_236, %dma_start3A_239] : memref<16384x256xf32, #tpu.memory_space<hbm>> -> memref<64x256xf32, #tpu.memory_space<hbm>>
    tpu.enqueue_dma source(%dma_start3A_240 : memref<64x256xf32, #tpu.memory_space<hbm>>) target(%arg13 : memref<64x256xf32, #tpu.memory_space<vmem>>) target_semaphore(%arg19 : memref<!tpu.dma_semaphore, #tpu.memory_space<semaphore_mem>>)
    %dma_wait3A_241 = arith.constant 384 : i32
    %dma_wait3A_242 = tpu.memref_slice %arg8[%dma_wait3A_241] : memref<512xi32, #tpu.memory_space<vmem>> -> memref<64xi32, #tpu.memory_space<vmem>>
    %dma_wait3A_243 = arith.constant 0 : i32
    %dma_wait3A_244 = arith.constant 0 : i32
    %dma_wait3A_245 = tpu.memref_slice %arg2[%dma_wait3A_243, %dma_wait3A_244] : memref<8192x256xf32, #tpu.memory_space<hbm>> -> memref<8192x256xf32, #tpu.memory_space<hbm>>
    tpu.wait_indirect_dma semaphore(%arg16 : memref<!tpu.dma_semaphore, #tpu.memory_space<semaphore_mem>>) src(%dma_wait3A_245 : memref<8192x256xf32, #tpu.memory_space<hbm>>) dst(%arg10 : memref<64x256xf32, #tpu.memory_space<vmem>>)
    %dma_wait3A_246 = arith.constant 0 : i32
    %dma_wait3A_247 = tpu.memref_slice %arg4[%add3A_200, %dma_wait3A_246] : memref<16384x256xf32, #tpu.memory_space<hbm>> -> memref<64x256xf32, #tpu.memory_space<hbm>>
    %dma_wait3A_248 = arith.constant 0 : i32
    %dma_wait3A_249 = tpu.memref_slice %arg4[%add3A_200, %dma_wait3A_248] : memref<16384x256xf32, #tpu.memory_space<hbm>> -> memref<64x256xf32, #tpu.memory_space<hbm>>
    tpu.wait_dma2 semaphore(%arg18 : memref<!tpu.dma_semaphore, #tpu.memory_space<semaphore_mem>>) src(%dma_wait3A_249 : memref<64x256xf32, #tpu.memory_space<hbm>>) dst(%arg12 : memref<64x256xf32, #tpu.memory_space<vmem>>)
    %scan3A_250 = arith.constant 0 : i32
    %scan3A_251 = arith.constant 64 : i32
    %scan3A_252 = arith.addi %scan3A_250, %scan3A_251 : i32
    %scan3A_253 = arith.constant 1 : i32
    %scan3A_254 = scf.for %scan3A_312 = %scan3A_250 to %scan3A_252 step %scan3A_253 iter_args(%scan3A_313 = %scan3A_218) -> (vector<16xf32>)  : i32 {
      %get3A = arith.index_cast %scan3A_312 : i32 to index
      %get3A_314 = arith.constant 0 : index
      %get3A_315 = tpu.vector_load %arg10[%get3A, %get3A_314] {strides = array<i32>} : memref<64x256xf32, #tpu.memory_space<vmem>>, vector<1x16xf32>,
      %get3A_316 = vector.shape_cast %get3A_315 : vector<1x16xf32> to vector<16xf32>
      %get3A_317 = arith.index_cast %scan3A_312 : i32 to index
      %get3A_318 = arith.constant 0 : index
      %get3A_319 = tpu.vector_load %arg12[%get3A_317, %get3A_318] {strides = array<i32>} : memref<64x256xf32, #tpu.memory_space<vmem>>, vector<1x16xf32>,
      %get3A_320 = vector.shape_cast %get3A_319 : vector<1x16xf32> to vector<16xf32>
      %sub3A = arith.subf %get3A_316, %get3A_320 : vector<16xf32>
      %add3A_321 = arith.addf %get3A_320, %sub3A : vector<16xf32>
      %swap3A_322 = arith.index_cast %scan3A_312 : i32 to index
      %swap3A_323 = arith.constant 0 : index
      %swap3A_324 = tpu.vector_load %arg10[%swap3A_322, %swap3A_323] {strides = array<i32>} : memref<64x256xf32, #tpu.memory_space<vmem>>, vector<1x16xf32>,
      %swap3A_325 = vector.shape_cast %swap3A_324 : vector<1x16xf32> to vector<16xf32>
      %swap3A_326 = vector.shape_cast %add3A_321 : vector<16xf32> to vector<1x16xf32>
      tpu.vector_store %arg10[%swap3A_322, %swap3A_323], %swap3A_326 {strides = array<i32>} : memref<64x256xf32, #tpu.memory_space<vmem>>, vector<1x16xf32>,
      %mul3A_327 = arith.mulf %get3A_316, %get3A_320 : vector<16xf32>
      %add3A_328 = arith.addf %scan3A_313, %mul3A_327 : vector<16xf32>
      %get3A_329 = arith.index_cast %scan3A_312 : i32 to index
      %get3A_330 = arith.constant 16 : index
      %get3A_331 = tpu.vector_load %arg10[%get3A_329, %get3A_330] {strides = array<i32>} : memref<64x256xf32, #tpu.memory_space<vmem>>, vector<1x16xf32>,
      %get3A_332 = vector.shape_cast %get3A_331 : vector<1x16xf32> to vector<16xf32>
      %get3A_333 = arith.index_cast %scan3A_312 : i32 to index
      %get3A_334 = arith.constant 16 : index
      %get3A_335 = tpu.vector_load %arg12[%get3A_333, %get3A_334] {strides = array<i32>} : memref<64x256xf32, #tpu.memory_space<vmem>>, vector<1x16xf32>,
      %get3A_336 = vector.shape_cast %get3A_335 : vector<1x16xf32> to vector<16xf32>
      %sub3A_337 = arith.subf %get3A_332, %get3A_336 : vector<16xf32>
      %add3A_338 = arith.addf %get3A_336, %sub3A_337 : vector<16xf32>
      %swap3A_339 = arith.index_cast %scan3A_312 : i32 to index
      %swap3A_340 = arith.constant 16 : index
      %swap3A_341 = tpu.vector_load %arg10[%swap3A_339, %swap3A_340] {strides = array<i32>} : memref<64x256xf32, #tpu.memory_space<vmem>>, vector<1x16xf32>,
      %swap3A_342 = vector.shape_cast %swap3A_341 : vector<1x16xf32> to vector<16xf32>
      %swap3A_343 = vector.shape_cast %add3A_338 : vector<16xf32> to vector<1x16xf32>
      tpu.vector_store %arg10[%swap3A_339, %swap3A_340], %swap3A_343 {strides = array<i32>} : memref<64x256xf32, #tpu.memory_space<vmem>>, vector<1x16xf32>,
      %mul3A_344 = arith.mulf %get3A_332, %get3A_336 : vector<16xf32>
      %add3A_345 = arith.addf %add3A_328, %mul3A_344 : vector<16xf32>
      %get3A_346 = arith.index_cast %scan3A_312 : i32 to index
      %get3A_347 = arith.constant 32 : index
      %get3A_348 = tpu.vector_load %arg10[%get3A_346, %get3A_347] {strides = array<i32>} : memref<64x256xf32, #tpu.memory_space<vmem>>, vector<1x16xf32>,
      %get3A_349 = vector.shape_cast %get3A_348 : vector<1x16xf32> to vector<16xf32>
      %get3A_350 = arith.index_cast %scan3A_312 : i32 to index
      %get3A_351 = arith.constant 32 : index
      %get3A_352 = tpu.vector_load %arg12[%get3A_350, %get3A_351] {strides = array<i32>} : memref<64x256xf32, #tpu.memory_space<vmem>>, vector<1x16xf32>,
      %get3A_353 = vector.shape_cast %get3A_352 : vector<1x16xf32> to vector<16xf32>
      %sub3A_354 = arith.subf %get3A_349, %get3A_353 : vector<16xf32>
      %add3A_355 = arith.addf %get3A_353, %sub3A_354 : vector<16xf32>
      %swap3A_356 = arith.index_cast %scan3A_312 : i32 to index
      %swap3A_357 = arith.constant 32 : index
      %swap3A_358 = tpu.vector_load %arg10[%swap3A_356, %swap3A_357] {strides = array<i32>} : memref<64x256xf32, #tpu.memory_space<vmem>>, vector<1x16xf32>,
      %swap3A_359 = vector.shape_cast %swap3A_358 : vector<1x16xf32> to vector<16xf32>
      %swap3A_360 = vector.shape_cast %add3A_355 : vector<16xf32> to vector<1x16xf32>
      tpu.vector_store %arg10[%swap3A_356, %swap3A_357], %swap3A_360 {strides = array<i32>} : memref<64x256xf32, #tpu.memory_space<vmem>>, vector<1x16xf32>,
      %mul3A_361 = arith.mulf %get3A_349, %get3A_353 : vector<16xf32>
      %add3A_362 = arith.addf %add3A_345, %mul3A_361 : vector<16xf32>
      %get3A_363 = arith.index_cast %scan3A_312 : i32 to index
      %get3A_364 = arith.constant 48 : index
      %get3A_365 = tpu.vector_load %arg10[%get3A_363, %get3A_364] {strides = array<i32>} : memref<64x256xf32, #tpu.memory_space<vmem>>, vector<1x16xf32>,
      %get3A_366 = vector.shape_cast %get3A_365 : vector<1x16xf32> to vector<16xf32>
      %get3A_367 = arith.index_cast %scan3A_312 : i32 to index
      %get3A_368 = arith.constant 48 : index
      %get3A_369 = tpu.vector_load %arg12[%get3A_367, %get3A_368] {strides = array<i32>} : memref<64x256xf32, #tpu.memory_space<vmem>>, vector<1x16xf32>,
      %get3A_370 = vector.shape_cast %get3A_369 : vector<1x16xf32> to vector<16xf32>
      %sub3A_371 = arith.subf %get3A_366, %get3A_370 : vector<16xf32>
      %add3A_372 = arith.addf %get3A_370, %sub3A_371 : vector<16xf32>
      %swap3A_373 = arith.index_cast %scan3A_312 : i32 to index
      %swap3A_374 = arith.constant 48 : index
      %swap3A_375 = tpu.vector_load %arg10[%swap3A_373, %swap3A_374] {strides = array<i32>} : memref<64x256xf32, #tpu.memory_space<vmem>>, vector<1x16xf32>,
      %swap3A_376 = vector.shape_cast %swap3A_375 : vector<1x16xf32> to vector<16xf32>
      %swap3A_377 = vector.shape_cast %add3A_372 : vector<16xf32> to vector<1x16xf32>
      tpu.vector_store %arg10[%swap3A_373, %swap3A_374], %swap3A_377 {strides = array<i32>} : memref<64x256xf32, #tpu.memory_space<vmem>>, vector<1x16xf32>,
      %mul3A_378 = arith.mulf %get3A_366, %get3A_370 : vector<16xf32>
      %add3A_379 = arith.addf %add3A_362, %mul3A_378 : vector<16xf32>
      %get3A_380 = arith.index_cast %scan3A_312 : i32 to index
      %get3A_381 = arith.constant 64 : index
      %get3A_382 = tpu.vector_load %arg10[%get3A_380, %get3A_381] {strides = array<i32>} : memref<64x256xf32, #tpu.memory_space<vmem>>, vector<1x16xf32>,
      %get3A_383 = vector.shape_cast %get3A_382 : vector<1x16xf32> to vector<16xf32>
      %get3A_384 = arith.index_cast %scan3A_312 : i32 to index
      %get3A_385 = arith.constant 64 : index
      %get3A_386 = tpu.vector_load %arg12[%get3A_384, %get3A_385] {strides = array<i32>} : memref<64x256xf32, #tpu.memory_space<vmem>>, vector<1x16xf32>,
      %get3A_387 = vector.shape_cast %get3A_386 : vector<1x16xf32> to vector<16xf32>
      %sub3A_388 = arith.subf %get3A_383, %get3A_387 : vector<16xf32>
      %add3A_389 = arith.addf %get3A_387, %sub3A_388 : vector<16xf32>
      %swap3A_390 = arith.index_cast %scan3A_312 : i32 to index
      %swap3A_391 = arith.constant 64 : index
      %swap3A_392 = tpu.vector_load %arg10[%swap3A_390, %swap3A_391] {strides = array<i32>} : memref<64x256xf32, #tpu.memory_space<vmem>>, vector<1x16xf32>,
      %swap3A_393 = vector.shape_cast %swap3A_392 : vector<1x16xf32> to vector<16xf32>
      %swap3A_394 = vector.shape_cast %add3A_389 : vector<16xf32> to vector<1x16xf32>
      tpu.vector_store %arg10[%swap3A_390, %swap3A_391], %swap3A_394 {strides = array<i32>} : memref<64x256xf32, #tpu.memory_space<vmem>>, vector<1x16xf32>,
      %mul3A_395 = arith.mulf %get3A_383, %get3A_387 : vector<16xf32>
      %add3A_396 = arith.addf %add3A_379, %mul3A_395 : vector<16xf32>
      %get3A_397 = arith.index_cast %scan3A_312 : i32 to index
      %get3A_398 = arith.constant 80 : index
      %get3A_399 = tpu.vector_load %arg10[%get3A_397, %get3A_398] {strides = array<i32>} : memref<64x256xf32, #tpu.memory_space<vmem>>, vector<1x16xf32>,
      %get3A_400 = vector.shape_cast %get3A_399 : vector<1x16xf32> to vector<16xf32>
      %get3A_401 = arith.index_cast %scan3A_312 : i32 to index
      %get3A_402 = arith.constant 80 : index
      %get3A_403 = tpu.vector_load %arg12[%get3A_401, %get3A_402] {strides = array<i32>} : memref<64x256xf32, #tpu.memory_space<vmem>>, vector<1x16xf32>,
      %get3A_404 = vector.shape_cast %get3A_403 : vector<1x16xf32> to vector<16xf32>
      %sub3A_405 = arith.subf %get3A_400, %get3A_404 : vector<16xf32>
      %add3A_406 = arith.addf %get3A_404, %sub3A_405 : vector<16xf32>
      %swap3A_407 = arith.index_cast %scan3A_312 : i32 to index
      %swap3A_408 = arith.constant 80 : index
      %swap3A_409 = tpu.vector_load %arg10[%swap3A_407, %swap3A_408] {strides = array<i32>} : memref<64x256xf32, #tpu.memory_space<vmem>>, vector<1x16xf32>,
      %swap3A_410 = vector.shape_cast %swap3A_409 : vector<1x16xf32> to vector<16xf32>
      %swap3A_411 = vector.shape_cast %add3A_406 : vector<16xf32> to vector<1x16xf32>
      tpu.vector_store %arg10[%swap3A_407, %swap3A_408], %swap3A_411 {strides = array<i32>} : memref<64x256xf32, #tpu.memory_space<vmem>>, vector<1x16xf32>,
      %mul3A_412 = arith.mulf %get3A_400, %get3A_404 : vector<16xf32>
      %add3A_413 = arith.addf %add3A_396, %mul3A_412 : vector<16xf32>
      %get3A_414 = arith.index_cast %scan3A_312 : i32 to index
      %get3A_415 = arith.constant 96 : index
      %get3A_416 = tpu.vector_load %arg10[%get3A_414, %get3A_415] {strides = array<i32>} : memref<64x256xf32, #tpu.memory_space<vmem>>, vector<1x16xf32>,
      %get3A_417 = vector.shape_cast %get3A_416 : vector<1x16xf32> to vector<16xf32>
      %get3A_418 = arith.index_cast %scan3A_312 : i32 to index
      %get3A_419 = arith.constant 96 : index
      %get3A_420 = tpu.vector_load %arg12[%get3A_418, %get3A_419] {strides = array<i32>} : memref<64x256xf32, #tpu.memory_space<vmem>>, vector<1x16xf32>,
      %get3A_421 = vector.shape_cast %get3A_420 : vector<1x16xf32> to vector<16xf32>
      %sub3A_422 = arith.subf %get3A_417, %get3A_421 : vector<16xf32>
      %add3A_423 = arith.addf %get3A_421, %sub3A_422 : vector<16xf32>
      %swap3A_424 = arith.index_cast %scan3A_312 : i32 to index
      %swap3A_425 = arith.constant 96 : index
      %swap3A_426 = tpu.vector_load %arg10[%swap3A_424, %swap3A_425] {strides = array<i32>} : memref<64x256xf32, #tpu.memory_space<vmem>>, vector<1x16xf32>,
      %swap3A_427 = vector.shape_cast %swap3A_426 : vector<1x16xf32> to vector<16xf32>
      %swap3A_428 = vector.shape_cast %add3A_423 : vector<16xf32> to vector<1x16xf32>
      tpu.vector_store %arg10[%swap3A_424, %swap3A_425], %swap3A_428 {strides = array<i32>} : memref<64x256xf32, #tpu.memory_space<vmem>>, vector<1x16xf32>,
      %mul3A_429 = arith.mulf %get3A_417, %get3A_421 : vector<16xf32>
      %add3A_430 = arith.addf %add3A_413, %mul3A_429 : vector<16xf32>
      %get3A_431 = arith.index_cast %scan3A_312 : i32 to index
      %get3A_432 = arith.constant 112 : index
      %get3A_433 = tpu.vector_load %arg10[%get3A_431, %get3A_432] {strides = array<i32>} : memref<64x256xf32, #tpu.memory_space<vmem>>, vector<1x16xf32>,
      %get3A_434 = vector.shape_cast %get3A_433 : vector<1x16xf32> to vector<16xf32>
      %get3A_435 = arith.index_cast %scan3A_312 : i32 to index
      %get3A_436 = arith.constant 112 : index
      %get3A_437 = tpu.vector_load %arg12[%get3A_435, %get3A_436] {strides = array<i32>} : memref<64x256xf32, #tpu.memory_space<vmem>>, vector<1x16xf32>,
      %get3A_438 = vector.shape_cast %get3A_437 : vector<1x16xf32> to vector<16xf32>
      %sub3A_439 = arith.subf %get3A_434, %get3A_438 : vector<16xf32>
      %add3A_440 = arith.addf %get3A_438, %sub3A_439 : vector<16xf32>
      %swap3A_441 = arith.index_cast %scan3A_312 : i32 to index
      %swap3A_442 = arith.constant 112 : index
      %swap3A_443 = tpu.vector_load %arg10[%swap3A_441, %swap3A_442] {strides = array<i32>} : memref<64x256xf32, #tpu.memory_space<vmem>>, vector<1x16xf32>,
      %swap3A_444 = vector.shape_cast %swap3A_443 : vector<1x16xf32> to vector<16xf32>
      %swap3A_445 = vector.shape_cast %add3A_440 : vector<16xf32> to vector<1x16xf32>
      tpu.vector_store %arg10[%swap3A_441, %swap3A_442], %swap3A_445 {strides = array<i32>} : memref<64x256xf32, #tpu.memory_space<vmem>>, vector<1x16xf32>,
      %mul3A_446 = arith.mulf %get3A_434, %get3A_438 : vector<16xf32>
      %add3A_447 = arith.addf %add3A_430, %mul3A_446 : vector<16xf32>
      %get3A_448 = arith.index_cast %scan3A_312 : i32 to index
      %get3A_449 = arith.constant 128 : index
      %get3A_450 = tpu.vector_load %arg10[%get3A_448, %get3A_449] {strides = array<i32>} : memref<64x256xf32, #tpu.memory_space<vmem>>, vector<1x16xf32>,
      %get3A_451 = vector.shape_cast %get3A_450 : vector<1x16xf32> to vector<16xf32>
      %get3A_452 = arith.index_cast %scan3A_312 : i32 to index
      %get3A_453 = arith.constant 128 : index
      %get3A_454 = tpu.vector_load %arg12[%get3A_452, %get3A_453] {strides = array<i32>} : memref<64x256xf32, #tpu.memory_space<vmem>>, vector<1x16xf32>,
      %get3A_455 = vector.shape_cast %get3A_454 : vector<1x16xf32> to vector<16xf32>
      %sub3A_456 = arith.subf %get3A_451, %get3A_455 : vector<16xf32>
      %add3A_457 = arith.addf %get3A_455, %sub3A_456 : vector<16xf32>
      %swap3A_458 = arith.index_cast %scan3A_312 : i32 to index
      %swap3A_459 = arith.constant 128 : index
      %swap3A_460 = tpu.vector_load %arg10[%swap3A_458, %swap3A_459] {strides = array<i32>} : memref<64x256xf32, #tpu.memory_space<vmem>>, vector<1x16xf32>,
      %swap3A_461 = vector.shape_cast %swap3A_460 : vector<1x16xf32> to vector<16xf32>
      %swap3A_462 = vector.shape_cast %add3A_457 : vector<16xf32> to vector<1x16xf32>
      tpu.vector_store %arg10[%swap3A_458, %swap3A_459], %swap3A_462 {strides = array<i32>} : memref<64x256xf32, #tpu.memory_space<vmem>>, vector<1x16xf32>,
      %mul3A_463 = arith.mulf %get3A_451, %get3A_455 : vector<16xf32>
      %add3A_464 = arith.addf %add3A_447, %mul3A_463 : vector<16xf32>
      %get3A_465 = arith.index_cast %scan3A_312 : i32 to index
      %get3A_466 = arith.constant 144 : index
      %get3A_467 = tpu.vector_load %arg10[%get3A_465, %get3A_466] {strides = array<i32>} : memref<64x256xf32, #tpu.memory_space<vmem>>, vector<1x16xf32>,
      %get3A_468 = vector.shape_cast %get3A_467 : vector<1x16xf32> to vector<16xf32>
      %get3A_469 = arith.index_cast %scan3A_312 : i32 to index
      %get3A_470 = arith.constant 144 : index
      %get3A_471 = tpu.vector_load %arg12[%get3A_469, %get3A_470] {strides = array<i32>} : memref<64x256xf32, #tpu.memory_space<vmem>>, vector<1x16xf32>,
      %get3A_472 = vector.shape_cast %get3A_471 : vector<1x16xf32> to vector<16xf32>
      %sub3A_473 = arith.subf %get3A_468, %get3A_472 : vector<16xf32>
      %add3A_474 = arith.addf %get3A_472, %sub3A_473 : vector<16xf32>
      %swap3A_475 = arith.index_cast %scan3A_312 : i32 to index
      %swap3A_476 = arith.constant 144 : index
      %swap3A_477 = tpu.vector_load %arg10[%swap3A_475, %swap3A_476] {strides = array<i32>} : memref<64x256xf32, #tpu.memory_space<vmem>>, vector<1x16xf32>,
      %swap3A_478 = vector.shape_cast %swap3A_477 : vector<1x16xf32> to vector<16xf32>
      %swap3A_479 = vector.shape_cast %add3A_474 : vector<16xf32> to vector<1x16xf32>
      tpu.vector_store %arg10[%swap3A_475, %swap3A_476], %swap3A_479 {strides = array<i32>} : memref<64x256xf32, #tpu.memory_space<vmem>>, vector<1x16xf32>,
      %mul3A_480 = arith.mulf %get3A_468, %get3A_472 : vector<16xf32>
      %add3A_481 = arith.addf %add3A_464, %mul3A_480 : vector<16xf32>
      %get3A_482 = arith.index_cast %scan3A_312 : i32 to index
      %get3A_483 = arith.constant 160 : index
      %get3A_484 = tpu.vector_load %arg10[%get3A_482, %get3A_483] {strides = array<i32>} : memref<64x256xf32, #tpu.memory_space<vmem>>, vector<1x16xf32>,
      %get3A_485 = vector.shape_cast %get3A_484 : vector<1x16xf32> to vector<16xf32>
      %get3A_486 = arith.index_cast %scan3A_312 : i32 to index
      %get3A_487 = arith.constant 160 : index
      %get3A_488 = tpu.vector_load %arg12[%get3A_486, %get3A_487] {strides = array<i32>} : memref<64x256xf32, #tpu.memory_space<vmem>>, vector<1x16xf32>,
      %get3A_489 = vector.shape_cast %get3A_488 : vector<1x16xf32> to vector<16xf32>
      %sub3A_490 = arith.subf %get3A_485, %get3A_489 : vector<16xf32>
      %add3A_491 = arith.addf %get3A_489, %sub3A_490 : vector<16xf32>
      %swap3A_492 = arith.index_cast %scan3A_312 : i32 to index
      %swap3A_493 = arith.constant 160 : index
      %swap3A_494 = tpu.vector_load %arg10[%swap3A_492, %swap3A_493] {strides = array<i32>} : memref<64x256xf32, #tpu.memory_space<vmem>>, vector<1x16xf32>,
      %swap3A_495 = vector.shape_cast %swap3A_494 : vector<1x16xf32> to vector<16xf32>
      %swap3A_496 = vector.shape_cast %add3A_491 : vector<16xf32> to vector<1x16xf32>
      tpu.vector_store %arg10[%swap3A_492, %swap3A_493], %swap3A_496 {strides = array<i32>} : memref<64x256xf32, #tpu.memory_space<vmem>>, vector<1x16xf32>,
      %mul3A_497 = arith.mulf %get3A_485, %get3A_489 : vector<16xf32>
      %add3A_498 = arith.addf %add3A_481, %mul3A_497 : vector<16xf32>
      %get3A_499 = arith.index_cast %scan3A_312 : i32 to index
      %get3A_500 = arith.constant 176 : index
      %get3A_501 = tpu.vector_load %arg10[%get3A_499, %get3A_500] {strides = array<i32>} : memref<64x256xf32, #tpu.memory_space<vmem>>, vector<1x16xf32>,
      %get3A_502 = vector.shape_cast %get3A_501 : vector<1x16xf32> to vector<16xf32>
      %get3A_503 = arith.index_cast %scan3A_312 : i32 to index
      %get3A_504 = arith.constant 176 : index
      %get3A_505 = tpu.vector_load %arg12[%get3A_503, %get3A_504] {strides = array<i32>} : memref<64x256xf32, #tpu.memory_space<vmem>>, vector<1x16xf32>,
      %get3A_506 = vector.shape_cast %get3A_505 : vector<1x16xf32> to vector<16xf32>
      %sub3A_507 = arith.subf %get3A_502, %get3A_506 : vector<16xf32>
      %add3A_508 = arith.addf %get3A_506, %sub3A_507 : vector<16xf32>
      %swap3A_509 = arith.index_cast %scan3A_312 : i32 to index
      %swap3A_510 = arith.constant 176 : index
      %swap3A_511 = tpu.vector_load %arg10[%swap3A_509, %swap3A_510] {strides = array<i32>} : memref<64x256xf32, #tpu.memory_space<vmem>>, vector<1x16xf32>,
      %swap3A_512 = vector.shape_cast %swap3A_511 : vector<1x16xf32> to vector<16xf32>
      %swap3A_513 = vector.shape_cast %add3A_508 : vector<16xf32> to vector<1x16xf32>
      tpu.vector_store %arg10[%swap3A_509, %swap3A_510], %swap3A_513 {strides = array<i32>} : memref<64x256xf32, #tpu.memory_space<vmem>>, vector<1x16xf32>,
      %mul3A_514 = arith.mulf %get3A_502, %get3A_506 : vector<16xf32>
      %add3A_515 = arith.addf %add3A_498, %mul3A_514 : vector<16xf32>
      %get3A_516 = arith.index_cast %scan3A_312 : i32 to index
      %get3A_517 = arith.constant 192 : index
      %get3A_518 = tpu.vector_load %arg10[%get3A_516, %get3A_517] {strides = array<i32>} : memref<64x256xf32, #tpu.memory_space<vmem>>, vector<1x16xf32>,
      %get3A_519 = vector.shape_cast %get3A_518 : vector<1x16xf32> to vector<16xf32>
      %get3A_520 = arith.index_cast %scan3A_312 : i32 to index
      %get3A_521 = arith.constant 192 : index
      %get3A_522 = tpu.vector_load %arg12[%get3A_520, %get3A_521] {strides = array<i32>} : memref<64x256xf32, #tpu.memory_space<vmem>>, vector<1x16xf32>,
      %get3A_523 = vector.shape_cast %get3A_522 : vector<1x16xf32> to vector<16xf32>
      %sub3A_524 = arith.subf %get3A_519, %get3A_523 : vector<16xf32>
      %add3A_525 = arith.addf %get3A_523, %sub3A_524 : vector<16xf32>
      %swap3A_526 = arith.index_cast %scan3A_312 : i32 to index
      %swap3A_527 = arith.constant 192 : index
      %swap3A_528 = tpu.vector_load %arg10[%swap3A_526, %swap3A_527] {strides = array<i32>} : memref<64x256xf32, #tpu.memory_space<vmem>>, vector<1x16xf32>,
      %swap3A_529 = vector.shape_cast %swap3A_528 : vector<1x16xf32> to vector<16xf32>
      %swap3A_530 = vector.shape_cast %add3A_525 : vector<16xf32> to vector<1x16xf32>
      tpu.vector_store %arg10[%swap3A_526, %swap3A_527], %swap3A_530 {strides = array<i32>} : memref<64x256xf32, #tpu.memory_space<vmem>>, vector<1x16xf32>,
      %mul3A_531 = arith.mulf %get3A_519, %get3A_523 : vector<16xf32>
      %add3A_532 = arith.addf %add3A_515, %mul3A_531 : vector<16xf32>
      %get3A_533 = arith.index_cast %scan3A_312 : i32 to index
      %get3A_534 = arith.constant 208 : index
      %get3A_535 = tpu.vector_load %arg10[%get3A_533, %get3A_534] {strides = array<i32>} : memref<64x256xf32, #tpu.memory_space<vmem>>, vector<1x16xf32>,
      %get3A_536 = vector.shape_cast %get3A_535 : vector<1x16xf32> to vector<16xf32>
      %get3A_537 = arith.index_cast %scan3A_312 : i32 to index
      %get3A_538 = arith.constant 208 : index
      %get3A_539 = tpu.vector_load %arg12[%get3A_537, %get3A_538] {strides = array<i32>} : memref<64x256xf32, #tpu.memory_space<vmem>>, vector<1x16xf32>,
      %get3A_540 = vector.shape_cast %get3A_539 : vector<1x16xf32> to vector<16xf32>
      %sub3A_541 = arith.subf %get3A_536, %get3A_540 : vector<16xf32>
      %add3A_542 = arith.addf %get3A_540, %sub3A_541 : vector<16xf32>
      %swap3A_543 = arith.index_cast %scan3A_312 : i32 to index
      %swap3A_544 = arith.constant 208 : index
      %swap3A_545 = tpu.vector_load %arg10[%swap3A_543, %swap3A_544] {strides = array<i32>} : memref<64x256xf32, #tpu.memory_space<vmem>>, vector<1x16xf32>,
      %swap3A_546 = vector.shape_cast %swap3A_545 : vector<1x16xf32> to vector<16xf32>
      %swap3A_547 = vector.shape_cast %add3A_542 : vector<16xf32> to vector<1x16xf32>
      tpu.vector_store %arg10[%swap3A_543, %swap3A_544], %swap3A_547 {strides = array<i32>} : memref<64x256xf32, #tpu.memory_space<vmem>>, vector<1x16xf32>,
      %mul3A_548 = arith.mulf %get3A_536, %get3A_540 : vector<16xf32>
      %add3A_549 = arith.addf %add3A_532, %mul3A_548 : vector<16xf32>
      %get3A_550 = arith.index_cast %scan3A_312 : i32 to index
      %get3A_551 = arith.constant 224 : index
      %get3A_552 = tpu.vector_load %arg10[%get3A_550, %get3A_551] {strides = array<i32>} : memref<64x256xf32, #tpu.memory_space<vmem>>, vector<1x16xf32>,
      %get3A_553 = vector.shape_cast %get3A_552 : vector<1x16xf32> to vector<16xf32>
      %get3A_554 = arith.index_cast %scan3A_312 : i32 to index
      %get3A_555 = arith.constant 224 : index
      %get3A_556 = tpu.vector_load %arg12[%get3A_554, %get3A_555] {strides = array<i32>} : memref<64x256xf32, #tpu.memory_space<vmem>>, vector<1x16xf32>,
      %get3A_557 = vector.shape_cast %get3A_556 : vector<1x16xf32> to vector<16xf32>
      %sub3A_558 = arith.subf %get3A_553, %get3A_557 : vector<16xf32>
      %add3A_559 = arith.addf %get3A_557, %sub3A_558 : vector<16xf32>
      %swap3A_560 = arith.index_cast %scan3A_312 : i32 to index
      %swap3A_561 = arith.constant 224 : index
      %swap3A_562 = tpu.vector_load %arg10[%swap3A_560, %swap3A_561] {strides = array<i32>} : memref<64x256xf32, #tpu.memory_space<vmem>>, vector<1x16xf32>,
      %swap3A_563 = vector.shape_cast %swap3A_562 : vector<1x16xf32> to vector<16xf32>
      %swap3A_564 = vector.shape_cast %add3A_559 : vector<16xf32> to vector<1x16xf32>
      tpu.vector_store %arg10[%swap3A_560, %swap3A_561], %swap3A_564 {strides = array<i32>} : memref<64x256xf32, #tpu.memory_space<vmem>>, vector<1x16xf32>,
      %mul3A_565 = arith.mulf %get3A_553, %get3A_557 : vector<16xf32>
      %add3A_566 = arith.addf %add3A_549, %mul3A_565 : vector<16xf32>
      %get3A_567 = arith.index_cast %scan3A_312 : i32 to index
      %get3A_568 = arith.constant 240 : index
      %get3A_569 = tpu.vector_load %arg10[%get3A_567, %get3A_568] {strides = array<i32>} : memref<64x256xf32, #tpu.memory_space<vmem>>, vector<1x16xf32>,
      %get3A_570 = vector.shape_cast %get3A_569 : vector<1x16xf32> to vector<16xf32>
      %get3A_571 = arith.index_cast %scan3A_312 : i32 to index
      %get3A_572 = arith.constant 240 : index
      %get3A_573 = tpu.vector_load %arg12[%get3A_571, %get3A_572] {strides = array<i32>} : memref<64x256xf32, #tpu.memory_space<vmem>>, vector<1x16xf32>,
      %get3A_574 = vector.shape_cast %get3A_573 : vector<1x16xf32> to vector<16xf32>
      %sub3A_575 = arith.subf %get3A_570, %get3A_574 : vector<16xf32>
      %add3A_576 = arith.addf %get3A_574, %sub3A_575 : vector<16xf32>
      %swap3A_577 = arith.index_cast %scan3A_312 : i32 to index
      %swap3A_578 = arith.constant 240 : index
      %swap3A_579 = tpu.vector_load %arg10[%swap3A_577, %swap3A_578] {strides = array<i32>} : memref<64x256xf32, #tpu.memory_space<vmem>>, vector<1x16xf32>,
      %swap3A_580 = vector.shape_cast %swap3A_579 : vector<1x16xf32> to vector<16xf32>
      %swap3A_581 = vector.shape_cast %add3A_576 : vector<16xf32> to vector<1x16xf32>
      tpu.vector_store %arg10[%swap3A_577, %swap3A_578], %swap3A_581 {strides = array<i32>} : memref<64x256xf32, #tpu.memory_space<vmem>>, vector<1x16xf32>,
      %mul3A_582 = arith.mulf %get3A_570, %get3A_574 : vector<16xf32>
      %add3A_583 = arith.addf %add3A_566, %mul3A_582 : vector<16xf32>
      scf.yield %add3A_583 : vector<16xf32>
    }
    %scan3A_255 = arith.constant 64 : i32
    %add3A_256 = arith.constant 384 : i32
    %add3A_257 = arith.addi %mul3A_2, %add3A_256 : i32
    %dma_start3A_258 = arith.constant 0 : i32
    %dma_start3A_259 = tpu.memref_slice %arg6[%add3A_257, %dma_start3A_258] : memref<16384x256xf32, #tpu.memory_space<hbm>> -> memref<64x256xf32, #tpu.memory_space<hbm>>
    %dma_start3A_260 = arith.constant 0 : i32
    %dma_start3A_261 = tpu.memref_slice %arg6[%add3A_257, %dma_start3A_260] : memref<16384x256xf32, #tpu.memory_space<hbm>> -> memref<64x256xf32, #tpu.memory_space<hbm>>
    tpu.enqueue_dma source(%arg10 : memref<64x256xf32, #tpu.memory_space<vmem>>) target(%dma_start3A_261 : memref<64x256xf32, #tpu.memory_space<hbm>>) target_semaphore(%arg20 : memref<!tpu.dma_semaphore, #tpu.memory_space<semaphore_mem>>)
    %dma_wait3A_262 = arith.constant 448 : i32
    %dma_wait3A_263 = tpu.memref_slice %arg8[%dma_wait3A_262] : memref<512xi32, #tpu.memory_space<vmem>> -> memref<64xi32, #tpu.memory_space<vmem>>
    %dma_wait3A_264 = arith.constant 0 : i32
    %dma_wait3A_265 = arith.constant 0 : i32
    %dma_wait3A_266 = tpu.memref_slice %arg2[%dma_wait3A_264, %dma_wait3A_265] : memref<8192x256xf32, #tpu.memory_space<hbm>> -> memref<8192x256xf32, #tpu.memory_space<hbm>>
    tpu.wait_indirect_dma semaphore(%arg17 : memref<!tpu.dma_semaphore, #tpu.memory_space<semaphore_mem>>) src(%dma_wait3A_266 : memref<8192x256xf32, #tpu.memory_space<hbm>>) dst(%arg11 : memref<64x256xf32, #tpu.memory_space<vmem>>)
    %dma_wait3A_267 = arith.constant 0 : i32
    %dma_wait3A_268 = tpu.memref_slice %arg4[%add3A_236, %dma_wait3A_267] : memref<16384x256xf32, #tpu.memory_space<hbm>> -> memref<64x256xf32, #tpu.memory_space<hbm>>
    %dma_wait3A_269 = arith.constant 0 : i32
    %dma_wait3A_270 = tpu.memref_slice %arg4[%add3A_236, %dma_wait3A_269] : memref<16384x256xf32, #tpu.memory_space<hbm>> -> memref<64x256xf32, #tpu.memory_space<hbm>>
    tpu.wait_dma2 semaphore(%arg19 : memref<!tpu.dma_semaphore, #tpu.memory_space<semaphore_mem>>) src(%dma_wait3A_270 : memref<64x256xf32, #tpu.memory_space<hbm>>) dst(%arg13 : memref<64x256xf32, #tpu.memory_space<vmem>>)
    %scan3A_271 = arith.constant 0 : i32
    %scan3A_272 = arith.constant 64 : i32
    %scan3A_273 = arith.addi %scan3A_271, %scan3A_272 : i32
    %scan3A_274 = arith.constant 1 : i32
    %scan3A_275 = scf.for %scan3A_312 = %scan3A_271 to %scan3A_273 step %scan3A_274 iter_args(%scan3A_313 = %scan3A_254) -> (vector<16xf32>)  : i32 {
      %get3A = arith.index_cast %scan3A_312 : i32 to index
      %get3A_314 = arith.constant 0 : index
      %get3A_315 = tpu.vector_load %arg11[%get3A, %get3A_314] {strides = array<i32>} : memref<64x256xf32, #tpu.memory_space<vmem>>, vector<1x16xf32>,
      %get3A_316 = vector.shape_cast %get3A_315 : vector<1x16xf32> to vector<16xf32>
      %get3A_317 = arith.index_cast %scan3A_312 : i32 to index
      %get3A_318 = arith.constant 0 : index
      %get3A_319 = tpu.vector_load %arg13[%get3A_317, %get3A_318] {strides = array<i32>} : memref<64x256xf32, #tpu.memory_space<vmem>>, vector<1x16xf32>,
      %get3A_320 = vector.shape_cast %get3A_319 : vector<1x16xf32> to vector<16xf32>
      %sub3A = arith.subf %get3A_316, %get3A_320 : vector<16xf32>
      %add3A_321 = arith.addf %get3A_320, %sub3A : vector<16xf32>
      %swap3A_322 = arith.index_cast %scan3A_312 : i32 to index
      %swap3A_323 = arith.constant 0 : index
      %swap3A_324 = tpu.vector_load %arg11[%swap3A_322, %swap3A_323] {strides = array<i32>} : memref<64x256xf32, #tpu.memory_space<vmem>>, vector<1x16xf32>,
      %swap3A_325 = vector.shape_cast %swap3A_324 : vector<1x16xf32> to vector<16xf32>
      %swap3A_326 = vector.shape_cast %add3A_321 : vector<16xf32> to vector<1x16xf32>
      tpu.vector_store %arg11[%swap3A_322, %swap3A_323], %swap3A_326 {strides = array<i32>} : memref<64x256xf32, #tpu.memory_space<vmem>>, vector<1x16xf32>,
      %mul3A_327 = arith.mulf %get3A_316, %get3A_320 : vector<16xf32>
      %add3A_328 = arith.addf %scan3A_313, %mul3A_327 : vector<16xf32>
      %get3A_329 = arith.index_cast %scan3A_312 : i32 to index
      %get3A_330 = arith.constant 16 : index
      %get3A_331 = tpu.vector_load %arg11[%get3A_329, %get3A_330] {strides = array<i32>} : memref<64x256xf32, #tpu.memory_space<vmem>>, vector<1x16xf32>,
      %get3A_332 = vector.shape_cast %get3A_331 : vector<1x16xf32> to vector<16xf32>
      %get3A_333 = arith.index_cast %scan3A_312 : i32 to index
      %get3A_334 = arith.constant 16 : index
      %get3A_335 = tpu.vector_load %arg13[%get3A_333, %get3A_334] {strides = array<i32>} : memref<64x256xf32, #tpu.memory_space<vmem>>, vector<1x16xf32>,
      %get3A_336 = vector.shape_cast %get3A_335 : vector<1x16xf32> to vector<16xf32>
      %sub3A_337 = arith.subf %get3A_332, %get3A_336 : vector<16xf32>
      %add3A_338 = arith.addf %get3A_336, %sub3A_337 : vector<16xf32>
      %swap3A_339 = arith.index_cast %scan3A_312 : i32 to index
      %swap3A_340 = arith.constant 16 : index
      %swap3A_341 = tpu.vector_load %arg11[%swap3A_339, %swap3A_340] {strides = array<i32>} : memref<64x256xf32, #tpu.memory_space<vmem>>, vector<1x16xf32>,
      %swap3A_342 = vector.shape_cast %swap3A_341 : vector<1x16xf32> to vector<16xf32>
      %swap3A_343 = vector.shape_cast %add3A_338 : vector<16xf32> to vector<1x16xf32>
      tpu.vector_store %arg11[%swap3A_339, %swap3A_340], %swap3A_343 {strides = array<i32>} : memref<64x256xf32, #tpu.memory_space<vmem>>, vector<1x16xf32>,
      %mul3A_344 = arith.mulf %get3A_332, %get3A_336 : vector<16xf32>
      %add3A_345 = arith.addf %add3A_328, %mul3A_344 : vector<16xf32>
      %get3A_346 = arith.index_cast %scan3A_312 : i32 to index
      %get3A_347 = arith.constant 32 : index
      %get3A_348 = tpu.vector_load %arg11[%get3A_346, %get3A_347] {strides = array<i32>} : memref<64x256xf32, #tpu.memory_space<vmem>>, vector<1x16xf32>,
      %get3A_349 = vector.shape_cast %get3A_348 : vector<1x16xf32> to vector<16xf32>
      %get3A_350 = arith.index_cast %scan3A_312 : i32 to index
      %get3A_351 = arith.constant 32 : index
      %get3A_352 = tpu.vector_load %arg13[%get3A_350, %get3A_351] {strides = array<i32>} : memref<64x256xf32, #tpu.memory_space<vmem>>, vector<1x16xf32>,
      %get3A_353 = vector.shape_cast %get3A_352 : vector<1x16xf32> to vector<16xf32>
      %sub3A_354 = arith.subf %get3A_349, %get3A_353 : vector<16xf32>
      %add3A_355 = arith.addf %get3A_353, %sub3A_354 : vector<16xf32>
      %swap3A_356 = arith.index_cast %scan3A_312 : i32 to index
      %swap3A_357 = arith.constant 32 : index
      %swap3A_358 = tpu.vector_load %arg11[%swap3A_356, %swap3A_357] {strides = array<i32>} : memref<64x256xf32, #tpu.memory_space<vmem>>, vector<1x16xf32>,
      %swap3A_359 = vector.shape_cast %swap3A_358 : vector<1x16xf32> to vector<16xf32>
      %swap3A_360 = vector.shape_cast %add3A_355 : vector<16xf32> to vector<1x16xf32>
      tpu.vector_store %arg11[%swap3A_356, %swap3A_357], %swap3A_360 {strides = array<i32>} : memref<64x256xf32, #tpu.memory_space<vmem>>, vector<1x16xf32>,
      %mul3A_361 = arith.mulf %get3A_349, %get3A_353 : vector<16xf32>
      %add3A_362 = arith.addf %add3A_345, %mul3A_361 : vector<16xf32>
      %get3A_363 = arith.index_cast %scan3A_312 : i32 to index
      %get3A_364 = arith.constant 48 : index
      %get3A_365 = tpu.vector_load %arg11[%get3A_363, %get3A_364] {strides = array<i32>} : memref<64x256xf32, #tpu.memory_space<vmem>>, vector<1x16xf32>,
      %get3A_366 = vector.shape_cast %get3A_365 : vector<1x16xf32> to vector<16xf32>
      %get3A_367 = arith.index_cast %scan3A_312 : i32 to index
      %get3A_368 = arith.constant 48 : index
      %get3A_369 = tpu.vector_load %arg13[%get3A_367, %get3A_368] {strides = array<i32>} : memref<64x256xf32, #tpu.memory_space<vmem>>, vector<1x16xf32>,
      %get3A_370 = vector.shape_cast %get3A_369 : vector<1x16xf32> to vector<16xf32>
      %sub3A_371 = arith.subf %get3A_366, %get3A_370 : vector<16xf32>
      %add3A_372 = arith.addf %get3A_370, %sub3A_371 : vector<16xf32>
      %swap3A_373 = arith.index_cast %scan3A_312 : i32 to index
      %swap3A_374 = arith.constant 48 : index
      %swap3A_375 = tpu.vector_load %arg11[%swap3A_373, %swap3A_374] {strides = array<i32>} : memref<64x256xf32, #tpu.memory_space<vmem>>, vector<1x16xf32>,
      %swap3A_376 = vector.shape_cast %swap3A_375 : vector<1x16xf32> to vector<16xf32>
      %swap3A_377 = vector.shape_cast %add3A_372 : vector<16xf32> to vector<1x16xf32>
      tpu.vector_store %arg11[%swap3A_373, %swap3A_374], %swap3A_377 {strides = array<i32>} : memref<64x256xf32, #tpu.memory_space<vmem>>, vector<1x16xf32>,
      %mul3A_378 = arith.mulf %get3A_366, %get3A_370 : vector<16xf32>
      %add3A_379 = arith.addf %add3A_362, %mul3A_378 : vector<16xf32>
      %get3A_380 = arith.index_cast %scan3A_312 : i32 to index
      %get3A_381 = arith.constant 64 : index
      %get3A_382 = tpu.vector_load %arg11[%get3A_380, %get3A_381] {strides = array<i32>} : memref<64x256xf32, #tpu.memory_space<vmem>>, vector<1x16xf32>,
      %get3A_383 = vector.shape_cast %get3A_382 : vector<1x16xf32> to vector<16xf32>
      %get3A_384 = arith.index_cast %scan3A_312 : i32 to index
      %get3A_385 = arith.constant 64 : index
      %get3A_386 = tpu.vector_load %arg13[%get3A_384, %get3A_385] {strides = array<i32>} : memref<64x256xf32, #tpu.memory_space<vmem>>, vector<1x16xf32>,
      %get3A_387 = vector.shape_cast %get3A_386 : vector<1x16xf32> to vector<16xf32>
      %sub3A_388 = arith.subf %get3A_383, %get3A_387 : vector<16xf32>
      %add3A_389 = arith.addf %get3A_387, %sub3A_388 : vector<16xf32>
      %swap3A_390 = arith.index_cast %scan3A_312 : i32 to index
      %swap3A_391 = arith.constant 64 : index
      %swap3A_392 = tpu.vector_load %arg11[%swap3A_390, %swap3A_391] {strides = array<i32>} : memref<64x256xf32, #tpu.memory_space<vmem>>, vector<1x16xf32>,
      %swap3A_393 = vector.shape_cast %swap3A_392 : vector<1x16xf32> to vector<16xf32>
      %swap3A_394 = vector.shape_cast %add3A_389 : vector<16xf32> to vector<1x16xf32>
      tpu.vector_store %arg11[%swap3A_390, %swap3A_391], %swap3A_394 {strides = array<i32>} : memref<64x256xf32, #tpu.memory_space<vmem>>, vector<1x16xf32>,
      %mul3A_395 = arith.mulf %get3A_383, %get3A_387 : vector<16xf32>
      %add3A_396 = arith.addf %add3A_379, %mul3A_395 : vector<16xf32>
      %get3A_397 = arith.index_cast %scan3A_312 : i32 to index
      %get3A_398 = arith.constant 80 : index
      %get3A_399 = tpu.vector_load %arg11[%get3A_397, %get3A_398] {strides = array<i32>} : memref<64x256xf32, #tpu.memory_space<vmem>>, vector<1x16xf32>,
      %get3A_400 = vector.shape_cast %get3A_399 : vector<1x16xf32> to vector<16xf32>
      %get3A_401 = arith.index_cast %scan3A_312 : i32 to index
      %get3A_402 = arith.constant 80 : index
      %get3A_403 = tpu.vector_load %arg13[%get3A_401, %get3A_402] {strides = array<i32>} : memref<64x256xf32, #tpu.memory_space<vmem>>, vector<1x16xf32>,
      %get3A_404 = vector.shape_cast %get3A_403 : vector<1x16xf32> to vector<16xf32>
      %sub3A_405 = arith.subf %get3A_400, %get3A_404 : vector<16xf32>
      %add3A_406 = arith.addf %get3A_404, %sub3A_405 : vector<16xf32>
      %swap3A_407 = arith.index_cast %scan3A_312 : i32 to index
      %swap3A_408 = arith.constant 80 : index
      %swap3A_409 = tpu.vector_load %arg11[%swap3A_407, %swap3A_408] {strides = array<i32>} : memref<64x256xf32, #tpu.memory_space<vmem>>, vector<1x16xf32>,
      %swap3A_410 = vector.shape_cast %swap3A_409 : vector<1x16xf32> to vector<16xf32>
      %swap3A_411 = vector.shape_cast %add3A_406 : vector<16xf32> to vector<1x16xf32>
      tpu.vector_store %arg11[%swap3A_407, %swap3A_408], %swap3A_411 {strides = array<i32>} : memref<64x256xf32, #tpu.memory_space<vmem>>, vector<1x16xf32>,
      %mul3A_412 = arith.mulf %get3A_400, %get3A_404 : vector<16xf32>
      %add3A_413 = arith.addf %add3A_396, %mul3A_412 : vector<16xf32>
      %get3A_414 = arith.index_cast %scan3A_312 : i32 to index
      %get3A_415 = arith.constant 96 : index
      %get3A_416 = tpu.vector_load %arg11[%get3A_414, %get3A_415] {strides = array<i32>} : memref<64x256xf32, #tpu.memory_space<vmem>>, vector<1x16xf32>,
      %get3A_417 = vector.shape_cast %get3A_416 : vector<1x16xf32> to vector<16xf32>
      %get3A_418 = arith.index_cast %scan3A_312 : i32 to index
      %get3A_419 = arith.constant 96 : index
      %get3A_420 = tpu.vector_load %arg13[%get3A_418, %get3A_419] {strides = array<i32>} : memref<64x256xf32, #tpu.memory_space<vmem>>, vector<1x16xf32>,
      %get3A_421 = vector.shape_cast %get3A_420 : vector<1x16xf32> to vector<16xf32>
      %sub3A_422 = arith.subf %get3A_417, %get3A_421 : vector<16xf32>
      %add3A_423 = arith.addf %get3A_421, %sub3A_422 : vector<16xf32>
      %swap3A_424 = arith.index_cast %scan3A_312 : i32 to index
      %swap3A_425 = arith.constant 96 : index
      %swap3A_426 = tpu.vector_load %arg11[%swap3A_424, %swap3A_425] {strides = array<i32>} : memref<64x256xf32, #tpu.memory_space<vmem>>, vector<1x16xf32>,
      %swap3A_427 = vector.shape_cast %swap3A_426 : vector<1x16xf32> to vector<16xf32>
      %swap3A_428 = vector.shape_cast %add3A_423 : vector<16xf32> to vector<1x16xf32>
      tpu.vector_store %arg11[%swap3A_424, %swap3A_425], %swap3A_428 {strides = array<i32>} : memref<64x256xf32, #tpu.memory_space<vmem>>, vector<1x16xf32>,
      %mul3A_429 = arith.mulf %get3A_417, %get3A_421 : vector<16xf32>
      %add3A_430 = arith.addf %add3A_413, %mul3A_429 : vector<16xf32>
      %get3A_431 = arith.index_cast %scan3A_312 : i32 to index
      %get3A_432 = arith.constant 112 : index
      %get3A_433 = tpu.vector_load %arg11[%get3A_431, %get3A_432] {strides = array<i32>} : memref<64x256xf32, #tpu.memory_space<vmem>>, vector<1x16xf32>,
      %get3A_434 = vector.shape_cast %get3A_433 : vector<1x16xf32> to vector<16xf32>
      %get3A_435 = arith.index_cast %scan3A_312 : i32 to index
      %get3A_436 = arith.constant 112 : index
      %get3A_437 = tpu.vector_load %arg13[%get3A_435, %get3A_436] {strides = array<i32>} : memref<64x256xf32, #tpu.memory_space<vmem>>, vector<1x16xf32>,
      %get3A_438 = vector.shape_cast %get3A_437 : vector<1x16xf32> to vector<16xf32>
      %sub3A_439 = arith.subf %get3A_434, %get3A_438 : vector<16xf32>
      %add3A_440 = arith.addf %get3A_438, %sub3A_439 : vector<16xf32>
      %swap3A_441 = arith.index_cast %scan3A_312 : i32 to index
      %swap3A_442 = arith.constant 112 : index
      %swap3A_443 = tpu.vector_load %arg11[%swap3A_441, %swap3A_442] {strides = array<i32>} : memref<64x256xf32, #tpu.memory_space<vmem>>, vector<1x16xf32>,
      %swap3A_444 = vector.shape_cast %swap3A_443 : vector<1x16xf32> to vector<16xf32>
      %swap3A_445 = vector.shape_cast %add3A_440 : vector<16xf32> to vector<1x16xf32>
      tpu.vector_store %arg11[%swap3A_441, %swap3A_442], %swap3A_445 {strides = array<i32>} : memref<64x256xf32, #tpu.memory_space<vmem>>, vector<1x16xf32>,
      %mul3A_446 = arith.mulf %get3A_434, %get3A_438 : vector<16xf32>
      %add3A_447 = arith.addf %add3A_430, %mul3A_446 : vector<16xf32>
      %get3A_448 = arith.index_cast %scan3A_312 : i32 to index
      %get3A_449 = arith.constant 128 : index
      %get3A_450 = tpu.vector_load %arg11[%get3A_448, %get3A_449] {strides = array<i32>} : memref<64x256xf32, #tpu.memory_space<vmem>>, vector<1x16xf32>,
      %get3A_451 = vector.shape_cast %get3A_450 : vector<1x16xf32> to vector<16xf32>
      %get3A_452 = arith.index_cast %scan3A_312 : i32 to index
      %get3A_453 = arith.constant 128 : index
      %get3A_454 = tpu.vector_load %arg13[%get3A_452, %get3A_453] {strides = array<i32>} : memref<64x256xf32, #tpu.memory_space<vmem>>, vector<1x16xf32>,
      %get3A_455 = vector.shape_cast %get3A_454 : vector<1x16xf32> to vector<16xf32>
      %sub3A_456 = arith.subf %get3A_451, %get3A_455 : vector<16xf32>
      %add3A_457 = arith.addf %get3A_455, %sub3A_456 : vector<16xf32>
      %swap3A_458 = arith.index_cast %scan3A_312 : i32 to index
      %swap3A_459 = arith.constant 128 : index
      %swap3A_460 = tpu.vector_load %arg11[%swap3A_458, %swap3A_459] {strides = array<i32>} : memref<64x256xf32, #tpu.memory_space<vmem>>, vector<1x16xf32>,
      %swap3A_461 = vector.shape_cast %swap3A_460 : vector<1x16xf32> to vector<16xf32>
      %swap3A_462 = vector.shape_cast %add3A_457 : vector<16xf32> to vector<1x16xf32>
      tpu.vector_store %arg11[%swap3A_458, %swap3A_459], %swap3A_462 {strides = array<i32>} : memref<64x256xf32, #tpu.memory_space<vmem>>, vector<1x16xf32>,
      %mul3A_463 = arith.mulf %get3A_451, %get3A_455 : vector<16xf32>
      %add3A_464 = arith.addf %add3A_447, %mul3A_463 : vector<16xf32>
      %get3A_465 = arith.index_cast %scan3A_312 : i32 to index
      %get3A_466 = arith.constant 144 : index
      %get3A_467 = tpu.vector_load %arg11[%get3A_465, %get3A_466] {strides = array<i32>} : memref<64x256xf32, #tpu.memory_space<vmem>>, vector<1x16xf32>,
      %get3A_468 = vector.shape_cast %get3A_467 : vector<1x16xf32> to vector<16xf32>
      %get3A_469 = arith.index_cast %scan3A_312 : i32 to index
      %get3A_470 = arith.constant 144 : index
      %get3A_471 = tpu.vector_load %arg13[%get3A_469, %get3A_470] {strides = array<i32>} : memref<64x256xf32, #tpu.memory_space<vmem>>, vector<1x16xf32>,
      %get3A_472 = vector.shape_cast %get3A_471 : vector<1x16xf32> to vector<16xf32>
      %sub3A_473 = arith.subf %get3A_468, %get3A_472 : vector<16xf32>
      %add3A_474 = arith.addf %get3A_472, %sub3A_473 : vector<16xf32>
      %swap3A_475 = arith.index_cast %scan3A_312 : i32 to index
      %swap3A_476 = arith.constant 144 : index
      %swap3A_477 = tpu.vector_load %arg11[%swap3A_475, %swap3A_476] {strides = array<i32>} : memref<64x256xf32, #tpu.memory_space<vmem>>, vector<1x16xf32>,
      %swap3A_478 = vector.shape_cast %swap3A_477 : vector<1x16xf32> to vector<16xf32>
      %swap3A_479 = vector.shape_cast %add3A_474 : vector<16xf32> to vector<1x16xf32>
      tpu.vector_store %arg11[%swap3A_475, %swap3A_476], %swap3A_479 {strides = array<i32>} : memref<64x256xf32, #tpu.memory_space<vmem>>, vector<1x16xf32>,
      %mul3A_480 = arith.mulf %get3A_468, %get3A_472 : vector<16xf32>
      %add3A_481 = arith.addf %add3A_464, %mul3A_480 : vector<16xf32>
      %get3A_482 = arith.index_cast %scan3A_312 : i32 to index
      %get3A_483 = arith.constant 160 : index
      %get3A_484 = tpu.vector_load %arg11[%get3A_482, %get3A_483] {strides = array<i32>} : memref<64x256xf32, #tpu.memory_space<vmem>>, vector<1x16xf32>,
      %get3A_485 = vector.shape_cast %get3A_484 : vector<1x16xf32> to vector<16xf32>
      %get3A_486 = arith.index_cast %scan3A_312 : i32 to index
      %get3A_487 = arith.constant 160 : index
      %get3A_488 = tpu.vector_load %arg13[%get3A_486, %get3A_487] {strides = array<i32>} : memref<64x256xf32, #tpu.memory_space<vmem>>, vector<1x16xf32>,
      %get3A_489 = vector.shape_cast %get3A_488 : vector<1x16xf32> to vector<16xf32>
      %sub3A_490 = arith.subf %get3A_485, %get3A_489 : vector<16xf32>
      %add3A_491 = arith.addf %get3A_489, %sub3A_490 : vector<16xf32>
      %swap3A_492 = arith.index_cast %scan3A_312 : i32 to index
      %swap3A_493 = arith.constant 160 : index
      %swap3A_494 = tpu.vector_load %arg11[%swap3A_492, %swap3A_493] {strides = array<i32>} : memref<64x256xf32, #tpu.memory_space<vmem>>, vector<1x16xf32>,
      %swap3A_495 = vector.shape_cast %swap3A_494 : vector<1x16xf32> to vector<16xf32>
      %swap3A_496 = vector.shape_cast %add3A_491 : vector<16xf32> to vector<1x16xf32>
      tpu.vector_store %arg11[%swap3A_492, %swap3A_493], %swap3A_496 {strides = array<i32>} : memref<64x256xf32, #tpu.memory_space<vmem>>, vector<1x16xf32>,
      %mul3A_497 = arith.mulf %get3A_485, %get3A_489 : vector<16xf32>
      %add3A_498 = arith.addf %add3A_481, %mul3A_497 : vector<16xf32>
      %get3A_499 = arith.index_cast %scan3A_312 : i32 to index
      %get3A_500 = arith.constant 176 : index
      %get3A_501 = tpu.vector_load %arg11[%get3A_499, %get3A_500] {strides = array<i32>} : memref<64x256xf32, #tpu.memory_space<vmem>>, vector<1x16xf32>,
      %get3A_502 = vector.shape_cast %get3A_501 : vector<1x16xf32> to vector<16xf32>
      %get3A_503 = arith.index_cast %scan3A_312 : i32 to index
      %get3A_504 = arith.constant 176 : index
      %get3A_505 = tpu.vector_load %arg13[%get3A_503, %get3A_504] {strides = array<i32>} : memref<64x256xf32, #tpu.memory_space<vmem>>, vector<1x16xf32>,
      %get3A_506 = vector.shape_cast %get3A_505 : vector<1x16xf32> to vector<16xf32>
      %sub3A_507 = arith.subf %get3A_502, %get3A_506 : vector<16xf32>
      %add3A_508 = arith.addf %get3A_506, %sub3A_507 : vector<16xf32>
      %swap3A_509 = arith.index_cast %scan3A_312 : i32 to index
      %swap3A_510 = arith.constant 176 : index
      %swap3A_511 = tpu.vector_load %arg11[%swap3A_509, %swap3A_510] {strides = array<i32>} : memref<64x256xf32, #tpu.memory_space<vmem>>, vector<1x16xf32>,
      %swap3A_512 = vector.shape_cast %swap3A_511 : vector<1x16xf32> to vector<16xf32>
      %swap3A_513 = vector.shape_cast %add3A_508 : vector<16xf32> to vector<1x16xf32>
      tpu.vector_store %arg11[%swap3A_509, %swap3A_510], %swap3A_513 {strides = array<i32>} : memref<64x256xf32, #tpu.memory_space<vmem>>, vector<1x16xf32>,
      %mul3A_514 = arith.mulf %get3A_502, %get3A_506 : vector<16xf32>
      %add3A_515 = arith.addf %add3A_498, %mul3A_514 : vector<16xf32>
      %get3A_516 = arith.index_cast %scan3A_312 : i32 to index
      %get3A_517 = arith.constant 192 : index
      %get3A_518 = tpu.vector_load %arg11[%get3A_516, %get3A_517] {strides = array<i32>} : memref<64x256xf32, #tpu.memory_space<vmem>>, vector<1x16xf32>,
      %get3A_519 = vector.shape_cast %get3A_518 : vector<1x16xf32> to vector<16xf32>
      %get3A_520 = arith.index_cast %scan3A_312 : i32 to index
      %get3A_521 = arith.constant 192 : index
      %get3A_522 = tpu.vector_load %arg13[%get3A_520, %get3A_521] {strides = array<i32>} : memref<64x256xf32, #tpu.memory_space<vmem>>, vector<1x16xf32>,
      %get3A_523 = vector.shape_cast %get3A_522 : vector<1x16xf32> to vector<16xf32>
      %sub3A_524 = arith.subf %get3A_519, %get3A_523 : vector<16xf32>
      %add3A_525 = arith.addf %get3A_523, %sub3A_524 : vector<16xf32>
      %swap3A_526 = arith.index_cast %scan3A_312 : i32 to index
      %swap3A_527 = arith.constant 192 : index
      %swap3A_528 = tpu.vector_load %arg11[%swap3A_526, %swap3A_527] {strides = array<i32>} : memref<64x256xf32, #tpu.memory_space<vmem>>, vector<1x16xf32>,
      %swap3A_529 = vector.shape_cast %swap3A_528 : vector<1x16xf32> to vector<16xf32>
      %swap3A_530 = vector.shape_cast %add3A_525 : vector<16xf32> to vector<1x16xf32>
      tpu.vector_store %arg11[%swap3A_526, %swap3A_527], %swap3A_530 {strides = array<i32>} : memref<64x256xf32, #tpu.memory_space<vmem>>, vector<1x16xf32>,
      %mul3A_531 = arith.mulf %get3A_519, %get3A_523 : vector<16xf32>
      %add3A_532 = arith.addf %add3A_515, %mul3A_531 : vector<16xf32>
      %get3A_533 = arith.index_cast %scan3A_312 : i32 to index
      %get3A_534 = arith.constant 208 : index
      %get3A_535 = tpu.vector_load %arg11[%get3A_533, %get3A_534] {strides = array<i32>} : memref<64x256xf32, #tpu.memory_space<vmem>>, vector<1x16xf32>,
      %get3A_536 = vector.shape_cast %get3A_535 : vector<1x16xf32> to vector<16xf32>
      %get3A_537 = arith.index_cast %scan3A_312 : i32 to index
      %get3A_538 = arith.constant 208 : index
      %get3A_539 = tpu.vector_load %arg13[%get3A_537, %get3A_538] {strides = array<i32>} : memref<64x256xf32, #tpu.memory_space<vmem>>, vector<1x16xf32>,
      %get3A_540 = vector.shape_cast %get3A_539 : vector<1x16xf32> to vector<16xf32>
      %sub3A_541 = arith.subf %get3A_536, %get3A_540 : vector<16xf32>
      %add3A_542 = arith.addf %get3A_540, %sub3A_541 : vector<16xf32>
      %swap3A_543 = arith.index_cast %scan3A_312 : i32 to index
      %swap3A_544 = arith.constant 208 : index
      %swap3A_545 = tpu.vector_load %arg11[%swap3A_543, %swap3A_544] {strides = array<i32>} : memref<64x256xf32, #tpu.memory_space<vmem>>, vector<1x16xf32>,
      %swap3A_546 = vector.shape_cast %swap3A_545 : vector<1x16xf32> to vector<16xf32>
      %swap3A_547 = vector.shape_cast %add3A_542 : vector<16xf32> to vector<1x16xf32>
      tpu.vector_store %arg11[%swap3A_543, %swap3A_544], %swap3A_547 {strides = array<i32>} : memref<64x256xf32, #tpu.memory_space<vmem>>, vector<1x16xf32>,
      %mul3A_548 = arith.mulf %get3A_536, %get3A_540 : vector<16xf32>
      %add3A_549 = arith.addf %add3A_532, %mul3A_548 : vector<16xf32>
      %get3A_550 = arith.index_cast %scan3A_312 : i32 to index
      %get3A_551 = arith.constant 224 : index
      %get3A_552 = tpu.vector_load %arg11[%get3A_550, %get3A_551] {strides = array<i32>} : memref<64x256xf32, #tpu.memory_space<vmem>>, vector<1x16xf32>,
      %get3A_553 = vector.shape_cast %get3A_552 : vector<1x16xf32> to vector<16xf32>
      %get3A_554 = arith.index_cast %scan3A_312 : i32 to index
      %get3A_555 = arith.constant 224 : index
      %get3A_556 = tpu.vector_load %arg13[%get3A_554, %get3A_555] {strides = array<i32>} : memref<64x256xf32, #tpu.memory_space<vmem>>, vector<1x16xf32>,
      %get3A_557 = vector.shape_cast %get3A_556 : vector<1x16xf32> to vector<16xf32>
      %sub3A_558 = arith.subf %get3A_553, %get3A_557 : vector<16xf32>
      %add3A_559 = arith.addf %get3A_557, %sub3A_558 : vector<16xf32>
      %swap3A_560 = arith.index_cast %scan3A_312 : i32 to index
      %swap3A_561 = arith.constant 224 : index
      %swap3A_562 = tpu.vector_load %arg11[%swap3A_560, %swap3A_561] {strides = array<i32>} : memref<64x256xf32, #tpu.memory_space<vmem>>, vector<1x16xf32>,
      %swap3A_563 = vector.shape_cast %swap3A_562 : vector<1x16xf32> to vector<16xf32>
      %swap3A_564 = vector.shape_cast %add3A_559 : vector<16xf32> to vector<1x16xf32>
      tpu.vector_store %arg11[%swap3A_560, %swap3A_561], %swap3A_564 {strides = array<i32>} : memref<64x256xf32, #tpu.memory_space<vmem>>, vector<1x16xf32>,
      %mul3A_565 = arith.mulf %get3A_553, %get3A_557 : vector<16xf32>
      %add3A_566 = arith.addf %add3A_549, %mul3A_565 : vector<16xf32>
      %get3A_567 = arith.index_cast %scan3A_312 : i32 to index
      %get3A_568 = arith.constant 240 : index
      %get3A_569 = tpu.vector_load %arg11[%get3A_567, %get3A_568] {strides = array<i32>} : memref<64x256xf32, #tpu.memory_space<vmem>>, vector<1x16xf32>,
      %get3A_570 = vector.shape_cast %get3A_569 : vector<1x16xf32> to vector<16xf32>
      %get3A_571 = arith.index_cast %scan3A_312 : i32 to index
      %get3A_572 = arith.constant 240 : index
      %get3A_573 = tpu.vector_load %arg13[%get3A_571, %get3A_572] {strides = array<i32>} : memref<64x256xf32, #tpu.memory_space<vmem>>, vector<1x16xf32>,
      %get3A_574 = vector.shape_cast %get3A_573 : vector<1x16xf32> to vector<16xf32>
      %sub3A_575 = arith.subf %get3A_570, %get3A_574 : vector<16xf32>
      %add3A_576 = arith.addf %get3A_574, %sub3A_575 : vector<16xf32>
      %swap3A_577 = arith.index_cast %scan3A_312 : i32 to index
      %swap3A_578 = arith.constant 240 : index
      %swap3A_579 = tpu.vector_load %arg11[%swap3A_577, %swap3A_578] {strides = array<i32>} : memref<64x256xf32, #tpu.memory_space<vmem>>, vector<1x16xf32>,
      %swap3A_580 = vector.shape_cast %swap3A_579 : vector<1x16xf32> to vector<16xf32>
      %swap3A_581 = vector.shape_cast %add3A_576 : vector<16xf32> to vector<1x16xf32>
      tpu.vector_store %arg11[%swap3A_577, %swap3A_578], %swap3A_581 {strides = array<i32>} : memref<64x256xf32, #tpu.memory_space<vmem>>, vector<1x16xf32>,
      %mul3A_582 = arith.mulf %get3A_570, %get3A_574 : vector<16xf32>
      %add3A_583 = arith.addf %add3A_566, %mul3A_582 : vector<16xf32>
      scf.yield %add3A_583 : vector<16xf32>
    }
    %scan3A_276 = arith.constant 64 : i32
    %add3A_277 = arith.constant 448 : i32
    %add3A_278 = arith.addi %mul3A_2, %add3A_277 : i32
    %dma_start3A_279 = arith.constant 0 : i32
    %dma_start3A_280 = tpu.memref_slice %arg6[%add3A_278, %dma_start3A_279] : memref<16384x256xf32, #tpu.memory_space<hbm>> -> memref<64x256xf32, #tpu.memory_space<hbm>>
    %dma_start3A_281 = arith.constant 0 : i32
    %dma_start3A_282 = tpu.memref_slice %arg6[%add3A_278, %dma_start3A_281] : memref<16384x256xf32, #tpu.memory_space<hbm>> -> memref<64x256xf32, #tpu.memory_space<hbm>>
    tpu.enqueue_dma source(%arg11 : memref<64x256xf32, #tpu.memory_space<vmem>>) target(%dma_start3A_282 : memref<64x256xf32, #tpu.memory_space<hbm>>) target_semaphore(%arg21 : memref<!tpu.dma_semaphore, #tpu.memory_space<semaphore_mem>>)
    %dma_wait3A_283 = arith.constant 0 : i32
    %dma_wait3A_284 = tpu.memref_slice %arg6[%add3A_257, %dma_wait3A_283] : memref<16384x256xf32, #tpu.memory_space<hbm>> -> memref<64x256xf32, #tpu.memory_space<hbm>>
    %dma_wait3A_285 = arith.constant 0 : i32
    %dma_wait3A_286 = tpu.memref_slice %arg6[%add3A_257, %dma_wait3A_285] : memref<16384x256xf32, #tpu.memory_space<hbm>> -> memref<64x256xf32, #tpu.memory_space<hbm>>
    tpu.wait_dma2 semaphore(%arg20 : memref<!tpu.dma_semaphore, #tpu.memory_space<semaphore_mem>>) src(%arg10 : memref<64x256xf32, #tpu.memory_space<vmem>>) dst(%dma_wait3A_286 : memref<64x256xf32, #tpu.memory_space<hbm>>)
    %dma_wait3A_287 = arith.constant 0 : i32
    %dma_wait3A_288 = tpu.memref_slice %arg6[%add3A_278, %dma_wait3A_287] : memref<16384x256xf32, #tpu.memory_space<hbm>> -> memref<64x256xf32, #tpu.memory_space<hbm>>
    %dma_wait3A_289 = arith.constant 0 : i32
    %dma_wait3A_290 = tpu.memref_slice %arg6[%add3A_278, %dma_wait3A_289] : memref<16384x256xf32, #tpu.memory_space<hbm>> -> memref<64x256xf32, #tpu.memory_space<hbm>>
    tpu.wait_dma2 semaphore(%arg21 : memref<!tpu.dma_semaphore, #tpu.memory_space<semaphore_mem>>) src(%arg11 : memref<64x256xf32, #tpu.memory_space<vmem>>) dst(%dma_wait3A_290 : memref<64x256xf32, #tpu.memory_space<hbm>>)
    %dma_wait3A_291 = arith.constant 0 : i32
    %dma_wait3A_292 = tpu.memref_slice %arg5[%dma_wait3A_291] : memref<8192xf32, #tpu.memory_space<hbm>> -> memref<8192xf32, #tpu.memory_space<hbm>>
    tpu.wait_indirect_dma semaphore(%arg15 : memref<!tpu.dma_semaphore, #tpu.memory_space<semaphore_mem>>) src(%dma_wait3A_292 : memref<8192xf32, #tpu.memory_space<hbm>>) dst(%arg9 : memref<512xf32, #tpu.memory_space<vmem>>)
    %broadcast_in_dim3A_293 = arith.constant 0.000000e+00 : f32
    %broadcast_in_dim3A_294 = vector.broadcast %broadcast_in_dim3A_293 : f32 to vector<16xf32>
    %scan3A_295 = arith.constant 0 : i32
    %scan3A_296 = arith.constant 32 : i32
    %scan3A_297 = arith.addi %scan3A_295, %scan3A_296 : i32
    %scan3A_298 = arith.constant 1 : i32
    %scan3A_299 = scf.for %scan3A_312 = %scan3A_295 to %scan3A_297 step %scan3A_298 iter_args(%scan3A_313 = %broadcast_in_dim3A_294) -> (vector<16xf32>)  : i32 {
      %mul3A_314 = arith.constant 16 : i32
      %mul3A_315 = arith.muli %scan3A_312, %mul3A_314 : i32
      %get3A = arith.index_cast %mul3A_315 : i32 to index
      %get3A_316 = tpu.vector_load %arg9[%get3A] {strides = array<i32>} : memref<512xf32, #tpu.memory_space<vmem>>, vector<16xf32>,
      %get3A_317 = vector.shape_cast %get3A_316 : vector<16xf32> to vector<16xf32>
      %add3A_318 = arith.addf %scan3A_313, %get3A_317 : vector<16xf32>
      scf.yield %add3A_318 : vector<16xf32>
    }
    %scan3A_300 = arith.constant 32 : i32
    %swap3A = arith.constant 0 : i32
    %swap3A_301 = arith.index_cast %swap3A : i32 to index
    %swap3A_302 = arith.constant 0 : index
    %swap3A_303 = tpu.vector_load %arg14[%swap3A_301, %swap3A_302] {strides = array<i32>} : memref<2x16xf32, #tpu.memory_space<vmem>>, vector<1x16xf32>,
    %swap3A_304 = vector.shape_cast %swap3A_303 : vector<1x16xf32> to vector<16xf32>
    %swap3A_305 = vector.shape_cast %scan3A_275 : vector<16xf32> to vector<1x16xf32>
    tpu.vector_store %arg14[%swap3A_301, %swap3A_302], %swap3A_305 {strides = array<i32>} : memref<2x16xf32, #tpu.memory_space<vmem>>, vector<1x16xf32>,
    %swap3A_306 = arith.constant 1 : i32
    %swap3A_307 = arith.index_cast %swap3A_306 : i32 to index
    %swap3A_308 = arith.constant 0 : index
    %swap3A_309 = tpu.vector_load %arg14[%swap3A_307, %swap3A_308] {strides = array<i32>} : memref<2x16xf32, #tpu.memory_space<vmem>>, vector<1x16xf32>,
    %swap3A_310 = vector.shape_cast %swap3A_309 : vector<1x16xf32> to vector<16xf32>
    %swap3A_311 = vector.shape_cast %scan3A_299 : vector<16xf32> to vector<1x16xf32>
    tpu.vector_store %arg14[%swap3A_307, %swap3A_308], %swap3A_311 {strides = array<i32>} : memref<2x16xf32, #tpu.memory_space<vmem>>, vector<1x16xf32>,
    "tpu.region"() ({
      %run_scoped3A = tpu.sem_alloc : memref<!tpu.dma_semaphore, #tpu.memory_space<semaphore_mem>>
      %dma_start3A_312 = arith.constant 0 : i32
      %dma_start3A_313 = arith.constant 0 : i32
      %dma_start3A_314 = tpu.memref_slice %arg7[%add3A, %dma_start3A_312, %dma_start3A_313] : memref<32x2x16xf32, #tpu.memory_space<hbm>> -> memref<1x2x16xf32, #tpu.memory_space<hbm>>
      %dma_start3A_315 = tpu.memref_squeeze %dma_start3A_314 : memref<1x2x16xf32, #tpu.memory_space<hbm>> -> memref<2x16xf32, #tpu.memory_space<hbm>>
      %dma_start3A_316 = arith.constant 0 : i32
      %dma_start3A_317 = arith.constant 0 : i32
      %dma_start3A_318 = tpu.memref_slice %arg7[%add3A, %dma_start3A_316, %dma_start3A_317] : memref<32x2x16xf32, #tpu.memory_space<hbm>> -> memref<1x2x16xf32, #tpu.memory_space<hbm>>
      %dma_start3A_319 = tpu.memref_squeeze %dma_start3A_318 : memref<1x2x16xf32, #tpu.memory_space<hbm>> -> memref<2x16xf32, #tpu.memory_space<hbm>>
      tpu.enqueue_dma source(%arg14 : memref<2x16xf32, #tpu.memory_space<vmem>>) target(%dma_start3A_319 : memref<2x16xf32, #tpu.memory_space<hbm>>) target_semaphore(%run_scoped3A : memref<!tpu.dma_semaphore, #tpu.memory_space<semaphore_mem>>)
      %dma_wait3A_320 = arith.constant 0 : i32
      %dma_wait3A_321 = arith.constant 0 : i32
      %dma_wait3A_322 = tpu.memref_slice %arg7[%add3A, %dma_wait3A_320, %dma_wait3A_321] : memref<32x2x16xf32, #tpu.memory_space<hbm>> -> memref<1x2x16xf32, #tpu.memory_space<hbm>>
      %dma_wait3A_323 = tpu.memref_squeeze %dma_wait3A_322 : memref<1x2x16xf32, #tpu.memory_space<hbm>> -> memref<2x16xf32, #tpu.memory_space<hbm>>
      %dma_wait3A_324 = arith.constant 0 : i32
      %dma_wait3A_325 = arith.constant 0 : i32
      %dma_wait3A_326 = tpu.memref_slice %arg7[%add3A, %dma_wait3A_324, %dma_wait3A_325] : memref<32x2x16xf32, #tpu.memory_space<hbm>> -> memref<1x2x16xf32, #tpu.memory_space<hbm>>
      %dma_wait3A_327 = tpu.memref_squeeze %dma_wait3A_326 : memref<1x2x16xf32, #tpu.memory_space<hbm>> -> memref<2x16xf32, #tpu.memory_space<hbm>>
      tpu.wait_dma2 semaphore(%run_scoped3A : memref<!tpu.dma_semaphore, #tpu.memory_space<semaphore_mem>>) src(%arg14 : memref<2x16xf32, #tpu.memory_space<vmem>>) dst(%dma_wait3A_327 : memref<2x16xf32, #tpu.memory_space<hbm>>)
      tpu.yield
    }) : () -> ()
    return
  }
}

module attributes {stable_mosaic.version = 14 : i64} {
  func.func @_argmin_body(%arg0: i32, %arg1: memref<512x256xf32, #tpu.memory_space<vmem>>, %arg2: memref<512x256xf32, #tpu.memory_space<vmem>>, %arg3: memref<8192x256xf32, #tpu.memory_space<vmem>>, %arg4: memref<512xi32, #tpu.memory_space<vmem>>, %arg5: memref<512x256xf32, #tpu.memory_space<vmem>>, %arg6: memref<1x8192xf32, #tpu.memory_space<vmem>>, %arg7: memref<1x1xf32, #tpu.memory_space<smem>>, %arg8: memref<1x8192xf32, #tpu.memory_space<vmem>>) attributes {dimension_semantics = [#tpu.dimension_semantics<arbitrary>], iteration_bounds = array<i64: 32>, scalar_prefetch = 0 : i64, scratch_operands = 1 : i64, tpu.core_type = #tpu.core_type<tc>, window_params = [{transform_indices = @transform_0, window_bounds = array<i64: 512, 256>}, {transform_indices = @transform_1, window_bounds = array<i64: 512, 256>}, {pipeline_mode = #tpu.pipeline_mode<synchronous>, transform_indices = @transform_2, window_bounds = array<i64: 8192, 256>}, {transform_indices = @transform_3, window_bounds = array<i64: 512>}, {transform_indices = @transform_4, window_bounds = array<i64: 512, 256>}, {pipeline_mode = #tpu.pipeline_mode<synchronous>, transform_indices = @transform_5, window_bounds = array<i64: 1, 8192>}, {transform_indices = @transform_6, window_bounds = array<i64: 1, 1>}]} {
    %eq3A = arith.constant 0 : i32
    %eq3A_0 = arith.cmpi eq, %arg0, %eq3A : i32
    %convert_element_type3A = arith.extui %eq3A_0 : i1 to i32
    %cond3A = arith.constant 0 : i32
    %cond3A_1 = arith.cmpi ne, %convert_element_type3A, %cond3A : i32
    scf.if %cond3A_1 {
      %get3A_50 = arith.constant 0 : index
      %get3A_51 = arith.constant 0 : index
      %get3A_52 = vector.load %arg3[%get3A_50, %get3A_51] : memref<8192x256xf32, #tpu.memory_space<vmem>>, vector<8192x256xf32>
      %mul3A_53 = arith.mulf %get3A_52, %get3A_52 : vector<8192x256xf32>
      %reduce_sum3A_54 = arith.constant dense<0.000000e+00> : vector<8192xf32>
      %reduce_sum3A_55 = vector.multi_reduction <add>, %mul3A_53, %reduce_sum3A_54 [1] : vector<8192x256xf32> to vector<8192xf32>
      %broadcast_in_dim3A_56 = vector.shape_cast %reduce_sum3A_55 : vector<8192xf32> to vector<1x8192xf32>
      %swap3A_57 = arith.constant 0 : index
      %swap3A_58 = arith.constant 0 : index
      %swap3A_59 = vector.load %arg8[%swap3A_57, %swap3A_58] : memref<1x8192xf32, #tpu.memory_space<vmem>>, vector<1x8192xf32>
      tpu.vector_store %arg8[%swap3A_57, %swap3A_58], %broadcast_in_dim3A_56 {strides = array<i32>} : memref<1x8192xf32, #tpu.memory_space<vmem>>, vector<1x8192xf32>,
      %swap3A_60 = arith.constant 0.000000e+00 : f32
      %swap3A_61 = arith.constant 0 : index
      %swap3A_62 = arith.constant 0 : index
      %swap3A_63 = memref.load %arg7[%swap3A_61, %swap3A_62] : memref<1x1xf32, #tpu.memory_space<smem>>
      memref.store %swap3A_60, %arg7[%swap3A_61, %swap3A_62] : memref<1x1xf32, #tpu.memory_space<smem>>
    } else {
    }
    %get3A = arith.constant 0 : index
    %get3A_2 = arith.constant 0 : index
    %get3A_3 = vector.load %arg8[%get3A, %get3A_2] : memref<1x8192xf32, #tpu.memory_space<vmem>>, vector<1x8192xf32>
    %swap3A = arith.constant 0 : index
    %swap3A_4 = arith.constant 0 : index
    %swap3A_5 = vector.load %arg6[%swap3A, %swap3A_4] : memref<1x8192xf32, #tpu.memory_space<vmem>>, vector<1x8192xf32>
    tpu.vector_store %arg6[%swap3A, %swap3A_4], %get3A_3 {strides = array<i32>} : memref<1x8192xf32, #tpu.memory_space<vmem>>, vector<1x8192xf32>,
    %get3A_6 = arith.constant 0 : index
    %get3A_7 = arith.constant 0 : index
    %get3A_8 = vector.load %arg1[%get3A_6, %get3A_7] : memref<512x256xf32, #tpu.memory_space<vmem>>, vector<512x256xf32>
    %get3A_9 = arith.constant 0 : index
    %get3A_10 = arith.constant 0 : index
    %get3A_11 = vector.load %arg2[%get3A_9, %get3A_10] : memref<512x256xf32, #tpu.memory_space<vmem>>, vector<512x256xf32>
    %get3A_12 = arith.constant 0 : index
    %get3A_13 = arith.constant 0 : index
    %get3A_14 = vector.load %arg3[%get3A_12, %get3A_13] : memref<8192x256xf32, #tpu.memory_space<vmem>>, vector<8192x256xf32>
    %add3A = arith.addf %get3A_8, %get3A_11 : vector<512x256xf32>
    %swap3A_15 = arith.constant 0 : index
    %swap3A_16 = arith.constant 0 : index
    %swap3A_17 = vector.load %arg5[%swap3A_15, %swap3A_16] : memref<512x256xf32, #tpu.memory_space<vmem>>, vector<512x256xf32>
    tpu.vector_store %arg5[%swap3A_15, %swap3A_16], %add3A {strides = array<i32>} : memref<512x256xf32, #tpu.memory_space<vmem>>, vector<512x256xf32>,
    %mul3A = arith.mulf %get3A_8, %get3A_8 : vector<512x256xf32>
    %reduce_sum3A = arith.constant dense<0.000000e+00> : vector<512xf32>
    %reduce_sum3A_18 = vector.multi_reduction <add>, %mul3A, %reduce_sum3A [1] : vector<512x256xf32> to vector<512xf32>
    %broadcast_in_dim3A = vector.shape_cast %reduce_sum3A_18 : vector<512xf32> to vector<512x1xf32>
    %get3A_19 = arith.constant 0 : index
    %get3A_20 = arith.constant 0 : index
    %get3A_21 = memref.load %arg7[%get3A_19, %get3A_20] : memref<1x1xf32, #tpu.memory_space<smem>>
    %reduce_sum3A_22 = vector.shape_cast %broadcast_in_dim3A : vector<512x1xf32> to vector<1x512x1xf32>
    %reduce_sum3A_23 = arith.constant dense<0.000000e+00> : vector<1xf32>
    %reduce_sum3A_24 = vector.multi_reduction <add>, %reduce_sum3A_22, %reduce_sum3A_23 [1, 2] : vector<1x512x1xf32> to vector<1xf32>
    %reduce_sum3A_25 = vector.shape_cast %reduce_sum3A_24 : vector<1xf32> to vector<1x1x1xf32>
    %reduce_sum3A_26 = vector.extract %reduce_sum3A_25[0, 0, 0] : f32 from vector<1x1x1xf32>
    %mul3A_27 = arith.mulf %get3A_11, %get3A_11 : vector<512x256xf32>
    %reduce_sum3A_28 = vector.shape_cast %mul3A_27 : vector<512x256xf32> to vector<1x512x256xf32>
    %reduce_sum3A_29 = arith.constant dense<0.000000e+00> : vector<1xf32>
    %reduce_sum3A_30 = vector.multi_reduction <add>, %reduce_sum3A_28, %reduce_sum3A_29 [1, 2] : vector<1x512x256xf32> to vector<1xf32>
    %reduce_sum3A_31 = vector.shape_cast %reduce_sum3A_30 : vector<1xf32> to vector<1x1x1xf32>
    %reduce_sum3A_32 = vector.extract %reduce_sum3A_31[0, 0, 0] : f32 from vector<1x1x1xf32>
    %add3A_33 = arith.addf %reduce_sum3A_26, %reduce_sum3A_32 : f32
    %add3A_34 = arith.addf %get3A_21, %add3A_33 : f32
    %swap3A_35 = arith.constant 0 : index
    %swap3A_36 = arith.constant 0 : index
    %swap3A_37 = memref.load %arg7[%swap3A_35, %swap3A_36] : memref<1x1xf32, #tpu.memory_space<smem>>
    memref.store %add3A_34, %arg7[%swap3A_35, %swap3A_36] : memref<1x1xf32, #tpu.memory_space<smem>>
    %dot_general3A = arith.constant dense<0.000000e+00> : vector<512x8192xf32>
    %dot_general3A_38 = tpu.matmul %get3A_8, %get3A_14, %dot_general3A {dimension_numbers = #tpu.dot_dimension_numbers<[1], [1], [0], [0], [0, 0, 1, 0], [], []>, transpose_lhs_hint = false} : vector<512x256xf32>, vector<8192x256xf32>, vector<512x8192xf32> -> vector<512x8192xf32>
    %get3A_39 = arith.constant 0 : index
    %get3A_40 = arith.constant 0 : index
    %get3A_41 = vector.load %arg8[%get3A_39, %get3A_40] : memref<1x8192xf32, #tpu.memory_space<vmem>>, vector<1x8192xf32>
    %add3A_42 = vector.broadcast %broadcast_in_dim3A : vector<512x1xf32> to vector<512x8192xf32>
    %add3A_43 = vector.broadcast %get3A_41 : vector<1x8192xf32> to vector<512x8192xf32>
    %add3A_44 = arith.addf %add3A_42, %add3A_43 : vector<512x8192xf32>
    %mul3A_45 = arith.constant 2.000000e+00 : f32
    %mul3A_46 = vector.broadcast %mul3A_45 : f32 to vector<512x8192xf32>
    %mul3A_47 = arith.mulf %mul3A_46, %dot_general3A_38 : vector<512x8192xf32>
    %sub3A = arith.subf %add3A_44, %mul3A_47 : vector<512x8192xf32>
    %argmin3A = tpu.reduce_index %sub3A {axis = 1 : i32, kind = #tpu.reduction_kind<arg_min>} : vector<512x8192xf32> -> vector<512xi32>
    %swap3A_48 = arith.constant 0 : index
    %swap3A_49 = vector.load %arg4[%swap3A_48] : memref<512xi32, #tpu.memory_space<vmem>>, vector<512xi32>
    tpu.vector_store %arg4[%swap3A_48], %argmin3A {strides = array<i32>} : memref<512xi32, #tpu.memory_space<vmem>>, vector<512xi32>,
    return
  }
  func.func @transform_0(%arg0: i32) -> (i32, i32) {
    %c0_i32 = arith.constant 0 : i32
    %c0_i32_0 = arith.constant 0 : i32
    return %arg0, %c0_i32 : i32, i32
  }
  func.func @transform_1(%arg0: i32) -> (i32, i32) {
    %c0_i32 = arith.constant 0 : i32
    %c0_i32_0 = arith.constant 0 : i32
    return %arg0, %c0_i32 : i32, i32
  }
  func.func @transform_2(%arg0: i32) -> (i32, i32) {
    %c0_i32 = arith.constant 0 : i32
    %c0_i32_0 = arith.constant 0 : i32
    %c0_i32_1 = arith.constant 0 : i32
    return %c0_i32, %c0_i32_0 : i32, i32
  }
  func.func @transform_3(%arg0: i32) -> i32 {
    %c0_i32 = arith.constant 0 : i32
    return %arg0 : i32
  }
  func.func @transform_4(%arg0: i32) -> (i32, i32) {
    %c0_i32 = arith.constant 0 : i32
    %c0_i32_0 = arith.constant 0 : i32
    return %arg0, %c0_i32 : i32, i32
  }
  func.func @transform_5(%arg0: i32) -> (i32, i32) {
    %c0_i32 = arith.constant 0 : i32
    %c0_i32_0 = arith.constant 0 : i32
    %c0_i32_1 = arith.constant 0 : i32
    return %c0_i32, %c0_i32_0 : i32, i32
  }
  func.func @transform_6(%arg0: i32) -> (i32, i32) {
    %c0_i32 = arith.constant 0 : i32
    %c0_i32_0 = arith.constant 0 : i32
    %c0_i32_1 = arith.constant 0 : i32
    return %c0_i32, %c0_i32_0 : i32, i32
  }
}

</mosaic_0001>

<sc_bundles>
// kernel: kernel.4.cloned.1.call-start
scs
__scs_entry_jumppad:
0x0: {  	(pc) =	sbr.rel $0x88, $3  }
0x1: {  	(tag) =	ssettag $0x0;
	lr =	simm.s32 $0x1  }
0x2: {  	[smem:$0x3F9E] =	sst lr;
	_ =	strace $0xD0000000  }
0x3: {  	_ = 	snop  }
0x4: {  	_ = 	snop  }
0x5: {  	_ = 	snop  }
0x6: {  	_ = 	snop  }
0x7: {  	_ = 	snop  }
__scs_overlays_trampoline_lowered:
0x8: {  	[smem:$0x3FAD] =	sst s0  }
0x9: {  	[smem:$0x3FAE] =	sst s1  }
0xa: {  	[smem:$0x3FAF] =	sst s2  }
0xb: {  	[smem:$0x3FB0] =	sst s3  }
0xc: {  	[smem:$0x3FB1] =	sst s4  }
0xd: {  	[smem:$0x3FB2] =	sst s5  }
0xe: {  	[smem:$0x3FB3] =	sst s6  }
0xf: {  	[smem:$0x3FB4] =	sst s7  }
0x10: {  	[smem:$0x3FB5] =	sst s8  }
0x11: {  	[smem:$0x3FB6] =	sst s9;
	s0 =	simm.s32 @!p0 $0x0  }
0x12: {  	s1 =	sld [smem:$0x3F9C];
	s0 =	simm.s32 @p0 $0x1  }
0x13: {  	[smem:$0x3FB7] =	sst s0;
	s0 =	simm.s32 @!p1 $0x0  }
0x14: {  	s2 =	sld [smem:$0x3F9B];
	s0 =	simm.s32 @p1 $0x1  }
0x15: {  	[smem:$0x3FB8] =	sst s0;
	s0 =	simm.s32 @!p2 $0x0  }
0x16: {  	s3 =	sld [smem:$0x3FDB];
	s0 =	simm.s32 @p2 $0x1  }
0x17: {  	s4 =	simm.s32 $0x1BF5;
	[smem:$0x3FBA] =	sst s0  }
0x18: {  	s0 =	sld [smem:$0x3F9D];
	_ =	swait.ge [sflag:s4], $0x0  }
0x19: {  	s7 =	sld [smem:$0x3F9E]  }
0x1a: {  	s8 =	sadd.s32 $0xFFFFE003, lr  }
0x1b: {  	s9 =	sadd.s32 $0xFFFFFEF7, lr;
	s5 =	simm.s32 $0xFFFFFFFF;
	p2 =	slt.u32 s8, $0xFFFFF086  }
0x1c: {  	p1 =	slt.u32 s9, $0xF7A;
	s5 =	simm.s32 @!p2 $0x0  }
0x1d: {  	s5 =	simm.s32 @p1 $0x1;
	p0 =	seq.s32 s7, s2  }
0x1e: {  	s7 =	smul.u32 @!p0 $0xF7A, s2;
	p2 =	seq.s32 @!p0 s5, $0x0  }
0x1f: {  	s9 =	smul.u32 $0xF7A, s1;
	s8 =	simm.s32 @!p0 $0x1BF5;
	p2 =	por !p2, p0  }
0x20: {  	[sflag:s8] =	ssyncset.s32 @!p0 $0xFFFFF086;
	s6 =	sadd.s32 @!p0 s3, s7;
	s7 =	simm.s32 @!p0 $0x108  }
0x21: {  	s3 =	sadd.s32 s3, s9;
	s6 =	sadd.s32 @!p0 $0x88, s6;
	s7 =	simm.s32 @p2 $0x1082  }
0x22: {  	[simem:s7], [sflag:s8] =	dma.local @!p0 [hbm:s6], $0xF7A  }
0x23: {  	s9 =	sor.u32 $0xD0000000, s2;
	s6 =	simm.s32 $0x108;
	_ =	swait.ge @!p0 [sflag:s8], $0x0  }
0x24: {  	s3 =	sadd.s32 $0x88, s3;
	s6 =	simm.s32 @!p1 $0x1082;
	[sflag:s4] =	ssyncset.s32 $0xFFFFF086  }
0x25: {  	[simem:s6], [sflag:s4] =	dma.local [hbm:s3], $0xF7A  }
0x26: {  	[smem:$0x3F9E] =	sst s1;
	(tag) =	ssettag s2;
	_ =	strace s9  }
0x27: {  	s1 =	sld [smem:$0x3FAE]  }
0x28: {  	s2 =	sld [smem:$0x3FAF]  }
0x29: {  	s4 =	sld [smem:$0x3FB1]  }
0x2a: {  	p0 =	seq.s32 s5, $0x0;
	s5 =	sld [smem:$0x3FB2]  }
0x2b: {  	s6 =	sld [smem:$0x3FB3]  }
0x2c: {  	s7 =	sld [smem:$0x3FB4]  }
0x2d: {  	s3 =	simm.s32 $0x108;
	s8 =	sld [smem:$0x3FB5]  }
0x2e: {  	s3 =	simm.s32 @!p0 $0x1082;
	s9 =	sld [smem:$0x3FB6]  }
0x2f: {  	lr =	sadd.s32 s0, s3;
	s0 =	sld [smem:$0x3FAD]  }
0x30: {  	s3 =	sld [smem:$0x3FB0]  }
0x31: {  	[smem:$0x3FB9] =	sst s10  }
0x32: {  	s10 =	sld [smem:$0x3FB7];
	_ =	sdelay $0x3  }
0x33: {  	p0 =	seq.s32 s10, $0x1;
	s10 =	sld [smem:$0x3FB9];
	_ =	sdelay $0x3  }
0x34: {  	[smem:$0x3FB9] =	sst s10  }
0x35: {  	s10 =	sld [smem:$0x3FB8];
	_ =	sdelay $0x3  }
0x36: {  	p1 =	seq.s32 s10, $0x1;
	s10 =	sld [smem:$0x3FB9];
	_ =	sdelay $0x3  }
0x37: {  	[smem:$0x3FB9] =	sst s10  }
0x38: {  	s10 =	sld [smem:$0x3FBA]  }
0x39: {  	_ = 	snop;
	(pc) =	sbr.ind lr, $3  }
0x3a: {  	_ = 	snop  }
0x3b: {  	_ = 	snop  }
0x3c: {  	p2 =	seq.s32 s10, $0x1;
	s10 =	sld [smem:$0x3FB9]  }
0x3d: {  	_ =	shalt  }
0x3e: {  	_ =	shalt  }
0x3f: {  	_ =	shalt  }
0x40: {  	_ =	shalt  }
0x41: {  	_ =	shalt  }
0x42: {  	_ =	shalt  }
0x43: {  	_ =	shalt  }
0x44: {  	_ =	shalt  }
0x45: {  	_ =	shalt  }
0x46: {  	_ =	shalt  }
0x47: {  	_ =	shalt  }
0x48: {  	_ =	shalt  }
0x49: {  	_ =	shalt  }
0x4a: {  	_ =	shalt  }
0x4b: {  	_ =	shalt  }
0x4c: {  	_ =	shalt  }
0x4d: {  	_ =	shalt  }
0x4e: {  	_ =	shalt  }
0x4f: {  	_ =	shalt  }
0x50: {  	_ =	shalt  }
0x51: {  	_ =	shalt  }
0x52: {  	_ =	shalt  }
0x53: {  	_ =	shalt  }
0x54: {  	_ =	shalt  }
0x55: {  	_ =	shalt  }
0x56: {  	_ =	shalt  }
0x57: {  	_ =	shalt  }
0x58: {  	_ =	shalt  }
0x59: {  	_ =	shalt  }
0x5a: {  	_ =	shalt  }
0x5b: {  	_ =	shalt  }
0x5c: {  	_ =	shalt  }
0x5d: {  	_ =	shalt  }
0x5e: {  	_ =	shalt  }
0x5f: {  	_ =	shalt  }
0x60: {  	_ =	shalt  }
0x61: {  	_ =	shalt  }
0x62: {  	_ =	shalt  }
0x63: {  	_ =	shalt  }
0x64: {  	_ =	shalt  }
0x65: {  	_ =	shalt  }
0x66: {  	_ =	shalt  }
0x67: {  	_ =	shalt  }
0x68: {  	_ =	shalt  }
0x69: {  	_ =	shalt  }
0x6a: {  	_ =	shalt  }
0x6b: {  	_ =	shalt  }
0x6c: {  	_ =	shalt  }
0x6d: {  	_ =	shalt  }
0x6e: {  	_ =	shalt  }
0x6f: {  	_ =	shalt  }
0x70: {  	_ =	shalt  }
0x71: {  	_ =	shalt  }
0x72: {  	_ =	shalt  }
0x73: {  	_ =	shalt  }
0x74: {  	_ =	shalt  }
0x75: {  	_ =	shalt  }
0x76: {  	_ =	shalt  }
0x77: {  	_ =	shalt  }
0x78: {  	_ =	shalt  }
0x79: {  	_ =	shalt  }
0x7a: {  	_ =	shalt  }
0x7b: {  	_ =	shalt  }
0x7c: {  	_ =	shalt  }
0x7d: {  	_ =	shalt  }
0x7e: {  	_ =	shalt  }
0x7f: {  	_ =	shalt  }
0x80: {  	_ =	shalt  }
0x81: {  	_ =	shalt  }
0x82: {  	_ =	shalt  }
0x83: {  	_ =	shalt  }
0x84: {  	_ =	shalt  }
0x85: {  	_ =	shalt  }
0x86: {  	_ =	shalt  }
0x87: {  	_ =	shalt  }
.Lfunc_end0:
.L_simem_size_0:
called_computation_lowered:
.L_overlay_start_0:
0x88: {  	s2 =	sld [smem:$0x3FD9]  }
0x89: {  	s3 =	sld [smem:$0x3FFE];
	_ =	sdelay $0x1  }
0x8a: {  	s1 =	srdreg.scid  }
0x8b: {  	s0 =	sand.u32 $0x1, s1  }
0x8c: {  	s14 =	sshll.u32 s0, $0xA;
	s2 =	sadd.s32 s3, s2  }
0x8d: {  	s2 =	sadd.s32 s2, s14  }
0x8e: {  	[smem:$0x3FC5] =	sst s2  }
0x8f: {  	_ = 	snop  }
0x90: {  	s2 =	sld [smem:$0x3FD0];
	_ =	sdelay $0x2  }
0x91: {  	s4 =	simm.s32 $0xA;
	s5 =	simm.s32 $0x10;
	s15 =	sld [smem:$0x3FC7]  }
0x92: {  	[smem:s5], [sflag:s4] =	dma.local [hbm:s2], $0x1  }
0x93: {  	_ =	swait.eq [sflag:s4], $0x1  }
0x94: {  	[sflag:s4] =	ssyncset.done $0x0  }
0x95: {  	[sflag:s4] =	ssyncadd.s32 $0xFFFFFFFF  }
0x96: {  	s16 =	sld [smem:$0x10];
	(tm) =	ssettm $0x1  }
0x97: {  	s17 =	sld [smem:$0x3FFB];
	_ =	sdelay $0x3  }
0x98: {  	_ =	strace s17  }
0x99: {  	s4 =	sld [smem:$0x3FFC];
	_ =	sdelay $0x3  }
0x9a: {  	_ =	strace s4  }
0x9b: {  	s4 =	sld [smem:$0x3FFD];
	_ =	sdelay $0x3  }
0x9c: {  	_ =	strace s4  }
0x9d: {  	_ =	strace $0x8FFFFFFF  }
0x9e: {  	s18 =	sld [smem:$0x3FDB];
	_ =	sdelay $0x1  }
0x9f: {  	s19 =	simm.s32 $_scs_section_size  }
0xa0: {  	s6 =	simm.s32 $_size__tile_overlayer_lowered;
	s7 =	simm.s32 $_tile_overlayer_lowered  }
0xa1: {  	s22 =	simm.s32 $0x1BFF;
	s21 =	sshll.u32 s7, $0x1;
	s4 =	sadd.s32 s19, s18  }
0xa2: {  	s8 =	simm.s32 $0x0;
	s20 =	sshll.u32 s6, $0x1;
	s6 =	sadd.s32 s21, s4  }
0xa3: {  	[timem:s8], [sflag:s22] =	dma.local [hbm:s6], s20  }
0xa4: {  	_ =	swait.ge [sflag:s22], s20  }
0xa5: {  	s5 =	ssub.s32 $0x0, s20;
	[sflag:s22] =	ssyncset.done $0x0  }
0xa6: {  	[sflag:s22] =	ssyncadd.s32 s5;
	_ =	sdelay $0x1  }
0xa7: {  	s23 =	simm.s32 $0x1B8B  }
0xa8: {  	_ =	swait.ge [sflag:s23], $0x1  }
0xa9: {  	[sflag:s23] =	ssyncset.done $0x0  }
0xaa: {  	s25 =	simm.s32 $0x1B8E;
	s24 =	sld [smem:$0x3FFE];
	[sflag:s23] =	ssyncadd.s32 $0xFFFFFFFF  }
0xab: {  	s26 =	simm.s32 $execute0_lowered;
	[smem:$0x3FD2] =	sst s25  }
0xac: {  	s6 =	sshll.u32 s26, $0x1;
	_ =	strace $0x80000046;
	[dreg:$0x1] =	wrdreg $0xFFFFFFFF  }
0xad: {  	s28 =	simm.s32 $_size_execute0_lowered;
	s4 =	sadd.s32 s4, s6;
	[dreg:$0x0] =	wrdreg $0x0  }
0xae: {  	s6 =	sshll.u32 s28, $0x1;
	[dreg:$0x2] =	wrdreg s4  }
0xaf: {  	[dreg:$0x3] =	wrdreg s6  }
0xb0: {  	[dreg:$0x4] =	wrdreg $0xC0  }
0xb1: {  	_ =	task [dreg:s8], $0x5FFFF  }
0xb2: {  	[dreg:$0x1] =	wrdreg $0xFFFFFFFF  }
0xb3: {  	[dreg:$0x0] =	wrdreg $0x60  }
0xb4: {  	[dreg:$0x2] =	wrdreg s15  }
0xb5: {  	[dreg:$0x3] =	wrdreg s24  }
0xb6: {  	[dreg:$0x4] =	wrdreg s16  }
0xb7: {  	[dreg:$0x5] =	wrdreg $0x9  }
0xb8: {  	_ =	task.clear_ibuf [dreg:s8], $0x6FFFF;
	_ =	strace $0x90000046  }
0xb9: {  	s29 =	simm.s32 $0x9;
	_ =	strace $0x80000048  }
0xba: {  	_ =	swait.ge [sflag:s29], $0x1  }
0xbb: {  	[sflag:s29] =	ssyncadd.s32 $0xFFFFFFFF  }
0xbc: {  	_ =	strace $0x90000048  }
0xbd: {  	_ =	sfence  }
0xbe: {  	s30 =	sld [smem:$0x0];
	_ =	sdelay $0x2  }
0xbf: {  	s31 =	sshll.u32 s1, $0xD;
	s1 =	sshrl.u32 s1, $0x2  }
0xc0: {  	s3 =	sand.u32 $0x4000, s31;
	s1 =	sadd.s32 s1, s30  }
0xc1: {  	s0 =	sor.u32 s3, s0;
	s1 =	sshll.u32 s1, $0x11  }
0xc2: {  	s0 =	sor.u32 s1, s0  }
0xc3: {  	s0 =	sadd.s32 $0x8F2B, s0  }
0xc4: {  	[sflag:s0] =	ssyncadd.remote.s32 $0x1  }
0xc5: {  	_ =	sfence.sel $0xFFFF  }
0xc6: {  	[dreg:$0x0] =	wrdreg $0xFFFFFFFF;
	(pc) =	sbr.abs _section_cstart, $3  }
0xc7: {  	[dreg:$0x1] =	wrdreg $0xFFFFFFFF  }
0xc8: {  	_ =	task.clear_ibuf [dreg:s8], $0x2FFFF;
	_ =	strace $0x9FFFFFFF  }
0xc9: {  	(tm) =	ssettm $0x7FFFFFFF  }
tec
execute0_lowered:
.L_overlay_start_1:
0x0: {  	(tag) =	ssettag $0x1  }
0x1: {  	s1 =	rddreg [dreg:$0x0]  }
0x2: {  	s0 =	rddreg [dreg:$0x1];
	s2 =	srdreg.scid  }
0x3: {  	s3 =	stileid.u32;
	s4 =	rddreg [dreg:$0x2];
	s31 =	simm.s32 $0x2400  }
0x4: {  	s11 =	simm.s32 $0x7400;
	s12 =	simm.s32 $0x7C00;
	s13 =	simm.s32 $0xC400  }
0x5: {  	s14 =	simm.s32 $0x2;
	s2 =	sand.u32 $0x1, s2;
	s5 =	sshll.u32 s3, $0x1  }
0x6: {  	s3 =	simm.s32 $0x0;
	s7 =	sadd.s32 $0x800, s0;
	s8 =	sadd.s32 $0x81000, s0  }
0x7: {  	s5 =	sor.u32 s2, s5;
	[smem:$0x7FF] =	sst s3;
	s2 =	ssub.s32 $0x2, s2  }
0x8: {  	s6 =	sshll.u32 s5, $0x6;
	_ =	strace $0x80000047;
	[dreg:$0x4] =	wrdreg s8  }
0x9: {  	s15 =	sshll.u32 s5, $0x5;
	s9 =	sshrl.u32 s2, $0x1;
	s5 =	sshll.u32 s5, $0xE  }
0xa: {  	s6 =	sadd.s32 s6, s0;
	s0 =	sadd.s32 s15, s0;
	s2 =	ssub.s32 s2, s9  }
0xb: {  	s16 =	sor.u32 $0x800, s5;
	s17 =	sadd.s32 s7, s5;
	s19 =	sadd.s32 s4, s5  }
0xc: {  	s20 =	sor.u32 $0x1000, s5;
	s21 =	sor.u32 $0x1800, s5;
	[dreg:$0x6] =	wrdreg s17  }
0xd: {  	s23 =	sor.u32 $0x2000, s5;
	s6 =	sadd.s32 $0x80800, s6;
	[dreg:$0x8] =	wrdreg s19  }
0xe: {  	s24 =	sor.u32 $0x2800, s5;
	s18 =	sadd.s32 s7, s16;
	[dreg:$0x5] =	wrdreg s6  }
0xf: {  	s28 =	sor.u32 $0x3000, s5;
	s10 =	sadd.s32 s7, s20;
	[dreg:$0x7] =	wrdreg s18  }
0x10: {  	s5 =	sor.u32 $0x3800, s5;
	s8 =	sadd.s32 s4, s16;
	[dreg:$0x9] =	wrdreg s10  }
0x11: {  	s15 =	simm.s32 $0x4;
	s22 =	sadd.s32 s7, s21;
	[dreg:$0xa] =	wrdreg s8  }
0x12: {  	s25 =	sadd.s32 s7, s23;
	s9 =	sadd.s32 s4, s21;
	[dreg:$0xb] =	wrdreg s22  }
0x13: {  	s26 =	sadd.s32 s7, s24;
	s29 =	sadd.s32 s7, s28;
	[dreg:$0xd] =	wrdreg s25  }
0x14: {  	s7 =	sadd.s32 s7, s5;
	s0 =	sadd.s32 $0x81400, s0;
	[dreg:$0xe] =	wrdreg s9  }
0x15: {  	s30 =	smax.u32 s2, $0x1;
	s2 =	simm.s32 $0x2C00;
	[dreg:$0xf] =	wrdreg s26  }
0x16: {  	s16 =	simm.s32 $0x6;
	s17 =	simm.s32 $0x3;
	[dreg:$0x11] =	wrdreg s29  }
0x17: {  	s19 =	simm.s32 $0x7;
	s21 =	simm.s32 $0x0;
	[dreg:$0x13] =	wrdreg s7  }
0x18: {  	s6 =	sadd.s32 s4, s20;
	s8 =	sadd.s32 s4, s24;
	[dreg:$0x16] =	wrdreg s0  }
0x19: {  	[dreg:$0x17] =	wrdreg s30;
	s24 =	simm.s32 $0x8;
	s26 =	simm.s32 $0x400  }
0x1a: {  	s0 =	simm.s32 $0x3400;
	s25 =	simm.s32 $0x3C00;
	s7 =	simm.s32 $0x5400  }
0x1b: {  	s9 =	simm.s32 $0x6400;
	s10 =	simm.s32 $0x6C00;
	[dreg:$0xc] =	wrdreg s6  }
0x1c: {  	s18 =	simm.s32 $0x5;
	s6 =	sadd.s32 s4, s23;
	[dreg:$0x12] =	wrdreg s8  }
0x1d: {  	v2 =	vlaneseq.u32;
	s8 =	simm.s32 $0x5C00;
	[dreg:$0x10] =	wrdreg s6;
	s6 =	sadd.s32 s4, s28  }
0x1e: {  	vm0 =	vmmov $0xffff;
	v1 =	vshrl.u32 v2, $0x3;
	s4 =	sadd.s32 s4, s5;
	s5 =	simm.s32 $0x4400;
	[dreg:$0x14] =	wrdreg s6  }
0x1f: {  	v0 =	vand.u32 $0x7, v2;
	v2 =	vor.u32 $0x8, v2;
	v1 =	vmul.u32 $0x8, v1;
	[dreg:$0x15] =	wrdreg s4;
	s4 =	simm.s32 $0x8400;
	s6 =	simm.s32 $0x4C00  }
.LBB2_1:
0x20: {  	s20 =	rddreg [dreg:$0x5]  }
0x21: {  	[tilespmem:s3], [sflag:$0x8] =	stream.linear.gather [hbm4b:s20+s3], $0x200, $0x38;
	[tilespmem:$0x10500] =	vst v63  }
0x22: {  	_ =	swait.ge [sflag:s24], $0x200  }
0x23: {  	[sflag:s24] =	ssyncset.done $0x0  }
0x24: {  	s22 =	simm.s32 $0x200;
	s28 =	rddreg [dreg:$0x4];
	[sflag:s24] =	ssyncadd.s32 $0xFFFFFE00  }
0x25: {  	[tilespmem:s22], [sflag:$0x1] =	stream.indirect.gather [hbm4b:s28+s22], $0x1, s3, s22, $0xb8;
	[tilespmem:$0x10500] =	vst v63  }
0x26: {  	v3 =	vld [tilespmem:$0x0];
	_ =	sdelay $0x4  }
0x27: {  	v4 =	vshll.u32 v3, $0x1  }
0x28: {  	v3 =	vand.u32 $0x7, v3;
	v4 =	vand.u32 $0xFFFFFFF0, v4  }
0x29: {  	v3 =	vor.u32 v3, v4  }
0x2a: {  	v4 =	vperm.xlane v3, v0;
	_ =	sdelay $0x1  }
0x2b: {  	v3 =	vperm.xlane v3, v2;
	v4 =	vadd.s32 v1, v4;
	_ =	sdelay $0x1  }
0x2c: {  	v3 =	vadd.s32 v1, v3;
	_ =	sdelay $0x2  }
0x2d: {  	[tilespmem:s26], [sflag:$0x2] =	stream.indirect_vreg.gather [hbm4b:s1+s3], $0x80, v4, vm0, $0xb8;
	[tilespmem:$0x10500] =	vst v63  }
0x2e: {  	s29 =	simm.s32 $0xC00  }
0x2f: {  	[tilespmem:s29], [sflag:$0x2] =	stream.indirect_vreg.gather [hbm4b:s1+s3], $0x80, v3, vm0, $0xb8;
	[tilespmem:$0x10500] =	vst v63  }
0x30: {  	v3 =	vld [tilespmem:$0x10];
	_ =	sdelay $0x4  }
0x31: {  	v4 =	vshll.u32 v3, $0x1  }
0x32: {  	v3 =	vand.u32 $0x7, v3;
	v4 =	vand.u32 $0xFFFFFFF0, v4  }
0x33: {  	v3 =	vor.u32 v3, v4  }
0x34: {  	v4 =	vperm.xlane v3, v0;
	_ =	sdelay $0x1  }
0x35: {  	v3 =	vperm.xlane v3, v2;
	v4 =	vadd.s32 v1, v4;
	_ =	sdelay $0x1  }
0x36: {  	v3 =	vadd.s32 v1, v3;
	_ =	sdelay $0x1  }
0x37: {  	s30 =	simm.s32 $0x1400  }
0x38: {  	[tilespmem:s30], [sflag:$0x2] =	stream.indirect_vreg.gather [hbm4b:s1+s3], $0x80, v4, vm0, $0xb8;
	[tilespmem:$0x10500] =	vst v63  }
0x39: {  	s22 =	simm.s32 $0x1C00  }
0x3a: {  	[tilespmem:s22], [sflag:$0x2] =	stream.indirect_vreg.gather [hbm4b:s1+s3], $0x80, v3, vm0, $0xb8;
	[tilespmem:$0x10500] =	vst v63  }
0x3b: {  	v3 =	vld [tilespmem:$0x20];
	_ =	sdelay $0x4  }
0x3c: {  	v4 =	vshll.u32 v3, $0x1  }
0x3d: {  	v3 =	vand.u32 $0x7, v3;
	v4 =	vand.u32 $0xFFFFFFF0, v4  }
0x3e: {  	v3 =	vor.u32 v3, v4  }
0x3f: {  	v4 =	vperm.xlane v3, v0;
	_ =	sdelay $0x1  }
0x40: {  	v3 =	vperm.xlane v3, v2;
	v4 =	vadd.s32 v1, v4;
	_ =	sdelay $0x1  }
0x41: {  	v3 =	vadd.s32 v1, v3;
	_ =	sdelay $0x2  }
0x42: {  	[tilespmem:s31], [sflag:$0x2] =	stream.indirect_vreg.gather [hbm4b:s1+s3], $0x80, v4, vm0, $0xb8;
	[tilespmem:$0x10500] =	vst v63  }
0x43: {  	_ = 	snop  }
0x44: {  	[tilespmem:s2], [sflag:$0x2] =	stream.indirect_vreg.gather [hbm4b:s1+s3], $0x80, v3, vm0, $0xb8;
	[tilespmem:$0x10500] =	vst v63  }
0x45: {  	v3 =	vld [tilespmem:$0x30];
	_ =	sdelay $0x4  }
0x46: {  	v4 =	vshll.u32 v3, $0x1  }
0x47: {  	v3 =	vand.u32 $0x7, v3;
	v4 =	vand.u32 $0xFFFFFFF0, v4  }
0x48: {  	v3 =	vor.u32 v3, v4  }
0x49: {  	v4 =	vperm.xlane v3, v0;
	_ =	sdelay $0x1  }
0x4a: {  	v3 =	vperm.xlane v3, v2;
	v4 =	vadd.s32 v1, v4;
	_ =	sdelay $0x1  }
0x4b: {  	v3 =	vadd.s32 v1, v3;
	_ =	sdelay $0x2  }
0x4c: {  	[tilespmem:s0], [sflag:$0x2] =	stream.indirect_vreg.gather [hbm4b:s1+s3], $0x80, v4, vm0, $0xb8;
	[tilespmem:$0x10500] =	vst v63  }
0x4d: {  	_ = 	snop  }
0x4e: {  	[tilespmem:s25], [sflag:$0x2] =	stream.indirect_vreg.gather [hbm4b:s1+s3], $0x80, v3, vm0, $0xb8;
	[tilespmem:$0x10500] =	vst v63  }
0x4f: {  	s23 =	rddreg [dreg:$0x6]  }
0x50: {  	[tilespmem:s4], [sflag:$0x4] =	stream.linear.gather [hbm4b:s23+s3], $0x4000, $0x38;
	[tilespmem:$0x10500] =	vst v63  }
0x51: {  	v3 =	vld [tilespmem:$0x40];
	_ =	sdelay $0x4  }
0x52: {  	v4 =	vshll.u32 v3, $0x1  }
0x53: {  	v3 =	vand.u32 $0x7, v3;
	v4 =	vand.u32 $0xFFFFFFF0, v4  }
0x54: {  	v3 =	vor.u32 v3, v4  }
0x55: {  	v4 =	vperm.xlane v3, v0;
	_ =	sdelay $0x1  }
0x56: {  	v3 =	vperm.xlane v3, v2;
	v4 =	vadd.s32 v1, v4;
	_ =	sdelay $0x1  }
0x57: {  	v3 =	vadd.s32 v1, v3;
	_ =	sdelay $0x2  }
0x58: {  	[tilespmem:s5], [sflag:$0x3] =	stream.indirect_vreg.gather [hbm4b:s1+s3], $0x80, v4, vm0, $0xb8;
	[tilespmem:$0x10500] =	vst v63  }
0x59: {  	_ = 	snop  }
0x5a: {  	[tilespmem:s6], [sflag:$0x3] =	stream.indirect_vreg.gather [hbm4b:s1+s3], $0x80, v3, vm0, $0xb8;
	[tilespmem:$0x10500] =	vst v63  }
0x5b: {  	v3 =	vld [tilespmem:$0x50];
	_ =	sdelay $0x4  }
0x5c: {  	v4 =	vshll.u32 v3, $0x1  }
0x5d: {  	v3 =	vand.u32 $0x7, v3;
	v4 =	vand.u32 $0xFFFFFFF0, v4  }
0x5e: {  	v3 =	vor.u32 v3, v4  }
0x5f: {  	v4 =	vperm.xlane v3, v0;
	_ =	sdelay $0x1  }
0x60: {  	v3 =	vperm.xlane v3, v2;
	v4 =	vadd.s32 v1, v4;
	_ =	sdelay $0x1  }
0x61: {  	v3 =	vadd.s32 v1, v3;
	_ =	sdelay $0x2  }
0x62: {  	[tilespmem:s7], [sflag:$0x3] =	stream.indirect_vreg.gather [hbm4b:s1+s3], $0x80, v4, vm0, $0xb8;
	[tilespmem:$0x10500] =	vst v63  }
0x63: {  	_ = 	snop  }
0x64: {  	[tilespmem:s8], [sflag:$0x3] =	stream.indirect_vreg.gather [hbm4b:s1+s3], $0x80, v3, vm0, $0xb8;
	[tilespmem:$0x10500] =	vst v63  }
0x65: {  	v3 =	vld [tilespmem:$0x60];
	_ =	sdelay $0x4  }
0x66: {  	v4 =	vshll.u32 v3, $0x1  }
0x67: {  	v3 =	vand.u32 $0x7, v3;
	v4 =	vand.u32 $0xFFFFFFF0, v4  }
0x68: {  	v3 =	vor.u32 v3, v4  }
0x69: {  	v4 =	vperm.xlane v3, v0;
	_ =	sdelay $0x1  }
0x6a: {  	v3 =	vperm.xlane v3, v2;
	v4 =	vadd.s32 v1, v4;
	_ =	sdelay $0x1  }
0x6b: {  	v3 =	vadd.s32 v1, v3;
	_ =	sdelay $0x2  }
0x6c: {  	[tilespmem:s9], [sflag:$0x3] =	stream.indirect_vreg.gather [hbm4b:s1+s3], $0x80, v4, vm0, $0xb8;
	[tilespmem:$0x10500] =	vst v63  }
0x6d: {  	_ = 	snop  }
0x6e: {  	[tilespmem:s10], [sflag:$0x3] =	stream.indirect_vreg.gather [hbm4b:s1+s3], $0x80, v3, vm0, $0xb8;
	[tilespmem:$0x10500] =	vst v63  }
0x6f: {  	v3 =	vld [tilespmem:$0x70];
	_ =	sdelay $0x4  }
0x70: {  	v4 =	vshll.u32 v3, $0x1  }
0x71: {  	v3 =	vand.u32 $0x7, v3;
	v4 =	vand.u32 $0xFFFFFFF0, v4  }
0x72: {  	v3 =	vor.u32 v3, v4  }
0x73: {  	v4 =	vperm.xlane v3, v0;
	_ =	sdelay $0x1  }
0x74: {  	v3 =	vperm.xlane v3, v2;
	v4 =	vadd.s32 v1, v4;
	_ =	sdelay $0x1  }
0x75: {  	v3 =	vadd.s32 v1, v3;
	_ =	sdelay $0x2  }
0x76: {  	[tilespmem:s11], [sflag:$0x3] =	stream.indirect_vreg.gather [hbm4b:s1+s3], $0x80, v4, vm0, $0xb8;
	[tilespmem:$0x10500] =	vst v63  }
0x77: {  	_ = 	snop  }
0x78: {  	[tilespmem:s12], [sflag:$0x3] =	stream.indirect_vreg.gather [hbm4b:s1+s3], $0x80, v3, vm0, $0xb8;
	[tilespmem:$0x10500] =	vst v63  }
0x79: {  	s28 =	rddreg [dreg:$0x7]  }
0x7a: {  	[tilespmem:s13], [sflag:$0x5] =	stream.linear.gather [hbm4b:s28+s3], $0x4000, $0x38;
	[tilespmem:$0x10500] =	vst v63  }
0x7b: {  	_ =	swait.ge [sflag:s14], $0x4000  }
0x7c: {  	[sflag:s14] =	ssyncset.done $0x0  }
0x7d: {  	[sflag:s14] =	ssyncadd.s32 $0xFFFFC000  }
0x7e: {  	_ =	swait.ge [sflag:s15], $0x4000  }
0x7f: {  	s29 =	sand.u32 $0x3800, s3;
	s30 =	sand.u32 $0x380, s3;
	[sflag:s15] =	ssyncset.done $0x0  }
0x80: {  	s22 =	sor.u32 s30, s29;
	[sflag:s15] =	ssyncadd.s32 $0xFFFFC000  }
0x81: {  	v3 =	vld [tilespmem:s22+$0x8420]  }
0x82: {  	v4 =	vld [tilespmem:s22+$0x8410]  }
0x83: {  	v5 =	vld [tilespmem:s22+$0x410]  }
0x84: {  	v7 =	vld [tilespmem:s22+$0x8400]  }
0x85: {  	v8 =	vld [tilespmem:s22+$0x400]  }
0x86: {  	v6 =	vld [tilespmem:s22+$0x420]  }
0x87: {  	v9 =	vld [tilespmem:s22+$0x430]  }
0x88: {  	v10 =	vld [tilespmem:s22+$0x8430]  }
0x89: {  	v12 =	vld [tilespmem:s22+$0x440];
	v11 =	vsub.f32 v5, v4  }
0x8a: {  	v13 =	vld [tilespmem:s22+$0x8440];
	v15 =	vsub.f32 v8, v7  }
0x8b: {  	v16 =	vld [tilespmem:s22+$0x8450];
	v14 =	vsub.f32 v6, v3;
	v11 =	vadd.f32 v11, v4  }
0x8c: {  	v17 =	vld [tilespmem:s22+$0x450];
	v8 =	vmul.f32 v7, v8;
	v7 =	vadd.f32 v15, v7  }
0x8d: {  	v18 =	vsub.f32 v9, v10;
	v15 =	vld [tilespmem:s22+$0x8460];
	[tilespmem:s22+$0x410] =	vst v11;
	v11 =	vadd.f32 v14, v3;
	v14 =	vimm.f32 $0.0e+00  }
0x8e: {  	v4 =	vmul.f32 v4, v5;
	[tilespmem:s22+$0x400] =	vst v7;
	v5 =	vadd.f32 v8, v14;
	v8 =	vld [tilespmem:s22+$0x460]  }
0x8f: {  	v7 =	vld [tilespmem:s22+$0x470];
	v14 =	vsub.f32 v12, v13;
	[tilespmem:s22+$0x420] =	vst v11;
	v11 =	vadd.f32 v18, v10  }
0x90: {  	v3 =	vmul.f32 v3, v6;
	v6 =	vld [tilespmem:s22+$0x8470];
	v4 =	vadd.f32 v4, v5  }
0x91: {  	v9 =	vmul.f32 v10, v9;
	v10 =	vld [tilespmem:s22+$0x8800];
	v5 =	vadd.f32 v14, v13;
	[tilespmem:s22+$0x430] =	vst v11;
	v11 =	vsub.f32 v17, v16  }
0x92: {  	v14 =	vld [tilespmem:s22+$0x800];
	v3 =	vadd.f32 v3, v4  }
0x93: {  	[tilespmem:s22+$0x440] =	vst v5;
	v4 =	vadd.f32 v11, v16;
	v5 =	vsub.f32 v8, v15;
	v11 =	vmul.f32 v13, v12;
	v12 =	vld [tilespmem:s22+$0x810]  }
0x94: {  	v13 =	vld [tilespmem:s22+$0x8820];
	v3 =	vadd.f32 v9, v3  }
0x95: {  	v9 =	vld [tilespmem:s22+$0x8810];
	[tilespmem:s22+$0x450] =	vst v4;
	v4 =	vadd.f32 v5, v15;
	v5 =	vsub.f32 v7, v6  }
0x96: {  	v16 =	vmul.f32 v16, v17;
	v17 =	vld [tilespmem:s22+$0x820];
	v11 =	vadd.f32 v11, v3  }
0x97: {  	v8 =	vmul.f32 v15, v8;
	v15 =	vld [tilespmem:s22+$0x830];
	[tilespmem:s22+$0x460] =	vst v4;
	v4 =	vadd.f32 v5, v6;
	v5 =	vsub.f32 v14, v10  }
0x98: {  	v3 =	vld [tilespmem:s22+$0x8830];
	v11 =	vadd.f32 v16, v11  }
0x99: {  	v7 =	vmul.f32 v6, v7;
	v6 =	vld [tilespmem:s22+$0x860];
	[tilespmem:s22+$0x470] =	vst v4;
	v4 =	vadd.f32 v5, v10  }
0x9a: {  	v16 =	vsub.f32 v12, v9;
	v5 =	vld [tilespmem:s22+$0x8850];
	v8 =	vadd.f32 v8, v11  }
0x9b: {  	v63 =	vsub.f32 v17, v13;
	v11 =	vmul.f32 v9, v12;
	v12 =	vld [tilespmem:s22+$0x850]  }
0x9c: {  	v14 =	vmul.f32 v10, v14;
	[tilespmem:s22+$0x800] =	vst v4;
	v16 =	vadd.f32 v16, v9;
	v4 =	vld [tilespmem:s22+$0x8870];
	v19 =	vadd.f32 v7, v8  }
0x9d: {  	v10 =	vmul.f32 v13, v17;
	v9 =	vsub.f32 v15, v3;
	v7 =	vld [tilespmem:s22+$0x8860]  }
0x9e: {  	s20 =	simm.s32 $0x100;
	s23 =	simm.s32 $0x80;
	v8 =	vadd.f32 v63, v13;
	v13 =	vmul.f32 v3, v15;
	[tilespmem:s22+$0x810] =	vst v16;
	v15 =	vadd.f32 v14, v19;
	v14 =	vld [tilespmem:s22+$0x840]  }
.LBB2_2:
0x9f: {  	s29 =	smov.u32 s20  }
0xa0: {  	s28 =	sand.u32 $0x3800, s20;
	s30 =	sand.u32 $0x380, s23;
	v16 =	vld [tilespmem:s22+$0x8840];
	s29 =	sadd.s32 $0x100, s20  }
0xa1: {  	p0 =	sne.s32 s20, $0x3F00;
	s28 =	sor.u32 s30, s28;
	v11 =	vadd.f32 v11, v15;
	v15 =	vld [tilespmem:s22+$0x870]  }
0xa2: {  	v18 =	vsub.f32 v6, v7;
	v6 =	vmul.f32 v7, v6;
	v17 =	vld [tilespmem:s28+$0x8420]  }
0xa3: {  	v10 =	vadd.f32 v10, v11;
	v11 =	vsub.f32 v12, v5;
	v12 =	vmul.f32 v5, v12;
	v19 =	vld [tilespmem:s28+$0x420]  }
0xa4: {  	v7 =	vadd.f32 v18, v7;
	v20 =	vld [tilespmem:s28+$0x8410]  }
0xa5: {  	v10 =	vadd.f32 v13, v10;
	v13 =	vmul.f32 v16, v14;
	v5 =	vadd.f32 v11, v5;
	v18 =	vld [tilespmem:s28+$0x410]  }
0xa6: {  	v14 =	vsub.f32 v14, v16;
	v11 =	vld [tilespmem:s28+$0x8400];
	[tilespmem:s22+$0x860] =	vst v7;
	v7 =	vsub.f32 v15, v4  }
0xa7: {  	v10 =	vadd.f32 v13, v10;
	v21 =	vld [tilespmem:s28+$0x400];
	[tilespmem:s22+$0x850] =	vst v5;
	v5 =	vmul.f32 v4, v15  }
0xa8: {  	v14 =	vadd.f32 v14, v16;
	v13 =	vld [tilespmem:s28+$0x430];
	v4 =	vadd.f32 v7, v4  }
0xa9: {  	v10 =	vadd.f32 v12, v10;
	v7 =	vld [tilespmem:s28+$0x8430]  }
0xaa: {  	v12 =	vsub.f32 v18, v20;
	v15 =	vmul.f32 v20, v18;
	v16 =	vld [tilespmem:s28+$0x440];
	[tilespmem:s22+$0x870] =	vst v4  }
0xab: {  	v6 =	vadd.f32 v6, v10;
	v4 =	vld [tilespmem:s28+$0x8440];
	[tilespmem:s22+$0x840] =	vst v14  }
0xac: {  	v14 =	vmul.f32 v17, v19;
	v10 =	vadd.f32 v12, v20;
	v12 =	vsub.f32 v19, v17;
	v18 =	vld [tilespmem:s28+$0x450]  }
0xad: {  	v19 =	vsub.f32 v21, v11;
	v20 =	vmul.f32 v11, v21;
	v5 =	vadd.f32 v5, v6;
	v21 =	vld [tilespmem:s28+$0x8450]  }
0xae: {  	[tilespmem:s28+$0x410] =	vst v10;
	v6 =	vadd.f32 v12, v17;
	v10 =	vsub.f32 v13, v7;
	v12 =	vmul.f32 v7, v13;
	v13 =	vld [tilespmem:s28+$0x460]  }
0xaf: {  	v11 =	vadd.f32 v19, v11;
	v5 =	vadd.f32 v20, v5;
	v17 =	vld [tilespmem:s28+$0x8460]  }
0xb0: {  	[tilespmem:s28+$0x420] =	vst v6;
	v6 =	vadd.f32 v10, v7;
	v7 =	vsub.f32 v16, v4;
	v10 =	vmul.f32 v4, v16;
	v16 =	vld [tilespmem:s28+$0x470]  }
0xb1: {  	v5 =	vadd.f32 v15, v5;
	[tilespmem:s28+$0x400] =	vst v11;
	v11 =	vld [tilespmem:s28+$0x8470]  }
0xb2: {  	[tilespmem:s28+$0x430] =	vst v6;
	v4 =	vadd.f32 v7, v4;
	v6 =	vsub.f32 v18, v21;
	v7 =	vmul.f32 v21, v18;
	v15 =	vld [tilespmem:s28+$0x800]  }
0xb3: {  	v5 =	vadd.f32 v14, v5;
	v14 =	vld [tilespmem:s28+$0x8800]  }
0xb4: {  	[tilespmem:s28+$0x440] =	vst v4;
	v4 =	vadd.f32 v6, v21;
	v6 =	vsub.f32 v13, v17;
	v13 =	vmul.f32 v17, v13;
	v18 =	vld [tilespmem:s28+$0x810]  }
0xb5: {  	v3 =	vadd.f32 v9, v3;
	v5 =	vadd.f32 v12, v5;
	v12 =	vld [tilespmem:s28+$0x8810];
	[tilespmem:s22+$0x820] =	vst v8  }
0xb6: {  	[tilespmem:s28+$0x450] =	vst v4;
	v4 =	vadd.f32 v6, v17;
	v6 =	vsub.f32 v16, v11;
	v8 =	vmul.f32 v11, v16;
	v9 =	vld [tilespmem:s28+$0x820]  }
0xb7: {  	v5 =	vadd.f32 v10, v5;
	v16 =	vld [tilespmem:s28+$0x8820];
	[tilespmem:s22+$0x830] =	vst v3;
	s22 =	smov.u32 s28  }
0xb8: {  	[tilespmem:s22+$0x460] =	vst v4;
	v4 =	vadd.f32 v6, v11;
	v6 =	vsub.f32 v15, v14;
	v15 =	vmul.f32 v14, v15;
	v17 =	vld [tilespmem:s22+$0x830]  }
0xb9: {  	v7 =	vadd.f32 v7, v5;
	v3 =	vld [tilespmem:s22+$0x8830]  }
0xba: {  	[tilespmem:s22+$0x470] =	vst v4;
	v4 =	vadd.f32 v6, v14;
	v10 =	vsub.f32 v18, v12;
	v11 =	vmul.f32 v12, v18;
	v5 =	vld [tilespmem:s22+$0x8850]  }
.Ltmp0:
0xbb: {  	v7 =	vadd.f32 v13, v7;
	v6 =	vld [tilespmem:s22+$0x860];
	(pc) =	sbr.rel @p0 .LBB2_2-.Ltmp0, $4  }
0xbc: {  	[tilespmem:s22+$0x800] =	vst v4;
	v12 =	vadd.f32 v10, v12;
	v13 =	vsub.f32 v9, v16;
	v10 =	vmul.f32 v16, v9;
	v4 =	vld [tilespmem:s22+$0x8870]  }
0xbd: {  	v14 =	vadd.f32 v8, v7;
	v7 =	vld [tilespmem:s22+$0x8860]  }
0xbe: {  	[tilespmem:s22+$0x810] =	vst v12;
	v8 =	vadd.f32 v13, v16;
	v9 =	vsub.f32 v17, v3;
	v13 =	vmul.f32 v3, v17;
	v12 =	vld [tilespmem:s22+$0x850]  }
0xbf: {  	s23 =	sadd.s32 $0x80, s23;
	s20 =	smov.u32 s29;
	v15 =	vadd.f32 v15, v14;
	v14 =	vld [tilespmem:s22+$0x840]  }
0xc0: {  	v16 =	vld [tilespmem:s22+$0x870]  }
0xc1: {  	v17 =	vld [tilespmem:s22+$0x8840];
	_ =	sdelay $0x1  }
0xc2: {  	v18 =	vsub.f32 v6, v7  }
0xc3: {  	v3 =	vadd.f32 v9, v3;
	v19 =	vsub.f32 v12, v5  }
0xc4: {  	[tilespmem:s22+$0x820] =	vst v8;
	v18 =	vadd.f32 v18, v7;
	v20 =	vsub.f32 v16, v4  }
0xc5: {  	[tilespmem:s22+$0x830] =	vst v3;
	v19 =	vadd.f32 v19, v5;
	v21 =	vsub.f32 v14, v17  }
0xc6: {  	[tilespmem:s22+$0x860] =	vst v18;
	v58 =	vadd.f32 v20, v4  }
0xc7: {  	[tilespmem:s22+$0x850] =	vst v19;
	v59 =	vadd.f32 v21, v17  }
0xc8: {  	[tilespmem:s22+$0x870] =	vst v58  }
0xc9: {  	s20 =	simm.s32 $0x0;
	s23 =	rddreg [dreg:$0x8];
	[tilespmem:s22+$0x840] =	vst v59  }
0xca: {  	[hbm4b:s23+s20] =	stream.linear.scatter [tilespmem:s26], [sflag:$0x6], $0x4000, $0x38;
	[tilespmem:$0x10500] =	vst v63  }
0xcb: {  	_ =	swait.ge [sflag:s16], $0x4000  }
0xcc: {  	[sflag:s16] =	ssyncset.done $0x0  }
0xcd: {  	[sflag:s16] =	ssyncadd.s32 $0xFFFFC000  }
0xce: {  	v3 =	vld [tilespmem:$0x80];
	_ =	sdelay $0x4  }
0xcf: {  	v8 =	vshll.u32 v3, $0x1  }
0xd0: {  	v3 =	vand.u32 $0x7, v3;
	v8 =	vand.u32 $0xFFFFFFF0, v8  }
0xd1: {  	v3 =	vor.u32 v3, v8  }
0xd2: {  	v8 =	vperm.xlane v3, v0;
	_ =	sdelay $0x1  }
0xd3: {  	v3 =	vperm.xlane v3, v2;
	v8 =	vadd.s32 v1, v8;
	_ =	sdelay $0x1  }
0xd4: {  	v3 =	vadd.s32 v1, v3;
	_ =	sdelay $0x2  }
0xd5: {  	[tilespmem:s26], [sflag:$0x2] =	stream.indirect_vreg.gather [hbm4b:s1+s20], $0x80, v8, vm0, $0xb8;
	[tilespmem:$0x10500] =	vst v63  }
0xd6: {  	s28 =	simm.s32 $0xC00  }
0xd7: {  	[tilespmem:s28], [sflag:$0x2] =	stream.indirect_vreg.gather [hbm4b:s1+s20], $0x80, v3, vm0, $0xb8;
	[tilespmem:$0x10500] =	vst v63  }
0xd8: {  	v3 =	vld [tilespmem:$0x90];
	_ =	sdelay $0x4  }
0xd9: {  	v8 =	vshll.u32 v3, $0x1  }
0xda: {  	v3 =	vand.u32 $0x7, v3;
	v8 =	vand.u32 $0xFFFFFFF0, v8  }
0xdb: {  	v3 =	vor.u32 v3, v8  }
0xdc: {  	v8 =	vperm.xlane v3, v0;
	_ =	sdelay $0x1  }
0xdd: {  	v3 =	vperm.xlane v3, v2;
	v8 =	vadd.s32 v1, v8;
	_ =	sdelay $0x1  }
0xde: {  	v3 =	vadd.s32 v1, v3;
	_ =	sdelay $0x1  }
0xdf: {  	s30 =	simm.s32 $0x1400  }
0xe0: {  	[tilespmem:s30], [sflag:$0x2] =	stream.indirect_vreg.gather [hbm4b:s1+s20], $0x80, v8, vm0, $0xb8;
	[tilespmem:$0x10500] =	vst v63  }
0xe1: {  	s23 =	simm.s32 $0x1C00  }
0xe2: {  	[tilespmem:s23], [sflag:$0x2] =	stream.indirect_vreg.gather [hbm4b:s1+s20], $0x80, v3, vm0, $0xb8;
	[tilespmem:$0x10500] =	vst v63  }
0xe3: {  	v3 =	vld [tilespmem:$0xA0];
	_ =	sdelay $0x4  }
0xe4: {  	v8 =	vshll.u32 v3, $0x1  }
0xe5: {  	v3 =	vand.u32 $0x7, v3;
	v8 =	vand.u32 $0xFFFFFFF0, v8  }
0xe6: {  	v3 =	vor.u32 v3, v8  }
0xe7: {  	v8 =	vperm.xlane v3, v0;
	_ =	sdelay $0x1  }
0xe8: {  	v3 =	vperm.xlane v3, v2;
	v8 =	vadd.s32 v1, v8;
	_ =	sdelay $0x1  }
0xe9: {  	v3 =	vadd.s32 v1, v3;
	_ =	sdelay $0x2  }
0xea: {  	[tilespmem:s31], [sflag:$0x2] =	stream.indirect_vreg.gather [hbm4b:s1+s20], $0x80, v8, vm0, $0xb8;
	[tilespmem:$0x10500] =	vst v63  }
0xeb: {  	_ = 	snop  }
0xec: {  	[tilespmem:s2], [sflag:$0x2] =	stream.indirect_vreg.gather [hbm4b:s1+s20], $0x80, v3, vm0, $0xb8;
	[tilespmem:$0x10500] =	vst v63  }
0xed: {  	v3 =	vld [tilespmem:$0xB0];
	_ =	sdelay $0x4  }
0xee: {  	v8 =	vshll.u32 v3, $0x1  }
0xef: {  	v3 =	vand.u32 $0x7, v3;
	v8 =	vand.u32 $0xFFFFFFF0, v8  }
0xf0: {  	v3 =	vor.u32 v3, v8  }
0xf1: {  	v8 =	vperm.xlane v3, v0;
	_ =	sdelay $0x1  }
0xf2: {  	v3 =	vperm.xlane v3, v2;
	v8 =	vadd.s32 v1, v8;
	_ =	sdelay $0x1  }
0xf3: {  	v3 =	vadd.s32 v1, v3;
	_ =	sdelay $0x2  }
0xf4: {  	[tilespmem:s0], [sflag:$0x2] =	stream.indirect_vreg.gather [hbm4b:s1+s20], $0x80, v8, vm0, $0xb8;
	[tilespmem:$0x10500] =	vst v63  }
0xf5: {  	_ = 	snop  }
0xf6: {  	[tilespmem:s25], [sflag:$0x2] =	stream.indirect_vreg.gather [hbm4b:s1+s20], $0x80, v3, vm0, $0xb8;
	[tilespmem:$0x10500] =	vst v63  }
0xf7: {  	s28 =	rddreg [dreg:$0x9]  }
0xf8: {  	[tilespmem:s4], [sflag:$0x4] =	stream.linear.gather [hbm4b:s28+s20], $0x4000, $0x38;
	[tilespmem:$0x10500] =	vst v63  }
0xf9: {  	_ =	swait.ge [sflag:s17], $0x4000  }
0xfa: {  	[sflag:s17] =	ssyncset.done $0x0  }
0xfb: {  	[sflag:s17] =	ssyncadd.s32 $0xFFFFC000  }
0xfc: {  	_ =	swait.ge [sflag:s18], $0x4000  }
0xfd: {  	s30 =	sand.u32 $0x3800, s20;
	v3 =	vadd.f32 v11, v15;
	s20 =	sand.u32 $0x380, s20;
	[sflag:s18] =	ssyncset.done $0x0  }
0xfe: {  	s22 =	sor.u32 s20, s30;
	[sflag:s18] =	ssyncadd.s32 $0xFFFFC000  }
0xff: {  	v3 =	vadd.f32 v10, v3;
	v8 =	vld [tilespmem:s22+$0xC420]  }
0x100: {  	v9 =	vld [tilespmem:s22+$0xC410]  }
0x101: {  	v10 =	vmul.f32 v17, v14;
	v3 =	vadd.f32 v13, v3;
	v11 =	vld [tilespmem:s22+$0x4410]  }
0x102: {  	v13 =	vld [tilespmem:s22+$0x4420]  }
0x103: {  	v5 =	vmul.f32 v5, v12;
	v3 =	vadd.f32 v10, v3;
	v10 =	vld [tilespmem:s22+$0xC400]  }
0x104: {  	v12 =	vld [tilespmem:s22+$0x4400]  }
0x105: {  	v6 =	vmul.f32 v7, v6;
	v3 =	vadd.f32 v5, v3;
	v5 =	vld [tilespmem:s22+$0x4430]  }
0x106: {  	v7 =	vld [tilespmem:s22+$0xC430]  }
0x107: {  	v4 =	vmul.f32 v4, v16;
	v15 =	vld [tilespmem:s22+$0xC440];
	v3 =	vadd.f32 v6, v3  }
0x108: {  	v60 =	vld [tilespmem:s22+$0xC450]  }
0x109: {  	v3 =	vadd.f32 v4, v3;
	v4 =	vld [tilespmem:s22+$0x4450];
	v14 =	vsub.f32 v11, v9  }
0x10a: {  	v6 =	vld [tilespmem:s22+$0x4440];
	v17 =	vsub.f32 v12, v10;
	v12 =	vmul.f32 v10, v12  }
0x10b: {  	v16 =	vsub.f32 v13, v8;
	v14 =	vadd.f32 v14, v9  }
0x10c: {  	v10 =	vadd.f32 v17, v10;
	v17 =	vld [tilespmem:s22+$0xC460];
	v9 =	vmul.f32 v9, v11;
	v3 =	vadd.f32 v12, v3  }
0x10d: {  	v11 =	vld [tilespmem:s22+$0x4460];
	[tilespmem:s22+$0x4410] =	vst v14;
	v14 =	vadd.f32 v16, v8;
	v16 =	vsub.f32 v5, v7  }
0x10e: {  	[tilespmem:s22+$0x4400] =	vst v10;
	v10 =	vld [tilespmem:s22+$0x4470];
	v8 =	vmul.f32 v8, v13;
	v3 =	vadd.f32 v9, v3;
	v13 =	vsub.f32 v4, v60  }
0x10f: {  	v9 =	vld [tilespmem:s22+$0xC470];
	[tilespmem:s22+$0x4420] =	vst v14;
	v12 =	vadd.f32 v16, v7;
	v14 =	vsub.f32 v6, v15  }
0x110: {  	v5 =	vmul.f32 v7, v5;
	v3 =	vadd.f32 v8, v3;
	v7 =	vld [tilespmem:s22+$0xC800]  }
0x111: {  	v8 =	vadd.f32 v13, v60;
	v13 =	vld [tilespmem:s22+$0xC810];
	[tilespmem:s22+$0x4430] =	vst v12;
	v12 =	vadd.f32 v14, v15  }
0x112: {  	v6 =	vmul.f32 v15, v6;
	v14 =	vld [tilespmem:s22+$0x4800];
	v3 =	vadd.f32 v5, v3  }
0x113: {  	v16 =	vld [tilespmem:s22+$0x4820];
	[tilespmem:s22+$0x4440] =	vst v12;
	v12 =	vsub.f32 v11, v17  }
0x114: {  	v4 =	vmul.f32 v60, v4;
	v15 =	vld [tilespmem:s22+$0x4810];
	v6 =	vadd.f32 v6, v3  }
0x115: {  	[tilespmem:s22+$0x4450] =	vst v8;
	v8 =	vsub.f32 v10, v9;
	v3 =	vld [tilespmem:s22+$0xC830];
	v5 =	vadd.f32 v12, v17  }
0x116: {  	v11 =	vmul.f32 v17, v11;
	v12 =	vld [tilespmem:s22+$0xC820];
	v4 =	vadd.f32 v4, v6  }
0x117: {  	v17 =	vld [tilespmem:s22+$0x4830];
	[tilespmem:s22+$0x4460] =	vst v5;
	v5 =	vadd.f32 v8, v9;
	v8 =	vsub.f32 v14, v7  }
0x118: {  	v6 =	vld [tilespmem:s22+$0x4860];
	v9 =	vmul.f32 v9, v10;
	v10 =	vadd.f32 v11, v4  }
0x119: {  	v61 =	vsub.f32 v15, v13;
	v4 =	vld [tilespmem:s22+$0xC870];
	v8 =	vadd.f32 v8, v7  }
0x11a: {  	v14 =	vmul.f32 v7, v14;
	[tilespmem:s22+$0x4470] =	vst v5;
	v5 =	vld [tilespmem:s22+$0xC850];
	v63 =	vadd.f32 v9, v10  }
0x11b: {  	v7 =	vld [tilespmem:s22+$0xC860];
	v62 =	vsub.f32 v16, v12;
	[tilespmem:s22+$0x4800] =	vst v8;
	v8 =	vadd.f32 v61, v13  }
0x11c: {  	v11 =	vmul.f32 v13, v15;
	v10 =	vmul.f32 v12, v16;
	v15 =	vadd.f32 v14, v63;
	v14 =	vld [tilespmem:s22+$0x4840]  }
0x11d: {  	s29 =	simm.s32 $0x100;
	s23 =	simm.s32 $0x80;
	v9 =	vsub.f32 v17, v3;
	v13 =	vmul.f32 v3, v17;
	[tilespmem:s22+$0x4810] =	vst v8;
	v8 =	vadd.f32 v62, v12;
	v12 =	vld [tilespmem:s22+$0x4850]  }
.LBB2_4:
0x11e: {  	s20 =	smov.u32 s29  }
0x11f: {  	s28 =	sand.u32 $0x3800, s29;
	s30 =	sand.u32 $0x380, s23;
	v16 =	vld [tilespmem:s22+$0xC840];
	s20 =	sadd.s32 $0x100, s29  }
0x120: {  	p0 =	sne.s32 s29, $0x3F00;
	s28 =	sor.u32 s30, s28;
	v11 =	vadd.f32 v11, v15;
	v15 =	vld [tilespmem:s22+$0x4870]  }
0x121: {  	v18 =	vsub.f32 v6, v7;
	v6 =	vmul.f32 v7, v6;
	v17 =	vld [tilespmem:s28+$0xC420]  }
0x122: {  	v10 =	vadd.f32 v10, v11;
	v11 =	vsub.f32 v12, v5;
	v12 =	vmul.f32 v5, v12;
	v19 =	vld [tilespmem:s28+$0x4420]  }
0x123: {  	v7 =	vadd.f32 v18, v7;
	v20 =	vld [tilespmem:s28+$0xC410]  }
0x124: {  	v10 =	vadd.f32 v13, v10;
	v13 =	vmul.f32 v16, v14;
	v5 =	vadd.f32 v11, v5;
	v18 =	vld [tilespmem:s28+$0x4410]  }
0x125: {  	v14 =	vsub.f32 v14, v16;
	v11 =	vld [tilespmem:s28+$0xC400];
	[tilespmem:s22+$0x4860] =	vst v7;
	v7 =	vsub.f32 v15, v4  }
0x126: {  	v10 =	vadd.f32 v13, v10;
	v21 =	vld [tilespmem:s28+$0x4400];
	[tilespmem:s22+$0x4850] =	vst v5;
	v5 =	vmul.f32 v4, v15  }
0x127: {  	v14 =	vadd.f32 v14, v16;
	v13 =	vld [tilespmem:s28+$0x4430];
	v4 =	vadd.f32 v7, v4  }
0x128: {  	v10 =	vadd.f32 v12, v10;
	v7 =	vld [tilespmem:s28+$0xC430]  }
0x129: {  	v12 =	vsub.f32 v18, v20;
	v15 =	vmul.f32 v20, v18;
	v16 =	vld [tilespmem:s28+$0x4440];
	[tilespmem:s22+$0x4870] =	vst v4  }
0x12a: {  	v6 =	vadd.f32 v6, v10;
	v4 =	vld [tilespmem:s28+$0xC440];
	[tilespmem:s22+$0x4840] =	vst v14  }
0x12b: {  	v14 =	vmul.f32 v17, v19;
	v10 =	vadd.f32 v12, v20;
	v12 =	vsub.f32 v19, v17;
	v18 =	vld [tilespmem:s28+$0x4450]  }
0x12c: {  	v19 =	vsub.f32 v21, v11;
	v20 =	vmul.f32 v11, v21;
	v5 =	vadd.f32 v5, v6;
	v21 =	vld [tilespmem:s28+$0xC450]  }
0x12d: {  	[tilespmem:s28+$0x4410] =	vst v10;
	v6 =	vadd.f32 v12, v17;
	v10 =	vsub.f32 v13, v7;
	v12 =	vmul.f32 v7, v13;
	v13 =	vld [tilespmem:s28+$0x4460]  }
0x12e: {  	v11 =	vadd.f32 v19, v11;
	v5 =	vadd.f32 v20, v5;
	v17 =	vld [tilespmem:s28+$0xC460]  }
0x12f: {  	[tilespmem:s28+$0x4420] =	vst v6;
	v6 =	vadd.f32 v10, v7;
	v7 =	vsub.f32 v16, v4;
	v10 =	vmul.f32 v4, v16;
	v16 =	vld [tilespmem:s28+$0x4470]  }
0x130: {  	v5 =	vadd.f32 v15, v5;
	[tilespmem:s28+$0x4400] =	vst v11;
	v11 =	vld [tilespmem:s28+$0xC470]  }
0x131: {  	[tilespmem:s28+$0x4430] =	vst v6;
	v4 =	vadd.f32 v7, v4;
	v6 =	vsub.f32 v18, v21;
	v7 =	vmul.f32 v21, v18;
	v15 =	vld [tilespmem:s28+$0x4800]  }
0x132: {  	v5 =	vadd.f32 v14, v5;
	v14 =	vld [tilespmem:s28+$0xC800]  }
0x133: {  	[tilespmem:s28+$0x4440] =	vst v4;
	v4 =	vadd.f32 v6, v21;
	v6 =	vsub.f32 v13, v17;
	v13 =	vmul.f32 v17, v13;
	v18 =	vld [tilespmem:s28+$0x4810]  }
0x134: {  	v3 =	vadd.f32 v9, v3;
	v5 =	vadd.f32 v12, v5;
	v12 =	vld [tilespmem:s28+$0xC810];
	[tilespmem:s22+$0x4820] =	vst v8  }
0x135: {  	[tilespmem:s28+$0x4450] =	vst v4;
	v4 =	vadd.f32 v6, v17;
	v6 =	vsub.f32 v16, v11;
	v8 =	vmul.f32 v11, v16;
	v9 =	vld [tilespmem:s28+$0x4820]  }
0x136: {  	v5 =	vadd.f32 v10, v5;
	v16 =	vld [tilespmem:s28+$0xC820];
	[tilespmem:s22+$0x4830] =	vst v3;
	s22 =	smov.u32 s28  }
0x137: {  	[tilespmem:s22+$0x4460] =	vst v4;
	v4 =	vadd.f32 v6, v11;
	v6 =	vsub.f32 v15, v14;
	v15 =	vmul.f32 v14, v15;
	v17 =	vld [tilespmem:s22+$0x4830]  }
0x138: {  	v7 =	vadd.f32 v7, v5;
	v3 =	vld [tilespmem:s22+$0xC830]  }
0x139: {  	[tilespmem:s22+$0x4470] =	vst v4;
	v4 =	vadd.f32 v6, v14;
	v10 =	vsub.f32 v18, v12;
	v11 =	vmul.f32 v12, v18;
	v5 =	vld [tilespmem:s22+$0xC850]  }
.Ltmp1:
0x13a: {  	v7 =	vadd.f32 v13, v7;
	v6 =	vld [tilespmem:s22+$0x4860];
	(pc) =	sbr.rel @p0 .LBB2_4-.Ltmp1, $4  }
0x13b: {  	[tilespmem:s22+$0x4800] =	vst v4;
	v12 =	vadd.f32 v10, v12;
	v13 =	vsub.f32 v9, v16;
	v10 =	vmul.f32 v16, v9;
	v4 =	vld [tilespmem:s22+$0xC870]  }
0x13c: {  	v14 =	vadd.f32 v8, v7;
	v7 =	vld [tilespmem:s22+$0xC860]  }
0x13d: {  	[tilespmem:s22+$0x4810] =	vst v12;
	v8 =	vadd.f32 v13, v16;
	v9 =	vsub.f32 v17, v3;
	v13 =	vmul.f32 v3, v17;
	v12 =	vld [tilespmem:s22+$0x4850]  }
0x13e: {  	s23 =	sadd.s32 $0x80, s23;
	s29 =	smov.u32 s20;
	v15 =	vadd.f32 v15, v14;
	v14 =	vld [tilespmem:s22+$0x4840]  }
0x13f: {  	v16 =	vld [tilespmem:s22+$0x4870]  }
0x140: {  	v17 =	vld [tilespmem:s22+$0xC840];
	_ =	sdelay $0x1  }
0x141: {  	v18 =	vsub.f32 v6, v7  }
0x142: {  	v3 =	vadd.f32 v9, v3;
	v19 =	vsub.f32 v12, v5  }
0x143: {  	[tilespmem:s22+$0x4820] =	vst v8;
	v18 =	vadd.f32 v18, v7;
	v20 =	vsub.f32 v16, v4  }
0x144: {  	[tilespmem:s22+$0x4830] =	vst v3;
	v19 =	vadd.f32 v19, v5;
	v21 =	vsub.f32 v14, v17  }
0x145: {  	[tilespmem:s22+$0x4860] =	vst v18;
	v58 =	vadd.f32 v20, v4  }
0x146: {  	[tilespmem:s22+$0x4850] =	vst v19;
	v59 =	vadd.f32 v21, v17  }
0x147: {  	[tilespmem:s22+$0x4870] =	vst v58  }
0x148: {  	s20 =	simm.s32 $0x0;
	s23 =	rddreg [dreg:$0xa];
	[tilespmem:s22+$0x4840] =	vst v59  }
0x149: {  	[hbm4b:s23+s20] =	stream.linear.scatter [tilespmem:s5], [sflag:$0x7], $0x4000, $0x38;
	[tilespmem:$0x10500] =	vst v63  }
0x14a: {  	_ =	swait.ge [sflag:s19], $0x4000  }
0x14b: {  	[sflag:s19] =	ssyncset.done $0x0  }
0x14c: {  	[sflag:s19] =	ssyncadd.s32 $0xFFFFC000  }
0x14d: {  	v3 =	vld [tilespmem:$0xC0];
	_ =	sdelay $0x4  }
0x14e: {  	v8 =	vshll.u32 v3, $0x1  }
0x14f: {  	v3 =	vand.u32 $0x7, v3;
	v8 =	vand.u32 $0xFFFFFFF0, v8  }
0x150: {  	v3 =	vor.u32 v3, v8  }
0x151: {  	v8 =	vperm.xlane v3, v0;
	_ =	sdelay $0x1  }
0x152: {  	v3 =	vperm.xlane v3, v2;
	v8 =	vadd.s32 v1, v8;
	_ =	sdelay $0x1  }
0x153: {  	v3 =	vadd.s32 v1, v3;
	_ =	sdelay $0x2  }
0x154: {  	[tilespmem:s5], [sflag:$0x3] =	stream.indirect_vreg.gather [hbm4b:s1+s20], $0x80, v8, vm0, $0xb8;
	[tilespmem:$0x10500] =	vst v63  }
0x155: {  	_ = 	snop  }
0x156: {  	[tilespmem:s6], [sflag:$0x3] =	stream.indirect_vreg.gather [hbm4b:s1+s20], $0x80, v3, vm0, $0xb8;
	[tilespmem:$0x10500] =	vst v63  }
0x157: {  	v3 =	vld [tilespmem:$0xD0];
	_ =	sdelay $0x4  }
0x158: {  	v8 =	vshll.u32 v3, $0x1  }
0x159: {  	v3 =	vand.u32 $0x7, v3;
	v8 =	vand.u32 $0xFFFFFFF0, v8  }
0x15a: {  	v3 =	vor.u32 v3, v8  }
0x15b: {  	v8 =	vperm.xlane v3, v0;
	_ =	sdelay $0x1  }
0x15c: {  	v3 =	vperm.xlane v3, v2;
	v8 =	vadd.s32 v1, v8;
	_ =	sdelay $0x1  }
0x15d: {  	v3 =	vadd.s32 v1, v3;
	_ =	sdelay $0x2  }
0x15e: {  	[tilespmem:s7], [sflag:$0x3] =	stream.indirect_vreg.gather [hbm4b:s1+s20], $0x80, v8, vm0, $0xb8;
	[tilespmem:$0x10500] =	vst v63  }
0x15f: {  	_ = 	snop  }
0x160: {  	[tilespmem:s8], [sflag:$0x3] =	stream.indirect_vreg.gather [hbm4b:s1+s20], $0x80, v3, vm0, $0xb8;
	[tilespmem:$0x10500] =	vst v63  }
0x161: {  	v3 =	vld [tilespmem:$0xE0];
	_ =	sdelay $0x4  }
0x162: {  	v8 =	vshll.u32 v3, $0x1  }
0x163: {  	v3 =	vand.u32 $0x7, v3;
	v8 =	vand.u32 $0xFFFFFFF0, v8  }
0x164: {  	v3 =	vor.u32 v3, v8  }
0x165: {  	v8 =	vperm.xlane v3, v0;
	_ =	sdelay $0x1  }
0x166: {  	v3 =	vperm.xlane v3, v2;
	v8 =	vadd.s32 v1, v8;
	_ =	sdelay $0x1  }
0x167: {  	v3 =	vadd.s32 v1, v3;
	_ =	sdelay $0x2  }
0x168: {  	[tilespmem:s9], [sflag:$0x3] =	stream.indirect_vreg.gather [hbm4b:s1+s20], $0x80, v8, vm0, $0xb8;
	[tilespmem:$0x10500] =	vst v63  }
0x169: {  	_ = 	snop  }
0x16a: {  	[tilespmem:s10], [sflag:$0x3] =	stream.indirect_vreg.gather [hbm4b:s1+s20], $0x80, v3, vm0, $0xb8;
	[tilespmem:$0x10500] =	vst v63  }
0x16b: {  	v3 =	vld [tilespmem:$0xF0];
	_ =	sdelay $0x4  }
0x16c: {  	v8 =	vshll.u32 v3, $0x1  }
0x16d: {  	v3 =	vand.u32 $0x7, v3;
	v8 =	vand.u32 $0xFFFFFFF0, v8  }
0x16e: {  	v3 =	vor.u32 v3, v8  }
0x16f: {  	v8 =	vperm.xlane v3, v0;
	_ =	sdelay $0x1  }
0x170: {  	v3 =	vperm.xlane v3, v2;
	v8 =	vadd.s32 v1, v8;
	_ =	sdelay $0x1  }
0x171: {  	v3 =	vadd.s32 v1, v3;
	_ =	sdelay $0x2  }
0x172: {  	[tilespmem:s11], [sflag:$0x3] =	stream.indirect_vreg.gather [hbm4b:s1+s20], $0x80, v8, vm0, $0xb8;
	[tilespmem:$0x10500] =	vst v63  }
0x173: {  	_ = 	snop  }
0x174: {  	[tilespmem:s12], [sflag:$0x3] =	stream.indirect_vreg.gather [hbm4b:s1+s20], $0x80, v3, vm0, $0xb8;
	[tilespmem:$0x10500] =	vst v63  }
0x175: {  	s28 =	rddreg [dreg:$0xb]  }
0x176: {  	[tilespmem:s13], [sflag:$0x5] =	stream.linear.gather [hbm4b:s28+s20], $0x4000, $0x38;
	[tilespmem:$0x10500] =	vst v63  }
0x177: {  	_ =	swait.ge [sflag:s14], $0x4000  }
0x178: {  	[sflag:s14] =	ssyncset.done $0x0  }
0x179: {  	[sflag:s14] =	ssyncadd.s32 $0xFFFFC000  }
0x17a: {  	_ =	swait.ge [sflag:s15], $0x4000  }
0x17b: {  	s30 =	sand.u32 $0x3800, s20;
	v3 =	vadd.f32 v11, v15;
	s20 =	sand.u32 $0x380, s20;
	[sflag:s15] =	ssyncset.done $0x0  }
0x17c: {  	s22 =	sor.u32 s20, s30;
	[sflag:s15] =	ssyncadd.s32 $0xFFFFC000  }
0x17d: {  	v3 =	vadd.f32 v10, v3;
	v8 =	vld [tilespmem:s22+$0x8420]  }
0x17e: {  	v9 =	vld [tilespmem:s22+$0x8410]  }
0x17f: {  	v10 =	vmul.f32 v17, v14;
	v3 =	vadd.f32 v13, v3;
	v11 =	vld [tilespmem:s22+$0x410]  }
0x180: {  	v13 =	vld [tilespmem:s22+$0x420]  }
0x181: {  	v5 =	vmul.f32 v5, v12;
	v3 =	vadd.f32 v10, v3;
	v10 =	vld [tilespmem:s22+$0x8400]  }
0x182: {  	v12 =	vld [tilespmem:s22+$0x400]  }
0x183: {  	v6 =	vmul.f32 v7, v6;
	v3 =	vadd.f32 v5, v3;
	v5 =	vld [tilespmem:s22+$0x430]  }
0x184: {  	v7 =	vld [tilespmem:s22+$0x8430]  }
0x185: {  	v4 =	vmul.f32 v4, v16;
	v15 =	vld [tilespmem:s22+$0x8440];
	v3 =	vadd.f32 v6, v3  }
0x186: {  	v60 =	vld [tilespmem:s22+$0x8450]  }
0x187: {  	v3 =	vadd.f32 v4, v3;
	v4 =	vld [tilespmem:s22+$0x450];
	v14 =	vsub.f32 v11, v9  }
0x188: {  	v6 =	vld [tilespmem:s22+$0x440];
	v17 =	vsub.f32 v12, v10;
	v12 =	vmul.f32 v10, v12  }
0x189: {  	v16 =	vsub.f32 v13, v8;
	v14 =	vadd.f32 v14, v9  }
0x18a: {  	v10 =	vadd.f32 v17, v10;
	v17 =	vld [tilespmem:s22+$0x8460];
	v9 =	vmul.f32 v9, v11;
	v3 =	vadd.f32 v12, v3  }
0x18b: {  	v11 =	vld [tilespmem:s22+$0x460];
	[tilespmem:s22+$0x410] =	vst v14;
	v14 =	vadd.f32 v16, v8;
	v16 =	vsub.f32 v5, v7  }
0x18c: {  	[tilespmem:s22+$0x400] =	vst v10;
	v10 =	vld [tilespmem:s22+$0x470];
	v8 =	vmul.f32 v8, v13;
	v3 =	vadd.f32 v9, v3;
	v13 =	vsub.f32 v4, v60  }
0x18d: {  	v9 =	vld [tilespmem:s22+$0x8470];
	[tilespmem:s22+$0x420] =	vst v14;
	v12 =	vadd.f32 v16, v7;
	v14 =	vsub.f32 v6, v15  }
0x18e: {  	v5 =	vmul.f32 v7, v5;
	v3 =	vadd.f32 v8, v3;
	v7 =	vld [tilespmem:s22+$0x8800]  }
0x18f: {  	v8 =	vadd.f32 v13, v60;
	v13 =	vld [tilespmem:s22+$0x8810];
	[tilespmem:s22+$0x430] =	vst v12;
	v12 =	vadd.f32 v14, v15  }
0x190: {  	v6 =	vmul.f32 v15, v6;
	v14 =	vld [tilespmem:s22+$0x800];
	v3 =	vadd.f32 v5, v3  }
0x191: {  	v16 =	vld [tilespmem:s22+$0x820];
	[tilespmem:s22+$0x440] =	vst v12;
	v12 =	vsub.f32 v11, v17  }
0x192: {  	v4 =	vmul.f32 v60, v4;
	v15 =	vld [tilespmem:s22+$0x810];
	v6 =	vadd.f32 v6, v3  }
0x193: {  	[tilespmem:s22+$0x450] =	vst v8;
	v8 =	vsub.f32 v10, v9;
	v3 =	vld [tilespmem:s22+$0x8830];
	v5 =	vadd.f32 v12, v17  }
0x194: {  	v11 =	vmul.f32 v17, v11;
	v12 =	vld [tilespmem:s22+$0x8820];
	v4 =	vadd.f32 v4, v6  }
0x195: {  	v17 =	vld [tilespmem:s22+$0x830];
	[tilespmem:s22+$0x460] =	vst v5;
	v5 =	vadd.f32 v8, v9;
	v8 =	vsub.f32 v14, v7  }
0x196: {  	v6 =	vld [tilespmem:s22+$0x860];
	v9 =	vmul.f32 v9, v10;
	v10 =	vadd.f32 v11, v4  }
0x197: {  	v61 =	vsub.f32 v15, v13;
	v4 =	vld [tilespmem:s22+$0x8870];
	v8 =	vadd.f32 v8, v7  }
0x198: {  	v14 =	vmul.f32 v7, v14;
	[tilespmem:s22+$0x470] =	vst v5;
	v5 =	vld [tilespmem:s22+$0x8850];
	v63 =	vadd.f32 v9, v10  }
0x199: {  	v7 =	vld [tilespmem:s22+$0x8860];
	v62 =	vsub.f32 v16, v12;
	[tilespmem:s22+$0x800] =	vst v8;
	v8 =	vadd.f32 v61, v13  }
0x19a: {  	v11 =	vmul.f32 v13, v15;
	v10 =	vmul.f32 v12, v16;
	v15 =	vadd.f32 v14, v63;
	v14 =	vld [tilespmem:s22+$0x840]  }
0x19b: {  	s29 =	simm.s32 $0x100;
	s23 =	simm.s32 $0x80;
	v9 =	vsub.f32 v17, v3;
	v13 =	vmul.f32 v3, v17;
	[tilespmem:s22+$0x810] =	vst v8;
	v8 =	vadd.f32 v62, v12;
	v12 =	vld [tilespmem:s22+$0x850]  }
.LBB2_6:
0x19c: {  	s20 =	smov.u32 s29  }
0x19d: {  	s28 =	sand.u32 $0x3800, s29;
	s30 =	sand.u32 $0x380, s23;
	v16 =	vld [tilespmem:s22+$0x8840];
	s20 =	sadd.s32 $0x100, s29  }
0x19e: {  	p0 =	sne.s32 s29, $0x3F00;
	s28 =	sor.u32 s30, s28;
	v11 =	vadd.f32 v11, v15;
	v15 =	vld [tilespmem:s22+$0x870]  }
0x19f: {  	v18 =	vsub.f32 v6, v7;
	v6 =	vmul.f32 v7, v6;
	v17 =	vld [tilespmem:s28+$0x8420]  }
0x1a0: {  	v10 =	vadd.f32 v10, v11;
	v11 =	vsub.f32 v12, v5;
	v12 =	vmul.f32 v5, v12;
	v19 =	vld [tilespmem:s28+$0x420]  }
0x1a1: {  	v7 =	vadd.f32 v18, v7;
	v20 =	vld [tilespmem:s28+$0x8410]  }
0x1a2: {  	v10 =	vadd.f32 v13, v10;
	v13 =	vmul.f32 v16, v14;
	v5 =	vadd.f32 v11, v5;
	v18 =	vld [tilespmem:s28+$0x410]  }
0x1a3: {  	v14 =	vsub.f32 v14, v16;
	v11 =	vld [tilespmem:s28+$0x8400];
	[tilespmem:s22+$0x860] =	vst v7;
	v7 =	vsub.f32 v15, v4  }
0x1a4: {  	v10 =	vadd.f32 v13, v10;
	v21 =	vld [tilespmem:s28+$0x400];
	[tilespmem:s22+$0x850] =	vst v5;
	v5 =	vmul.f32 v4, v15  }
0x1a5: {  	v14 =	vadd.f32 v14, v16;
	v13 =	vld [tilespmem:s28+$0x430];
	v4 =	vadd.f32 v7, v4  }
0x1a6: {  	v10 =	vadd.f32 v12, v10;
	v7 =	vld [tilespmem:s28+$0x8430]  }
0x1a7: {  	v12 =	vsub.f32 v18, v20;
	v15 =	vmul.f32 v20, v18;
	v16 =	vld [tilespmem:s28+$0x440];
	[tilespmem:s22+$0x870] =	vst v4  }
0x1a8: {  	v6 =	vadd.f32 v6, v10;
	v4 =	vld [tilespmem:s28+$0x8440];
	[tilespmem:s22+$0x840] =	vst v14  }
0x1a9: {  	v14 =	vmul.f32 v17, v19;
	v10 =	vadd.f32 v12, v20;
	v12 =	vsub.f32 v19, v17;
	v18 =	vld [tilespmem:s28+$0x450]  }
0x1aa: {  	v19 =	vsub.f32 v21, v11;
	v20 =	vmul.f32 v11, v21;
	v5 =	vadd.f32 v5, v6;
	v21 =	vld [tilespmem:s28+$0x8450]  }
0x1ab: {  	[tilespmem:s28+$0x410] =	vst v10;
	v6 =	vadd.f32 v12, v17;
	v10 =	vsub.f32 v13, v7;
	v12 =	vmul.f32 v7, v13;
	v13 =	vld [tilespmem:s28+$0x460]  }
0x1ac: {  	v11 =	vadd.f32 v19, v11;
	v5 =	vadd.f32 v20, v5;
	v17 =	vld [tilespmem:s28+$0x8460]  }
0x1ad: {  	[tilespmem:s28+$0x420] =	vst v6;
	v6 =	vadd.f32 v10, v7;
	v7 =	vsub.f32 v16, v4;
	v10 =	vmul.f32 v4, v16;
	v16 =	vld [tilespmem:s28+$0x470]  }
0x1ae: {  	v5 =	vadd.f32 v15, v5;
	[tilespmem:s28+$0x400] =	vst v11;
	v11 =	vld [tilespmem:s28+$0x8470]  }
0x1af: {  	[tilespmem:s28+$0x430] =	vst v6;
	v4 =	vadd.f32 v7, v4;
	v6 =	vsub.f32 v18, v21;
	v7 =	vmul.f32 v21, v18;
	v15 =	vld [tilespmem:s28+$0x800]  }
0x1b0: {  	v5 =	vadd.f32 v14, v5;
	v14 =	vld [tilespmem:s28+$0x8800]  }
0x1b1: {  	[tilespmem:s28+$0x440] =	vst v4;
	v4 =	vadd.f32 v6, v21;
	v6 =	vsub.f32 v13, v17;
	v13 =	vmul.f32 v17, v13;
	v18 =	vld [tilespmem:s28+$0x810]  }
0x1b2: {  	v3 =	vadd.f32 v9, v3;
	v5 =	vadd.f32 v12, v5;
	v12 =	vld [tilespmem:s28+$0x8810];
	[tilespmem:s22+$0x820] =	vst v8  }
0x1b3: {  	[tilespmem:s28+$0x450] =	vst v4;
	v4 =	vadd.f32 v6, v17;
	v6 =	vsub.f32 v16, v11;
	v8 =	vmul.f32 v11, v16;
	v9 =	vld [tilespmem:s28+$0x820]  }
0x1b4: {  	v5 =	vadd.f32 v10, v5;
	v16 =	vld [tilespmem:s28+$0x8820];
	[tilespmem:s22+$0x830] =	vst v3;
	s22 =	smov.u32 s28  }
0x1b5: {  	[tilespmem:s22+$0x460] =	vst v4;
	v4 =	vadd.f32 v6, v11;
	v6 =	vsub.f32 v15, v14;
	v15 =	vmul.f32 v14, v15;
	v17 =	vld [tilespmem:s22+$0x830]  }
0x1b6: {  	v7 =	vadd.f32 v7, v5;
	v3 =	vld [tilespmem:s22+$0x8830]  }
0x1b7: {  	[tilespmem:s22+$0x470] =	vst v4;
	v4 =	vadd.f32 v6, v14;
	v10 =	vsub.f32 v18, v12;
	v11 =	vmul.f32 v12, v18;
	v5 =	vld [tilespmem:s22+$0x8850]  }
.Ltmp2:
0x1b8: {  	v7 =	vadd.f32 v13, v7;
	v6 =	vld [tilespmem:s22+$0x860];
	(pc) =	sbr.rel @p0 .LBB2_6-.Ltmp2, $4  }
0x1b9: {  	[tilespmem:s22+$0x800] =	vst v4;
	v12 =	vadd.f32 v10, v12;
	v13 =	vsub.f32 v9, v16;
	v10 =	vmul.f32 v16, v9;
	v4 =	vld [tilespmem:s22+$0x8870]  }
0x1ba: {  	v14 =	vadd.f32 v8, v7;
	v7 =	vld [tilespmem:s22+$0x8860]  }
0x1bb: {  	[tilespmem:s22+$0x810] =	vst v12;
	v8 =	vadd.f32 v13, v16;
	v9 =	vsub.f32 v17, v3;
	v13 =	vmul.f32 v3, v17;
	v12 =	vld [tilespmem:s22+$0x850]  }
0x1bc: {  	s23 =	sadd.s32 $0x80, s23;
	s29 =	smov.u32 s20;
	v15 =	vadd.f32 v15, v14;
	v14 =	vld [tilespmem:s22+$0x840]  }
0x1bd: {  	v16 =	vld [tilespmem:s22+$0x870]  }
0x1be: {  	v17 =	vld [tilespmem:s22+$0x8840];
	_ =	sdelay $0x1  }
0x1bf: {  	v18 =	vsub.f32 v6, v7  }
0x1c0: {  	v3 =	vadd.f32 v9, v3;
	v19 =	vsub.f32 v12, v5  }
0x1c1: {  	[tilespmem:s22+$0x820] =	vst v8;
	v18 =	vadd.f32 v18, v7;
	v20 =	vsub.f32 v16, v4  }
0x1c2: {  	[tilespmem:s22+$0x830] =	vst v3;
	v19 =	vadd.f32 v19, v5;
	v21 =	vsub.f32 v14, v17  }
0x1c3: {  	[tilespmem:s22+$0x860] =	vst v18;
	v58 =	vadd.f32 v20, v4  }
0x1c4: {  	[tilespmem:s22+$0x850] =	vst v19;
	v59 =	vadd.f32 v21, v17  }
0x1c5: {  	[tilespmem:s22+$0x870] =	vst v58  }
0x1c6: {  	s20 =	simm.s32 $0x0;
	s23 =	rddreg [dreg:$0xc];
	[tilespmem:s22+$0x840] =	vst v59  }
0x1c7: {  	[hbm4b:s23+s20] =	stream.linear.scatter [tilespmem:s26], [sflag:$0x6], $0x4000, $0x38;
	[tilespmem:$0x10500] =	vst v63  }
0x1c8: {  	_ =	swait.ge [sflag:s16], $0x4000  }
0x1c9: {  	[sflag:s16] =	ssyncset.done $0x0  }
0x1ca: {  	[sflag:s16] =	ssyncadd.s32 $0xFFFFC000  }
0x1cb: {  	v3 =	vld [tilespmem:$0x100];
	_ =	sdelay $0x4  }
0x1cc: {  	v8 =	vshll.u32 v3, $0x1  }
0x1cd: {  	v3 =	vand.u32 $0x7, v3;
	v8 =	vand.u32 $0xFFFFFFF0, v8  }
0x1ce: {  	v3 =	vor.u32 v3, v8  }
0x1cf: {  	v8 =	vperm.xlane v3, v0;
	_ =	sdelay $0x1  }
0x1d0: {  	v3 =	vperm.xlane v3, v2;
	v8 =	vadd.s32 v1, v8;
	_ =	sdelay $0x1  }
0x1d1: {  	v3 =	vadd.s32 v1, v3;
	_ =	sdelay $0x2  }
0x1d2: {  	[tilespmem:s26], [sflag:$0x2] =	stream.indirect_vreg.gather [hbm4b:s1+s20], $0x80, v8, vm0, $0xb8;
	[tilespmem:$0x10500] =	vst v63  }
0x1d3: {  	s28 =	simm.s32 $0xC00  }
0x1d4: {  	[tilespmem:s28], [sflag:$0x2] =	stream.indirect_vreg.gather [hbm4b:s1+s20], $0x80, v3, vm0, $0xb8;
	[tilespmem:$0x10500] =	vst v63  }
0x1d5: {  	v3 =	vld [tilespmem:$0x110];
	_ =	sdelay $0x4  }
0x1d6: {  	v8 =	vshll.u32 v3, $0x1  }
0x1d7: {  	v3 =	vand.u32 $0x7, v3;
	v8 =	vand.u32 $0xFFFFFFF0, v8  }
0x1d8: {  	v3 =	vor.u32 v3, v8  }
0x1d9: {  	v8 =	vperm.xlane v3, v0;
	_ =	sdelay $0x1  }
0x1da: {  	v3 =	vperm.xlane v3, v2;
	v8 =	vadd.s32 v1, v8;
	_ =	sdelay $0x1  }
0x1db: {  	v3 =	vadd.s32 v1, v3;
	_ =	sdelay $0x1  }
0x1dc: {  	s30 =	simm.s32 $0x1400  }
0x1dd: {  	[tilespmem:s30], [sflag:$0x2] =	stream.indirect_vreg.gather [hbm4b:s1+s20], $0x80, v8, vm0, $0xb8;
	[tilespmem:$0x10500] =	vst v63  }
0x1de: {  	s23 =	simm.s32 $0x1C00  }
0x1df: {  	[tilespmem:s23], [sflag:$0x2] =	stream.indirect_vreg.gather [hbm4b:s1+s20], $0x80, v3, vm0, $0xb8;
	[tilespmem:$0x10500] =	vst v63  }
0x1e0: {  	v3 =	vld [tilespmem:$0x120];
	_ =	sdelay $0x4  }
0x1e1: {  	v8 =	vshll.u32 v3, $0x1  }
0x1e2: {  	v3 =	vand.u32 $0x7, v3;
	v8 =	vand.u32 $0xFFFFFFF0, v8  }
0x1e3: {  	v3 =	vor.u32 v3, v8  }
0x1e4: {  	v8 =	vperm.xlane v3, v0;
	_ =	sdelay $0x1  }
0x1e5: {  	v3 =	vperm.xlane v3, v2;
	v8 =	vadd.s32 v1, v8;
	_ =	sdelay $0x1  }
0x1e6: {  	v3 =	vadd.s32 v1, v3;
	_ =	sdelay $0x2  }
0x1e7: {  	[tilespmem:s31], [sflag:$0x2] =	stream.indirect_vreg.gather [hbm4b:s1+s20], $0x80, v8, vm0, $0xb8;
	[tilespmem:$0x10500] =	vst v63  }
0x1e8: {  	_ = 	snop  }
0x1e9: {  	[tilespmem:s2], [sflag:$0x2] =	stream.indirect_vreg.gather [hbm4b:s1+s20], $0x80, v3, vm0, $0xb8;
	[tilespmem:$0x10500] =	vst v63  }
0x1ea: {  	v3 =	vld [tilespmem:$0x130];
	_ =	sdelay $0x4  }
0x1eb: {  	v8 =	vshll.u32 v3, $0x1  }
0x1ec: {  	v3 =	vand.u32 $0x7, v3;
	v8 =	vand.u32 $0xFFFFFFF0, v8  }
0x1ed: {  	v3 =	vor.u32 v3, v8  }
0x1ee: {  	v8 =	vperm.xlane v3, v0;
	_ =	sdelay $0x1  }
0x1ef: {  	v3 =	vperm.xlane v3, v2;
	v8 =	vadd.s32 v1, v8;
	_ =	sdelay $0x1  }
0x1f0: {  	v3 =	vadd.s32 v1, v3;
	_ =	sdelay $0x2  }
0x1f1: {  	[tilespmem:s0], [sflag:$0x2] =	stream.indirect_vreg.gather [hbm4b:s1+s20], $0x80, v8, vm0, $0xb8;
	[tilespmem:$0x10500] =	vst v63  }
0x1f2: {  	_ = 	snop  }
0x1f3: {  	[tilespmem:s25], [sflag:$0x2] =	stream.indirect_vreg.gather [hbm4b:s1+s20], $0x80, v3, vm0, $0xb8;
	[tilespmem:$0x10500] =	vst v63  }
0x1f4: {  	s28 =	rddreg [dreg:$0xd]  }
0x1f5: {  	[tilespmem:s4], [sflag:$0x4] =	stream.linear.gather [hbm4b:s28+s20], $0x4000, $0x38;
	[tilespmem:$0x10500] =	vst v63  }
0x1f6: {  	_ =	swait.ge [sflag:s17], $0x4000  }
0x1f7: {  	[sflag:s17] =	ssyncset.done $0x0  }
0x1f8: {  	[sflag:s17] =	ssyncadd.s32 $0xFFFFC000  }
0x1f9: {  	_ =	swait.ge [sflag:s18], $0x4000  }
0x1fa: {  	s30 =	sand.u32 $0x3800, s20;
	v3 =	vadd.f32 v11, v15;
	s20 =	sand.u32 $0x380, s20;
	[sflag:s18] =	ssyncset.done $0x0  }
0x1fb: {  	s22 =	sor.u32 s20, s30;
	[sflag:s18] =	ssyncadd.s32 $0xFFFFC000  }
0x1fc: {  	v3 =	vadd.f32 v10, v3;
	v8 =	vld [tilespmem:s22+$0xC420]  }
0x1fd: {  	v9 =	vld [tilespmem:s22+$0xC410]  }
0x1fe: {  	v10 =	vmul.f32 v17, v14;
	v3 =	vadd.f32 v13, v3;
	v11 =	vld [tilespmem:s22+$0x4410]  }
0x1ff: {  	v13 =	vld [tilespmem:s22+$0x4420]  }
0x200: {  	v5 =	vmul.f32 v5, v12;
	v3 =	vadd.f32 v10, v3;
	v10 =	vld [tilespmem:s22+$0xC400]  }
0x201: {  	v12 =	vld [tilespmem:s22+$0x4400]  }
0x202: {  	v6 =	vmul.f32 v7, v6;
	v3 =	vadd.f32 v5, v3;
	v5 =	vld [tilespmem:s22+$0x4430]  }
0x203: {  	v7 =	vld [tilespmem:s22+$0xC430]  }
0x204: {  	v4 =	vmul.f32 v4, v16;
	v15 =	vld [tilespmem:s22+$0xC440];
	v3 =	vadd.f32 v6, v3  }
0x205: {  	v60 =	vld [tilespmem:s22+$0xC450]  }
0x206: {  	v3 =	vadd.f32 v4, v3;
	v4 =	vld [tilespmem:s22+$0x4450];
	v14 =	vsub.f32 v11, v9  }
0x207: {  	v6 =	vld [tilespmem:s22+$0x4440];
	v17 =	vsub.f32 v12, v10;
	v12 =	vmul.f32 v10, v12  }
0x208: {  	v16 =	vsub.f32 v13, v8;
	v14 =	vadd.f32 v14, v9  }
0x209: {  	v10 =	vadd.f32 v17, v10;
	v17 =	vld [tilespmem:s22+$0xC460];
	v9 =	vmul.f32 v9, v11;
	v3 =	vadd.f32 v12, v3  }
0x20a: {  	v11 =	vld [tilespmem:s22+$0x4460];
	[tilespmem:s22+$0x4410] =	vst v14;
	v14 =	vadd.f32 v16, v8;
	v16 =	vsub.f32 v5, v7  }
0x20b: {  	[tilespmem:s22+$0x4400] =	vst v10;
	v10 =	vld [tilespmem:s22+$0x4470];
	v8 =	vmul.f32 v8, v13;
	v3 =	vadd.f32 v9, v3;
	v13 =	vsub.f32 v4, v60  }
0x20c: {  	v9 =	vld [tilespmem:s22+$0xC470];
	[tilespmem:s22+$0x4420] =	vst v14;
	v12 =	vadd.f32 v16, v7;
	v14 =	vsub.f32 v6, v15  }
0x20d: {  	v5 =	vmul.f32 v7, v5;
	v3 =	vadd.f32 v8, v3;
	v7 =	vld [tilespmem:s22+$0xC800]  }
0x20e: {  	v8 =	vadd.f32 v13, v60;
	v13 =	vld [tilespmem:s22+$0xC810];
	[tilespmem:s22+$0x4430] =	vst v12;
	v12 =	vadd.f32 v14, v15  }
0x20f: {  	v6 =	vmul.f32 v15, v6;
	v14 =	vld [tilespmem:s22+$0x4800];
	v3 =	vadd.f32 v5, v3  }
0x210: {  	v16 =	vld [tilespmem:s22+$0x4820];
	[tilespmem:s22+$0x4440] =	vst v12;
	v12 =	vsub.f32 v11, v17  }
0x211: {  	v4 =	vmul.f32 v60, v4;
	v15 =	vld [tilespmem:s22+$0x4810];
	v6 =	vadd.f32 v6, v3  }
0x212: {  	[tilespmem:s22+$0x4450] =	vst v8;
	v8 =	vsub.f32 v10, v9;
	v3 =	vld [tilespmem:s22+$0xC830];
	v5 =	vadd.f32 v12, v17  }
0x213: {  	v11 =	vmul.f32 v17, v11;
	v12 =	vld [tilespmem:s22+$0xC820];
	v4 =	vadd.f32 v4, v6  }
0x214: {  	v17 =	vld [tilespmem:s22+$0x4830];
	[tilespmem:s22+$0x4460] =	vst v5;
	v5 =	vadd.f32 v8, v9;
	v8 =	vsub.f32 v14, v7  }
0x215: {  	v6 =	vld [tilespmem:s22+$0x4860];
	v9 =	vmul.f32 v9, v10;
	v10 =	vadd.f32 v11, v4  }
0x216: {  	v61 =	vsub.f32 v15, v13;
	v4 =	vld [tilespmem:s22+$0xC870];
	v8 =	vadd.f32 v8, v7  }
0x217: {  	v14 =	vmul.f32 v7, v14;
	[tilespmem:s22+$0x4470] =	vst v5;
	v5 =	vld [tilespmem:s22+$0xC850];
	v63 =	vadd.f32 v9, v10  }
0x218: {  	v7 =	vld [tilespmem:s22+$0xC860];
	v62 =	vsub.f32 v16, v12;
	[tilespmem:s22+$0x4800] =	vst v8;
	v8 =	vadd.f32 v61, v13  }
0x219: {  	v11 =	vmul.f32 v13, v15;
	v10 =	vmul.f32 v12, v16;
	v15 =	vadd.f32 v14, v63;
	v14 =	vld [tilespmem:s22+$0x4840]  }
0x21a: {  	s29 =	simm.s32 $0x100;
	s23 =	simm.s32 $0x80;
	v9 =	vsub.f32 v17, v3;
	v13 =	vmul.f32 v3, v17;
	[tilespmem:s22+$0x4810] =	vst v8;
	v8 =	vadd.f32 v62, v12;
	v12 =	vld [tilespmem:s22+$0x4850]  }
.LBB2_8:
0x21b: {  	s20 =	smov.u32 s29  }
0x21c: {  	s28 =	sand.u32 $0x3800, s29;
	s30 =	sand.u32 $0x380, s23;
	v16 =	vld [tilespmem:s22+$0xC840];
	s20 =	sadd.s32 $0x100, s29  }
0x21d: {  	p0 =	sne.s32 s29, $0x3F00;
	s28 =	sor.u32 s30, s28;
	v11 =	vadd.f32 v11, v15;
	v15 =	vld [tilespmem:s22+$0x4870]  }
0x21e: {  	v18 =	vsub.f32 v6, v7;
	v6 =	vmul.f32 v7, v6;
	v17 =	vld [tilespmem:s28+$0xC420]  }
0x21f: {  	v10 =	vadd.f32 v10, v11;
	v11 =	vsub.f32 v12, v5;
	v12 =	vmul.f32 v5, v12;
	v19 =	vld [tilespmem:s28+$0x4420]  }
0x220: {  	v7 =	vadd.f32 v18, v7;
	v20 =	vld [tilespmem:s28+$0xC410]  }
0x221: {  	v10 =	vadd.f32 v13, v10;
	v13 =	vmul.f32 v16, v14;
	v5 =	vadd.f32 v11, v5;
	v18 =	vld [tilespmem:s28+$0x4410]  }
0x222: {  	v14 =	vsub.f32 v14, v16;
	v11 =	vld [tilespmem:s28+$0xC400];
	[tilespmem:s22+$0x4860] =	vst v7;
	v7 =	vsub.f32 v15, v4  }
0x223: {  	v10 =	vadd.f32 v13, v10;
	v21 =	vld [tilespmem:s28+$0x4400];
	[tilespmem:s22+$0x4850] =	vst v5;
	v5 =	vmul.f32 v4, v15  }
0x224: {  	v14 =	vadd.f32 v14, v16;
	v13 =	vld [tilespmem:s28+$0x4430];
	v4 =	vadd.f32 v7, v4  }
0x225: {  	v10 =	vadd.f32 v12, v10;
	v7 =	vld [tilespmem:s28+$0xC430]  }
0x226: {  	v12 =	vsub.f32 v18, v20;
	v15 =	vmul.f32 v20, v18;
	v16 =	vld [tilespmem:s28+$0x4440];
	[tilespmem:s22+$0x4870] =	vst v4  }
0x227: {  	v6 =	vadd.f32 v6, v10;
	v4 =	vld [tilespmem:s28+$0xC440];
	[tilespmem:s22+$0x4840] =	vst v14  }
0x228: {  	v14 =	vmul.f32 v17, v19;
	v10 =	vadd.f32 v12, v20;
	v12 =	vsub.f32 v19, v17;
	v18 =	vld [tilespmem:s28+$0x4450]  }
0x229: {  	v19 =	vsub.f32 v21, v11;
	v20 =	vmul.f32 v11, v21;
	v5 =	vadd.f32 v5, v6;
	v21 =	vld [tilespmem:s28+$0xC450]  }
0x22a: {  	[tilespmem:s28+$0x4410] =	vst v10;
	v6 =	vadd.f32 v12, v17;
	v10 =	vsub.f32 v13, v7;
	v12 =	vmul.f32 v7, v13;
	v13 =	vld [tilespmem:s28+$0x4460]  }
0x22b: {  	v11 =	vadd.f32 v19, v11;
	v5 =	vadd.f32 v20, v5;
	v17 =	vld [tilespmem:s28+$0xC460]  }
0x22c: {  	[tilespmem:s28+$0x4420] =	vst v6;
	v6 =	vadd.f32 v10, v7;
	v7 =	vsub.f32 v16, v4;
	v10 =	vmul.f32 v4, v16;
	v16 =	vld [tilespmem:s28+$0x4470]  }
0x22d: {  	v5 =	vadd.f32 v15, v5;
	[tilespmem:s28+$0x4400] =	vst v11;
	v11 =	vld [tilespmem:s28+$0xC470]  }
0x22e: {  	[tilespmem:s28+$0x4430] =	vst v6;
	v4 =	vadd.f32 v7, v4;
	v6 =	vsub.f32 v18, v21;
	v7 =	vmul.f32 v21, v18;
	v15 =	vld [tilespmem:s28+$0x4800]  }
0x22f: {  	v5 =	vadd.f32 v14, v5;
	v14 =	vld [tilespmem:s28+$0xC800]  }
0x230: {  	[tilespmem:s28+$0x4440] =	vst v4;
	v4 =	vadd.f32 v6, v21;
	v6 =	vsub.f32 v13, v17;
	v13 =	vmul.f32 v17, v13;
	v18 =	vld [tilespmem:s28+$0x4810]  }
0x231: {  	v3 =	vadd.f32 v9, v3;
	v5 =	vadd.f32 v12, v5;
	v12 =	vld [tilespmem:s28+$0xC810];
	[tilespmem:s22+$0x4820] =	vst v8  }
0x232: {  	[tilespmem:s28+$0x4450] =	vst v4;
	v4 =	vadd.f32 v6, v17;
	v6 =	vsub.f32 v16, v11;
	v8 =	vmul.f32 v11, v16;
	v9 =	vld [tilespmem:s28+$0x4820]  }
0x233: {  	v5 =	vadd.f32 v10, v5;
	v16 =	vld [tilespmem:s28+$0xC820];
	[tilespmem:s22+$0x4830] =	vst v3;
	s22 =	smov.u32 s28  }
0x234: {  	[tilespmem:s22+$0x4460] =	vst v4;
	v4 =	vadd.f32 v6, v11;
	v6 =	vsub.f32 v15, v14;
	v15 =	vmul.f32 v14, v15;
	v17 =	vld [tilespmem:s22+$0x4830]  }
0x235: {  	v7 =	vadd.f32 v7, v5;
	v3 =	vld [tilespmem:s22+$0xC830]  }
0x236: {  	[tilespmem:s22+$0x4470] =	vst v4;
	v4 =	vadd.f32 v6, v14;
	v10 =	vsub.f32 v18, v12;
	v11 =	vmul.f32 v12, v18;
	v5 =	vld [tilespmem:s22+$0xC850]  }
.Ltmp3:
0x237: {  	v7 =	vadd.f32 v13, v7;
	v6 =	vld [tilespmem:s22+$0x4860];
	(pc) =	sbr.rel @p0 .LBB2_8-.Ltmp3, $4  }
0x238: {  	[tilespmem:s22+$0x4800] =	vst v4;
	v12 =	vadd.f32 v10, v12;
	v13 =	vsub.f32 v9, v16;
	v10 =	vmul.f32 v16, v9;
	v4 =	vld [tilespmem:s22+$0xC870]  }
0x239: {  	v14 =	vadd.f32 v8, v7;
	v7 =	vld [tilespmem:s22+$0xC860]  }
0x23a: {  	[tilespmem:s22+$0x4810] =	vst v12;
	v8 =	vadd.f32 v13, v16;
	v9 =	vsub.f32 v17, v3;
	v13 =	vmul.f32 v3, v17;
	v12 =	vld [tilespmem:s22+$0x4850]  }
0x23b: {  	s23 =	sadd.s32 $0x80, s23;
	s29 =	smov.u32 s20;
	v15 =	vadd.f32 v15, v14;
	v14 =	vld [tilespmem:s22+$0x4840]  }
0x23c: {  	v16 =	vld [tilespmem:s22+$0x4870]  }
0x23d: {  	v17 =	vld [tilespmem:s22+$0xC840];
	_ =	sdelay $0x1  }
0x23e: {  	v18 =	vsub.f32 v6, v7  }
0x23f: {  	v3 =	vadd.f32 v9, v3;
	v19 =	vsub.f32 v12, v5  }
0x240: {  	[tilespmem:s22+$0x4820] =	vst v8;
	v18 =	vadd.f32 v18, v7;
	v20 =	vsub.f32 v16, v4  }
0x241: {  	[tilespmem:s22+$0x4830] =	vst v3;
	v19 =	vadd.f32 v19, v5;
	v21 =	vsub.f32 v14, v17  }
0x242: {  	[tilespmem:s22+$0x4860] =	vst v18;
	v58 =	vadd.f32 v20, v4  }
0x243: {  	[tilespmem:s22+$0x4850] =	vst v19;
	v59 =	vadd.f32 v21, v17  }
0x244: {  	[tilespmem:s22+$0x4870] =	vst v58  }
0x245: {  	s20 =	simm.s32 $0x0;
	s23 =	rddreg [dreg:$0xe];
	[tilespmem:s22+$0x4840] =	vst v59  }
0x246: {  	[hbm4b:s23+s20] =	stream.linear.scatter [tilespmem:s5], [sflag:$0x7], $0x4000, $0x38;
	[tilespmem:$0x10500] =	vst v63  }
0x247: {  	_ =	swait.ge [sflag:s19], $0x4000  }
0x248: {  	[sflag:s19] =	ssyncset.done $0x0  }
0x249: {  	[sflag:s19] =	ssyncadd.s32 $0xFFFFC000  }
0x24a: {  	v3 =	vld [tilespmem:$0x140];
	_ =	sdelay $0x4  }
0x24b: {  	v8 =	vshll.u32 v3, $0x1  }
0x24c: {  	v3 =	vand.u32 $0x7, v3;
	v8 =	vand.u32 $0xFFFFFFF0, v8  }
0x24d: {  	v3 =	vor.u32 v3, v8  }
0x24e: {  	v8 =	vperm.xlane v3, v0;
	_ =	sdelay $0x1  }
0x24f: {  	v3 =	vperm.xlane v3, v2;
	v8 =	vadd.s32 v1, v8;
	_ =	sdelay $0x1  }
0x250: {  	v3 =	vadd.s32 v1, v3;
	_ =	sdelay $0x2  }
0x251: {  	[tilespmem:s5], [sflag:$0x3] =	stream.indirect_vreg.gather [hbm4b:s1+s20], $0x80, v8, vm0, $0xb8;
	[tilespmem:$0x10500] =	vst v63  }
0x252: {  	_ = 	snop  }
0x253: {  	[tilespmem:s6], [sflag:$0x3] =	stream.indirect_vreg.gather [hbm4b:s1+s20], $0x80, v3, vm0, $0xb8;
	[tilespmem:$0x10500] =	vst v63  }
0x254: {  	v3 =	vld [tilespmem:$0x150];
	_ =	sdelay $0x4  }
0x255: {  	v8 =	vshll.u32 v3, $0x1  }
0x256: {  	v3 =	vand.u32 $0x7, v3;
	v8 =	vand.u32 $0xFFFFFFF0, v8  }
0x257: {  	v3 =	vor.u32 v3, v8  }
0x258: {  	v8 =	vperm.xlane v3, v0;
	_ =	sdelay $0x1  }
0x259: {  	v3 =	vperm.xlane v3, v2;
	v8 =	vadd.s32 v1, v8;
	_ =	sdelay $0x1  }
0x25a: {  	v3 =	vadd.s32 v1, v3;
	_ =	sdelay $0x2  }
0x25b: {  	[tilespmem:s7], [sflag:$0x3] =	stream.indirect_vreg.gather [hbm4b:s1+s20], $0x80, v8, vm0, $0xb8;
	[tilespmem:$0x10500] =	vst v63  }
0x25c: {  	_ = 	snop  }
0x25d: {  	[tilespmem:s8], [sflag:$0x3] =	stream.indirect_vreg.gather [hbm4b:s1+s20], $0x80, v3, vm0, $0xb8;
	[tilespmem:$0x10500] =	vst v63  }
0x25e: {  	v3 =	vld [tilespmem:$0x160];
	_ =	sdelay $0x4  }
0x25f: {  	v8 =	vshll.u32 v3, $0x1  }
0x260: {  	v3 =	vand.u32 $0x7, v3;
	v8 =	vand.u32 $0xFFFFFFF0, v8  }
0x261: {  	v3 =	vor.u32 v3, v8  }
0x262: {  	v8 =	vperm.xlane v3, v0;
	_ =	sdelay $0x1  }
0x263: {  	v3 =	vperm.xlane v3, v2;
	v8 =	vadd.s32 v1, v8;
	_ =	sdelay $0x1  }
0x264: {  	v3 =	vadd.s32 v1, v3;
	_ =	sdelay $0x2  }
0x265: {  	[tilespmem:s9], [sflag:$0x3] =	stream.indirect_vreg.gather [hbm4b:s1+s20], $0x80, v8, vm0, $0xb8;
	[tilespmem:$0x10500] =	vst v63  }
0x266: {  	_ = 	snop  }
0x267: {  	[tilespmem:s10], [sflag:$0x3] =	stream.indirect_vreg.gather [hbm4b:s1+s20], $0x80, v3, vm0, $0xb8;
	[tilespmem:$0x10500] =	vst v63  }
0x268: {  	v3 =	vld [tilespmem:$0x170];
	_ =	sdelay $0x4  }
0x269: {  	v8 =	vshll.u32 v3, $0x1  }
0x26a: {  	v3 =	vand.u32 $0x7, v3;
	v8 =	vand.u32 $0xFFFFFFF0, v8  }
0x26b: {  	v3 =	vor.u32 v3, v8  }
0x26c: {  	v8 =	vperm.xlane v3, v0;
	_ =	sdelay $0x1  }
0x26d: {  	v3 =	vperm.xlane v3, v2;
	v8 =	vadd.s32 v1, v8;
	_ =	sdelay $0x1  }
0x26e: {  	v3 =	vadd.s32 v1, v3;
	_ =	sdelay $0x2  }
0x26f: {  	[tilespmem:s11], [sflag:$0x3] =	stream.indirect_vreg.gather [hbm4b:s1+s20], $0x80, v8, vm0, $0xb8;
	[tilespmem:$0x10500] =	vst v63  }
0x270: {  	_ = 	snop  }
0x271: {  	[tilespmem:s12], [sflag:$0x3] =	stream.indirect_vreg.gather [hbm4b:s1+s20], $0x80, v3, vm0, $0xb8;
	[tilespmem:$0x10500] =	vst v63  }
0x272: {  	s28 =	rddreg [dreg:$0xf]  }
0x273: {  	[tilespmem:s13], [sflag:$0x5] =	stream.linear.gather [hbm4b:s28+s20], $0x4000, $0x38;
	[tilespmem:$0x10500] =	vst v63  }
0x274: {  	_ =	swait.ge [sflag:s14], $0x4000  }
0x275: {  	[sflag:s14] =	ssyncset.done $0x0  }
0x276: {  	[sflag:s14] =	ssyncadd.s32 $0xFFFFC000  }
0x277: {  	_ =	swait.ge [sflag:s15], $0x4000  }
0x278: {  	s30 =	sand.u32 $0x3800, s20;
	v3 =	vadd.f32 v11, v15;
	s20 =	sand.u32 $0x380, s20;
	[sflag:s15] =	ssyncset.done $0x0  }
0x279: {  	s22 =	sor.u32 s20, s30;
	[sflag:s15] =	ssyncadd.s32 $0xFFFFC000  }
0x27a: {  	v3 =	vadd.f32 v10, v3;
	v8 =	vld [tilespmem:s22+$0x8420]  }
0x27b: {  	v9 =	vld [tilespmem:s22+$0x8410]  }
0x27c: {  	v10 =	vmul.f32 v17, v14;
	v3 =	vadd.f32 v13, v3;
	v11 =	vld [tilespmem:s22+$0x410]  }
0x27d: {  	v13 =	vld [tilespmem:s22+$0x420]  }
0x27e: {  	v5 =	vmul.f32 v5, v12;
	v3 =	vadd.f32 v10, v3;
	v10 =	vld [tilespmem:s22+$0x8400]  }
0x27f: {  	v12 =	vld [tilespmem:s22+$0x400]  }
0x280: {  	v6 =	vmul.f32 v7, v6;
	v3 =	vadd.f32 v5, v3;
	v5 =	vld [tilespmem:s22+$0x430]  }
0x281: {  	v7 =	vld [tilespmem:s22+$0x8430]  }
0x282: {  	v4 =	vmul.f32 v4, v16;
	v15 =	vld [tilespmem:s22+$0x8440];
	v3 =	vadd.f32 v6, v3  }
0x283: {  	v60 =	vld [tilespmem:s22+$0x8450]  }
0x284: {  	v3 =	vadd.f32 v4, v3;
	v4 =	vld [tilespmem:s22+$0x450];
	v14 =	vsub.f32 v11, v9  }
0x285: {  	v6 =	vld [tilespmem:s22+$0x440];
	v17 =	vsub.f32 v12, v10;
	v12 =	vmul.f32 v10, v12  }
0x286: {  	v16 =	vsub.f32 v13, v8;
	v14 =	vadd.f32 v14, v9  }
0x287: {  	v10 =	vadd.f32 v17, v10;
	v17 =	vld [tilespmem:s22+$0x8460];
	v9 =	vmul.f32 v9, v11;
	v3 =	vadd.f32 v12, v3  }
0x288: {  	v11 =	vld [tilespmem:s22+$0x460];
	[tilespmem:s22+$0x410] =	vst v14;
	v14 =	vadd.f32 v16, v8;
	v16 =	vsub.f32 v5, v7  }
0x289: {  	[tilespmem:s22+$0x400] =	vst v10;
	v10 =	vld [tilespmem:s22+$0x470];
	v8 =	vmul.f32 v8, v13;
	v3 =	vadd.f32 v9, v3;
	v13 =	vsub.f32 v4, v60  }
0x28a: {  	v9 =	vld [tilespmem:s22+$0x8470];
	[tilespmem:s22+$0x420] =	vst v14;
	v12 =	vadd.f32 v16, v7;
	v14 =	vsub.f32 v6, v15  }
0x28b: {  	v5 =	vmul.f32 v7, v5;
	v3 =	vadd.f32 v8, v3;
	v7 =	vld [tilespmem:s22+$0x8800]  }
0x28c: {  	v8 =	vadd.f32 v13, v60;
	v13 =	vld [tilespmem:s22+$0x8810];
	[tilespmem:s22+$0x430] =	vst v12;
	v12 =	vadd.f32 v14, v15  }
0x28d: {  	v6 =	vmul.f32 v15, v6;
	v14 =	vld [tilespmem:s22+$0x800];
	v3 =	vadd.f32 v5, v3  }
0x28e: {  	v16 =	vld [tilespmem:s22+$0x820];
	[tilespmem:s22+$0x440] =	vst v12;
	v12 =	vsub.f32 v11, v17  }
0x28f: {  	v4 =	vmul.f32 v60, v4;
	v15 =	vld [tilespmem:s22+$0x810];
	v6 =	vadd.f32 v6, v3  }
0x290: {  	[tilespmem:s22+$0x450] =	vst v8;
	v8 =	vsub.f32 v10, v9;
	v3 =	vld [tilespmem:s22+$0x8830];
	v5 =	vadd.f32 v12, v17  }
0x291: {  	v11 =	vmul.f32 v17, v11;
	v12 =	vld [tilespmem:s22+$0x8820];
	v4 =	vadd.f32 v4, v6  }
0x292: {  	v17 =	vld [tilespmem:s22+$0x830];
	[tilespmem:s22+$0x460] =	vst v5;
	v5 =	vadd.f32 v8, v9;
	v8 =	vsub.f32 v14, v7  }
0x293: {  	v6 =	vld [tilespmem:s22+$0x860];
	v9 =	vmul.f32 v9, v10;
	v10 =	vadd.f32 v11, v4  }
0x294: {  	v61 =	vsub.f32 v15, v13;
	v4 =	vld [tilespmem:s22+$0x8870];
	v8 =	vadd.f32 v8, v7  }
0x295: {  	v14 =	vmul.f32 v7, v14;
	[tilespmem:s22+$0x470] =	vst v5;
	v5 =	vld [tilespmem:s22+$0x8850];
	v63 =	vadd.f32 v9, v10  }
0x296: {  	v7 =	vld [tilespmem:s22+$0x8860];
	v62 =	vsub.f32 v16, v12;
	[tilespmem:s22+$0x800] =	vst v8;
	v8 =	vadd.f32 v61, v13  }
0x297: {  	v11 =	vmul.f32 v13, v15;
	v10 =	vmul.f32 v12, v16;
	v15 =	vadd.f32 v14, v63;
	v14 =	vld [tilespmem:s22+$0x840]  }
0x298: {  	s29 =	simm.s32 $0x100;
	s23 =	simm.s32 $0x80;
	v9 =	vsub.f32 v17, v3;
	v13 =	vmul.f32 v3, v17;
	[tilespmem:s22+$0x810] =	vst v8;
	v8 =	vadd.f32 v62, v12;
	v12 =	vld [tilespmem:s22+$0x850]  }
.LBB2_10:
0x299: {  	s20 =	smov.u32 s29  }
0x29a: {  	s28 =	sand.u32 $0x3800, s29;
	s30 =	sand.u32 $0x380, s23;
	v16 =	vld [tilespmem:s22+$0x8840];
	s20 =	sadd.s32 $0x100, s29  }
0x29b: {  	p0 =	sne.s32 s29, $0x3F00;
	s28 =	sor.u32 s30, s28;
	v11 =	vadd.f32 v11, v15;
	v15 =	vld [tilespmem:s22+$0x870]  }
0x29c: {  	v18 =	vsub.f32 v6, v7;
	v6 =	vmul.f32 v7, v6;
	v17 =	vld [tilespmem:s28+$0x8420]  }
0x29d: {  	v10 =	vadd.f32 v10, v11;
	v11 =	vsub.f32 v12, v5;
	v12 =	vmul.f32 v5, v12;
	v19 =	vld [tilespmem:s28+$0x420]  }
0x29e: {  	v7 =	vadd.f32 v18, v7;
	v20 =	vld [tilespmem:s28+$0x8410]  }
0x29f: {  	v10 =	vadd.f32 v13, v10;
	v13 =	vmul.f32 v16, v14;
	v5 =	vadd.f32 v11, v5;
	v18 =	vld [tilespmem:s28+$0x410]  }
0x2a0: {  	v14 =	vsub.f32 v14, v16;
	v11 =	vld [tilespmem:s28+$0x8400];
	[tilespmem:s22+$0x860] =	vst v7;
	v7 =	vsub.f32 v15, v4  }
0x2a1: {  	v10 =	vadd.f32 v13, v10;
	v21 =	vld [tilespmem:s28+$0x400];
	[tilespmem:s22+$0x850] =	vst v5;
	v5 =	vmul.f32 v4, v15  }
0x2a2: {  	v14 =	vadd.f32 v14, v16;
	v13 =	vld [tilespmem:s28+$0x430];
	v4 =	vadd.f32 v7, v4  }
0x2a3: {  	v10 =	vadd.f32 v12, v10;
	v7 =	vld [tilespmem:s28+$0x8430]  }
0x2a4: {  	v12 =	vsub.f32 v18, v20;
	v15 =	vmul.f32 v20, v18;
	v16 =	vld [tilespmem:s28+$0x440];
	[tilespmem:s22+$0x870] =	vst v4  }
0x2a5: {  	v6 =	vadd.f32 v6, v10;
	v4 =	vld [tilespmem:s28+$0x8440];
	[tilespmem:s22+$0x840] =	vst v14  }
0x2a6: {  	v14 =	vmul.f32 v17, v19;
	v10 =	vadd.f32 v12, v20;
	v12 =	vsub.f32 v19, v17;
	v18 =	vld [tilespmem:s28+$0x450]  }
0x2a7: {  	v19 =	vsub.f32 v21, v11;
	v20 =	vmul.f32 v11, v21;
	v5 =	vadd.f32 v5, v6;
	v21 =	vld [tilespmem:s28+$0x8450]  }
0x2a8: {  	[tilespmem:s28+$0x410] =	vst v10;
	v6 =	vadd.f32 v12, v17;
	v10 =	vsub.f32 v13, v7;
	v12 =	vmul.f32 v7, v13;
	v13 =	vld [tilespmem:s28+$0x460]  }
0x2a9: {  	v11 =	vadd.f32 v19, v11;
	v5 =	vadd.f32 v20, v5;
	v17 =	vld [tilespmem:s28+$0x8460]  }
0x2aa: {  	[tilespmem:s28+$0x420] =	vst v6;
	v6 =	vadd.f32 v10, v7;
	v7 =	vsub.f32 v16, v4;
	v10 =	vmul.f32 v4, v16;
	v16 =	vld [tilespmem:s28+$0x470]  }
0x2ab: {  	v5 =	vadd.f32 v15, v5;
	[tilespmem:s28+$0x400] =	vst v11;
	v11 =	vld [tilespmem:s28+$0x8470]  }
0x2ac: {  	[tilespmem:s28+$0x430] =	vst v6;
	v4 =	vadd.f32 v7, v4;
	v6 =	vsub.f32 v18, v21;
	v7 =	vmul.f32 v21, v18;
	v15 =	vld [tilespmem:s28+$0x800]  }
0x2ad: {  	v5 =	vadd.f32 v14, v5;
	v14 =	vld [tilespmem:s28+$0x8800]  }
0x2ae: {  	[tilespmem:s28+$0x440] =	vst v4;
	v4 =	vadd.f32 v6, v21;
	v6 =	vsub.f32 v13, v17;
	v13 =	vmul.f32 v17, v13;
	v18 =	vld [tilespmem:s28+$0x810]  }
0x2af: {  	v3 =	vadd.f32 v9, v3;
	v5 =	vadd.f32 v12, v5;
	v12 =	vld [tilespmem:s28+$0x8810];
	[tilespmem:s22+$0x820] =	vst v8  }
0x2b0: {  	[tilespmem:s28+$0x450] =	vst v4;
	v4 =	vadd.f32 v6, v17;
	v6 =	vsub.f32 v16, v11;
	v8 =	vmul.f32 v11, v16;
	v9 =	vld [tilespmem:s28+$0x820]  }
0x2b1: {  	v5 =	vadd.f32 v10, v5;
	v16 =	vld [tilespmem:s28+$0x8820];
	[tilespmem:s22+$0x830] =	vst v3;
	s22 =	smov.u32 s28  }
0x2b2: {  	[tilespmem:s22+$0x460] =	vst v4;
	v4 =	vadd.f32 v6, v11;
	v6 =	vsub.f32 v15, v14;
	v15 =	vmul.f32 v14, v15;
	v17 =	vld [tilespmem:s22+$0x830]  }
0x2b3: {  	v7 =	vadd.f32 v7, v5;
	v3 =	vld [tilespmem:s22+$0x8830]  }
0x2b4: {  	[tilespmem:s22+$0x470] =	vst v4;
	v4 =	vadd.f32 v6, v14;
	v10 =	vsub.f32 v18, v12;
	v11 =	vmul.f32 v12, v18;
	v5 =	vld [tilespmem:s22+$0x8850]  }
.Ltmp4:
0x2b5: {  	v7 =	vadd.f32 v13, v7;
	v6 =	vld [tilespmem:s22+$0x860];
	(pc) =	sbr.rel @p0 .LBB2_10-.Ltmp4, $4  }
0x2b6: {  	[tilespmem:s22+$0x800] =	vst v4;
	v12 =	vadd.f32 v10, v12;
	v13 =	vsub.f32 v9, v16;
	v10 =	vmul.f32 v16, v9;
	v4 =	vld [tilespmem:s22+$0x8870]  }
0x2b7: {  	v14 =	vadd.f32 v8, v7;
	v7 =	vld [tilespmem:s22+$0x8860]  }
0x2b8: {  	[tilespmem:s22+$0x810] =	vst v12;
	v8 =	vadd.f32 v13, v16;
	v9 =	vsub.f32 v17, v3;
	v13 =	vmul.f32 v3, v17;
	v12 =	vld [tilespmem:s22+$0x850]  }
0x2b9: {  	s23 =	sadd.s32 $0x80, s23;
	s29 =	smov.u32 s20;
	v15 =	vadd.f32 v15, v14;
	v14 =	vld [tilespmem:s22+$0x840]  }
0x2ba: {  	v16 =	vld [tilespmem:s22+$0x870]  }
0x2bb: {  	v17 =	vld [tilespmem:s22+$0x8840];
	_ =	sdelay $0x1  }
0x2bc: {  	v18 =	vsub.f32 v6, v7  }
0x2bd: {  	v3 =	vadd.f32 v9, v3;
	v19 =	vsub.f32 v12, v5  }
0x2be: {  	[tilespmem:s22+$0x820] =	vst v8;
	v18 =	vadd.f32 v18, v7;
	v20 =	vsub.f32 v16, v4  }
0x2bf: {  	[tilespmem:s22+$0x830] =	vst v3;
	v19 =	vadd.f32 v19, v5;
	v21 =	vsub.f32 v14, v17  }
0x2c0: {  	[tilespmem:s22+$0x860] =	vst v18;
	v58 =	vadd.f32 v20, v4  }
0x2c1: {  	[tilespmem:s22+$0x850] =	vst v19;
	v59 =	vadd.f32 v21, v17  }
0x2c2: {  	[tilespmem:s22+$0x870] =	vst v58  }
0x2c3: {  	s20 =	simm.s32 $0x0;
	s23 =	rddreg [dreg:$0x10];
	[tilespmem:s22+$0x840] =	vst v59  }
0x2c4: {  	[hbm4b:s23+s20] =	stream.linear.scatter [tilespmem:s26], [sflag:$0x6], $0x4000, $0x38;
	[tilespmem:$0x10500] =	vst v63  }
0x2c5: {  	_ =	swait.ge [sflag:s16], $0x4000  }
0x2c6: {  	[sflag:s16] =	ssyncset.done $0x0  }
0x2c7: {  	[sflag:s16] =	ssyncadd.s32 $0xFFFFC000  }
0x2c8: {  	v3 =	vld [tilespmem:$0x180];
	_ =	sdelay $0x4  }
0x2c9: {  	v8 =	vshll.u32 v3, $0x1  }
0x2ca: {  	v3 =	vand.u32 $0x7, v3;
	v8 =	vand.u32 $0xFFFFFFF0, v8  }
0x2cb: {  	v3 =	vor.u32 v3, v8  }
0x2cc: {  	v8 =	vperm.xlane v3, v0;
	_ =	sdelay $0x1  }
0x2cd: {  	v3 =	vperm.xlane v3, v2;
	v8 =	vadd.s32 v1, v8;
	_ =	sdelay $0x1  }
0x2ce: {  	v3 =	vadd.s32 v1, v3;
	_ =	sdelay $0x2  }
0x2cf: {  	[tilespmem:s26], [sflag:$0x2] =	stream.indirect_vreg.gather [hbm4b:s1+s20], $0x80, v8, vm0, $0xb8;
	[tilespmem:$0x10500] =	vst v63  }
0x2d0: {  	s28 =	simm.s32 $0xC00  }
0x2d1: {  	[tilespmem:s28], [sflag:$0x2] =	stream.indirect_vreg.gather [hbm4b:s1+s20], $0x80, v3, vm0, $0xb8;
	[tilespmem:$0x10500] =	vst v63  }
0x2d2: {  	v3 =	vld [tilespmem:$0x190];
	_ =	sdelay $0x4  }
0x2d3: {  	v8 =	vshll.u32 v3, $0x1  }
0x2d4: {  	v3 =	vand.u32 $0x7, v3;
	v8 =	vand.u32 $0xFFFFFFF0, v8  }
0x2d5: {  	v3 =	vor.u32 v3, v8  }
0x2d6: {  	v8 =	vperm.xlane v3, v0;
	_ =	sdelay $0x1  }
0x2d7: {  	v3 =	vperm.xlane v3, v2;
	v8 =	vadd.s32 v1, v8;
	_ =	sdelay $0x1  }
0x2d8: {  	v3 =	vadd.s32 v1, v3;
	_ =	sdelay $0x1  }
0x2d9: {  	s30 =	simm.s32 $0x1400  }
0x2da: {  	[tilespmem:s30], [sflag:$0x2] =	stream.indirect_vreg.gather [hbm4b:s1+s20], $0x80, v8, vm0, $0xb8;
	[tilespmem:$0x10500] =	vst v63  }
0x2db: {  	s23 =	simm.s32 $0x1C00  }
0x2dc: {  	[tilespmem:s23], [sflag:$0x2] =	stream.indirect_vreg.gather [hbm4b:s1+s20], $0x80, v3, vm0, $0xb8;
	[tilespmem:$0x10500] =	vst v63  }
0x2dd: {  	v3 =	vld [tilespmem:$0x1A0];
	_ =	sdelay $0x4  }
0x2de: {  	v8 =	vshll.u32 v3, $0x1  }
0x2df: {  	v3 =	vand.u32 $0x7, v3;
	v8 =	vand.u32 $0xFFFFFFF0, v8  }
0x2e0: {  	v3 =	vor.u32 v3, v8  }
0x2e1: {  	v8 =	vperm.xlane v3, v0;
	_ =	sdelay $0x1  }
0x2e2: {  	v3 =	vperm.xlane v3, v2;
	v8 =	vadd.s32 v1, v8;
	_ =	sdelay $0x1  }
0x2e3: {  	v3 =	vadd.s32 v1, v3;
	_ =	sdelay $0x2  }
0x2e4: {  	[tilespmem:s31], [sflag:$0x2] =	stream.indirect_vreg.gather [hbm4b:s1+s20], $0x80, v8, vm0, $0xb8;
	[tilespmem:$0x10500] =	vst v63  }
0x2e5: {  	_ = 	snop  }
0x2e6: {  	[tilespmem:s2], [sflag:$0x2] =	stream.indirect_vreg.gather [hbm4b:s1+s20], $0x80, v3, vm0, $0xb8;
	[tilespmem:$0x10500] =	vst v63  }
0x2e7: {  	v3 =	vld [tilespmem:$0x1B0];
	_ =	sdelay $0x4  }
0x2e8: {  	v8 =	vshll.u32 v3, $0x1  }
0x2e9: {  	v3 =	vand.u32 $0x7, v3;
	v8 =	vand.u32 $0xFFFFFFF0, v8  }
0x2ea: {  	v3 =	vor.u32 v3, v8  }
0x2eb: {  	v8 =	vperm.xlane v3, v0;
	_ =	sdelay $0x1  }
0x2ec: {  	v3 =	vperm.xlane v3, v2;
	v8 =	vadd.s32 v1, v8;
	_ =	sdelay $0x1  }
0x2ed: {  	v3 =	vadd.s32 v1, v3;
	_ =	sdelay $0x2  }
0x2ee: {  	[tilespmem:s0], [sflag:$0x2] =	stream.indirect_vreg.gather [hbm4b:s1+s20], $0x80, v8, vm0, $0xb8;
	[tilespmem:$0x10500] =	vst v63  }
0x2ef: {  	_ = 	snop  }
0x2f0: {  	[tilespmem:s25], [sflag:$0x2] =	stream.indirect_vreg.gather [hbm4b:s1+s20], $0x80, v3, vm0, $0xb8;
	[tilespmem:$0x10500] =	vst v63  }
0x2f1: {  	s28 =	rddreg [dreg:$0x11]  }
0x2f2: {  	[tilespmem:s4], [sflag:$0x4] =	stream.linear.gather [hbm4b:s28+s20], $0x4000, $0x38;
	[tilespmem:$0x10500] =	vst v63  }
0x2f3: {  	_ =	swait.ge [sflag:s17], $0x4000  }
0x2f4: {  	[sflag:s17] =	ssyncset.done $0x0  }
0x2f5: {  	[sflag:s17] =	ssyncadd.s32 $0xFFFFC000  }
0x2f6: {  	_ =	swait.ge [sflag:s18], $0x4000  }
0x2f7: {  	s30 =	sand.u32 $0x3800, s20;
	v3 =	vadd.f32 v11, v15;
	s20 =	sand.u32 $0x380, s20;
	[sflag:s18] =	ssyncset.done $0x0  }
0x2f8: {  	s22 =	sor.u32 s20, s30;
	[sflag:s18] =	ssyncadd.s32 $0xFFFFC000  }
0x2f9: {  	v3 =	vadd.f32 v10, v3;
	v8 =	vld [tilespmem:s22+$0xC420]  }
0x2fa: {  	v9 =	vld [tilespmem:s22+$0xC410]  }
0x2fb: {  	v10 =	vmul.f32 v17, v14;
	v3 =	vadd.f32 v13, v3;
	v11 =	vld [tilespmem:s22+$0x4410]  }
0x2fc: {  	v13 =	vld [tilespmem:s22+$0x4420]  }
0x2fd: {  	v5 =	vmul.f32 v5, v12;
	v3 =	vadd.f32 v10, v3;
	v10 =	vld [tilespmem:s22+$0xC400]  }
0x2fe: {  	v12 =	vld [tilespmem:s22+$0x4400]  }
0x2ff: {  	v6 =	vmul.f32 v7, v6;
	v3 =	vadd.f32 v5, v3;
	v5 =	vld [tilespmem:s22+$0x4430]  }
0x300: {  	v7 =	vld [tilespmem:s22+$0xC430]  }
0x301: {  	v4 =	vmul.f32 v4, v16;
	v15 =	vld [tilespmem:s22+$0xC440];
	v3 =	vadd.f32 v6, v3  }
0x302: {  	v60 =	vld [tilespmem:s22+$0xC450]  }
0x303: {  	v3 =	vadd.f32 v4, v3;
	v4 =	vld [tilespmem:s22+$0x4450];
	v14 =	vsub.f32 v11, v9  }
0x304: {  	v6 =	vld [tilespmem:s22+$0x4440];
	v17 =	vsub.f32 v12, v10;
	v12 =	vmul.f32 v10, v12  }
0x305: {  	v16 =	vsub.f32 v13, v8;
	v14 =	vadd.f32 v14, v9  }
0x306: {  	v10 =	vadd.f32 v17, v10;
	v17 =	vld [tilespmem:s22+$0xC460];
	v9 =	vmul.f32 v9, v11;
	v3 =	vadd.f32 v12, v3  }
0x307: {  	v11 =	vld [tilespmem:s22+$0x4460];
	[tilespmem:s22+$0x4410] =	vst v14;
	v14 =	vadd.f32 v16, v8;
	v16 =	vsub.f32 v5, v7  }
0x308: {  	[tilespmem:s22+$0x4400] =	vst v10;
	v10 =	vld [tilespmem:s22+$0x4470];
	v8 =	vmul.f32 v8, v13;
	v3 =	vadd.f32 v9, v3;
	v13 =	vsub.f32 v4, v60  }
0x309: {  	v9 =	vld [tilespmem:s22+$0xC470];
	[tilespmem:s22+$0x4420] =	vst v14;
	v12 =	vadd.f32 v16, v7;
	v14 =	vsub.f32 v6, v15  }
0x30a: {  	v5 =	vmul.f32 v7, v5;
	v3 =	vadd.f32 v8, v3;
	v7 =	vld [tilespmem:s22+$0xC800]  }
0x30b: {  	v8 =	vadd.f32 v13, v60;
	v13 =	vld [tilespmem:s22+$0xC810];
	[tilespmem:s22+$0x4430] =	vst v12;
	v12 =	vadd.f32 v14, v15  }
0x30c: {  	v6 =	vmul.f32 v15, v6;
	v14 =	vld [tilespmem:s22+$0x4800];
	v3 =	vadd.f32 v5, v3  }
0x30d: {  	v16 =	vld [tilespmem:s22+$0x4820];
	[tilespmem:s22+$0x4440] =	vst v12;
	v12 =	vsub.f32 v11, v17  }
0x30e: {  	v4 =	vmul.f32 v60, v4;
	v15 =	vld [tilespmem:s22+$0x4810];
	v6 =	vadd.f32 v6, v3  }
0x30f: {  	[tilespmem:s22+$0x4450] =	vst v8;
	v8 =	vsub.f32 v10, v9;
	v3 =	vld [tilespmem:s22+$0xC830];
	v5 =	vadd.f32 v12, v17  }
0x310: {  	v11 =	vmul.f32 v17, v11;
	v12 =	vld [tilespmem:s22+$0xC820];
	v4 =	vadd.f32 v4, v6  }
0x311: {  	v17 =	vld [tilespmem:s22+$0x4830];
	[tilespmem:s22+$0x4460] =	vst v5;
	v5 =	vadd.f32 v8, v9;
	v8 =	vsub.f32 v14, v7  }
0x312: {  	v6 =	vld [tilespmem:s22+$0x4860];
	v9 =	vmul.f32 v9, v10;
	v10 =	vadd.f32 v11, v4  }
0x313: {  	v61 =	vsub.f32 v15, v13;
	v4 =	vld [tilespmem:s22+$0xC870];
	v8 =	vadd.f32 v8, v7  }
0x314: {  	v14 =	vmul.f32 v7, v14;
	[tilespmem:s22+$0x4470] =	vst v5;
	v5 =	vld [tilespmem:s22+$0xC850];
	v63 =	vadd.f32 v9, v10  }
0x315: {  	v7 =	vld [tilespmem:s22+$0xC860];
	v62 =	vsub.f32 v16, v12;
	[tilespmem:s22+$0x4800] =	vst v8;
	v8 =	vadd.f32 v61, v13  }
0x316: {  	v11 =	vmul.f32 v13, v15;
	v10 =	vmul.f32 v12, v16;
	v15 =	vadd.f32 v14, v63;
	v14 =	vld [tilespmem:s22+$0x4840]  }
0x317: {  	s29 =	simm.s32 $0x100;
	s23 =	simm.s32 $0x80;
	v9 =	vsub.f32 v17, v3;
	v13 =	vmul.f32 v3, v17;
	[tilespmem:s22+$0x4810] =	vst v8;
	v8 =	vadd.f32 v62, v12;
	v12 =	vld [tilespmem:s22+$0x4850]  }
.LBB2_12:
0x318: {  	s20 =	smov.u32 s29  }
0x319: {  	s28 =	sand.u32 $0x3800, s29;
	s30 =	sand.u32 $0x380, s23;
	v16 =	vld [tilespmem:s22+$0xC840];
	s20 =	sadd.s32 $0x100, s29  }
0x31a: {  	p0 =	sne.s32 s29, $0x3F00;
	s28 =	sor.u32 s30, s28;
	v11 =	vadd.f32 v11, v15;
	v15 =	vld [tilespmem:s22+$0x4870]  }
0x31b: {  	v18 =	vsub.f32 v6, v7;
	v6 =	vmul.f32 v7, v6;
	v17 =	vld [tilespmem:s28+$0xC420]  }
0x31c: {  	v10 =	vadd.f32 v10, v11;
	v11 =	vsub.f32 v12, v5;
	v12 =	vmul.f32 v5, v12;
	v19 =	vld [tilespmem:s28+$0x4420]  }
0x31d: {  	v7 =	vadd.f32 v18, v7;
	v20 =	vld [tilespmem:s28+$0xC410]  }
0x31e: {  	v10 =	vadd.f32 v13, v10;
	v13 =	vmul.f32 v16, v14;
	v5 =	vadd.f32 v11, v5;
	v18 =	vld [tilespmem:s28+$0x4410]  }
0x31f: {  	v14 =	vsub.f32 v14, v16;
	v11 =	vld [tilespmem:s28+$0xC400];
	[tilespmem:s22+$0x4860] =	vst v7;
	v7 =	vsub.f32 v15, v4  }
0x320: {  	v10 =	vadd.f32 v13, v10;
	v21 =	vld [tilespmem:s28+$0x4400];
	[tilespmem:s22+$0x4850] =	vst v5;
	v5 =	vmul.f32 v4, v15  }
0x321: {  	v14 =	vadd.f32 v14, v16;
	v13 =	vld [tilespmem:s28+$0x4430];
	v4 =	vadd.f32 v7, v4  }
0x322: {  	v10 =	vadd.f32 v12, v10;
	v7 =	vld [tilespmem:s28+$0xC430]  }
0x323: {  	v12 =	vsub.f32 v18, v20;
	v15 =	vmul.f32 v20, v18;
	v16 =	vld [tilespmem:s28+$0x4440];
	[tilespmem:s22+$0x4870] =	vst v4  }
0x324: {  	v6 =	vadd.f32 v6, v10;
	v4 =	vld [tilespmem:s28+$0xC440];
	[tilespmem:s22+$0x4840] =	vst v14  }
0x325: {  	v14 =	vmul.f32 v17, v19;
	v10 =	vadd.f32 v12, v20;
	v12 =	vsub.f32 v19, v17;
	v18 =	vld [tilespmem:s28+$0x4450]  }
0x326: {  	v19 =	vsub.f32 v21, v11;
	v20 =	vmul.f32 v11, v21;
	v5 =	vadd.f32 v5, v6;
	v21 =	vld [tilespmem:s28+$0xC450]  }
0x327: {  	[tilespmem:s28+$0x4410] =	vst v10;
	v6 =	vadd.f32 v12, v17;
	v10 =	vsub.f32 v13, v7;
	v12 =	vmul.f32 v7, v13;
	v13 =	vld [tilespmem:s28+$0x4460]  }
0x328: {  	v11 =	vadd.f32 v19, v11;
	v5 =	vadd.f32 v20, v5;
	v17 =	vld [tilespmem:s28+$0xC460]  }
0x329: {  	[tilespmem:s28+$0x4420] =	vst v6;
	v6 =	vadd.f32 v10, v7;
	v7 =	vsub.f32 v16, v4;
	v10 =	vmul.f32 v4, v16;
	v16 =	vld [tilespmem:s28+$0x4470]  }
0x32a: {  	v5 =	vadd.f32 v15, v5;
	[tilespmem:s28+$0x4400] =	vst v11;
	v11 =	vld [tilespmem:s28+$0xC470]  }
0x32b: {  	[tilespmem:s28+$0x4430] =	vst v6;
	v4 =	vadd.f32 v7, v4;
	v6 =	vsub.f32 v18, v21;
	v7 =	vmul.f32 v21, v18;
	v15 =	vld [tilespmem:s28+$0x4800]  }
0x32c: {  	v5 =	vadd.f32 v14, v5;
	v14 =	vld [tilespmem:s28+$0xC800]  }
0x32d: {  	[tilespmem:s28+$0x4440] =	vst v4;
	v4 =	vadd.f32 v6, v21;
	v6 =	vsub.f32 v13, v17;
	v13 =	vmul.f32 v17, v13;
	v18 =	vld [tilespmem:s28+$0x4810]  }
0x32e: {  	v3 =	vadd.f32 v9, v3;
	v5 =	vadd.f32 v12, v5;
	v12 =	vld [tilespmem:s28+$0xC810];
	[tilespmem:s22+$0x4820] =	vst v8  }
0x32f: {  	[tilespmem:s28+$0x4450] =	vst v4;
	v4 =	vadd.f32 v6, v17;
	v6 =	vsub.f32 v16, v11;
	v8 =	vmul.f32 v11, v16;
	v9 =	vld [tilespmem:s28+$0x4820]  }
0x330: {  	v5 =	vadd.f32 v10, v5;
	v16 =	vld [tilespmem:s28+$0xC820];
	[tilespmem:s22+$0x4830] =	vst v3;
	s22 =	smov.u32 s28  }
0x331: {  	[tilespmem:s22+$0x4460] =	vst v4;
	v4 =	vadd.f32 v6, v11;
	v6 =	vsub.f32 v15, v14;
	v15 =	vmul.f32 v14, v15;
	v17 =	vld [tilespmem:s22+$0x4830]  }
0x332: {  	v7 =	vadd.f32 v7, v5;
	v3 =	vld [tilespmem:s22+$0xC830]  }
0x333: {  	[tilespmem:s22+$0x4470] =	vst v4;
	v4 =	vadd.f32 v6, v14;
	v10 =	vsub.f32 v18, v12;
	v11 =	vmul.f32 v12, v18;
	v5 =	vld [tilespmem:s22+$0xC850]  }
.Ltmp5:
0x334: {  	v7 =	vadd.f32 v13, v7;
	v6 =	vld [tilespmem:s22+$0x4860];
	(pc) =	sbr.rel @p0 .LBB2_12-.Ltmp5, $4  }
0x335: {  	[tilespmem:s22+$0x4800] =	vst v4;
	v12 =	vadd.f32 v10, v12;
	v13 =	vsub.f32 v9, v16;
	v10 =	vmul.f32 v16, v9;
	v4 =	vld [tilespmem:s22+$0xC870]  }
0x336: {  	v14 =	vadd.f32 v8, v7;
	v7 =	vld [tilespmem:s22+$0xC860]  }
0x337: {  	[tilespmem:s22+$0x4810] =	vst v12;
	v8 =	vadd.f32 v13, v16;
	v9 =	vsub.f32 v17, v3;
	v13 =	vmul.f32 v3, v17;
	v12 =	vld [tilespmem:s22+$0x4850]  }
0x338: {  	s23 =	sadd.s32 $0x80, s23;
	s29 =	smov.u32 s20;
	v15 =	vadd.f32 v15, v14;
	v14 =	vld [tilespmem:s22+$0x4840]  }
0x339: {  	v16 =	vld [tilespmem:s22+$0x4870]  }
0x33a: {  	v17 =	vld [tilespmem:s22+$0xC840];
	_ =	sdelay $0x1  }
0x33b: {  	v18 =	vsub.f32 v6, v7  }
0x33c: {  	v3 =	vadd.f32 v9, v3;
	v19 =	vsub.f32 v12, v5  }
0x33d: {  	[tilespmem:s22+$0x4820] =	vst v8;
	v18 =	vadd.f32 v18, v7;
	v20 =	vsub.f32 v16, v4  }
0x33e: {  	[tilespmem:s22+$0x4830] =	vst v3;
	v19 =	vadd.f32 v19, v5;
	v21 =	vsub.f32 v14, v17  }
0x33f: {  	[tilespmem:s22+$0x4860] =	vst v18;
	v59 =	vadd.f32 v20, v4  }
0x340: {  	[tilespmem:s22+$0x4850] =	vst v19;
	v60 =	vadd.f32 v21, v17  }
0x341: {  	[tilespmem:s22+$0x4870] =	vst v59  }
0x342: {  	s20 =	simm.s32 $0x0;
	s23 =	rddreg [dreg:$0x12];
	[tilespmem:s22+$0x4840] =	vst v60  }
0x343: {  	[hbm4b:s23+s20] =	stream.linear.scatter [tilespmem:s5], [sflag:$0x7], $0x4000, $0x38;
	[tilespmem:$0x10500] =	vst v63  }
0x344: {  	_ =	swait.ge [sflag:s19], $0x4000  }
0x345: {  	[sflag:s19] =	ssyncset.done $0x0  }
0x346: {  	[sflag:s19] =	ssyncadd.s32 $0xFFFFC000  }
0x347: {  	v3 =	vld [tilespmem:$0x1C0];
	_ =	sdelay $0x4  }
0x348: {  	v8 =	vshll.u32 v3, $0x1  }
0x349: {  	v3 =	vand.u32 $0x7, v3;
	v8 =	vand.u32 $0xFFFFFFF0, v8  }
0x34a: {  	v3 =	vor.u32 v3, v8  }
0x34b: {  	v8 =	vperm.xlane v3, v0;
	_ =	sdelay $0x1  }
0x34c: {  	v3 =	vperm.xlane v3, v2;
	v8 =	vadd.s32 v1, v8;
	_ =	sdelay $0x1  }
0x34d: {  	v3 =	vadd.s32 v1, v3;
	_ =	sdelay $0x2  }
0x34e: {  	[tilespmem:s5], [sflag:$0x3] =	stream.indirect_vreg.gather [hbm4b:s1+s20], $0x80, v8, vm0, $0xb8;
	[tilespmem:$0x10500] =	vst v63  }
0x34f: {  	_ = 	snop  }
0x350: {  	[tilespmem:s6], [sflag:$0x3] =	stream.indirect_vreg.gather [hbm4b:s1+s20], $0x80, v3, vm0, $0xb8;
	[tilespmem:$0x10500] =	vst v63  }
0x351: {  	v3 =	vld [tilespmem:$0x1D0];
	_ =	sdelay $0x4  }
0x352: {  	v8 =	vshll.u32 v3, $0x1  }
0x353: {  	v3 =	vand.u32 $0x7, v3;
	v8 =	vand.u32 $0xFFFFFFF0, v8  }
0x354: {  	v3 =	vor.u32 v3, v8  }
0x355: {  	v8 =	vperm.xlane v3, v0;
	_ =	sdelay $0x1  }
0x356: {  	v3 =	vperm.xlane v3, v2;
	v8 =	vadd.s32 v1, v8;
	_ =	sdelay $0x1  }
0x357: {  	v3 =	vadd.s32 v1, v3;
	_ =	sdelay $0x2  }
0x358: {  	[tilespmem:s7], [sflag:$0x3] =	stream.indirect_vreg.gather [hbm4b:s1+s20], $0x80, v8, vm0, $0xb8;
	[tilespmem:$0x10500] =	vst v63  }
0x359: {  	_ = 	snop  }
0x35a: {  	[tilespmem:s8], [sflag:$0x3] =	stream.indirect_vreg.gather [hbm4b:s1+s20], $0x80, v3, vm0, $0xb8;
	[tilespmem:$0x10500] =	vst v63  }
0x35b: {  	v3 =	vld [tilespmem:$0x1E0];
	_ =	sdelay $0x4  }
0x35c: {  	v8 =	vshll.u32 v3, $0x1  }
0x35d: {  	v3 =	vand.u32 $0x7, v3;
	v8 =	vand.u32 $0xFFFFFFF0, v8  }
0x35e: {  	v3 =	vor.u32 v3, v8  }
0x35f: {  	v8 =	vperm.xlane v3, v0;
	_ =	sdelay $0x1  }
0x360: {  	v3 =	vperm.xlane v3, v2;
	v8 =	vadd.s32 v1, v8;
	_ =	sdelay $0x1  }
0x361: {  	v3 =	vadd.s32 v1, v3;
	_ =	sdelay $0x2  }
0x362: {  	[tilespmem:s9], [sflag:$0x3] =	stream.indirect_vreg.gather [hbm4b:s1+s20], $0x80, v8, vm0, $0xb8;
	[tilespmem:$0x10500] =	vst v63  }
0x363: {  	_ = 	snop  }
0x364: {  	[tilespmem:s10], [sflag:$0x3] =	stream.indirect_vreg.gather [hbm4b:s1+s20], $0x80, v3, vm0, $0xb8;
	[tilespmem:$0x10500] =	vst v63  }
0x365: {  	v3 =	vld [tilespmem:$0x1F0];
	_ =	sdelay $0x4  }
0x366: {  	v8 =	vshll.u32 v3, $0x1  }
0x367: {  	v3 =	vand.u32 $0x7, v3;
	v8 =	vand.u32 $0xFFFFFFF0, v8  }
0x368: {  	v3 =	vor.u32 v3, v8  }
0x369: {  	v8 =	vperm.xlane v3, v0;
	_ =	sdelay $0x1  }
0x36a: {  	v3 =	vperm.xlane v3, v2;
	v8 =	vadd.s32 v1, v8;
	_ =	sdelay $0x1  }
0x36b: {  	v3 =	vadd.s32 v1, v3;
	_ =	sdelay $0x2  }
0x36c: {  	[tilespmem:s11], [sflag:$0x3] =	stream.indirect_vreg.gather [hbm4b:s1+s20], $0x80, v8, vm0, $0xb8;
	[tilespmem:$0x10500] =	vst v63  }
0x36d: {  	_ = 	snop  }
0x36e: {  	[tilespmem:s12], [sflag:$0x3] =	stream.indirect_vreg.gather [hbm4b:s1+s20], $0x80, v3, vm0, $0xb8;
	[tilespmem:$0x10500] =	vst v63  }
0x36f: {  	s28 =	rddreg [dreg:$0x13]  }
0x370: {  	[tilespmem:s13], [sflag:$0x5] =	stream.linear.gather [hbm4b:s28+s20], $0x4000, $0x38;
	[tilespmem:$0x10500] =	vst v63  }
0x371: {  	_ =	swait.ge [sflag:s14], $0x4000  }
0x372: {  	[sflag:s14] =	ssyncset.done $0x0  }
0x373: {  	[sflag:s14] =	ssyncadd.s32 $0xFFFFC000  }
0x374: {  	_ =	swait.ge [sflag:s15], $0x4000  }
0x375: {  	s30 =	sand.u32 $0x3800, s20;
	v3 =	vadd.f32 v11, v15;
	s20 =	sand.u32 $0x380, s20;
	[sflag:s15] =	ssyncset.done $0x0  }
0x376: {  	s22 =	sor.u32 s20, s30;
	[sflag:s15] =	ssyncadd.s32 $0xFFFFC000  }
0x377: {  	v3 =	vadd.f32 v10, v3;
	v8 =	vld [tilespmem:s22+$0x8420]  }
0x378: {  	v9 =	vld [tilespmem:s22+$0x8410]  }
0x379: {  	v10 =	vmul.f32 v17, v14;
	v3 =	vadd.f32 v13, v3;
	v11 =	vld [tilespmem:s22+$0x410]  }
0x37a: {  	v13 =	vld [tilespmem:s22+$0x420]  }
0x37b: {  	v5 =	vmul.f32 v5, v12;
	v3 =	vadd.f32 v10, v3;
	v10 =	vld [tilespmem:s22+$0x8400]  }
0x37c: {  	v12 =	vld [tilespmem:s22+$0x400]  }
0x37d: {  	v3 =	vadd.f32 v5, v3;
	v5 =	vld [tilespmem:s22+$0x430]  }
0x37e: {  	v6 =	vmul.f32 v7, v6;
	v7 =	vld [tilespmem:s22+$0x8430]  }
0x37f: {  	v15 =	vld [tilespmem:s22+$0x8440]  }
0x380: {  	v4 =	vmul.f32 v4, v16;
	v61 =	vld [tilespmem:s22+$0x8450];
	v3 =	vadd.f32 v6, v3  }
0x381: {  	v6 =	vld [tilespmem:s22+$0x440];
	v14 =	vsub.f32 v11, v9;
	v17 =	vsub.f32 v12, v10  }
0x382: {  	v3 =	vadd.f32 v4, v3;
	v4 =	vld [tilespmem:s22+$0x450];
	v16 =	vsub.f32 v13, v8;
	v12 =	vmul.f32 v10, v12  }
0x383: {  	v14 =	vadd.f32 v14, v9;
	v10 =	vadd.f32 v17, v10;
	v17 =	vld [tilespmem:s22+$0x8460]  }
0x384: {  	v9 =	vmul.f32 v9, v11;
	v3 =	vadd.f32 v12, v3;
	v11 =	vld [tilespmem:s22+$0x460]  }
0x385: {  	[tilespmem:s22+$0x410] =	vst v14;
	v14 =	vadd.f32 v16, v8;
	v16 =	vsub.f32 v5, v7  }
0x386: {  	[tilespmem:s22+$0x400] =	vst v10;
	v10 =	vld [tilespmem:s22+$0x470];
	v8 =	vmul.f32 v8, v13;
	v3 =	vadd.f32 v9, v3  }
0x387: {  	v9 =	vld [tilespmem:s22+$0x8470];
	v13 =	vsub.f32 v4, v61;
	v12 =	vadd.f32 v16, v7  }
0x388: {  	v5 =	vmul.f32 v7, v5;
	[tilespmem:s22+$0x420] =	vst v14;
	v14 =	vsub.f32 v6, v15;
	v3 =	vadd.f32 v8, v3;
	v16 =	vld [tilespmem:s22+$0x8800]  }
0x389: {  	v7 =	vadd.f32 v13, v61;
	v13 =	vld [tilespmem:s22+$0x8820];
	v8 =	vsub.f32 v11, v17  }
0x38a: {  	v6 =	vmul.f32 v15, v6;
	[tilespmem:s22+$0x430] =	vst v12;
	v12 =	vadd.f32 v14, v15;
	v14 =	vld [tilespmem:s22+$0x800];
	v3 =	vadd.f32 v5, v3  }
0x38b: {  	v5 =	vld [tilespmem:s22+$0x8810];
	[tilespmem:s22+$0x450] =	vst v7;
	v7 =	vadd.f32 v8, v17  }
0x38c: {  	v4 =	vmul.f32 v61, v4;
	v8 =	vsub.f32 v10, v9;
	[tilespmem:s22+$0x440] =	vst v12;
	v12 =	vld [tilespmem:s22+$0x810];
	v6 =	vadd.f32 v6, v3  }
0x38d: {  	v15 =	vld [tilespmem:s22+$0x820]  }
0x38e: {  	v11 =	vmul.f32 v17, v11;
	v17 =	vld [tilespmem:s22+$0x830];
	[tilespmem:s22+$0x460] =	vst v7;
	v7 =	vadd.f32 v8, v9;
	v4 =	vadd.f32 v4, v6  }
0x38f: {  	v3 =	vld [tilespmem:s22+$0x8830];
	v8 =	vsub.f32 v14, v16  }
0x390: {  	[tilespmem:s22+$0x470] =	vst v7;
	v7 =	vld [tilespmem:s22+$0x8850];
	v4 =	vadd.f32 v11, v4  }
0x391: {  	v9 =	vmul.f32 v9, v10;
	v6 =	vadd.f32 v8, v16;
	v62 =	vsub.f32 v12, v5;
	v8 =	vld [tilespmem:s22+$0x860]  }
0x392: {  	v63 =	vsub.f32 v15, v13;
	v11 =	vmul.f32 v5, v12;
	v12 =	vld [tilespmem:s22+$0x850]  }
0x393: {  	v14 =	vmul.f32 v16, v14;
	v16 =	vadd.f32 v9, v4;
	v9 =	vld [tilespmem:s22+$0x8860];
	v18 =	vadd.f32 v62, v5  }
0x394: {  	v10 =	vmul.f32 v13, v15;
	v4 =	vadd.f32 v63, v13;
	[tilespmem:s22+$0x800] =	vst v6;
	v6 =	vld [tilespmem:s22+$0x8870]  }
0x395: {  	s29 =	simm.s32 $0x100;
	s23 =	simm.s32 $0x80;
	v13 =	vmul.f32 v3, v17;
	v5 =	vsub.f32 v17, v3;
	v15 =	vadd.f32 v14, v16;
	v14 =	vld [tilespmem:s22+$0x840];
	[tilespmem:s22+$0x810] =	vst v18  }
.LBB2_14:
0x396: {  	s20 =	smov.u32 s29  }
0x397: {  	s28 =	sand.u32 $0x3800, s29;
	s30 =	sand.u32 $0x380, s23;
	v16 =	vld [tilespmem:s22+$0x8840];
	s20 =	sadd.s32 $0x100, s29  }
0x398: {  	p0 =	sne.s32 s29, $0x3F00;
	s28 =	sor.u32 s30, s28;
	v11 =	vadd.f32 v11, v15;
	v15 =	vld [tilespmem:s22+$0x870]  }
0x399: {  	v18 =	vsub.f32 v8, v9;
	v8 =	vmul.f32 v9, v8;
	v17 =	vld [tilespmem:s28+$0x8420]  }
0x39a: {  	v10 =	vadd.f32 v10, v11;
	v11 =	vsub.f32 v12, v7;
	v12 =	vmul.f32 v7, v12;
	v19 =	vld [tilespmem:s28+$0x420]  }
0x39b: {  	v9 =	vadd.f32 v18, v9;
	v20 =	vld [tilespmem:s28+$0x8410]  }
0x39c: {  	v10 =	vadd.f32 v13, v10;
	v13 =	vmul.f32 v16, v14;
	v7 =	vadd.f32 v11, v7;
	v18 =	vld [tilespmem:s28+$0x410]  }
0x39d: {  	v14 =	vsub.f32 v14, v16;
	v11 =	vld [tilespmem:s28+$0x8400];
	[tilespmem:s22+$0x860] =	vst v9;
	v9 =	vsub.f32 v15, v6  }
0x39e: {  	v10 =	vadd.f32 v13, v10;
	v21 =	vld [tilespmem:s28+$0x400];
	[tilespmem:s22+$0x850] =	vst v7;
	v7 =	vmul.f32 v6, v15  }
0x39f: {  	v14 =	vadd.f32 v14, v16;
	v13 =	vld [tilespmem:s28+$0x430];
	v6 =	vadd.f32 v9, v6  }
0x3a0: {  	v10 =	vadd.f32 v12, v10;
	v9 =	vld [tilespmem:s28+$0x8430]  }
0x3a1: {  	v12 =	vsub.f32 v18, v20;
	v15 =	vmul.f32 v20, v18;
	v16 =	vld [tilespmem:s28+$0x440];
	[tilespmem:s22+$0x870] =	vst v6  }
0x3a2: {  	v8 =	vadd.f32 v8, v10;
	v6 =	vld [tilespmem:s28+$0x8440];
	[tilespmem:s22+$0x840] =	vst v14  }
0x3a3: {  	v14 =	vmul.f32 v17, v19;
	v10 =	vadd.f32 v12, v20;
	v12 =	vsub.f32 v19, v17;
	v18 =	vld [tilespmem:s28+$0x450]  }
0x3a4: {  	v19 =	vsub.f32 v21, v11;
	v20 =	vmul.f32 v11, v21;
	v7 =	vadd.f32 v7, v8;
	v21 =	vld [tilespmem:s28+$0x8450]  }
0x3a5: {  	[tilespmem:s28+$0x410] =	vst v10;
	v8 =	vadd.f32 v12, v17;
	v10 =	vsub.f32 v13, v9;
	v12 =	vmul.f32 v9, v13;
	v13 =	vld [tilespmem:s28+$0x460]  }
0x3a6: {  	v11 =	vadd.f32 v19, v11;
	v7 =	vadd.f32 v20, v7;
	v17 =	vld [tilespmem:s28+$0x8460]  }
0x3a7: {  	[tilespmem:s28+$0x420] =	vst v8;
	v8 =	vadd.f32 v10, v9;
	v9 =	vsub.f32 v16, v6;
	v10 =	vmul.f32 v6, v16;
	v16 =	vld [tilespmem:s28+$0x470]  }
0x3a8: {  	v7 =	vadd.f32 v15, v7;
	[tilespmem:s28+$0x400] =	vst v11;
	v11 =	vld [tilespmem:s28+$0x8470]  }
0x3a9: {  	[tilespmem:s28+$0x430] =	vst v8;
	v6 =	vadd.f32 v9, v6;
	v8 =	vsub.f32 v18, v21;
	v9 =	vmul.f32 v21, v18;
	v15 =	vld [tilespmem:s28+$0x800]  }
0x3aa: {  	v7 =	vadd.f32 v14, v7;
	v14 =	vld [tilespmem:s28+$0x8800]  }
0x3ab: {  	[tilespmem:s28+$0x440] =	vst v6;
	v6 =	vadd.f32 v8, v21;
	v8 =	vsub.f32 v13, v17;
	v13 =	vmul.f32 v17, v13;
	v18 =	vld [tilespmem:s28+$0x810]  }
0x3ac: {  	v3 =	vadd.f32 v5, v3;
	v7 =	vadd.f32 v12, v7;
	v12 =	vld [tilespmem:s28+$0x8810];
	[tilespmem:s22+$0x820] =	vst v4  }
0x3ad: {  	[tilespmem:s28+$0x450] =	vst v6;
	v4 =	vadd.f32 v8, v17;
	v5 =	vsub.f32 v16, v11;
	v16 =	vmul.f32 v11, v16;
	v6 =	vld [tilespmem:s28+$0x820]  }
0x3ae: {  	v7 =	vadd.f32 v10, v7;
	v17 =	vld [tilespmem:s28+$0x8820];
	[tilespmem:s22+$0x830] =	vst v3;
	s22 =	smov.u32 s28  }
0x3af: {  	[tilespmem:s22+$0x460] =	vst v4;
	v4 =	vadd.f32 v5, v11;
	v5 =	vsub.f32 v15, v14;
	v15 =	vmul.f32 v14, v15;
	v19 =	vld [tilespmem:s22+$0x830]  }
0x3b0: {  	v8 =	vadd.f32 v9, v7;
	v3 =	vld [tilespmem:s22+$0x8830]  }
0x3b1: {  	[tilespmem:s22+$0x470] =	vst v4;
	v4 =	vadd.f32 v5, v14;
	v5 =	vsub.f32 v18, v12;
	v11 =	vmul.f32 v12, v18;
	v7 =	vld [tilespmem:s22+$0x8850]  }
.Ltmp6:
0x3b2: {  	v9 =	vadd.f32 v13, v8;
	v8 =	vld [tilespmem:s22+$0x860];
	(pc) =	sbr.rel @p0 .LBB2_14-.Ltmp6, $4  }
0x3b3: {  	[tilespmem:s22+$0x800] =	vst v4;
	v4 =	vadd.f32 v5, v12;
	v5 =	vsub.f32 v6, v17;
	v10 =	vmul.f32 v17, v6;
	v6 =	vld [tilespmem:s22+$0x8870]  }
0x3b4: {  	v14 =	vadd.f32 v16, v9;
	v9 =	vld [tilespmem:s22+$0x8860]  }
0x3b5: {  	[tilespmem:s22+$0x810] =	vst v4;
	v4 =	vadd.f32 v5, v17;
	v5 =	vsub.f32 v19, v3;
	v13 =	vmul.f32 v3, v19;
	v12 =	vld [tilespmem:s22+$0x850]  }
0x3b6: {  	s23 =	sadd.s32 $0x80, s23;
	s29 =	smov.u32 s20;
	v15 =	vadd.f32 v15, v14;
	v14 =	vld [tilespmem:s22+$0x840]  }
0x3b7: {  	v16 =	vld [tilespmem:s22+$0x870]  }
0x3b8: {  	v17 =	vld [tilespmem:s22+$0x8840];
	_ =	sdelay $0x1  }
0x3b9: {  	v18 =	vsub.f32 v8, v9  }
0x3ba: {  	v3 =	vadd.f32 v5, v3;
	v19 =	vsub.f32 v12, v7  }
0x3bb: {  	[tilespmem:s22+$0x820] =	vst v4;
	v18 =	vadd.f32 v18, v9;
	v20 =	vsub.f32 v16, v6  }
0x3bc: {  	[tilespmem:s22+$0x830] =	vst v3;
	v19 =	vadd.f32 v19, v7;
	v21 =	vsub.f32 v14, v17  }
0x3bd: {  	[tilespmem:s22+$0x860] =	vst v18;
	v59 =	vadd.f32 v20, v6  }
0x3be: {  	[tilespmem:s22+$0x850] =	vst v19;
	v60 =	vadd.f32 v21, v17  }
0x3bf: {  	[tilespmem:s22+$0x870] =	vst v59  }
0x3c0: {  	s20 =	simm.s32 $0x0;
	s28 =	rddreg [dreg:$0x14];
	[tilespmem:s22+$0x840] =	vst v60  }
0x3c1: {  	[hbm4b:s28+s20] =	stream.linear.scatter [tilespmem:s26], [sflag:$0x6], $0x4000, $0x38;
	[tilespmem:$0x10500] =	vst v63  }
0x3c2: {  	_ =	swait.ge [sflag:s17], $0x4000  }
0x3c3: {  	[sflag:s17] =	ssyncset.done $0x0  }
0x3c4: {  	[sflag:s17] =	ssyncadd.s32 $0xFFFFC000  }
0x3c5: {  	_ =	swait.ge [sflag:s18], $0x4000  }
0x3c6: {  	s30 =	sand.u32 $0x3800, s20;
	v3 =	vadd.f32 v11, v15;
	s20 =	sand.u32 $0x380, s20;
	[sflag:s18] =	ssyncset.done $0x0  }
0x3c7: {  	s22 =	sor.u32 s20, s30;
	[sflag:s18] =	ssyncadd.s32 $0xFFFFC000  }
0x3c8: {  	v3 =	vadd.f32 v10, v3;
	v4 =	vld [tilespmem:s22+$0xC420]  }
0x3c9: {  	v5 =	vld [tilespmem:s22+$0xC410]  }
0x3ca: {  	v10 =	vmul.f32 v17, v14;
	v3 =	vadd.f32 v13, v3;
	v11 =	vld [tilespmem:s22+$0x4410]  }
0x3cb: {  	v13 =	vld [tilespmem:s22+$0x4420]  }
0x3cc: {  	v7 =	vmul.f32 v7, v12;
	v3 =	vadd.f32 v10, v3;
	v10 =	vld [tilespmem:s22+$0xC400]  }
0x3cd: {  	v12 =	vld [tilespmem:s22+$0x4400]  }
0x3ce: {  	v8 =	vmul.f32 v9, v8;
	v3 =	vadd.f32 v7, v3;
	v7 =	vld [tilespmem:s22+$0x4430]  }
0x3cf: {  	v9 =	vld [tilespmem:s22+$0xC430]  }
0x3d0: {  	v6 =	vmul.f32 v6, v16;
	v3 =	vadd.f32 v8, v3;
	v8 =	vld [tilespmem:s22+$0x4440]  }
0x3d1: {  	v15 =	vld [tilespmem:s22+$0xC440];
	v14 =	vsub.f32 v11, v5  }
0x3d2: {  	v3 =	vadd.f32 v6, v3;
	v61 =	vld [tilespmem:s22+$0xC450];
	v17 =	vsub.f32 v12, v10;
	v12 =	vmul.f32 v10, v12  }
0x3d3: {  	v6 =	vld [tilespmem:s22+$0x4450];
	v16 =	vsub.f32 v13, v4;
	v14 =	vadd.f32 v14, v5  }
0x3d4: {  	v10 =	vadd.f32 v17, v10;
	v17 =	vld [tilespmem:s22+$0xC460];
	v5 =	vmul.f32 v5, v11;
	v3 =	vadd.f32 v12, v3  }
0x3d5: {  	v11 =	vld [tilespmem:s22+$0x4460];
	[tilespmem:s22+$0x4410] =	vst v14;
	v14 =	vadd.f32 v16, v4;
	v16 =	vsub.f32 v7, v9  }
0x3d6: {  	[tilespmem:s22+$0x4400] =	vst v10;
	v10 =	vld [tilespmem:s22+$0x4470];
	v4 =	vmul.f32 v4, v13;
	v3 =	vadd.f32 v5, v3  }
0x3d7: {  	v13 =	vld [tilespmem:s22+$0xC470];
	[tilespmem:s22+$0x4420] =	vst v14;
	v12 =	vadd.f32 v16, v9;
	v14 =	vsub.f32 v8, v15  }
0x3d8: {  	v7 =	vmul.f32 v9, v7;
	v3 =	vadd.f32 v4, v3;
	v9 =	vld [tilespmem:s22+$0xC800]  }
0x3d9: {  	[tilespmem:s22+$0x4430] =	vst v12;
	v5 =	vadd.f32 v14, v15;
	v12 =	vsub.f32 v6, v61;
	v14 =	vld [tilespmem:s22+$0x4800]  }
0x3da: {  	v8 =	vmul.f32 v15, v8;
	v3 =	vadd.f32 v7, v3;
	v15 =	vld [tilespmem:s22+$0x4810]  }
0x3db: {  	[tilespmem:s22+$0x4440] =	vst v5;
	v4 =	vadd.f32 v12, v61;
	v5 =	vsub.f32 v11, v17;
	v12 =	vld [tilespmem:s22+$0xC810]  }
0x3dc: {  	v16 =	vld [tilespmem:s22+$0x4820];
	v6 =	vmul.f32 v61, v6;
	v7 =	vadd.f32 v8, v3  }
0x3dd: {  	v8 =	vld [tilespmem:s22+$0xC820];
	[tilespmem:s22+$0x4450] =	vst v4;
	v4 =	vadd.f32 v5, v17;
	v5 =	vsub.f32 v10, v13  }
0x3de: {  	v3 =	vld [tilespmem:s22+$0xC830];
	v11 =	vmul.f32 v17, v11;
	v6 =	vadd.f32 v6, v7  }
0x3df: {  	v17 =	vld [tilespmem:s22+$0x4830];
	[tilespmem:s22+$0x4460] =	vst v4;
	v4 =	vadd.f32 v5, v13;
	v5 =	vsub.f32 v14, v9  }
0x3e0: {  	v11 =	vadd.f32 v11, v6;
	v6 =	vld [tilespmem:s22+$0x4860];
	v7 =	vsub.f32 v15, v12  }
0x3e1: {  	v10 =	vmul.f32 v13, v10;
	[tilespmem:s22+$0x4470] =	vst v4;
	v4 =	vadd.f32 v5, v9;
	v5 =	vld [tilespmem:s22+$0xC850]  }
0x3e2: {  	v62 =	vsub.f32 v16, v8;
	v13 =	vadd.f32 v7, v12;
	v7 =	vld [tilespmem:s22+$0xC860]  }
0x3e3: {  	v14 =	vmul.f32 v9, v14;
	v63 =	vadd.f32 v10, v11;
	v11 =	vmul.f32 v12, v15;
	v12 =	vld [tilespmem:s22+$0x4850]  }
0x3e4: {  	v10 =	vmul.f32 v8, v16;
	v8 =	vadd.f32 v62, v8;
	[tilespmem:s22+$0x4800] =	vst v4;
	v4 =	vld [tilespmem:s22+$0xC870]  }
0x3e5: {  	s29 =	simm.s32 $0x100;
	s23 =	simm.s32 $0x80;
	v9 =	vsub.f32 v17, v3;
	v15 =	vadd.f32 v14, v63;
	v14 =	vld [tilespmem:s22+$0x4840];
	[tilespmem:s22+$0x4810] =	vst v13;
	v13 =	vmul.f32 v3, v17  }
.LBB2_16:
0x3e6: {  	s20 =	smov.u32 s29  }
0x3e7: {  	s28 =	sand.u32 $0x3800, s29;
	s30 =	sand.u32 $0x380, s23;
	v16 =	vld [tilespmem:s22+$0xC840];
	s20 =	sadd.s32 $0x100, s29  }
0x3e8: {  	p0 =	sne.s32 s29, $0x3F00;
	s28 =	sor.u32 s30, s28;
	v11 =	vadd.f32 v11, v15;
	v15 =	vld [tilespmem:s22+$0x4870]  }
0x3e9: {  	v18 =	vsub.f32 v6, v7;
	v6 =	vmul.f32 v7, v6;
	v17 =	vld [tilespmem:s28+$0xC420]  }
0x3ea: {  	v10 =	vadd.f32 v10, v11;
	v11 =	vsub.f32 v12, v5;
	v12 =	vmul.f32 v5, v12;
	v19 =	vld [tilespmem:s28+$0x4420]  }
0x3eb: {  	v7 =	vadd.f32 v18, v7;
	v20 =	vld [tilespmem:s28+$0xC410]  }
0x3ec: {  	v10 =	vadd.f32 v13, v10;
	v13 =	vmul.f32 v16, v14;
	v5 =	vadd.f32 v11, v5;
	v18 =	vld [tilespmem:s28+$0x4410]  }
0x3ed: {  	v14 =	vsub.f32 v14, v16;
	v11 =	vld [tilespmem:s28+$0xC400];
	[tilespmem:s22+$0x4860] =	vst v7;
	v7 =	vsub.f32 v15, v4  }
0x3ee: {  	v10 =	vadd.f32 v13, v10;
	v21 =	vld [tilespmem:s28+$0x4400];
	[tilespmem:s22+$0x4850] =	vst v5;
	v5 =	vmul.f32 v4, v15  }
0x3ef: {  	v14 =	vadd.f32 v14, v16;
	v13 =	vld [tilespmem:s28+$0x4430];
	v4 =	vadd.f32 v7, v4  }
0x3f0: {  	v10 =	vadd.f32 v12, v10;
	v7 =	vld [tilespmem:s28+$0xC430]  }
0x3f1: {  	v12 =	vsub.f32 v18, v20;
	v15 =	vmul.f32 v20, v18;
	v16 =	vld [tilespmem:s28+$0x4440];
	[tilespmem:s22+$0x4870] =	vst v4  }
0x3f2: {  	v6 =	vadd.f32 v6, v10;
	v4 =	vld [tilespmem:s28+$0xC440];
	[tilespmem:s22+$0x4840] =	vst v14  }
0x3f3: {  	v14 =	vmul.f32 v17, v19;
	v10 =	vadd.f32 v12, v20;
	v12 =	vsub.f32 v19, v17;
	v18 =	vld [tilespmem:s28+$0x4450]  }
0x3f4: {  	v19 =	vsub.f32 v21, v11;
	v20 =	vmul.f32 v11, v21;
	v5 =	vadd.f32 v5, v6;
	v21 =	vld [tilespmem:s28+$0xC450]  }
0x3f5: {  	[tilespmem:s28+$0x4410] =	vst v10;
	v6 =	vadd.f32 v12, v17;
	v10 =	vsub.f32 v13, v7;
	v12 =	vmul.f32 v7, v13;
	v13 =	vld [tilespmem:s28+$0x4460]  }
0x3f6: {  	v11 =	vadd.f32 v19, v11;
	v5 =	vadd.f32 v20, v5;
	v17 =	vld [tilespmem:s28+$0xC460]  }
0x3f7: {  	[tilespmem:s28+$0x4420] =	vst v6;
	v6 =	vadd.f32 v10, v7;
	v7 =	vsub.f32 v16, v4;
	v10 =	vmul.f32 v4, v16;
	v16 =	vld [tilespmem:s28+$0x4470]  }
0x3f8: {  	v5 =	vadd.f32 v15, v5;
	[tilespmem:s28+$0x4400] =	vst v11;
	v11 =	vld [tilespmem:s28+$0xC470]  }
0x3f9: {  	[tilespmem:s28+$0x4430] =	vst v6;
	v4 =	vadd.f32 v7, v4;
	v6 =	vsub.f32 v18, v21;
	v7 =	vmul.f32 v21, v18;
	v15 =	vld [tilespmem:s28+$0x4800]  }
0x3fa: {  	v5 =	vadd.f32 v14, v5;
	v14 =	vld [tilespmem:s28+$0xC800]  }
0x3fb: {  	[tilespmem:s28+$0x4440] =	vst v4;
	v4 =	vadd.f32 v6, v21;
	v6 =	vsub.f32 v13, v17;
	v13 =	vmul.f32 v17, v13;
	v18 =	vld [tilespmem:s28+$0x4810]  }
0x3fc: {  	v3 =	vadd.f32 v9, v3;
	v5 =	vadd.f32 v12, v5;
	v12 =	vld [tilespmem:s28+$0xC810];
	[tilespmem:s22+$0x4820] =	vst v8  }
0x3fd: {  	[tilespmem:s28+$0x4450] =	vst v4;
	v4 =	vadd.f32 v6, v17;
	v6 =	vsub.f32 v16, v11;
	v8 =	vmul.f32 v11, v16;
	v9 =	vld [tilespmem:s28+$0x4820]  }
0x3fe: {  	v5 =	vadd.f32 v10, v5;
	v16 =	vld [tilespmem:s28+$0xC820];
	[tilespmem:s22+$0x4830] =	vst v3;
	s22 =	smov.u32 s28  }
0x3ff: {  	[tilespmem:s22+$0x4460] =	vst v4;
	v4 =	vadd.f32 v6, v11;
	v6 =	vsub.f32 v15, v14;
	v15 =	vmul.f32 v14, v15;
	v17 =	vld [tilespmem:s22+$0x4830]  }
0x400: {  	v7 =	vadd.f32 v7, v5;
	v3 =	vld [tilespmem:s22+$0xC830]  }
0x401: {  	[tilespmem:s22+$0x4470] =	vst v4;
	v4 =	vadd.f32 v6, v14;
	v10 =	vsub.f32 v18, v12;
	v11 =	vmul.f32 v12, v18;
	v5 =	vld [tilespmem:s22+$0xC850]  }
.Ltmp7:
0x402: {  	v7 =	vadd.f32 v13, v7;
	v6 =	vld [tilespmem:s22+$0x4860];
	(pc) =	sbr.rel @p0 .LBB2_16-.Ltmp7, $4  }
0x403: {  	[tilespmem:s22+$0x4800] =	vst v4;
	v12 =	vadd.f32 v10, v12;
	v13 =	vsub.f32 v9, v16;
	v10 =	vmul.f32 v16, v9;
	v4 =	vld [tilespmem:s22+$0xC870]  }
0x404: {  	v14 =	vadd.f32 v8, v7;
	v7 =	vld [tilespmem:s22+$0xC860]  }
0x405: {  	[tilespmem:s22+$0x4810] =	vst v12;
	v8 =	vadd.f32 v13, v16;
	v9 =	vsub.f32 v17, v3;
	v13 =	vmul.f32 v3, v17;
	v12 =	vld [tilespmem:s22+$0x4850]  }
0x406: {  	s23 =	sadd.s32 $0x80, s23;
	s29 =	smov.u32 s20;
	v15 =	vadd.f32 v15, v14;
	v14 =	vld [tilespmem:s22+$0x4840]  }
0x407: {  	v16 =	vld [tilespmem:s22+$0x4870]  }
0x408: {  	v17 =	vld [tilespmem:s22+$0xC840];
	_ =	sdelay $0x1  }
0x409: {  	v18 =	vsub.f32 v6, v7  }
0x40a: {  	v3 =	vadd.f32 v9, v3;
	v19 =	vsub.f32 v12, v5  }
0x40b: {  	[tilespmem:s22+$0x4820] =	vst v8;
	v18 =	vadd.f32 v18, v7;
	v20 =	vsub.f32 v16, v4  }
0x40c: {  	[tilespmem:s22+$0x4830] =	vst v3;
	v19 =	vadd.f32 v19, v5;
	v21 =	vsub.f32 v14, v17  }
0x40d: {  	[tilespmem:s22+$0x4860] =	vst v18;
	v26 =	vadd.f32 v20, v4  }
0x40e: {  	[tilespmem:s22+$0x4850] =	vst v19;
	v27 =	vadd.f32 v21, v17  }
0x40f: {  	[tilespmem:s22+$0x4870] =	vst v26  }
0x410: {  	s20 =	rddreg [dreg:$0x15];
	[tilespmem:s22+$0x4840] =	vst v27  }
0x411: {  	[hbm4b:s20+s3] =	stream.linear.scatter [tilespmem:s5], [sflag:$0x7], $0x4000, $0x38;
	[tilespmem:$0x10500] =	vst v63  }
0x412: {  	_ =	swait.ge [sflag:s16], $0x4000  }
0x413: {  	[sflag:s16] =	ssyncset.done $0x0  }
0x414: {  	[sflag:s16] =	ssyncadd.s32 $0xFFFFC000  }
0x415: {  	_ =	swait.ge [sflag:s19], $0x4000  }
0x416: {  	[sflag:s19] =	ssyncset.done $0x0  }
0x417: {  	s23 =	simm.s32 $0x1;
	[sflag:s19] =	ssyncadd.s32 $0xFFFFC000  }
0x418: {  	_ =	swait.ge [sflag:s23], $0x200  }
0x419: {  	[sflag:s23] =	ssyncset.done $0x0  }
0x41a: {  	[sflag:s23] =	ssyncadd.s32 $0xFFFFFE00  }
0x41b: {  	v3 =	vld [tilespmem:$0x200];
	_ =	sdelay $0x1  }
0x41c: {  	v28 =	vld [tilespmem:$0x210];
	_ =	sdelay $0x1  }
0x41d: {  	v29 =	vld [tilespmem:$0x220]  }
0x41e: {  	v3 =	vadd.f32 $0.0e+00, v3  }
0x41f: {  	v30 =	vld [tilespmem:$0x230]  }
0x420: {  	v3 =	vadd.f32 v28, v3  }
0x421: {  	v31 =	vld [tilespmem:$0x240]  }
0x422: {  	v3 =	vadd.f32 v29, v3  }
0x423: {  	v32 =	vld [tilespmem:$0x250]  }
0x424: {  	v3 =	vadd.f32 v30, v3  }
0x425: {  	v33 =	vld [tilespmem:$0x260]  }
0x426: {  	v3 =	vadd.f32 v31, v3  }
0x427: {  	v34 =	vld [tilespmem:$0x270]  }
0x428: {  	v3 =	vadd.f32 v32, v3  }
0x429: {  	v35 =	vld [tilespmem:$0x280]  }
0x42a: {  	v3 =	vadd.f32 v33, v3  }
0x42b: {  	v36 =	vld [tilespmem:$0x290]  }
0x42c: {  	v3 =	vadd.f32 v34, v3  }
0x42d: {  	v37 =	vld [tilespmem:$0x2A0]  }
0x42e: {  	v3 =	vadd.f32 v35, v3  }
0x42f: {  	v38 =	vld [tilespmem:$0x2B0]  }
0x430: {  	v3 =	vadd.f32 v36, v3  }
0x431: {  	v39 =	vld [tilespmem:$0x2C0]  }
0x432: {  	v3 =	vadd.f32 v37, v3  }
0x433: {  	v40 =	vld [tilespmem:$0x2D0]  }
0x434: {  	v3 =	vadd.f32 v38, v3  }
0x435: {  	v41 =	vld [tilespmem:$0x2E0]  }
0x436: {  	v3 =	vadd.f32 v39, v3  }
0x437: {  	v42 =	vld [tilespmem:$0x2F0]  }
0x438: {  	v3 =	vadd.f32 v40, v3  }
0x439: {  	v43 =	vld [tilespmem:$0x300]  }
0x43a: {  	v3 =	vadd.f32 v41, v3  }
0x43b: {  	v44 =	vld [tilespmem:$0x310]  }
0x43c: {  	v3 =	vadd.f32 v42, v3  }
0x43d: {  	v45 =	vld [tilespmem:$0x320]  }
0x43e: {  	v3 =	vadd.f32 v43, v3  }
0x43f: {  	v46 =	vld [tilespmem:$0x330]  }
0x440: {  	v3 =	vadd.f32 v44, v3  }
0x441: {  	v47 =	vld [tilespmem:$0x340]  }
0x442: {  	v3 =	vadd.f32 v45, v3  }
0x443: {  	v48 =	vld [tilespmem:$0x350]  }
0x444: {  	v3 =	vadd.f32 v46, v3  }
0x445: {  	v49 =	vld [tilespmem:$0x360]  }
0x446: {  	v3 =	vadd.f32 v47, v3  }
0x447: {  	v50 =	vld [tilespmem:$0x370]  }
0x448: {  	v3 =	vadd.f32 v48, v3  }
0x449: {  	v51 =	vld [tilespmem:$0x380]  }
0x44a: {  	v3 =	vadd.f32 v49, v3  }
0x44b: {  	v52 =	vld [tilespmem:$0x390]  }
0x44c: {  	v3 =	vadd.f32 v50, v3  }
0x44d: {  	v53 =	vld [tilespmem:$0x3A0]  }
0x44e: {  	v3 =	vadd.f32 v51, v3  }
0x44f: {  	v11 =	vadd.f32 v11, v15;
	v54 =	vld [tilespmem:$0x3B0]  }
0x450: {  	v3 =	vadd.f32 v52, v3  }
0x451: {  	v55 =	vadd.f32 v10, v11;
	v56 =	vld [tilespmem:$0x3C0]  }
0x452: {  	v3 =	vadd.f32 v53, v3  }
0x453: {  	v8 =	vadd.f32 v13, v55;
	v57 =	vmul.f32 v17, v14;
	v58 =	vld [tilespmem:$0x3D0]  }
0x454: {  	v3 =	vadd.f32 v54, v3  }
0x455: {  	v59 =	vmul.f32 v5, v12;
	v8 =	vadd.f32 v57, v8;
	v60 =	vld [tilespmem:$0x3E0]  }
0x456: {  	v3 =	vadd.f32 v56, v3  }
0x457: {  	v61 =	vmul.f32 v7, v6;
	v5 =	vadd.f32 v59, v8;
	v62 =	vld [tilespmem:$0x3F0]  }
0x458: {  	v3 =	vadd.f32 v58, v3  }
0x459: {  	v63 =	vmul.f32 v4, v16;
	v5 =	vadd.f32 v61, v5  }
0x45a: {  	v3 =	vadd.f32 v60, v3  }
0x45b: {  	v4 =	vadd.f32 v63, v5  }
0x45c: {  	v3 =	vadd.f32 v62, v3  }
0x45d: {  	[tilespmem:$0x10400] =	vst v4  }
0x45e: {  	s29 =	simm.s32 $0x10400;
	s28 =	rddreg [dreg:$0x16];
	[tilespmem:$0x10480] =	vst v3  }
0x45f: {  	[hbm4b:s28+s3] =	stream.linear.scatter [tilespmem:s29], [sflag:$0x8], $0x100, $0x38;
	[tilespmem:$0x10500] =	vst v63  }
0x460: {  	_ =	swait.ge [sflag:s24], $0x100  }
0x461: {  	s21 =	sadd.s32 $0x1, s21;
	s30 =	rddreg [dreg:$0x17]  }
0x462: {  	p0 =	sne.s32 s21, s30  }
.Ltmp8:
0x463: {  	_ = 	snop;
	(pc) =	sbr.rel @p0 .LBB2_1-.Ltmp8, $3  }
0x464: {  	_ =	sdelay $0x1  }
0x465: {  	[sflag:s24] =	ssyncset.done $0x0  }
0x466: {  	[sflag:s24] =	ssyncadd.s32 $0xFFFFFF00  }
0x467: {  	_ =	sfence.sel $0x180000  }
0x468: {  	[bflag:$0x0] =	sbarrier.arrive $0xFFFF  }
0x469: {  	_ =	strace $0x90000047  }
0x46a: {  	s0 =	stileid.u32;
	[bflag:$0x2] =	sbarrier.arrive $0xFFFF  }
0x46b: {  	p0 =	sne.s32 s0, $0x0;
	s0 =	rddreg [dreg:$0x3]  }
0x46c: {  	s0 =	sadd.s32 @!p0 $0x100000, s0  }
0x46d: {  	[sflag:s0] =	ssyncadd.tile.s32 @!p0 $0x1;
	_ =	shalt  }
.Lfunc_end2:
_tile_overlayer_lowered:
.L_overlay_start_2:
0x46e: {  	(tag) =	ssettag $0x2  }
0x46f: {  	s0 =	rddreg [dreg:$0x0];
	s2 =	stileid.u32  }
0x470: {  	s1 =	rddreg [dreg:$0x1];
	p0 =	sne.s32 s2, $0x0  }
0x471: {  	s3 =	rddreg [dreg:$0x2];
	[bflag:$0x3] =	sbarrier.arrive $0xFFFF;
	s2 =	simm.s32 @!p0 $0x1C08  }
0x472: {  	[timem:s3], [sflag:s2] =	dma.local @!p0 [hbm:s0], s1  }
0x473: {  	s0 =	simm.s32 @!p0 $0x8  }
0x474: {  	_ =	swait.ge @!p0 [sflag:s0], s1  }
0x475: {  	s1 =	ssub.s32 @!p0 $0x0, s1;
	[sflag:s0] =	ssyncset.done @!p0 $0x0  }
0x476: {  	[sflag:s0] =	ssyncadd.s32 @!p0 s1  }
0x477: {  	[bflag:$0x3] =	sbarrier.arrive $0xFFFF  }
0x478: {  	_ =	shalt  }

</sc_bundles>
